<compile_context>
chip_gen: v7x
topology: tpu7x:2x2x1
jax: 0.10.2.dev20260603
libtpu: 0.0.44.dev20260713+nightly
codegen_flags: <defaults>
</compile_context>

<pallas_src>
import functools

import jax
import jax.numpy as jnp
from jax import lax
from jax.experimental import pallas as pl
from jax.experimental.pallas import tpu as pltpu
from jax.experimental.pallas import tpu_sc as plsc

N = 10000
D = 128
E = 320000
NC = 2
NS = 16
NW = NC * NS
EPT = E // NW
PADE = 10240
K = 80
NCHUNK = PADE // K
NP = N + 16
RPT = 624
TAIL = N - NS * RPT
ZTAIL = NP - NS * RPT
ZR = 48

_mesh = plsc.VectorSubcoreMesh(core_axis_name="c", subcore_axis_name="s")


def _fill_zero(zero_v):
    def body(i, _):
        for j in range(D // 16):
            zero_v[i, pl.ds(j * 16, 16)] = jnp.zeros((16,), jnp.float32)
        return 0

    lax.fori_loop(0, ZR, body, 0)


def _zero_acc(acc_sh, zero_v, sub):
    for q in range(RPT // ZR):
        pltpu.sync_copy(zero_v, acc_sh.at[pl.ds(sub * RPT + q * ZR, ZR)])

    @pl.when(sub == NS - 1)
    def _zero_tail():
        pltpu.sync_copy(zero_v.at[pl.ds(0, ZTAIL)], acc_sh.at[pl.ds(NS * RPT, ZTAIL)])


def _writeback(acc_sh, out_hbm, core, sub):
    pltpu.sync_copy(
        acc_sh.at[pl.ds(sub * RPT, RPT)],
        out_hbm.at[pl.ds(core * N + sub * RPT, RPT)],
    )

    @pl.when(sub == NS - 1)
    def _out_tail():
        pltpu.sync_copy(
            acc_sh.at[pl.ds(NS * RPT, TAIL)],
            out_hbm.at[pl.ds(core * N + NS * RPT, TAIL)],
        )


@functools.partial(
    pl.kernel,
    out_type=jax.ShapeDtypeStruct((NC * N, D), jnp.float32),
    mesh=_mesh,
    scratch_types=[
        pltpu.VMEM_SHARED((NP, D), jnp.float32),
        [pltpu.VMEM((K,), jnp.int32) for _ in range(2)],
        pltpu.VMEM((K, D), jnp.float32),
        pltpu.VMEM((ZR, D), jnp.float32),
        [pltpu.SemaphoreType.DMA for _ in range(2)],
    ],
)
def _degree_kernel(dst_hbm, out_hbm, acc_sh, dst_v, ones_v, zero_v, sems):
    core = lax.axis_index("c")
    sub = lax.axis_index("s")
    gid = core * NS + sub
    goff = gid * PADE

    def fill_ones(i, _):
        for j in range(D // 16):
            ones_v[i, pl.ds(j * 16, 16)] = jnp.ones((16,), jnp.float32)
        return 0

    lax.fori_loop(0, K, fill_ones, 0)
    _fill_zero(zero_v)
    _zero_acc(acc_sh, zero_v, sub)
    plsc.subcore_barrier()

    def di_copy(c, s):
        return pltpu.make_async_copy(
            dst_hbm.at[pl.ds(goff + c * K, K)], dst_v[s], sems[s])

    di_copy(0, 0).start()
    di_copy(1, 1).start()

    def round_body(r, _):
        for b in range(2):
            c = r * 2 + b
            di_copy(c, b).wait()
            pltpu.sync_copy(ones_v, acc_sh.at[dst_v[b]], add=True)
            di_copy(c + 2, b).start()
        return 0

    lax.fori_loop(0, NCHUNK // 2, round_body, 0)
    di_copy(NCHUNK, 0).wait()
    di_copy(NCHUNK + 1, 1).wait()
    plsc.subcore_barrier()
    _writeback(acc_sh, out_hbm, core, sub)


@functools.partial(
    pl.kernel,
    out_type=jax.ShapeDtypeStruct((NC * N, D), jnp.float32),
    mesh=_mesh,
    scratch_types=[
        pltpu.VMEM_SHARED((NP, D), jnp.float32),
        [pltpu.VMEM((K,), jnp.int32) for _ in range(4)],
        [pltpu.VMEM((K,), jnp.int32) for _ in range(2)],
        [pltpu.VMEM((K, D), jnp.float32) for _ in range(4)],
        pltpu.VMEM((ZR, D), jnp.float32),
        [pltpu.SemaphoreType.DMA for _ in range(10)],
    ],
)
def _scatter_kernel(g_hbm, src_hbm, dst_hbm, out_hbm,
                    acc_sh, src_v, dst_v, rows, zero_v, sems):
    core = lax.axis_index("c")
    sub = lax.axis_index("s")
    gid = core * NS + sub
    goff = gid * PADE
    gsem, sisem, disem = sems[0:4], sems[4:8], sems[8:10]

    _fill_zero(zero_v)
    _zero_acc(acc_sh, zero_v, sub)
    plsc.subcore_barrier()

    def si_copy(c, s):
        return pltpu.make_async_copy(
            src_hbm.at[pl.ds(goff + c * K, K)], src_v[s], sisem[s])

    def di_copy(c, s):
        return pltpu.make_async_copy(
            dst_hbm.at[pl.ds(goff + c * K, K)], dst_v[s], disem[s])

    def g_copy(s):
        return pltpu.make_async_copy(g_hbm.at[src_v[s]], rows[s], gsem[s])

    for j in range(4):
        si_copy(j, j).start()
    di_copy(0, 0).start()
    di_copy(1, 1).start()
    for j in range(3):
        si_copy(j, j).wait()
        g_copy(j).start()

    def round_body(r, _):
        for b in range(4):
            c = r * 4 + b
            g_copy(b).wait()
            di_copy(c, b % 2).wait()
            pltpu.sync_copy(rows[b], acc_sh.at[dst_v[b % 2]], add=True)
            si_copy(c + 3, (b + 3) % 4).wait()
            g_copy((b + 3) % 4).start()
            si_copy(c + 4, b).start()
            di_copy(c + 2, b % 2).start()
        return 0

    lax.fori_loop(0, NCHUNK // 4, round_body, 0)
    for j in range(3):
        g_copy(j).wait()
    si_copy(NCHUNK + 3, 3).wait()
    di_copy(NCHUNK, 0).wait()
    di_copy(NCHUNK + 1, 1).wait()
    plsc.subcore_barrier()
    _writeback(acc_sh, out_hbm, core, sub)


def _tc1_body(x_ref, w1_ref, degp_ref, g1_ref, disb_ref):
    deg = degp_ref[0:N, 0:1] + degp_ref[N:, 0:1] + 1.0
    dis = lax.rsqrt(deg)
    h = jnp.dot(x_ref[...], w1_ref[...],
                preferred_element_type=jnp.float32,
                precision=lax.Precision.HIGHEST)
    g1_ref[...] = h * dis
    disb_ref[...] = jnp.broadcast_to(dis, (N, D))


def _tc2_body(aggp_ref, g1_ref, disb_ref, w2_ref, b1_ref, g2_ref):
    agg = aggp_ref[0:N, :] + aggp_ref[N:, :] + g1_ref[...]
    t = jnp.maximum(disb_ref[...] * agg + b1_ref[...], 0.0)
    h2 = jnp.dot(t, w2_ref[...],
                 preferred_element_type=jnp.float32,
                 precision=lax.Precision.HIGHEST)
    g2_ref[...] = disb_ref[...] * h2


def _tc3_body(aggp_ref, g2_ref, disb_ref, b2_ref, out_ref):
    agg = aggp_ref[0:N, :] + aggp_ref[N:, :] + g2_ref[...]
    out_ref[...] = disb_ref[...] * agg + b2_ref[...]


def kernel(x, edge_index, W1, b1, W2, b2):
    src = jnp.pad(edge_index[0].astype(jnp.int32).reshape(NW, EPT),
                  ((0, 0), (0, PADE - EPT)), constant_values=0).reshape(-1)
    dst = jnp.pad(edge_index[1].astype(jnp.int32).reshape(NW, EPT),
                  ((0, 0), (0, PADE - EPT)), constant_values=N).reshape(-1)
    src = jnp.pad(src, (0, 4 * K), constant_values=0)
    dst = jnp.pad(dst, (0, 4 * K), constant_values=N)

    degp = _degree_kernel(dst)

    g1, disb = pl.pallas_call(
        _tc1_body,
        out_shape=(
            jax.ShapeDtypeStruct((N, D), jnp.float32),
            jax.ShapeDtypeStruct((N, D), jnp.float32),
        ),
    )(x, W1, degp)

    aggp1 = _scatter_kernel(g1, src, dst)

    g2 = pl.pallas_call(
        _tc2_body,
        out_shape=jax.ShapeDtypeStruct((N, D), jnp.float32),
    )(aggp1, g1, disb, W2, b1.reshape(1, D))

    aggp2 = _scatter_kernel(g2, src, dst)

    out = pl.pallas_call(
        _tc3_body,
        out_shape=jax.ShapeDtypeStruct((N, D), jnp.float32),
    )(aggp2, g2, disb, b2.reshape(1, D))

    return out

# --- scband reference (transcript-rebuilt; emitter-appended) ---
"""Pipeline reference for scband-gcnbaseline-38027640439269 (READ-ONLY COPY).

The authoritative reference and input builder live on the scoring server;
editing this copy changes nothing except your own understanding.
"""

import jax, jax.numpy as jnp
import numpy as np

N_NODES = 10000
N_EDGES = 320000
D_IN = 128
D_HID = 128
D_OUT = 128


def setup_inputs(seed: int = 0) -> dict:
    key = jax.random.key(seed)
    k1, k2, k3, k4, k5, k6, k7 = jax.random.split(key, 7)
    x = jax.random.normal(k1, (N_NODES, D_IN), dtype=jnp.float32)
    edge_index = jax.random.randint(k2, (2, N_EDGES), 0, N_NODES, dtype=jnp.int64)
    # GCNConv params (W stored as [in, out], bias [out]) with glorot-like scale
    W1 = jax.random.normal(k3, (D_IN, D_HID), dtype=jnp.float32) * (1.0 / np.sqrt(D_IN))
    b1 = jnp.zeros((D_HID,), dtype=jnp.float32)
    W2 = jax.random.normal(k4, (D_HID, D_OUT), dtype=jnp.float32) * (1.0 / np.sqrt(D_HID))
    b2 = jnp.zeros((D_OUT,), dtype=jnp.float32)
    return {"x": x, "edge_index": edge_index, "W1": W1, "b1": b1, "W2": W2, "b2": b2}


def _gcn_conv(x, edge_index, W, b):
    num_nodes = x.shape[0]
    loop = jnp.arange(num_nodes, dtype=edge_index.dtype)
    src = jnp.concatenate([edge_index[0], loop])
    dst = jnp.concatenate([edge_index[1], loop])
    # linear transform first
    h = x @ W
    # symmetric normalization deg^{-1/2}[src] * deg^{-1/2}[dst] (with self-loops)
    deg = jnp.zeros((num_nodes,), dtype=h.dtype).at[dst].add(1.0)
    deg_inv_sqrt = jnp.where(deg > 0, jax.lax.rsqrt(deg), 0.0)
    norm = deg_inv_sqrt[src] * deg_inv_sqrt[dst]
    # gather messages, scale, scatter-add to destination nodes
    msg = h[src] * norm[:, None]
    out = jnp.zeros_like(h).at[dst].add(msg)
    return out + b


def reference(x, edge_index, W1, b1, W2, b2):
    h = _gcn_conv(x, edge_index, W1, b1)
    h = jax.nn.relu(h)
    # dropout is identity in eval mode (training=False)
    out = _gcn_conv(h, edge_index, W2, b2)
    return out

if __name__ == "__main__":
    import jax
    _d = setup_inputs()
    print(jax.jit(kernel)(*tuple(_d.values())))

</pallas_src>

<mosaic_0001>
#map = affine_map<(d0, d1) -> (0)>
#map1 = affine_map<(d0, d1) -> (0, 0)>
module attributes {stable_mosaic.version = 14 : i64} {
  func.func @_degree_kernel(%arg0: i32, %arg1: i32, %arg2: memref<328000xi32, #tpu.memory_space<hbm>>, %arg3: memref<20000x128xf32, #tpu.memory_space<hbm>>, %arg4: memref<10016x128xf32, #tpu.memory_space<vmem_shared>>, %arg5: memref<80xi32, #tpu.memory_space<vmem>>, %arg6: memref<80xi32, #tpu.memory_space<vmem>>, %arg7: memref<80x128xf32, #tpu.memory_space<vmem>>, %arg8: memref<48x128xf32, #tpu.memory_space<vmem>>, %arg9: memref<!tpu.dma_semaphore, #tpu.memory_space<semaphore_mem>>, %arg10: memref<!tpu.dma_semaphore, #tpu.memory_space<semaphore_mem>>) attributes {dimension_semantics = [#tpu.dimension_semantics<core_parallel>, #tpu.dimension_semantics<subcore_parallel>], iteration_bounds = array<i64: 2, 16>, scalar_prefetch = 0 : i64, scratch_operands = 7 : i64, tpu.core_type = #tpu.core_type<sc_vector_subcore>, window_params = [{transform_indices = #map}, {transform_indices = #map1}]} {
    %mul3A = arith.constant 16 : i32
    %mul3A_0 = arith.muli %arg0, %mul3A : i32
    %add3A = arith.addi %mul3A_0, %arg1 : i32
    %mul3A_1 = arith.constant 10240 : i32
    %mul3A_2 = arith.muli %add3A, %mul3A_1 : i32
    %scan3A = arith.constant 0 : i32
    %scan3A_3 = arith.constant 0 : i32
    %scan3A_4 = arith.constant 80 : i32
    %scan3A_5 = arith.addi %scan3A_3, %scan3A_4 : i32
    %scan3A_6 = arith.constant 1 : i32
    %scan3A_7 = scf.for %scan3A_104 = %scan3A_3 to %scan3A_5 step %scan3A_6 iter_args(%scan3A_105 = %scan3A) -> (i32)  : i32 {
      %broadcast_in_dim3A = arith.constant 1.000000e+00 : f32
      %broadcast_in_dim3A_106 = vector.broadcast %broadcast_in_dim3A : f32 to vector<16xf32>
      %swap3A = arith.index_cast %scan3A_104 : i32 to index
      %swap3A_107 = arith.constant 0 : index
      %swap3A_108 = tpu.vector_load %arg7[%swap3A, %swap3A_107] {strides = array<i32>} : memref<80x128xf32, #tpu.memory_space<vmem>>, vector<1x16xf32>,
      %swap3A_109 = vector.shape_cast %swap3A_108 : vector<1x16xf32> to vector<16xf32>
      %swap3A_110 = vector.shape_cast %broadcast_in_dim3A_106 : vector<16xf32> to vector<1x16xf32>
      tpu.vector_store %arg7[%swap3A, %swap3A_107], %swap3A_110 {strides = array<i32>} : memref<80x128xf32, #tpu.memory_space<vmem>>, vector<1x16xf32>,
      %broadcast_in_dim3A_111 = arith.constant 1.000000e+00 : f32
      %broadcast_in_dim3A_112 = vector.broadcast %broadcast_in_dim3A_111 : f32 to vector<16xf32>
      %swap3A_113 = arith.index_cast %scan3A_104 : i32 to index
      %swap3A_114 = arith.constant 16 : index
      %swap3A_115 = tpu.vector_load %arg7[%swap3A_113, %swap3A_114] {strides = array<i32>} : memref<80x128xf32, #tpu.memory_space<vmem>>, vector<1x16xf32>,
      %swap3A_116 = vector.shape_cast %swap3A_115 : vector<1x16xf32> to vector<16xf32>
      %swap3A_117 = vector.shape_cast %broadcast_in_dim3A_112 : vector<16xf32> to vector<1x16xf32>
      tpu.vector_store %arg7[%swap3A_113, %swap3A_114], %swap3A_117 {strides = array<i32>} : memref<80x128xf32, #tpu.memory_space<vmem>>, vector<1x16xf32>,
      %broadcast_in_dim3A_118 = arith.constant 1.000000e+00 : f32
      %broadcast_in_dim3A_119 = vector.broadcast %broadcast_in_dim3A_118 : f32 to vector<16xf32>
      %swap3A_120 = arith.index_cast %scan3A_104 : i32 to index
      %swap3A_121 = arith.constant 32 : index
      %swap3A_122 = tpu.vector_load %arg7[%swap3A_120, %swap3A_121] {strides = array<i32>} : memref<80x128xf32, #tpu.memory_space<vmem>>, vector<1x16xf32>,
      %swap3A_123 = vector.shape_cast %swap3A_122 : vector<1x16xf32> to vector<16xf32>
      %swap3A_124 = vector.shape_cast %broadcast_in_dim3A_119 : vector<16xf32> to vector<1x16xf32>
      tpu.vector_store %arg7[%swap3A_120, %swap3A_121], %swap3A_124 {strides = array<i32>} : memref<80x128xf32, #tpu.memory_space<vmem>>, vector<1x16xf32>,
      %broadcast_in_dim3A_125 = arith.constant 1.000000e+00 : f32
      %broadcast_in_dim3A_126 = vector.broadcast %broadcast_in_dim3A_125 : f32 to vector<16xf32>
      %swap3A_127 = arith.index_cast %scan3A_104 : i32 to index
      %swap3A_128 = arith.constant 48 : index
      %swap3A_129 = tpu.vector_load %arg7[%swap3A_127, %swap3A_128] {strides = array<i32>} : memref<80x128xf32, #tpu.memory_space<vmem>>, vector<1x16xf32>,
      %swap3A_130 = vector.shape_cast %swap3A_129 : vector<1x16xf32> to vector<16xf32>
      %swap3A_131 = vector.shape_cast %broadcast_in_dim3A_126 : vector<16xf32> to vector<1x16xf32>
      tpu.vector_store %arg7[%swap3A_127, %swap3A_128], %swap3A_131 {strides = array<i32>} : memref<80x128xf32, #tpu.memory_space<vmem>>, vector<1x16xf32>,
      %broadcast_in_dim3A_132 = arith.constant 1.000000e+00 : f32
      %broadcast_in_dim3A_133 = vector.broadcast %broadcast_in_dim3A_132 : f32 to vector<16xf32>
      %swap3A_134 = arith.index_cast %scan3A_104 : i32 to index
      %swap3A_135 = arith.constant 64 : index
      %swap3A_136 = tpu.vector_load %arg7[%swap3A_134, %swap3A_135] {strides = array<i32>} : memref<80x128xf32, #tpu.memory_space<vmem>>, vector<1x16xf32>,
      %swap3A_137 = vector.shape_cast %swap3A_136 : vector<1x16xf32> to vector<16xf32>
      %swap3A_138 = vector.shape_cast %broadcast_in_dim3A_133 : vector<16xf32> to vector<1x16xf32>
      tpu.vector_store %arg7[%swap3A_134, %swap3A_135], %swap3A_138 {strides = array<i32>} : memref<80x128xf32, #tpu.memory_space<vmem>>, vector<1x16xf32>,
      %broadcast_in_dim3A_139 = arith.constant 1.000000e+00 : f32
      %broadcast_in_dim3A_140 = vector.broadcast %broadcast_in_dim3A_139 : f32 to vector<16xf32>
      %swap3A_141 = arith.index_cast %scan3A_104 : i32 to index
      %swap3A_142 = arith.constant 80 : index
      %swap3A_143 = tpu.vector_load %arg7[%swap3A_141, %swap3A_142] {strides = array<i32>} : memref<80x128xf32, #tpu.memory_space<vmem>>, vector<1x16xf32>,
      %swap3A_144 = vector.shape_cast %swap3A_143 : vector<1x16xf32> to vector<16xf32>
      %swap3A_145 = vector.shape_cast %broadcast_in_dim3A_140 : vector<16xf32> to vector<1x16xf32>
      tpu.vector_store %arg7[%swap3A_141, %swap3A_142], %swap3A_145 {strides = array<i32>} : memref<80x128xf32, #tpu.memory_space<vmem>>, vector<1x16xf32>,
      %broadcast_in_dim3A_146 = arith.constant 1.000000e+00 : f32
      %broadcast_in_dim3A_147 = vector.broadcast %broadcast_in_dim3A_146 : f32 to vector<16xf32>
      %swap3A_148 = arith.index_cast %scan3A_104 : i32 to index
      %swap3A_149 = arith.constant 96 : index
      %swap3A_150 = tpu.vector_load %arg7[%swap3A_148, %swap3A_149] {strides = array<i32>} : memref<80x128xf32, #tpu.memory_space<vmem>>, vector<1x16xf32>,
      %swap3A_151 = vector.shape_cast %swap3A_150 : vector<1x16xf32> to vector<16xf32>
      %swap3A_152 = vector.shape_cast %broadcast_in_dim3A_147 : vector<16xf32> to vector<1x16xf32>
      tpu.vector_store %arg7[%swap3A_148, %swap3A_149], %swap3A_152 {strides = array<i32>} : memref<80x128xf32, #tpu.memory_space<vmem>>, vector<1x16xf32>,
      %broadcast_in_dim3A_153 = arith.constant 1.000000e+00 : f32
      %broadcast_in_dim3A_154 = vector.broadcast %broadcast_in_dim3A_153 : f32 to vector<16xf32>
      %swap3A_155 = arith.index_cast %scan3A_104 : i32 to index
      %swap3A_156 = arith.constant 112 : index
      %swap3A_157 = tpu.vector_load %arg7[%swap3A_155, %swap3A_156] {strides = array<i32>} : memref<80x128xf32, #tpu.memory_space<vmem>>, vector<1x16xf32>,
      %swap3A_158 = vector.shape_cast %swap3A_157 : vector<1x16xf32> to vector<16xf32>
      %swap3A_159 = vector.shape_cast %broadcast_in_dim3A_154 : vector<16xf32> to vector<1x16xf32>
      tpu.vector_store %arg7[%swap3A_155, %swap3A_156], %swap3A_159 {strides = array<i32>} : memref<80x128xf32, #tpu.memory_space<vmem>>, vector<1x16xf32>,
      %scan3A_160 = arith.constant 0 : i32
      scf.yield %scan3A_160 : i32
    }
    %scan3A_8 = arith.constant 80 : i32
    %scan3A_9 = arith.constant 0 : i32
    %scan3A_10 = arith.constant 0 : i32
    %scan3A_11 = arith.constant 48 : i32
    %scan3A_12 = arith.addi %scan3A_10, %scan3A_11 : i32
    %scan3A_13 = arith.constant 1 : i32
    %scan3A_14 = scf.for %scan3A_104 = %scan3A_10 to %scan3A_12 step %scan3A_13 iter_args(%scan3A_105 = %scan3A_9) -> (i32)  : i32 {
      %broadcast_in_dim3A = arith.constant 0.000000e+00 : f32
      %broadcast_in_dim3A_106 = vector.broadcast %broadcast_in_dim3A : f32 to vector<16xf32>
      %swap3A = arith.index_cast %scan3A_104 : i32 to index
      %swap3A_107 = arith.constant 0 : index
      %swap3A_108 = tpu.vector_load %arg8[%swap3A, %swap3A_107] {strides = array<i32>} : memref<48x128xf32, #tpu.memory_space<vmem>>, vector<1x16xf32>,
      %swap3A_109 = vector.shape_cast %swap3A_108 : vector<1x16xf32> to vector<16xf32>
      %swap3A_110 = vector.shape_cast %broadcast_in_dim3A_106 : vector<16xf32> to vector<1x16xf32>
      tpu.vector_store %arg8[%swap3A, %swap3A_107], %swap3A_110 {strides = array<i32>} : memref<48x128xf32, #tpu.memory_space<vmem>>, vector<1x16xf32>,
      %broadcast_in_dim3A_111 = arith.constant 0.000000e+00 : f32
      %broadcast_in_dim3A_112 = vector.broadcast %broadcast_in_dim3A_111 : f32 to vector<16xf32>
      %swap3A_113 = arith.index_cast %scan3A_104 : i32 to index
      %swap3A_114 = arith.constant 16 : index
      %swap3A_115 = tpu.vector_load %arg8[%swap3A_113, %swap3A_114] {strides = array<i32>} : memref<48x128xf32, #tpu.memory_space<vmem>>, vector<1x16xf32>,
      %swap3A_116 = vector.shape_cast %swap3A_115 : vector<1x16xf32> to vector<16xf32>
      %swap3A_117 = vector.shape_cast %broadcast_in_dim3A_112 : vector<16xf32> to vector<1x16xf32>
      tpu.vector_store %arg8[%swap3A_113, %swap3A_114], %swap3A_117 {strides = array<i32>} : memref<48x128xf32, #tpu.memory_space<vmem>>, vector<1x16xf32>,
      %broadcast_in_dim3A_118 = arith.constant 0.000000e+00 : f32
      %broadcast_in_dim3A_119 = vector.broadcast %broadcast_in_dim3A_118 : f32 to vector<16xf32>
      %swap3A_120 = arith.index_cast %scan3A_104 : i32 to index
      %swap3A_121 = arith.constant 32 : index
      %swap3A_122 = tpu.vector_load %arg8[%swap3A_120, %swap3A_121] {strides = array<i32>} : memref<48x128xf32, #tpu.memory_space<vmem>>, vector<1x16xf32>,
      %swap3A_123 = vector.shape_cast %swap3A_122 : vector<1x16xf32> to vector<16xf32>
      %swap3A_124 = vector.shape_cast %broadcast_in_dim3A_119 : vector<16xf32> to vector<1x16xf32>
      tpu.vector_store %arg8[%swap3A_120, %swap3A_121], %swap3A_124 {strides = array<i32>} : memref<48x128xf32, #tpu.memory_space<vmem>>, vector<1x16xf32>,
      %broadcast_in_dim3A_125 = arith.constant 0.000000e+00 : f32
      %broadcast_in_dim3A_126 = vector.broadcast %broadcast_in_dim3A_125 : f32 to vector<16xf32>
      %swap3A_127 = arith.index_cast %scan3A_104 : i32 to index
      %swap3A_128 = arith.constant 48 : index
      %swap3A_129 = tpu.vector_load %arg8[%swap3A_127, %swap3A_128] {strides = array<i32>} : memref<48x128xf32, #tpu.memory_space<vmem>>, vector<1x16xf32>,
      %swap3A_130 = vector.shape_cast %swap3A_129 : vector<1x16xf32> to vector<16xf32>
      %swap3A_131 = vector.shape_cast %broadcast_in_dim3A_126 : vector<16xf32> to vector<1x16xf32>
      tpu.vector_store %arg8[%swap3A_127, %swap3A_128], %swap3A_131 {strides = array<i32>} : memref<48x128xf32, #tpu.memory_space<vmem>>, vector<1x16xf32>,
      %broadcast_in_dim3A_132 = arith.constant 0.000000e+00 : f32
      %broadcast_in_dim3A_133 = vector.broadcast %broadcast_in_dim3A_132 : f32 to vector<16xf32>
      %swap3A_134 = arith.index_cast %scan3A_104 : i32 to index
      %swap3A_135 = arith.constant 64 : index
      %swap3A_136 = tpu.vector_load %arg8[%swap3A_134, %swap3A_135] {strides = array<i32>} : memref<48x128xf32, #tpu.memory_space<vmem>>, vector<1x16xf32>,
      %swap3A_137 = vector.shape_cast %swap3A_136 : vector<1x16xf32> to vector<16xf32>
      %swap3A_138 = vector.shape_cast %broadcast_in_dim3A_133 : vector<16xf32> to vector<1x16xf32>
      tpu.vector_store %arg8[%swap3A_134, %swap3A_135], %swap3A_138 {strides = array<i32>} : memref<48x128xf32, #tpu.memory_space<vmem>>, vector<1x16xf32>,
      %broadcast_in_dim3A_139 = arith.constant 0.000000e+00 : f32
      %broadcast_in_dim3A_140 = vector.broadcast %broadcast_in_dim3A_139 : f32 to vector<16xf32>
      %swap3A_141 = arith.index_cast %scan3A_104 : i32 to index
      %swap3A_142 = arith.constant 80 : index
      %swap3A_143 = tpu.vector_load %arg8[%swap3A_141, %swap3A_142] {strides = array<i32>} : memref<48x128xf32, #tpu.memory_space<vmem>>, vector<1x16xf32>,
      %swap3A_144 = vector.shape_cast %swap3A_143 : vector<1x16xf32> to vector<16xf32>
      %swap3A_145 = vector.shape_cast %broadcast_in_dim3A_140 : vector<16xf32> to vector<1x16xf32>
      tpu.vector_store %arg8[%swap3A_141, %swap3A_142], %swap3A_145 {strides = array<i32>} : memref<48x128xf32, #tpu.memory_space<vmem>>, vector<1x16xf32>,
      %broadcast_in_dim3A_146 = arith.constant 0.000000e+00 : f32
      %broadcast_in_dim3A_147 = vector.broadcast %broadcast_in_dim3A_146 : f32 to vector<16xf32>
      %swap3A_148 = arith.index_cast %scan3A_104 : i32 to index
      %swap3A_149 = arith.constant 96 : index
      %swap3A_150 = tpu.vector_load %arg8[%swap3A_148, %swap3A_149] {strides = array<i32>} : memref<48x128xf32, #tpu.memory_space<vmem>>, vector<1x16xf32>,
      %swap3A_151 = vector.shape_cast %swap3A_150 : vector<1x16xf32> to vector<16xf32>
      %swap3A_152 = vector.shape_cast %broadcast_in_dim3A_147 : vector<16xf32> to vector<1x16xf32>
      tpu.vector_store %arg8[%swap3A_148, %swap3A_149], %swap3A_152 {strides = array<i32>} : memref<48x128xf32, #tpu.memory_space<vmem>>, vector<1x16xf32>,
      %broadcast_in_dim3A_153 = arith.constant 0.000000e+00 : f32
      %broadcast_in_dim3A_154 = vector.broadcast %broadcast_in_dim3A_153 : f32 to vector<16xf32>
      %swap3A_155 = arith.index_cast %scan3A_104 : i32 to index
      %swap3A_156 = arith.constant 112 : index
      %swap3A_157 = tpu.vector_load %arg8[%swap3A_155, %swap3A_156] {strides = array<i32>} : memref<48x128xf32, #tpu.memory_space<vmem>>, vector<1x16xf32>,
      %swap3A_158 = vector.shape_cast %swap3A_157 : vector<1x16xf32> to vector<16xf32>
      %swap3A_159 = vector.shape_cast %broadcast_in_dim3A_154 : vector<16xf32> to vector<1x16xf32>
      tpu.vector_store %arg8[%swap3A_155, %swap3A_156], %swap3A_159 {strides = array<i32>} : memref<48x128xf32, #tpu.memory_space<vmem>>, vector<1x16xf32>,
      %scan3A_160 = arith.constant 0 : i32
      scf.yield %scan3A_160 : i32
    }
    %scan3A_15 = arith.constant 48 : i32
    %mul3A_16 = arith.constant 624 : i32
    %mul3A_17 = arith.muli %arg1, %mul3A_16 : i32
    %add3A_18 = arith.constant 0 : i32
    %add3A_19 = arith.addi %mul3A_17, %add3A_18 : i32
    "tpu.region"() ({
      %run_scoped3A = tpu.sem_alloc : memref<!tpu.dma_semaphore, #tpu.memory_space<semaphore_mem>>
      %dma_start3A_104 = arith.constant 0 : i32
      %dma_start3A_105 = tpu.memref_slice %arg4[%add3A_19, %dma_start3A_104] : memref<10016x128xf32, #tpu.memory_space<vmem_shared>> -> memref<48x128xf32, #tpu.memory_space<vmem_shared>>
      %dma_start3A_106 = arith.constant 0 : i32
      %dma_start3A_107 = tpu.memref_slice %arg4[%add3A_19, %dma_start3A_106] : memref<10016x128xf32, #tpu.memory_space<vmem_shared>> -> memref<48x128xf32, #tpu.memory_space<vmem_shared>>
      tpu.enqueue_dma source(%arg8 : memref<48x128xf32, #tpu.memory_space<vmem>>) target(%dma_start3A_107 : memref<48x128xf32, #tpu.memory_space<vmem_shared>>) target_semaphore(%run_scoped3A : memref<!tpu.dma_semaphore, #tpu.memory_space<semaphore_mem>>)
      %dma_wait3A_108 = arith.constant 0 : i32
      %dma_wait3A_109 = tpu.memref_slice %arg4[%add3A_19, %dma_wait3A_108] : memref<10016x128xf32, #tpu.memory_space<vmem_shared>> -> memref<48x128xf32, #tpu.memory_space<vmem_shared>>
      %dma_wait3A_110 = arith.constant 0 : i32
      %dma_wait3A_111 = tpu.memref_slice %arg4[%add3A_19, %dma_wait3A_110] : memref<10016x128xf32, #tpu.memory_space<vmem_shared>> -> memref<48x128xf32, #tpu.memory_space<vmem_shared>>
      tpu.wait_dma2 semaphore(%run_scoped3A : memref<!tpu.dma_semaphore, #tpu.memory_space<semaphore_mem>>) src(%arg8 : memref<48x128xf32, #tpu.memory_space<vmem>>) dst(%dma_wait3A_111 : memref<48x128xf32, #tpu.memory_space<vmem_shared>>)
      tpu.yield
    }) : () -> ()
    %mul3A_20 = arith.constant 624 : i32
    %mul3A_21 = arith.muli %arg1, %mul3A_20 : i32
    %add3A_22 = arith.constant 48 : i32
    %add3A_23 = arith.addi %mul3A_21, %add3A_22 : i32
    "tpu.region"() ({
      %run_scoped3A = tpu.sem_alloc : memref<!tpu.dma_semaphore, #tpu.memory_space<semaphore_mem>>
      %dma_start3A_104 = arith.constant 0 : i32
      %dma_start3A_105 = tpu.memref_slice %arg4[%add3A_23, %dma_start3A_104] : memref<10016x128xf32, #tpu.memory_space<vmem_shared>> -> memref<48x128xf32, #tpu.memory_space<vmem_shared>>
      %dma_start3A_106 = arith.constant 0 : i32
      %dma_start3A_107 = tpu.memref_slice %arg4[%add3A_23, %dma_start3A_106] : memref<10016x128xf32, #tpu.memory_space<vmem_shared>> -> memref<48x128xf32, #tpu.memory_space<vmem_shared>>
      tpu.enqueue_dma source(%arg8 : memref<48x128xf32, #tpu.memory_space<vmem>>) target(%dma_start3A_107 : memref<48x128xf32, #tpu.memory_space<vmem_shared>>) target_semaphore(%run_scoped3A : memref<!tpu.dma_semaphore, #tpu.memory_space<semaphore_mem>>)
      %dma_wait3A_108 = arith.constant 0 : i32
      %dma_wait3A_109 = tpu.memref_slice %arg4[%add3A_23, %dma_wait3A_108] : memref<10016x128xf32, #tpu.memory_space<vmem_shared>> -> memref<48x128xf32, #tpu.memory_space<vmem_shared>>
      %dma_wait3A_110 = arith.constant 0 : i32
      %dma_wait3A_111 = tpu.memref_slice %arg4[%add3A_23, %dma_wait3A_110] : memref<10016x128xf32, #tpu.memory_space<vmem_shared>> -> memref<48x128xf32, #tpu.memory_space<vmem_shared>>
      tpu.wait_dma2 semaphore(%run_scoped3A : memref<!tpu.dma_semaphore, #tpu.memory_space<semaphore_mem>>) src(%arg8 : memref<48x128xf32, #tpu.memory_space<vmem>>) dst(%dma_wait3A_111 : memref<48x128xf32, #tpu.memory_space<vmem_shared>>)
      tpu.yield
    }) : () -> ()
    %mul3A_24 = arith.constant 624 : i32
    %mul3A_25 = arith.muli %arg1, %mul3A_24 : i32
    %add3A_26 = arith.constant 96 : i32
    %add3A_27 = arith.addi %mul3A_25, %add3A_26 : i32
    "tpu.region"() ({
      %run_scoped3A = tpu.sem_alloc : memref<!tpu.dma_semaphore, #tpu.memory_space<semaphore_mem>>
      %dma_start3A_104 = arith.constant 0 : i32
      %dma_start3A_105 = tpu.memref_slice %arg4[%add3A_27, %dma_start3A_104] : memref<10016x128xf32, #tpu.memory_space<vmem_shared>> -> memref<48x128xf32, #tpu.memory_space<vmem_shared>>
      %dma_start3A_106 = arith.constant 0 : i32
      %dma_start3A_107 = tpu.memref_slice %arg4[%add3A_27, %dma_start3A_106] : memref<10016x128xf32, #tpu.memory_space<vmem_shared>> -> memref<48x128xf32, #tpu.memory_space<vmem_shared>>
      tpu.enqueue_dma source(%arg8 : memref<48x128xf32, #tpu.memory_space<vmem>>) target(%dma_start3A_107 : memref<48x128xf32, #tpu.memory_space<vmem_shared>>) target_semaphore(%run_scoped3A : memref<!tpu.dma_semaphore, #tpu.memory_space<semaphore_mem>>)
      %dma_wait3A_108 = arith.constant 0 : i32
      %dma_wait3A_109 = tpu.memref_slice %arg4[%add3A_27, %dma_wait3A_108] : memref<10016x128xf32, #tpu.memory_space<vmem_shared>> -> memref<48x128xf32, #tpu.memory_space<vmem_shared>>
      %dma_wait3A_110 = arith.constant 0 : i32
      %dma_wait3A_111 = tpu.memref_slice %arg4[%add3A_27, %dma_wait3A_110] : memref<10016x128xf32, #tpu.memory_space<vmem_shared>> -> memref<48x128xf32, #tpu.memory_space<vmem_shared>>
      tpu.wait_dma2 semaphore(%run_scoped3A : memref<!tpu.dma_semaphore, #tpu.memory_space<semaphore_mem>>) src(%arg8 : memref<48x128xf32, #tpu.memory_space<vmem>>) dst(%dma_wait3A_111 : memref<48x128xf32, #tpu.memory_space<vmem_shared>>)
      tpu.yield
    }) : () -> ()
    %mul3A_28 = arith.constant 624 : i32
    %mul3A_29 = arith.muli %arg1, %mul3A_28 : i32
    %add3A_30 = arith.constant 144 : i32
    %add3A_31 = arith.addi %mul3A_29, %add3A_30 : i32
    "tpu.region"() ({
      %run_scoped3A = tpu.sem_alloc : memref<!tpu.dma_semaphore, #tpu.memory_space<semaphore_mem>>
      %dma_start3A_104 = arith.constant 0 : i32
      %dma_start3A_105 = tpu.memref_slice %arg4[%add3A_31, %dma_start3A_104] : memref<10016x128xf32, #tpu.memory_space<vmem_shared>> -> memref<48x128xf32, #tpu.memory_space<vmem_shared>>
      %dma_start3A_106 = arith.constant 0 : i32
      %dma_start3A_107 = tpu.memref_slice %arg4[%add3A_31, %dma_start3A_106] : memref<10016x128xf32, #tpu.memory_space<vmem_shared>> -> memref<48x128xf32, #tpu.memory_space<vmem_shared>>
      tpu.enqueue_dma source(%arg8 : memref<48x128xf32, #tpu.memory_space<vmem>>) target(%dma_start3A_107 : memref<48x128xf32, #tpu.memory_space<vmem_shared>>) target_semaphore(%run_scoped3A : memref<!tpu.dma_semaphore, #tpu.memory_space<semaphore_mem>>)
      %dma_wait3A_108 = arith.constant 0 : i32
      %dma_wait3A_109 = tpu.memref_slice %arg4[%add3A_31, %dma_wait3A_108] : memref<10016x128xf32, #tpu.memory_space<vmem_shared>> -> memref<48x128xf32, #tpu.memory_space<vmem_shared>>
      %dma_wait3A_110 = arith.constant 0 : i32
      %dma_wait3A_111 = tpu.memref_slice %arg4[%add3A_31, %dma_wait3A_110] : memref<10016x128xf32, #tpu.memory_space<vmem_shared>> -> memref<48x128xf32, #tpu.memory_space<vmem_shared>>
      tpu.wait_dma2 semaphore(%run_scoped3A : memref<!tpu.dma_semaphore, #tpu.memory_space<semaphore_mem>>) src(%arg8 : memref<48x128xf32, #tpu.memory_space<vmem>>) dst(%dma_wait3A_111 : memref<48x128xf32, #tpu.memory_space<vmem_shared>>)
      tpu.yield
    }) : () -> ()
    %mul3A_32 = arith.constant 624 : i32
    %mul3A_33 = arith.muli %arg1, %mul3A_32 : i32
    %add3A_34 = arith.constant 192 : i32
    %add3A_35 = arith.addi %mul3A_33, %add3A_34 : i32
    "tpu.region"() ({
      %run_scoped3A = tpu.sem_alloc : memref<!tpu.dma_semaphore, #tpu.memory_space<semaphore_mem>>
      %dma_start3A_104 = arith.constant 0 : i32
      %dma_start3A_105 = tpu.memref_slice %arg4[%add3A_35, %dma_start3A_104] : memref<10016x128xf32, #tpu.memory_space<vmem_shared>> -> memref<48x128xf32, #tpu.memory_space<vmem_shared>>
      %dma_start3A_106 = arith.constant 0 : i32
      %dma_start3A_107 = tpu.memref_slice %arg4[%add3A_35, %dma_start3A_106] : memref<10016x128xf32, #tpu.memory_space<vmem_shared>> -> memref<48x128xf32, #tpu.memory_space<vmem_shared>>
      tpu.enqueue_dma source(%arg8 : memref<48x128xf32, #tpu.memory_space<vmem>>) target(%dma_start3A_107 : memref<48x128xf32, #tpu.memory_space<vmem_shared>>) target_semaphore(%run_scoped3A : memref<!tpu.dma_semaphore, #tpu.memory_space<semaphore_mem>>)
      %dma_wait3A_108 = arith.constant 0 : i32
      %dma_wait3A_109 = tpu.memref_slice %arg4[%add3A_35, %dma_wait3A_108] : memref<10016x128xf32, #tpu.memory_space<vmem_shared>> -> memref<48x128xf32, #tpu.memory_space<vmem_shared>>
      %dma_wait3A_110 = arith.constant 0 : i32
      %dma_wait3A_111 = tpu.memref_slice %arg4[%add3A_35, %dma_wait3A_110] : memref<10016x128xf32, #tpu.memory_space<vmem_shared>> -> memref<48x128xf32, #tpu.memory_space<vmem_shared>>
      tpu.wait_dma2 semaphore(%run_scoped3A : memref<!tpu.dma_semaphore, #tpu.memory_space<semaphore_mem>>) src(%arg8 : memref<48x128xf32, #tpu.memory_space<vmem>>) dst(%dma_wait3A_111 : memref<48x128xf32, #tpu.memory_space<vmem_shared>>)
      tpu.yield
    }) : () -> ()
    %mul3A_36 = arith.constant 624 : i32
    %mul3A_37 = arith.muli %arg1, %mul3A_36 : i32
    %add3A_38 = arith.constant 240 : i32
    %add3A_39 = arith.addi %mul3A_37, %add3A_38 : i32
    "tpu.region"() ({
      %run_scoped3A = tpu.sem_alloc : memref<!tpu.dma_semaphore, #tpu.memory_space<semaphore_mem>>
      %dma_start3A_104 = arith.constant 0 : i32
      %dma_start3A_105 = tpu.memref_slice %arg4[%add3A_39, %dma_start3A_104] : memref<10016x128xf32, #tpu.memory_space<vmem_shared>> -> memref<48x128xf32, #tpu.memory_space<vmem_shared>>
      %dma_start3A_106 = arith.constant 0 : i32
      %dma_start3A_107 = tpu.memref_slice %arg4[%add3A_39, %dma_start3A_106] : memref<10016x128xf32, #tpu.memory_space<vmem_shared>> -> memref<48x128xf32, #tpu.memory_space<vmem_shared>>
      tpu.enqueue_dma source(%arg8 : memref<48x128xf32, #tpu.memory_space<vmem>>) target(%dma_start3A_107 : memref<48x128xf32, #tpu.memory_space<vmem_shared>>) target_semaphore(%run_scoped3A : memref<!tpu.dma_semaphore, #tpu.memory_space<semaphore_mem>>)
      %dma_wait3A_108 = arith.constant 0 : i32
      %dma_wait3A_109 = tpu.memref_slice %arg4[%add3A_39, %dma_wait3A_108] : memref<10016x128xf32, #tpu.memory_space<vmem_shared>> -> memref<48x128xf32, #tpu.memory_space<vmem_shared>>
      %dma_wait3A_110 = arith.constant 0 : i32
      %dma_wait3A_111 = tpu.memref_slice %arg4[%add3A_39, %dma_wait3A_110] : memref<10016x128xf32, #tpu.memory_space<vmem_shared>> -> memref<48x128xf32, #tpu.memory_space<vmem_shared>>
      tpu.wait_dma2 semaphore(%run_scoped3A : memref<!tpu.dma_semaphore, #tpu.memory_space<semaphore_mem>>) src(%arg8 : memref<48x128xf32, #tpu.memory_space<vmem>>) dst(%dma_wait3A_111 : memref<48x128xf32, #tpu.memory_space<vmem_shared>>)
      tpu.yield
    }) : () -> ()
    %mul3A_40 = arith.constant 624 : i32
    %mul3A_41 = arith.muli %arg1, %mul3A_40 : i32
    %add3A_42 = arith.constant 288 : i32
    %add3A_43 = arith.addi %mul3A_41, %add3A_42 : i32
    "tpu.region"() ({
      %run_scoped3A = tpu.sem_alloc : memref<!tpu.dma_semaphore, #tpu.memory_space<semaphore_mem>>
      %dma_start3A_104 = arith.constant 0 : i32
      %dma_start3A_105 = tpu.memref_slice %arg4[%add3A_43, %dma_start3A_104] : memref<10016x128xf32, #tpu.memory_space<vmem_shared>> -> memref<48x128xf32, #tpu.memory_space<vmem_shared>>
      %dma_start3A_106 = arith.constant 0 : i32
      %dma_start3A_107 = tpu.memref_slice %arg4[%add3A_43, %dma_start3A_106] : memref<10016x128xf32, #tpu.memory_space<vmem_shared>> -> memref<48x128xf32, #tpu.memory_space<vmem_shared>>
      tpu.enqueue_dma source(%arg8 : memref<48x128xf32, #tpu.memory_space<vmem>>) target(%dma_start3A_107 : memref<48x128xf32, #tpu.memory_space<vmem_shared>>) target_semaphore(%run_scoped3A : memref<!tpu.dma_semaphore, #tpu.memory_space<semaphore_mem>>)
      %dma_wait3A_108 = arith.constant 0 : i32
      %dma_wait3A_109 = tpu.memref_slice %arg4[%add3A_43, %dma_wait3A_108] : memref<10016x128xf32, #tpu.memory_space<vmem_shared>> -> memref<48x128xf32, #tpu.memory_space<vmem_shared>>
      %dma_wait3A_110 = arith.constant 0 : i32
      %dma_wait3A_111 = tpu.memref_slice %arg4[%add3A_43, %dma_wait3A_110] : memref<10016x128xf32, #tpu.memory_space<vmem_shared>> -> memref<48x128xf32, #tpu.memory_space<vmem_shared>>
      tpu.wait_dma2 semaphore(%run_scoped3A : memref<!tpu.dma_semaphore, #tpu.memory_space<semaphore_mem>>) src(%arg8 : memref<48x128xf32, #tpu.memory_space<vmem>>) dst(%dma_wait3A_111 : memref<48x128xf32, #tpu.memory_space<vmem_shared>>)
      tpu.yield
    }) : () -> ()
    %mul3A_44 = arith.constant 624 : i32
    %mul3A_45 = arith.muli %arg1, %mul3A_44 : i32
    %add3A_46 = arith.constant 336 : i32
    %add3A_47 = arith.addi %mul3A_45, %add3A_46 : i32
    "tpu.region"() ({
      %run_scoped3A = tpu.sem_alloc : memref<!tpu.dma_semaphore, #tpu.memory_space<semaphore_mem>>
      %dma_start3A_104 = arith.constant 0 : i32
      %dma_start3A_105 = tpu.memref_slice %arg4[%add3A_47, %dma_start3A_104] : memref<10016x128xf32, #tpu.memory_space<vmem_shared>> -> memref<48x128xf32, #tpu.memory_space<vmem_shared>>
      %dma_start3A_106 = arith.constant 0 : i32
      %dma_start3A_107 = tpu.memref_slice %arg4[%add3A_47, %dma_start3A_106] : memref<10016x128xf32, #tpu.memory_space<vmem_shared>> -> memref<48x128xf32, #tpu.memory_space<vmem_shared>>
      tpu.enqueue_dma source(%arg8 : memref<48x128xf32, #tpu.memory_space<vmem>>) target(%dma_start3A_107 : memref<48x128xf32, #tpu.memory_space<vmem_shared>>) target_semaphore(%run_scoped3A : memref<!tpu.dma_semaphore, #tpu.memory_space<semaphore_mem>>)
      %dma_wait3A_108 = arith.constant 0 : i32
      %dma_wait3A_109 = tpu.memref_slice %arg4[%add3A_47, %dma_wait3A_108] : memref<10016x128xf32, #tpu.memory_space<vmem_shared>> -> memref<48x128xf32, #tpu.memory_space<vmem_shared>>
      %dma_wait3A_110 = arith.constant 0 : i32
      %dma_wait3A_111 = tpu.memref_slice %arg4[%add3A_47, %dma_wait3A_110] : memref<10016x128xf32, #tpu.memory_space<vmem_shared>> -> memref<48x128xf32, #tpu.memory_space<vmem_shared>>
      tpu.wait_dma2 semaphore(%run_scoped3A : memref<!tpu.dma_semaphore, #tpu.memory_space<semaphore_mem>>) src(%arg8 : memref<48x128xf32, #tpu.memory_space<vmem>>) dst(%dma_wait3A_111 : memref<48x128xf32, #tpu.memory_space<vmem_shared>>)
      tpu.yield
    }) : () -> ()
    %mul3A_48 = arith.constant 624 : i32
    %mul3A_49 = arith.muli %arg1, %mul3A_48 : i32
    %add3A_50 = arith.constant 384 : i32
    %add3A_51 = arith.addi %mul3A_49, %add3A_50 : i32
    "tpu.region"() ({
      %run_scoped3A = tpu.sem_alloc : memref<!tpu.dma_semaphore, #tpu.memory_space<semaphore_mem>>
      %dma_start3A_104 = arith.constant 0 : i32
      %dma_start3A_105 = tpu.memref_slice %arg4[%add3A_51, %dma_start3A_104] : memref<10016x128xf32, #tpu.memory_space<vmem_shared>> -> memref<48x128xf32, #tpu.memory_space<vmem_shared>>
      %dma_start3A_106 = arith.constant 0 : i32
      %dma_start3A_107 = tpu.memref_slice %arg4[%add3A_51, %dma_start3A_106] : memref<10016x128xf32, #tpu.memory_space<vmem_shared>> -> memref<48x128xf32, #tpu.memory_space<vmem_shared>>
      tpu.enqueue_dma source(%arg8 : memref<48x128xf32, #tpu.memory_space<vmem>>) target(%dma_start3A_107 : memref<48x128xf32, #tpu.memory_space<vmem_shared>>) target_semaphore(%run_scoped3A : memref<!tpu.dma_semaphore, #tpu.memory_space<semaphore_mem>>)
      %dma_wait3A_108 = arith.constant 0 : i32
      %dma_wait3A_109 = tpu.memref_slice %arg4[%add3A_51, %dma_wait3A_108] : memref<10016x128xf32, #tpu.memory_space<vmem_shared>> -> memref<48x128xf32, #tpu.memory_space<vmem_shared>>
      %dma_wait3A_110 = arith.constant 0 : i32
      %dma_wait3A_111 = tpu.memref_slice %arg4[%add3A_51, %dma_wait3A_110] : memref<10016x128xf32, #tpu.memory_space<vmem_shared>> -> memref<48x128xf32, #tpu.memory_space<vmem_shared>>
      tpu.wait_dma2 semaphore(%run_scoped3A : memref<!tpu.dma_semaphore, #tpu.memory_space<semaphore_mem>>) src(%arg8 : memref<48x128xf32, #tpu.memory_space<vmem>>) dst(%dma_wait3A_111 : memref<48x128xf32, #tpu.memory_space<vmem_shared>>)
      tpu.yield
    }) : () -> ()
    %mul3A_52 = arith.constant 624 : i32
    %mul3A_53 = arith.muli %arg1, %mul3A_52 : i32
    %add3A_54 = arith.constant 432 : i32
    %add3A_55 = arith.addi %mul3A_53, %add3A_54 : i32
    "tpu.region"() ({
      %run_scoped3A = tpu.sem_alloc : memref<!tpu.dma_semaphore, #tpu.memory_space<semaphore_mem>>
      %dma_start3A_104 = arith.constant 0 : i32
      %dma_start3A_105 = tpu.memref_slice %arg4[%add3A_55, %dma_start3A_104] : memref<10016x128xf32, #tpu.memory_space<vmem_shared>> -> memref<48x128xf32, #tpu.memory_space<vmem_shared>>
      %dma_start3A_106 = arith.constant 0 : i32
      %dma_start3A_107 = tpu.memref_slice %arg4[%add3A_55, %dma_start3A_106] : memref<10016x128xf32, #tpu.memory_space<vmem_shared>> -> memref<48x128xf32, #tpu.memory_space<vmem_shared>>
      tpu.enqueue_dma source(%arg8 : memref<48x128xf32, #tpu.memory_space<vmem>>) target(%dma_start3A_107 : memref<48x128xf32, #tpu.memory_space<vmem_shared>>) target_semaphore(%run_scoped3A : memref<!tpu.dma_semaphore, #tpu.memory_space<semaphore_mem>>)
      %dma_wait3A_108 = arith.constant 0 : i32
      %dma_wait3A_109 = tpu.memref_slice %arg4[%add3A_55, %dma_wait3A_108] : memref<10016x128xf32, #tpu.memory_space<vmem_shared>> -> memref<48x128xf32, #tpu.memory_space<vmem_shared>>
      %dma_wait3A_110 = arith.constant 0 : i32
      %dma_wait3A_111 = tpu.memref_slice %arg4[%add3A_55, %dma_wait3A_110] : memref<10016x128xf32, #tpu.memory_space<vmem_shared>> -> memref<48x128xf32, #tpu.memory_space<vmem_shared>>
      tpu.wait_dma2 semaphore(%run_scoped3A : memref<!tpu.dma_semaphore, #tpu.memory_space<semaphore_mem>>) src(%arg8 : memref<48x128xf32, #tpu.memory_space<vmem>>) dst(%dma_wait3A_111 : memref<48x128xf32, #tpu.memory_space<vmem_shared>>)
      tpu.yield
    }) : () -> ()
    %mul3A_56 = arith.constant 624 : i32
    %mul3A_57 = arith.muli %arg1, %mul3A_56 : i32
    %add3A_58 = arith.constant 480 : i32
    %add3A_59 = arith.addi %mul3A_57, %add3A_58 : i32
    "tpu.region"() ({
      %run_scoped3A = tpu.sem_alloc : memref<!tpu.dma_semaphore, #tpu.memory_space<semaphore_mem>>
      %dma_start3A_104 = arith.constant 0 : i32
      %dma_start3A_105 = tpu.memref_slice %arg4[%add3A_59, %dma_start3A_104] : memref<10016x128xf32, #tpu.memory_space<vmem_shared>> -> memref<48x128xf32, #tpu.memory_space<vmem_shared>>
      %dma_start3A_106 = arith.constant 0 : i32
      %dma_start3A_107 = tpu.memref_slice %arg4[%add3A_59, %dma_start3A_106] : memref<10016x128xf32, #tpu.memory_space<vmem_shared>> -> memref<48x128xf32, #tpu.memory_space<vmem_shared>>
      tpu.enqueue_dma source(%arg8 : memref<48x128xf32, #tpu.memory_space<vmem>>) target(%dma_start3A_107 : memref<48x128xf32, #tpu.memory_space<vmem_shared>>) target_semaphore(%run_scoped3A : memref<!tpu.dma_semaphore, #tpu.memory_space<semaphore_mem>>)
      %dma_wait3A_108 = arith.constant 0 : i32
      %dma_wait3A_109 = tpu.memref_slice %arg4[%add3A_59, %dma_wait3A_108] : memref<10016x128xf32, #tpu.memory_space<vmem_shared>> -> memref<48x128xf32, #tpu.memory_space<vmem_shared>>
      %dma_wait3A_110 = arith.constant 0 : i32
      %dma_wait3A_111 = tpu.memref_slice %arg4[%add3A_59, %dma_wait3A_110] : memref<10016x128xf32, #tpu.memory_space<vmem_shared>> -> memref<48x128xf32, #tpu.memory_space<vmem_shared>>
      tpu.wait_dma2 semaphore(%run_scoped3A : memref<!tpu.dma_semaphore, #tpu.memory_space<semaphore_mem>>) src(%arg8 : memref<48x128xf32, #tpu.memory_space<vmem>>) dst(%dma_wait3A_111 : memref<48x128xf32, #tpu.memory_space<vmem_shared>>)
      tpu.yield
    }) : () -> ()
    %mul3A_60 = arith.constant 624 : i32
    %mul3A_61 = arith.muli %arg1, %mul3A_60 : i32
    %add3A_62 = arith.constant 528 : i32
    %add3A_63 = arith.addi %mul3A_61, %add3A_62 : i32
    "tpu.region"() ({
      %run_scoped3A = tpu.sem_alloc : memref<!tpu.dma_semaphore, #tpu.memory_space<semaphore_mem>>
      %dma_start3A_104 = arith.constant 0 : i32
      %dma_start3A_105 = tpu.memref_slice %arg4[%add3A_63, %dma_start3A_104] : memref<10016x128xf32, #tpu.memory_space<vmem_shared>> -> memref<48x128xf32, #tpu.memory_space<vmem_shared>>
      %dma_start3A_106 = arith.constant 0 : i32
      %dma_start3A_107 = tpu.memref_slice %arg4[%add3A_63, %dma_start3A_106] : memref<10016x128xf32, #tpu.memory_space<vmem_shared>> -> memref<48x128xf32, #tpu.memory_space<vmem_shared>>
      tpu.enqueue_dma source(%arg8 : memref<48x128xf32, #tpu.memory_space<vmem>>) target(%dma_start3A_107 : memref<48x128xf32, #tpu.memory_space<vmem_shared>>) target_semaphore(%run_scoped3A : memref<!tpu.dma_semaphore, #tpu.memory_space<semaphore_mem>>)
      %dma_wait3A_108 = arith.constant 0 : i32
      %dma_wait3A_109 = tpu.memref_slice %arg4[%add3A_63, %dma_wait3A_108] : memref<10016x128xf32, #tpu.memory_space<vmem_shared>> -> memref<48x128xf32, #tpu.memory_space<vmem_shared>>
      %dma_wait3A_110 = arith.constant 0 : i32
      %dma_wait3A_111 = tpu.memref_slice %arg4[%add3A_63, %dma_wait3A_110] : memref<10016x128xf32, #tpu.memory_space<vmem_shared>> -> memref<48x128xf32, #tpu.memory_space<vmem_shared>>
      tpu.wait_dma2 semaphore(%run_scoped3A : memref<!tpu.dma_semaphore, #tpu.memory_space<semaphore_mem>>) src(%arg8 : memref<48x128xf32, #tpu.memory_space<vmem>>) dst(%dma_wait3A_111 : memref<48x128xf32, #tpu.memory_space<vmem_shared>>)
      tpu.yield
    }) : () -> ()
    %mul3A_64 = arith.constant 624 : i32
    %mul3A_65 = arith.muli %arg1, %mul3A_64 : i32
    %add3A_66 = arith.constant 576 : i32
    %add3A_67 = arith.addi %mul3A_65, %add3A_66 : i32
    "tpu.region"() ({
      %run_scoped3A = tpu.sem_alloc : memref<!tpu.dma_semaphore, #tpu.memory_space<semaphore_mem>>
      %dma_start3A_104 = arith.constant 0 : i32
      %dma_start3A_105 = tpu.memref_slice %arg4[%add3A_67, %dma_start3A_104] : memref<10016x128xf32, #tpu.memory_space<vmem_shared>> -> memref<48x128xf32, #tpu.memory_space<vmem_shared>>
      %dma_start3A_106 = arith.constant 0 : i32
      %dma_start3A_107 = tpu.memref_slice %arg4[%add3A_67, %dma_start3A_106] : memref<10016x128xf32, #tpu.memory_space<vmem_shared>> -> memref<48x128xf32, #tpu.memory_space<vmem_shared>>
      tpu.enqueue_dma source(%arg8 : memref<48x128xf32, #tpu.memory_space<vmem>>) target(%dma_start3A_107 : memref<48x128xf32, #tpu.memory_space<vmem_shared>>) target_semaphore(%run_scoped3A : memref<!tpu.dma_semaphore, #tpu.memory_space<semaphore_mem>>)
      %dma_wait3A_108 = arith.constant 0 : i32
      %dma_wait3A_109 = tpu.memref_slice %arg4[%add3A_67, %dma_wait3A_108] : memref<10016x128xf32, #tpu.memory_space<vmem_shared>> -> memref<48x128xf32, #tpu.memory_space<vmem_shared>>
      %dma_wait3A_110 = arith.constant 0 : i32
      %dma_wait3A_111 = tpu.memref_slice %arg4[%add3A_67, %dma_wait3A_110] : memref<10016x128xf32, #tpu.memory_space<vmem_shared>> -> memref<48x128xf32, #tpu.memory_space<vmem_shared>>
      tpu.wait_dma2 semaphore(%run_scoped3A : memref<!tpu.dma_semaphore, #tpu.memory_space<semaphore_mem>>) src(%arg8 : memref<48x128xf32, #tpu.memory_space<vmem>>) dst(%dma_wait3A_111 : memref<48x128xf32, #tpu.memory_space<vmem_shared>>)
      tpu.yield
    }) : () -> ()
    %eq3A = arith.constant 15 : i32
    %eq3A_68 = arith.cmpi eq, %arg1, %eq3A : i32
    %convert_element_type3A = arith.extui %eq3A_68 : i1 to i32
    %cond3A = arith.constant 0 : i32
    %cond3A_69 = arith.cmpi ne, %convert_element_type3A, %cond3A : i32
    scf.if %cond3A_69 {
      "tpu.region"() ({
        %run_scoped3A = tpu.sem_alloc : memref<!tpu.dma_semaphore, #tpu.memory_space<semaphore_mem>>
        %dma_start3A_104 = arith.constant 0 : i32
        %dma_start3A_105 = arith.constant 0 : i32
        %dma_start3A_106 = tpu.memref_slice %arg8[%dma_start3A_104, %dma_start3A_105] : memref<48x128xf32, #tpu.memory_space<vmem>> -> memref<32x128xf32, #tpu.memory_space<vmem>>
        %dma_start3A_107 = arith.constant 9984 : i32
        %dma_start3A_108 = arith.constant 0 : i32
        %dma_start3A_109 = tpu.memref_slice %arg4[%dma_start3A_107, %dma_start3A_108] : memref<10016x128xf32, #tpu.memory_space<vmem_shared>> -> memref<32x128xf32, #tpu.memory_space<vmem_shared>>
        %dma_start3A_110 = arith.constant 9984 : i32
        %dma_start3A_111 = arith.constant 0 : i32
        %dma_start3A_112 = tpu.memref_slice %arg4[%dma_start3A_110, %dma_start3A_111] : memref<10016x128xf32, #tpu.memory_space<vmem_shared>> -> memref<32x128xf32, #tpu.memory_space<vmem_shared>>
        %dma_start3A_113 = arith.constant 0 : i32
        %dma_start3A_114 = arith.constant 0 : i32
        %dma_start3A_115 = tpu.memref_slice %arg8[%dma_start3A_113, %dma_start3A_114] : memref<48x128xf32, #tpu.memory_space<vmem>> -> memref<32x128xf32, #tpu.memory_space<vmem>>
        tpu.enqueue_dma source(%dma_start3A_115 : memref<32x128xf32, #tpu.memory_space<vmem>>) target(%dma_start3A_112 : memref<32x128xf32, #tpu.memory_space<vmem_shared>>) target_semaphore(%run_scoped3A : memref<!tpu.dma_semaphore, #tpu.memory_space<semaphore_mem>>)
        %dma_wait3A_116 = arith.constant 0 : i32
        %dma_wait3A_117 = arith.constant 0 : i32
        %dma_wait3A_118 = tpu.memref_slice %arg8[%dma_wait3A_116, %dma_wait3A_117] : memref<48x128xf32, #tpu.memory_space<vmem>> -> memref<32x128xf32, #tpu.memory_space<vmem>>
        %dma_wait3A_119 = arith.constant 9984 : i32
        %dma_wait3A_120 = arith.constant 0 : i32
        %dma_wait3A_121 = tpu.memref_slice %arg4[%dma_wait3A_119, %dma_wait3A_120] : memref<10016x128xf32, #tpu.memory_space<vmem_shared>> -> memref<32x128xf32, #tpu.memory_space<vmem_shared>>
        %dma_wait3A_122 = arith.constant 9984 : i32
        %dma_wait3A_123 = arith.constant 0 : i32
        %dma_wait3A_124 = tpu.memref_slice %arg4[%dma_wait3A_122, %dma_wait3A_123] : memref<10016x128xf32, #tpu.memory_space<vmem_shared>> -> memref<32x128xf32, #tpu.memory_space<vmem_shared>>
        %dma_wait3A_125 = arith.constant 0 : i32
        %dma_wait3A_126 = arith.constant 0 : i32
        %dma_wait3A_127 = tpu.memref_slice %arg8[%dma_wait3A_125, %dma_wait3A_126] : memref<48x128xf32, #tpu.memory_space<vmem>> -> memref<32x128xf32, #tpu.memory_space<vmem>>
        tpu.wait_dma2 semaphore(%run_scoped3A : memref<!tpu.dma_semaphore, #tpu.memory_space<semaphore_mem>>) src(%dma_wait3A_127 : memref<32x128xf32, #tpu.memory_space<vmem>>) dst(%dma_wait3A_124 : memref<32x128xf32, #tpu.memory_space<vmem_shared>>)
        tpu.yield
      }) : () -> ()
    } else {
    }
    %barrier3A = arith.constant 0 : index
    tpu.barrier barrier_id(%barrier3A)
    %add3A_70 = arith.constant 0 : i32
    %add3A_71 = arith.addi %mul3A_2, %add3A_70 : i32
    %dma_start3A = tpu.memref_slice %arg2[%add3A_71] : memref<328000xi32, #tpu.memory_space<hbm>> -> memref<80xi32, #tpu.memory_space<hbm>>
    %dma_start3A_72 = tpu.memref_slice %arg2[%add3A_71] : memref<328000xi32, #tpu.memory_space<hbm>> -> memref<80xi32, #tpu.memory_space<hbm>>
    tpu.enqueue_dma source(%dma_start3A_72 : memref<80xi32, #tpu.memory_space<hbm>>) target(%arg5 : memref<80xi32, #tpu.memory_space<vmem>>) target_semaphore(%arg9 : memref<!tpu.dma_semaphore, #tpu.memory_space<semaphore_mem>>)
    %add3A_73 = arith.constant 80 : i32
    %add3A_74 = arith.addi %mul3A_2, %add3A_73 : i32
    %dma_start3A_75 = tpu.memref_slice %arg2[%add3A_74] : memref<328000xi32, #tpu.memory_space<hbm>> -> memref<80xi32, #tpu.memory_space<hbm>>
    %dma_start3A_76 = tpu.memref_slice %arg2[%add3A_74] : memref<328000xi32, #tpu.memory_space<hbm>> -> memref<80xi32, #tpu.memory_space<hbm>>
    tpu.enqueue_dma source(%dma_start3A_76 : memref<80xi32, #tpu.memory_space<hbm>>) target(%arg6 : memref<80xi32, #tpu.memory_space<vmem>>) target_semaphore(%arg10 : memref<!tpu.dma_semaphore, #tpu.memory_space<semaphore_mem>>)
    %scan3A_77 = arith.constant 0 : i32
    %scan3A_78 = arith.constant 0 : i32
    %scan3A_79 = arith.constant 64 : i32
    %scan3A_80 = arith.addi %scan3A_78, %scan3A_79 : i32
    %scan3A_81 = arith.constant 1 : i32
    %scan3A_82 = scf.for %scan3A_104 = %scan3A_78 to %scan3A_80 step %scan3A_81 iter_args(%scan3A_105 = %scan3A_77) -> (i32)  : i32 {
      %mul3A_106 = arith.constant 2 : i32
      %mul3A_107 = arith.muli %scan3A_104, %mul3A_106 : i32
      %add3A_108 = arith.constant 0 : i32
      %add3A_109 = arith.addi %mul3A_107, %add3A_108 : i32
      %mul3A_110 = arith.constant 80 : i32
      %mul3A_111 = arith.muli %add3A_109, %mul3A_110 : i32
      %add3A_112 = arith.addi %mul3A_2, %mul3A_111 : i32
      %dma_wait3A_113 = tpu.memref_slice %arg2[%add3A_112] : memref<328000xi32, #tpu.memory_space<hbm>> -> memref<80xi32, #tpu.memory_space<hbm>>
      %dma_wait3A_114 = tpu.memref_slice %arg2[%add3A_112] : memref<328000xi32, #tpu.memory_space<hbm>> -> memref<80xi32, #tpu.memory_space<hbm>>
      tpu.wait_dma2 semaphore(%arg9 : memref<!tpu.dma_semaphore, #tpu.memory_space<semaphore_mem>>) src(%dma_wait3A_114 : memref<80xi32, #tpu.memory_space<hbm>>) dst(%arg5 : memref<80xi32, #tpu.memory_space<vmem>>)
      "tpu.region"() ({
        %run_scoped3A = tpu.sem_alloc : memref<!tpu.dma_semaphore, #tpu.memory_space<semaphore_mem>>
        %dma_start3A_139 = arith.constant 0 : i32
        %dma_start3A_140 = arith.constant 0 : i32
        %dma_start3A_141 = tpu.memref_slice %arg4[%dma_start3A_139, %dma_start3A_140] : memref<10016x128xf32, #tpu.memory_space<vmem_shared>> -> memref<10016x128xf32, #tpu.memory_space<vmem_shared>>
        tpu.enqueue_indirect_dma source(%arg7 : memref<80x128xf32, #tpu.memory_space<vmem>>) target(%dma_start3A_141 : memref<10016x128xf32, #tpu.memory_space<vmem_shared>>) offsets(%arg5 : memref<80xi32, #tpu.memory_space<vmem>>) semaphore(%run_scoped3A : memref<!tpu.dma_semaphore, #tpu.memory_space<semaphore_mem>>) {add = true}
        %dma_wait3A_142 = arith.constant 0 : i32
        %dma_wait3A_143 = arith.constant 0 : i32
        %dma_wait3A_144 = tpu.memref_slice %arg4[%dma_wait3A_142, %dma_wait3A_143] : memref<10016x128xf32, #tpu.memory_space<vmem_shared>> -> memref<10016x128xf32, #tpu.memory_space<vmem_shared>>
        tpu.wait_indirect_dma semaphore(%run_scoped3A : memref<!tpu.dma_semaphore, #tpu.memory_space<semaphore_mem>>) src(%arg7 : memref<80x128xf32, #tpu.memory_space<vmem>>) dst(%dma_wait3A_144 : memref<10016x128xf32, #tpu.memory_space<vmem_shared>>)
        tpu.yield
      }) : () -> ()
      %add3A_115 = arith.constant 2 : i32
      %add3A_116 = arith.addi %add3A_109, %add3A_115 : i32
      %mul3A_117 = arith.constant 80 : i32
      %mul3A_118 = arith.muli %add3A_116, %mul3A_117 : i32
      %add3A_119 = arith.addi %mul3A_2, %mul3A_118 : i32
      %dma_start3A_120 = tpu.memref_slice %arg2[%add3A_119] : memref<328000xi32, #tpu.memory_space<hbm>> -> memref<80xi32, #tpu.memory_space<hbm>>
      %dma_start3A_121 = tpu.memref_slice %arg2[%add3A_119] : memref<328000xi32, #tpu.memory_space<hbm>> -> memref<80xi32, #tpu.memory_space<hbm>>
      tpu.enqueue_dma source(%dma_start3A_121 : memref<80xi32, #tpu.memory_space<hbm>>) target(%arg5 : memref<80xi32, #tpu.memory_space<vmem>>) target_semaphore(%arg9 : memref<!tpu.dma_semaphore, #tpu.memory_space<semaphore_mem>>)
      %mul3A_122 = arith.constant 2 : i32
      %mul3A_123 = arith.muli %scan3A_104, %mul3A_122 : i32
      %add3A_124 = arith.constant 1 : i32
      %add3A_125 = arith.addi %mul3A_123, %add3A_124 : i32
      %mul3A_126 = arith.constant 80 : i32
      %mul3A_127 = arith.muli %add3A_125, %mul3A_126 : i32
      %add3A_128 = arith.addi %mul3A_2, %mul3A_127 : i32
      %dma_wait3A_129 = tpu.memref_slice %arg2[%add3A_128] : memref<328000xi32, #tpu.memory_space<hbm>> -> memref<80xi32, #tpu.memory_space<hbm>>
      %dma_wait3A_130 = tpu.memref_slice %arg2[%add3A_128] : memref<328000xi32, #tpu.memory_space<hbm>> -> memref<80xi32, #tpu.memory_space<hbm>>
      tpu.wait_dma2 semaphore(%arg10 : memref<!tpu.dma_semaphore, #tpu.memory_space<semaphore_mem>>) src(%dma_wait3A_130 : memref<80xi32, #tpu.memory_space<hbm>>) dst(%arg6 : memref<80xi32, #tpu.memory_space<vmem>>)
      "tpu.region"() ({
        %run_scoped3A = tpu.sem_alloc : memref<!tpu.dma_semaphore, #tpu.memory_space<semaphore_mem>>
        %dma_start3A_139 = arith.constant 0 : i32
        %dma_start3A_140 = arith.constant 0 : i32
        %dma_start3A_141 = tpu.memref_slice %arg4[%dma_start3A_139, %dma_start3A_140] : memref<10016x128xf32, #tpu.memory_space<vmem_shared>> -> memref<10016x128xf32, #tpu.memory_space<vmem_shared>>
        tpu.enqueue_indirect_dma source(%arg7 : memref<80x128xf32, #tpu.memory_space<vmem>>) target(%dma_start3A_141 : memref<10016x128xf32, #tpu.memory_space<vmem_shared>>) offsets(%arg6 : memref<80xi32, #tpu.memory_space<vmem>>) semaphore(%run_scoped3A : memref<!tpu.dma_semaphore, #tpu.memory_space<semaphore_mem>>) {add = true}
        %dma_wait3A_142 = arith.constant 0 : i32
        %dma_wait3A_143 = arith.constant 0 : i32
        %dma_wait3A_144 = tpu.memref_slice %arg4[%dma_wait3A_142, %dma_wait3A_143] : memref<10016x128xf32, #tpu.memory_space<vmem_shared>> -> memref<10016x128xf32, #tpu.memory_space<vmem_shared>>
        tpu.wait_indirect_dma semaphore(%run_scoped3A : memref<!tpu.dma_semaphore, #tpu.memory_space<semaphore_mem>>) src(%arg7 : memref<80x128xf32, #tpu.memory_space<vmem>>) dst(%dma_wait3A_144 : memref<10016x128xf32, #tpu.memory_space<vmem_shared>>)
        tpu.yield
      }) : () -> ()
      %add3A_131 = arith.constant 2 : i32
      %add3A_132 = arith.addi %add3A_125, %add3A_131 : i32
      %mul3A_133 = arith.constant 80 : i32
      %mul3A_134 = arith.muli %add3A_132, %mul3A_133 : i32
      %add3A_135 = arith.addi %mul3A_2, %mul3A_134 : i32
      %dma_start3A_136 = tpu.memref_slice %arg2[%add3A_135] : memref<328000xi32, #tpu.memory_space<hbm>> -> memref<80xi32, #tpu.memory_space<hbm>>
      %dma_start3A_137 = tpu.memref_slice %arg2[%add3A_135] : memref<328000xi32, #tpu.memory_space<hbm>> -> memref<80xi32, #tpu.memory_space<hbm>>
      tpu.enqueue_dma source(%dma_start3A_137 : memref<80xi32, #tpu.memory_space<hbm>>) target(%arg6 : memref<80xi32, #tpu.memory_space<vmem>>) target_semaphore(%arg10 : memref<!tpu.dma_semaphore, #tpu.memory_space<semaphore_mem>>)
      %scan3A_138 = arith.constant 0 : i32
      scf.yield %scan3A_138 : i32
    }
    %scan3A_83 = arith.constant 64 : i32
    %add3A_84 = arith.constant 10240 : i32
    %add3A_85 = arith.addi %mul3A_2, %add3A_84 : i32
    %dma_wait3A = tpu.memref_slice %arg2[%add3A_85] : memref<328000xi32, #tpu.memory_space<hbm>> -> memref<80xi32, #tpu.memory_space<hbm>>
    %dma_wait3A_86 = tpu.memref_slice %arg2[%add3A_85] : memref<328000xi32, #tpu.memory_space<hbm>> -> memref<80xi32, #tpu.memory_space<hbm>>
    tpu.wait_dma2 semaphore(%arg9 : memref<!tpu.dma_semaphore, #tpu.memory_space<semaphore_mem>>) src(%dma_wait3A_86 : memref<80xi32, #tpu.memory_space<hbm>>) dst(%arg5 : memref<80xi32, #tpu.memory_space<vmem>>)
    %add3A_87 = arith.constant 10320 : i32
    %add3A_88 = arith.addi %mul3A_2, %add3A_87 : i32
    %dma_wait3A_89 = tpu.memref_slice %arg2[%add3A_88] : memref<328000xi32, #tpu.memory_space<hbm>> -> memref<80xi32, #tpu.memory_space<hbm>>
    %dma_wait3A_90 = tpu.memref_slice %arg2[%add3A_88] : memref<328000xi32, #tpu.memory_space<hbm>> -> memref<80xi32, #tpu.memory_space<hbm>>
    tpu.wait_dma2 semaphore(%arg10 : memref<!tpu.dma_semaphore, #tpu.memory_space<semaphore_mem>>) src(%dma_wait3A_90 : memref<80xi32, #tpu.memory_space<hbm>>) dst(%arg6 : memref<80xi32, #tpu.memory_space<vmem>>)
    %barrier3A_91 = arith.constant 0 : index
    tpu.barrier barrier_id(%barrier3A_91)
    %mul3A_92 = arith.constant 624 : i32
    %mul3A_93 = arith.muli %arg1, %mul3A_92 : i32
    %mul3A_94 = arith.constant 10000 : i32
    %mul3A_95 = arith.muli %arg0, %mul3A_94 : i32
    %mul3A_96 = arith.constant 624 : i32
    %mul3A_97 = arith.muli %arg1, %mul3A_96 : i32
    %add3A_98 = arith.addi %mul3A_95, %mul3A_97 : i32
    "tpu.region"() ({
      %run_scoped3A = tpu.sem_alloc : memref<!tpu.dma_semaphore, #tpu.memory_space<semaphore_mem>>
      %dma_start3A_104 = arith.constant 0 : i32
      %dma_start3A_105 = tpu.memref_slice %arg3[%add3A_98, %dma_start3A_104] : memref<20000x128xf32, #tpu.memory_space<hbm>> -> memref<624x128xf32, #tpu.memory_space<hbm>>
      %dma_start3A_106 = arith.constant 0 : i32
      %dma_start3A_107 = tpu.memref_slice %arg4[%mul3A_93, %dma_start3A_106] : memref<10016x128xf32, #tpu.memory_space<vmem_shared>> -> memref<624x128xf32, #tpu.memory_space<vmem_shared>>
      tpu.enqueue_dma source(%dma_start3A_107 : memref<624x128xf32, #tpu.memory_space<vmem_shared>>) target(%dma_start3A_105 : memref<624x128xf32, #tpu.memory_space<hbm>>) target_semaphore(%run_scoped3A : memref<!tpu.dma_semaphore, #tpu.memory_space<semaphore_mem>>)
      %dma_wait3A_108 = arith.constant 0 : i32
      %dma_wait3A_109 = tpu.memref_slice %arg3[%add3A_98, %dma_wait3A_108] : memref<20000x128xf32, #tpu.memory_space<hbm>> -> memref<624x128xf32, #tpu.memory_space<hbm>>
      %dma_wait3A_110 = arith.constant 0 : i32
      %dma_wait3A_111 = tpu.memref_slice %arg4[%mul3A_93, %dma_wait3A_110] : memref<10016x128xf32, #tpu.memory_space<vmem_shared>> -> memref<624x128xf32, #tpu.memory_space<vmem_shared>>
      tpu.wait_dma2 semaphore(%run_scoped3A : memref<!tpu.dma_semaphore, #tpu.memory_space<semaphore_mem>>) src(%dma_wait3A_111 : memref<624x128xf32, #tpu.memory_space<vmem_shared>>) dst(%dma_wait3A_109 : memref<624x128xf32, #tpu.memory_space<hbm>>)
      tpu.yield
    }) : () -> ()
    %eq3A_99 = arith.constant 15 : i32
    %eq3A_100 = arith.cmpi eq, %arg1, %eq3A_99 : i32
    %convert_element_type3A_101 = arith.extui %eq3A_100 : i1 to i32
    %cond3A_102 = arith.constant 0 : i32
    %cond3A_103 = arith.cmpi ne, %convert_element_type3A_101, %cond3A_102 : i32
    scf.if %cond3A_103 {
      %mul3A_104 = arith.constant 10000 : i32
      %mul3A_105 = arith.muli %arg0, %mul3A_104 : i32
      %add3A_106 = arith.constant 9984 : i32
      %add3A_107 = arith.addi %mul3A_105, %add3A_106 : i32
      "tpu.region"() ({
        %run_scoped3A = tpu.sem_alloc : memref<!tpu.dma_semaphore, #tpu.memory_space<semaphore_mem>>
        %dma_start3A_108 = arith.constant 0 : i32
        %dma_start3A_109 = tpu.memref_slice %arg3[%add3A_107, %dma_start3A_108] : memref<20000x128xf32, #tpu.memory_space<hbm>> -> memref<16x128xf32, #tpu.memory_space<hbm>>
        %dma_start3A_110 = arith.constant 9984 : i32
        %dma_start3A_111 = arith.constant 0 : i32
        %dma_start3A_112 = tpu.memref_slice %arg4[%dma_start3A_110, %dma_start3A_111] : memref<10016x128xf32, #tpu.memory_space<vmem_shared>> -> memref<16x128xf32, #tpu.memory_space<vmem_shared>>
        tpu.enqueue_dma source(%dma_start3A_112 : memref<16x128xf32, #tpu.memory_space<vmem_shared>>) target(%dma_start3A_109 : memref<16x128xf32, #tpu.memory_space<hbm>>) target_semaphore(%run_scoped3A : memref<!tpu.dma_semaphore, #tpu.memory_space<semaphore_mem>>)
        %dma_wait3A_113 = arith.constant 0 : i32
        %dma_wait3A_114 = tpu.memref_slice %arg3[%add3A_107, %dma_wait3A_113] : memref<20000x128xf32, #tpu.memory_space<hbm>> -> memref<16x128xf32, #tpu.memory_space<hbm>>
        %dma_wait3A_115 = arith.constant 9984 : i32
        %dma_wait3A_116 = arith.constant 0 : i32
        %dma_wait3A_117 = tpu.memref_slice %arg4[%dma_wait3A_115, %dma_wait3A_116] : memref<10016x128xf32, #tpu.memory_space<vmem_shared>> -> memref<16x128xf32, #tpu.memory_space<vmem_shared>>
        tpu.wait_dma2 semaphore(%run_scoped3A : memref<!tpu.dma_semaphore, #tpu.memory_space<semaphore_mem>>) src(%dma_wait3A_117 : memref<16x128xf32, #tpu.memory_space<vmem_shared>>) dst(%dma_wait3A_114 : memref<16x128xf32, #tpu.memory_space<hbm>>)
        tpu.yield
      }) : () -> ()
    } else {
    }
    return
  }
}

#map = affine_map<(d0, d1) -> (0, 0)>
#map1 = affine_map<(d0, d1) -> (0)>
module attributes {stable_mosaic.version = 14 : i64} {
  func.func @_scatter_kernel(%arg0: i32, %arg1: i32, %arg2: memref<10000x128xf32, #tpu.memory_space<hbm>>, %arg3: memref<328000xi32, #tpu.memory_space<hbm>>, %arg4: memref<328000xi32, #tpu.memory_space<hbm>>, %arg5: memref<20000x128xf32, #tpu.memory_space<hbm>>, %arg6: memref<10016x128xf32, #tpu.memory_space<vmem_shared>>, %arg7: memref<80xi32, #tpu.memory_space<vmem>>, %arg8: memref<80xi32, #tpu.memory_space<vmem>>, %arg9: memref<80xi32, #tpu.memory_space<vmem>>, %arg10: memref<80xi32, #tpu.memory_space<vmem>>, %arg11: memref<80xi32, #tpu.memory_space<vmem>>, %arg12: memref<80xi32, #tpu.memory_space<vmem>>, %arg13: memref<80x128xf32, #tpu.memory_space<vmem>>, %arg14: memref<80x128xf32, #tpu.memory_space<vmem>>, %arg15: memref<80x128xf32, #tpu.memory_space<vmem>>, %arg16: memref<80x128xf32, #tpu.memory_space<vmem>>, %arg17: memref<48x128xf32, #tpu.memory_space<vmem>>, %arg18: memref<!tpu.dma_semaphore, #tpu.memory_space<semaphore_mem>>, %arg19: memref<!tpu.dma_semaphore, #tpu.memory_space<semaphore_mem>>, %arg20: memref<!tpu.dma_semaphore, #tpu.memory_space<semaphore_mem>>, %arg21: memref<!tpu.dma_semaphore, #tpu.memory_space<semaphore_mem>>, %arg22: memref<!tpu.dma_semaphore, #tpu.memory_space<semaphore_mem>>, %arg23: memref<!tpu.dma_semaphore, #tpu.memory_space<semaphore_mem>>, %arg24: memref<!tpu.dma_semaphore, #tpu.memory_space<semaphore_mem>>, %arg25: memref<!tpu.dma_semaphore, #tpu.memory_space<semaphore_mem>>, %arg26: memref<!tpu.dma_semaphore, #tpu.memory_space<semaphore_mem>>, %arg27: memref<!tpu.dma_semaphore, #tpu.memory_space<semaphore_mem>>) attributes {dimension_semantics = [#tpu.dimension_semantics<core_parallel>, #tpu.dimension_semantics<subcore_parallel>], iteration_bounds = array<i64: 2, 16>, scalar_prefetch = 0 : i64, scratch_operands = 22 : i64, tpu.core_type = #tpu.core_type<sc_vector_subcore>, window_params = [{transform_indices = #map}, {transform_indices = #map1}, {transform_indices = #map1}, {transform_indices = #map}]} {
    %mul3A = arith.constant 16 : i32
    %mul3A_0 = arith.muli %arg0, %mul3A : i32
    %add3A = arith.addi %mul3A_0, %arg1 : i32
    %mul3A_1 = arith.constant 10240 : i32
    %mul3A_2 = arith.muli %add3A, %mul3A_1 : i32
    %scan3A = arith.constant 0 : i32
    %scan3A_3 = arith.constant 0 : i32
    %scan3A_4 = arith.constant 48 : i32
    %scan3A_5 = arith.addi %scan3A_3, %scan3A_4 : i32
    %scan3A_6 = arith.constant 1 : i32
    %scan3A_7 = scf.for %scan3A_147 = %scan3A_3 to %scan3A_5 step %scan3A_6 iter_args(%scan3A_148 = %scan3A) -> (i32)  : i32 {
      %broadcast_in_dim3A = arith.constant 0.000000e+00 : f32
      %broadcast_in_dim3A_149 = vector.broadcast %broadcast_in_dim3A : f32 to vector<16xf32>
      %swap3A = arith.index_cast %scan3A_147 : i32 to index
      %swap3A_150 = arith.constant 0 : index
      %swap3A_151 = tpu.vector_load %arg17[%swap3A, %swap3A_150] {strides = array<i32>} : memref<48x128xf32, #tpu.memory_space<vmem>>, vector<1x16xf32>,
      %swap3A_152 = vector.shape_cast %swap3A_151 : vector<1x16xf32> to vector<16xf32>
      %swap3A_153 = vector.shape_cast %broadcast_in_dim3A_149 : vector<16xf32> to vector<1x16xf32>
      tpu.vector_store %arg17[%swap3A, %swap3A_150], %swap3A_153 {strides = array<i32>} : memref<48x128xf32, #tpu.memory_space<vmem>>, vector<1x16xf32>,
      %broadcast_in_dim3A_154 = arith.constant 0.000000e+00 : f32
      %broadcast_in_dim3A_155 = vector.broadcast %broadcast_in_dim3A_154 : f32 to vector<16xf32>
      %swap3A_156 = arith.index_cast %scan3A_147 : i32 to index
      %swap3A_157 = arith.constant 16 : index
      %swap3A_158 = tpu.vector_load %arg17[%swap3A_156, %swap3A_157] {strides = array<i32>} : memref<48x128xf32, #tpu.memory_space<vmem>>, vector<1x16xf32>,
      %swap3A_159 = vector.shape_cast %swap3A_158 : vector<1x16xf32> to vector<16xf32>
      %swap3A_160 = vector.shape_cast %broadcast_in_dim3A_155 : vector<16xf32> to vector<1x16xf32>
      tpu.vector_store %arg17[%swap3A_156, %swap3A_157], %swap3A_160 {strides = array<i32>} : memref<48x128xf32, #tpu.memory_space<vmem>>, vector<1x16xf32>,
      %broadcast_in_dim3A_161 = arith.constant 0.000000e+00 : f32
      %broadcast_in_dim3A_162 = vector.broadcast %broadcast_in_dim3A_161 : f32 to vector<16xf32>
      %swap3A_163 = arith.index_cast %scan3A_147 : i32 to index
      %swap3A_164 = arith.constant 32 : index
      %swap3A_165 = tpu.vector_load %arg17[%swap3A_163, %swap3A_164] {strides = array<i32>} : memref<48x128xf32, #tpu.memory_space<vmem>>, vector<1x16xf32>,
      %swap3A_166 = vector.shape_cast %swap3A_165 : vector<1x16xf32> to vector<16xf32>
      %swap3A_167 = vector.shape_cast %broadcast_in_dim3A_162 : vector<16xf32> to vector<1x16xf32>
      tpu.vector_store %arg17[%swap3A_163, %swap3A_164], %swap3A_167 {strides = array<i32>} : memref<48x128xf32, #tpu.memory_space<vmem>>, vector<1x16xf32>,
      %broadcast_in_dim3A_168 = arith.constant 0.000000e+00 : f32
      %broadcast_in_dim3A_169 = vector.broadcast %broadcast_in_dim3A_168 : f32 to vector<16xf32>
      %swap3A_170 = arith.index_cast %scan3A_147 : i32 to index
      %swap3A_171 = arith.constant 48 : index
      %swap3A_172 = tpu.vector_load %arg17[%swap3A_170, %swap3A_171] {strides = array<i32>} : memref<48x128xf32, #tpu.memory_space<vmem>>, vector<1x16xf32>,
      %swap3A_173 = vector.shape_cast %swap3A_172 : vector<1x16xf32> to vector<16xf32>
      %swap3A_174 = vector.shape_cast %broadcast_in_dim3A_169 : vector<16xf32> to vector<1x16xf32>
      tpu.vector_store %arg17[%swap3A_170, %swap3A_171], %swap3A_174 {strides = array<i32>} : memref<48x128xf32, #tpu.memory_space<vmem>>, vector<1x16xf32>,
      %broadcast_in_dim3A_175 = arith.constant 0.000000e+00 : f32
      %broadcast_in_dim3A_176 = vector.broadcast %broadcast_in_dim3A_175 : f32 to vector<16xf32>
      %swap3A_177 = arith.index_cast %scan3A_147 : i32 to index
      %swap3A_178 = arith.constant 64 : index
      %swap3A_179 = tpu.vector_load %arg17[%swap3A_177, %swap3A_178] {strides = array<i32>} : memref<48x128xf32, #tpu.memory_space<vmem>>, vector<1x16xf32>,
      %swap3A_180 = vector.shape_cast %swap3A_179 : vector<1x16xf32> to vector<16xf32>
      %swap3A_181 = vector.shape_cast %broadcast_in_dim3A_176 : vector<16xf32> to vector<1x16xf32>
      tpu.vector_store %arg17[%swap3A_177, %swap3A_178], %swap3A_181 {strides = array<i32>} : memref<48x128xf32, #tpu.memory_space<vmem>>, vector<1x16xf32>,
      %broadcast_in_dim3A_182 = arith.constant 0.000000e+00 : f32
      %broadcast_in_dim3A_183 = vector.broadcast %broadcast_in_dim3A_182 : f32 to vector<16xf32>
      %swap3A_184 = arith.index_cast %scan3A_147 : i32 to index
      %swap3A_185 = arith.constant 80 : index
      %swap3A_186 = tpu.vector_load %arg17[%swap3A_184, %swap3A_185] {strides = array<i32>} : memref<48x128xf32, #tpu.memory_space<vmem>>, vector<1x16xf32>,
      %swap3A_187 = vector.shape_cast %swap3A_186 : vector<1x16xf32> to vector<16xf32>
      %swap3A_188 = vector.shape_cast %broadcast_in_dim3A_183 : vector<16xf32> to vector<1x16xf32>
      tpu.vector_store %arg17[%swap3A_184, %swap3A_185], %swap3A_188 {strides = array<i32>} : memref<48x128xf32, #tpu.memory_space<vmem>>, vector<1x16xf32>,
      %broadcast_in_dim3A_189 = arith.constant 0.000000e+00 : f32
      %broadcast_in_dim3A_190 = vector.broadcast %broadcast_in_dim3A_189 : f32 to vector<16xf32>
      %swap3A_191 = arith.index_cast %scan3A_147 : i32 to index
      %swap3A_192 = arith.constant 96 : index
      %swap3A_193 = tpu.vector_load %arg17[%swap3A_191, %swap3A_192] {strides = array<i32>} : memref<48x128xf32, #tpu.memory_space<vmem>>, vector<1x16xf32>,
      %swap3A_194 = vector.shape_cast %swap3A_193 : vector<1x16xf32> to vector<16xf32>
      %swap3A_195 = vector.shape_cast %broadcast_in_dim3A_190 : vector<16xf32> to vector<1x16xf32>
      tpu.vector_store %arg17[%swap3A_191, %swap3A_192], %swap3A_195 {strides = array<i32>} : memref<48x128xf32, #tpu.memory_space<vmem>>, vector<1x16xf32>,
      %broadcast_in_dim3A_196 = arith.constant 0.000000e+00 : f32
      %broadcast_in_dim3A_197 = vector.broadcast %broadcast_in_dim3A_196 : f32 to vector<16xf32>
      %swap3A_198 = arith.index_cast %scan3A_147 : i32 to index
      %swap3A_199 = arith.constant 112 : index
      %swap3A_200 = tpu.vector_load %arg17[%swap3A_198, %swap3A_199] {strides = array<i32>} : memref<48x128xf32, #tpu.memory_space<vmem>>, vector<1x16xf32>,
      %swap3A_201 = vector.shape_cast %swap3A_200 : vector<1x16xf32> to vector<16xf32>
      %swap3A_202 = vector.shape_cast %broadcast_in_dim3A_197 : vector<16xf32> to vector<1x16xf32>
      tpu.vector_store %arg17[%swap3A_198, %swap3A_199], %swap3A_202 {strides = array<i32>} : memref<48x128xf32, #tpu.memory_space<vmem>>, vector<1x16xf32>,
      %scan3A_203 = arith.constant 0 : i32
      scf.yield %scan3A_203 : i32
    }
    %scan3A_8 = arith.constant 48 : i32
    %mul3A_9 = arith.constant 624 : i32
    %mul3A_10 = arith.muli %arg1, %mul3A_9 : i32
    %add3A_11 = arith.constant 0 : i32
    %add3A_12 = arith.addi %mul3A_10, %add3A_11 : i32
    "tpu.region"() ({
      %run_scoped3A = tpu.sem_alloc : memref<!tpu.dma_semaphore, #tpu.memory_space<semaphore_mem>>
      %dma_start3A_147 = arith.constant 0 : i32
      %dma_start3A_148 = tpu.memref_slice %arg6[%add3A_12, %dma_start3A_147] : memref<10016x128xf32, #tpu.memory_space<vmem_shared>> -> memref<48x128xf32, #tpu.memory_space<vmem_shared>>
      %dma_start3A_149 = arith.constant 0 : i32
      %dma_start3A_150 = tpu.memref_slice %arg6[%add3A_12, %dma_start3A_149] : memref<10016x128xf32, #tpu.memory_space<vmem_shared>> -> memref<48x128xf32, #tpu.memory_space<vmem_shared>>
      tpu.enqueue_dma source(%arg17 : memref<48x128xf32, #tpu.memory_space<vmem>>) target(%dma_start3A_150 : memref<48x128xf32, #tpu.memory_space<vmem_shared>>) target_semaphore(%run_scoped3A : memref<!tpu.dma_semaphore, #tpu.memory_space<semaphore_mem>>)
      %dma_wait3A_151 = arith.constant 0 : i32
      %dma_wait3A_152 = tpu.memref_slice %arg6[%add3A_12, %dma_wait3A_151] : memref<10016x128xf32, #tpu.memory_space<vmem_shared>> -> memref<48x128xf32, #tpu.memory_space<vmem_shared>>
      %dma_wait3A_153 = arith.constant 0 : i32
      %dma_wait3A_154 = tpu.memref_slice %arg6[%add3A_12, %dma_wait3A_153] : memref<10016x128xf32, #tpu.memory_space<vmem_shared>> -> memref<48x128xf32, #tpu.memory_space<vmem_shared>>
      tpu.wait_dma2 semaphore(%run_scoped3A : memref<!tpu.dma_semaphore, #tpu.memory_space<semaphore_mem>>) src(%arg17 : memref<48x128xf32, #tpu.memory_space<vmem>>) dst(%dma_wait3A_154 : memref<48x128xf32, #tpu.memory_space<vmem_shared>>)
      tpu.yield
    }) : () -> ()
    %mul3A_13 = arith.constant 624 : i32
    %mul3A_14 = arith.muli %arg1, %mul3A_13 : i32
    %add3A_15 = arith.constant 48 : i32
    %add3A_16 = arith.addi %mul3A_14, %add3A_15 : i32
    "tpu.region"() ({
      %run_scoped3A = tpu.sem_alloc : memref<!tpu.dma_semaphore, #tpu.memory_space<semaphore_mem>>
      %dma_start3A_147 = arith.constant 0 : i32
      %dma_start3A_148 = tpu.memref_slice %arg6[%add3A_16, %dma_start3A_147] : memref<10016x128xf32, #tpu.memory_space<vmem_shared>> -> memref<48x128xf32, #tpu.memory_space<vmem_shared>>
      %dma_start3A_149 = arith.constant 0 : i32
      %dma_start3A_150 = tpu.memref_slice %arg6[%add3A_16, %dma_start3A_149] : memref<10016x128xf32, #tpu.memory_space<vmem_shared>> -> memref<48x128xf32, #tpu.memory_space<vmem_shared>>
      tpu.enqueue_dma source(%arg17 : memref<48x128xf32, #tpu.memory_space<vmem>>) target(%dma_start3A_150 : memref<48x128xf32, #tpu.memory_space<vmem_shared>>) target_semaphore(%run_scoped3A : memref<!tpu.dma_semaphore, #tpu.memory_space<semaphore_mem>>)
      %dma_wait3A_151 = arith.constant 0 : i32
      %dma_wait3A_152 = tpu.memref_slice %arg6[%add3A_16, %dma_wait3A_151] : memref<10016x128xf32, #tpu.memory_space<vmem_shared>> -> memref<48x128xf32, #tpu.memory_space<vmem_shared>>
      %dma_wait3A_153 = arith.constant 0 : i32
      %dma_wait3A_154 = tpu.memref_slice %arg6[%add3A_16, %dma_wait3A_153] : memref<10016x128xf32, #tpu.memory_space<vmem_shared>> -> memref<48x128xf32, #tpu.memory_space<vmem_shared>>
      tpu.wait_dma2 semaphore(%run_scoped3A : memref<!tpu.dma_semaphore, #tpu.memory_space<semaphore_mem>>) src(%arg17 : memref<48x128xf32, #tpu.memory_space<vmem>>) dst(%dma_wait3A_154 : memref<48x128xf32, #tpu.memory_space<vmem_shared>>)
      tpu.yield
    }) : () -> ()
    %mul3A_17 = arith.constant 624 : i32
    %mul3A_18 = arith.muli %arg1, %mul3A_17 : i32
    %add3A_19 = arith.constant 96 : i32
    %add3A_20 = arith.addi %mul3A_18, %add3A_19 : i32
    "tpu.region"() ({
      %run_scoped3A = tpu.sem_alloc : memref<!tpu.dma_semaphore, #tpu.memory_space<semaphore_mem>>
      %dma_start3A_147 = arith.constant 0 : i32
      %dma_start3A_148 = tpu.memref_slice %arg6[%add3A_20, %dma_start3A_147] : memref<10016x128xf32, #tpu.memory_space<vmem_shared>> -> memref<48x128xf32, #tpu.memory_space<vmem_shared>>
      %dma_start3A_149 = arith.constant 0 : i32
      %dma_start3A_150 = tpu.memref_slice %arg6[%add3A_20, %dma_start3A_149] : memref<10016x128xf32, #tpu.memory_space<vmem_shared>> -> memref<48x128xf32, #tpu.memory_space<vmem_shared>>
      tpu.enqueue_dma source(%arg17 : memref<48x128xf32, #tpu.memory_space<vmem>>) target(%dma_start3A_150 : memref<48x128xf32, #tpu.memory_space<vmem_shared>>) target_semaphore(%run_scoped3A : memref<!tpu.dma_semaphore, #tpu.memory_space<semaphore_mem>>)
      %dma_wait3A_151 = arith.constant 0 : i32
      %dma_wait3A_152 = tpu.memref_slice %arg6[%add3A_20, %dma_wait3A_151] : memref<10016x128xf32, #tpu.memory_space<vmem_shared>> -> memref<48x128xf32, #tpu.memory_space<vmem_shared>>
      %dma_wait3A_153 = arith.constant 0 : i32
      %dma_wait3A_154 = tpu.memref_slice %arg6[%add3A_20, %dma_wait3A_153] : memref<10016x128xf32, #tpu.memory_space<vmem_shared>> -> memref<48x128xf32, #tpu.memory_space<vmem_shared>>
      tpu.wait_dma2 semaphore(%run_scoped3A : memref<!tpu.dma_semaphore, #tpu.memory_space<semaphore_mem>>) src(%arg17 : memref<48x128xf32, #tpu.memory_space<vmem>>) dst(%dma_wait3A_154 : memref<48x128xf32, #tpu.memory_space<vmem_shared>>)
      tpu.yield
    }) : () -> ()
    %mul3A_21 = arith.constant 624 : i32
    %mul3A_22 = arith.muli %arg1, %mul3A_21 : i32
    %add3A_23 = arith.constant 144 : i32
    %add3A_24 = arith.addi %mul3A_22, %add3A_23 : i32
    "tpu.region"() ({
      %run_scoped3A = tpu.sem_alloc : memref<!tpu.dma_semaphore, #tpu.memory_space<semaphore_mem>>
      %dma_start3A_147 = arith.constant 0 : i32
      %dma_start3A_148 = tpu.memref_slice %arg6[%add3A_24, %dma_start3A_147] : memref<10016x128xf32, #tpu.memory_space<vmem_shared>> -> memref<48x128xf32, #tpu.memory_space<vmem_shared>>
      %dma_start3A_149 = arith.constant 0 : i32
      %dma_start3A_150 = tpu.memref_slice %arg6[%add3A_24, %dma_start3A_149] : memref<10016x128xf32, #tpu.memory_space<vmem_shared>> -> memref<48x128xf32, #tpu.memory_space<vmem_shared>>
      tpu.enqueue_dma source(%arg17 : memref<48x128xf32, #tpu.memory_space<vmem>>) target(%dma_start3A_150 : memref<48x128xf32, #tpu.memory_space<vmem_shared>>) target_semaphore(%run_scoped3A : memref<!tpu.dma_semaphore, #tpu.memory_space<semaphore_mem>>)
      %dma_wait3A_151 = arith.constant 0 : i32
      %dma_wait3A_152 = tpu.memref_slice %arg6[%add3A_24, %dma_wait3A_151] : memref<10016x128xf32, #tpu.memory_space<vmem_shared>> -> memref<48x128xf32, #tpu.memory_space<vmem_shared>>
      %dma_wait3A_153 = arith.constant 0 : i32
      %dma_wait3A_154 = tpu.memref_slice %arg6[%add3A_24, %dma_wait3A_153] : memref<10016x128xf32, #tpu.memory_space<vmem_shared>> -> memref<48x128xf32, #tpu.memory_space<vmem_shared>>
      tpu.wait_dma2 semaphore(%run_scoped3A : memref<!tpu.dma_semaphore, #tpu.memory_space<semaphore_mem>>) src(%arg17 : memref<48x128xf32, #tpu.memory_space<vmem>>) dst(%dma_wait3A_154 : memref<48x128xf32, #tpu.memory_space<vmem_shared>>)
      tpu.yield
    }) : () -> ()
    %mul3A_25 = arith.constant 624 : i32
    %mul3A_26 = arith.muli %arg1, %mul3A_25 : i32
    %add3A_27 = arith.constant 192 : i32
    %add3A_28 = arith.addi %mul3A_26, %add3A_27 : i32
    "tpu.region"() ({
      %run_scoped3A = tpu.sem_alloc : memref<!tpu.dma_semaphore, #tpu.memory_space<semaphore_mem>>
      %dma_start3A_147 = arith.constant 0 : i32
      %dma_start3A_148 = tpu.memref_slice %arg6[%add3A_28, %dma_start3A_147] : memref<10016x128xf32, #tpu.memory_space<vmem_shared>> -> memref<48x128xf32, #tpu.memory_space<vmem_shared>>
      %dma_start3A_149 = arith.constant 0 : i32
      %dma_start3A_150 = tpu.memref_slice %arg6[%add3A_28, %dma_start3A_149] : memref<10016x128xf32, #tpu.memory_space<vmem_shared>> -> memref<48x128xf32, #tpu.memory_space<vmem_shared>>
      tpu.enqueue_dma source(%arg17 : memref<48x128xf32, #tpu.memory_space<vmem>>) target(%dma_start3A_150 : memref<48x128xf32, #tpu.memory_space<vmem_shared>>) target_semaphore(%run_scoped3A : memref<!tpu.dma_semaphore, #tpu.memory_space<semaphore_mem>>)
      %dma_wait3A_151 = arith.constant 0 : i32
      %dma_wait3A_152 = tpu.memref_slice %arg6[%add3A_28, %dma_wait3A_151] : memref<10016x128xf32, #tpu.memory_space<vmem_shared>> -> memref<48x128xf32, #tpu.memory_space<vmem_shared>>
      %dma_wait3A_153 = arith.constant 0 : i32
      %dma_wait3A_154 = tpu.memref_slice %arg6[%add3A_28, %dma_wait3A_153] : memref<10016x128xf32, #tpu.memory_space<vmem_shared>> -> memref<48x128xf32, #tpu.memory_space<vmem_shared>>
      tpu.wait_dma2 semaphore(%run_scoped3A : memref<!tpu.dma_semaphore, #tpu.memory_space<semaphore_mem>>) src(%arg17 : memref<48x128xf32, #tpu.memory_space<vmem>>) dst(%dma_wait3A_154 : memref<48x128xf32, #tpu.memory_space<vmem_shared>>)
      tpu.yield
    }) : () -> ()
    %mul3A_29 = arith.constant 624 : i32
    %mul3A_30 = arith.muli %arg1, %mul3A_29 : i32
    %add3A_31 = arith.constant 240 : i32
    %add3A_32 = arith.addi %mul3A_30, %add3A_31 : i32
    "tpu.region"() ({
      %run_scoped3A = tpu.sem_alloc : memref<!tpu.dma_semaphore, #tpu.memory_space<semaphore_mem>>
      %dma_start3A_147 = arith.constant 0 : i32
      %dma_start3A_148 = tpu.memref_slice %arg6[%add3A_32, %dma_start3A_147] : memref<10016x128xf32, #tpu.memory_space<vmem_shared>> -> memref<48x128xf32, #tpu.memory_space<vmem_shared>>
      %dma_start3A_149 = arith.constant 0 : i32
      %dma_start3A_150 = tpu.memref_slice %arg6[%add3A_32, %dma_start3A_149] : memref<10016x128xf32, #tpu.memory_space<vmem_shared>> -> memref<48x128xf32, #tpu.memory_space<vmem_shared>>
      tpu.enqueue_dma source(%arg17 : memref<48x128xf32, #tpu.memory_space<vmem>>) target(%dma_start3A_150 : memref<48x128xf32, #tpu.memory_space<vmem_shared>>) target_semaphore(%run_scoped3A : memref<!tpu.dma_semaphore, #tpu.memory_space<semaphore_mem>>)
      %dma_wait3A_151 = arith.constant 0 : i32
      %dma_wait3A_152 = tpu.memref_slice %arg6[%add3A_32, %dma_wait3A_151] : memref<10016x128xf32, #tpu.memory_space<vmem_shared>> -> memref<48x128xf32, #tpu.memory_space<vmem_shared>>
      %dma_wait3A_153 = arith.constant 0 : i32
      %dma_wait3A_154 = tpu.memref_slice %arg6[%add3A_32, %dma_wait3A_153] : memref<10016x128xf32, #tpu.memory_space<vmem_shared>> -> memref<48x128xf32, #tpu.memory_space<vmem_shared>>
      tpu.wait_dma2 semaphore(%run_scoped3A : memref<!tpu.dma_semaphore, #tpu.memory_space<semaphore_mem>>) src(%arg17 : memref<48x128xf32, #tpu.memory_space<vmem>>) dst(%dma_wait3A_154 : memref<48x128xf32, #tpu.memory_space<vmem_shared>>)
      tpu.yield
    }) : () -> ()
    %mul3A_33 = arith.constant 624 : i32
    %mul3A_34 = arith.muli %arg1, %mul3A_33 : i32
    %add3A_35 = arith.constant 288 : i32
    %add3A_36 = arith.addi %mul3A_34, %add3A_35 : i32
    "tpu.region"() ({
      %run_scoped3A = tpu.sem_alloc : memref<!tpu.dma_semaphore, #tpu.memory_space<semaphore_mem>>
      %dma_start3A_147 = arith.constant 0 : i32
      %dma_start3A_148 = tpu.memref_slice %arg6[%add3A_36, %dma_start3A_147] : memref<10016x128xf32, #tpu.memory_space<vmem_shared>> -> memref<48x128xf32, #tpu.memory_space<vmem_shared>>
      %dma_start3A_149 = arith.constant 0 : i32
      %dma_start3A_150 = tpu.memref_slice %arg6[%add3A_36, %dma_start3A_149] : memref<10016x128xf32, #tpu.memory_space<vmem_shared>> -> memref<48x128xf32, #tpu.memory_space<vmem_shared>>
      tpu.enqueue_dma source(%arg17 : memref<48x128xf32, #tpu.memory_space<vmem>>) target(%dma_start3A_150 : memref<48x128xf32, #tpu.memory_space<vmem_shared>>) target_semaphore(%run_scoped3A : memref<!tpu.dma_semaphore, #tpu.memory_space<semaphore_mem>>)
      %dma_wait3A_151 = arith.constant 0 : i32
      %dma_wait3A_152 = tpu.memref_slice %arg6[%add3A_36, %dma_wait3A_151] : memref<10016x128xf32, #tpu.memory_space<vmem_shared>> -> memref<48x128xf32, #tpu.memory_space<vmem_shared>>
      %dma_wait3A_153 = arith.constant 0 : i32
      %dma_wait3A_154 = tpu.memref_slice %arg6[%add3A_36, %dma_wait3A_153] : memref<10016x128xf32, #tpu.memory_space<vmem_shared>> -> memref<48x128xf32, #tpu.memory_space<vmem_shared>>
      tpu.wait_dma2 semaphore(%run_scoped3A : memref<!tpu.dma_semaphore, #tpu.memory_space<semaphore_mem>>) src(%arg17 : memref<48x128xf32, #tpu.memory_space<vmem>>) dst(%dma_wait3A_154 : memref<48x128xf32, #tpu.memory_space<vmem_shared>>)
      tpu.yield
    }) : () -> ()
    %mul3A_37 = arith.constant 624 : i32
    %mul3A_38 = arith.muli %arg1, %mul3A_37 : i32
    %add3A_39 = arith.constant 336 : i32
    %add3A_40 = arith.addi %mul3A_38, %add3A_39 : i32
    "tpu.region"() ({
      %run_scoped3A = tpu.sem_alloc : memref<!tpu.dma_semaphore, #tpu.memory_space<semaphore_mem>>
      %dma_start3A_147 = arith.constant 0 : i32
      %dma_start3A_148 = tpu.memref_slice %arg6[%add3A_40, %dma_start3A_147] : memref<10016x128xf32, #tpu.memory_space<vmem_shared>> -> memref<48x128xf32, #tpu.memory_space<vmem_shared>>
      %dma_start3A_149 = arith.constant 0 : i32
      %dma_start3A_150 = tpu.memref_slice %arg6[%add3A_40, %dma_start3A_149] : memref<10016x128xf32, #tpu.memory_space<vmem_shared>> -> memref<48x128xf32, #tpu.memory_space<vmem_shared>>
      tpu.enqueue_dma source(%arg17 : memref<48x128xf32, #tpu.memory_space<vmem>>) target(%dma_start3A_150 : memref<48x128xf32, #tpu.memory_space<vmem_shared>>) target_semaphore(%run_scoped3A : memref<!tpu.dma_semaphore, #tpu.memory_space<semaphore_mem>>)
      %dma_wait3A_151 = arith.constant 0 : i32
      %dma_wait3A_152 = tpu.memref_slice %arg6[%add3A_40, %dma_wait3A_151] : memref<10016x128xf32, #tpu.memory_space<vmem_shared>> -> memref<48x128xf32, #tpu.memory_space<vmem_shared>>
      %dma_wait3A_153 = arith.constant 0 : i32
      %dma_wait3A_154 = tpu.memref_slice %arg6[%add3A_40, %dma_wait3A_153] : memref<10016x128xf32, #tpu.memory_space<vmem_shared>> -> memref<48x128xf32, #tpu.memory_space<vmem_shared>>
      tpu.wait_dma2 semaphore(%run_scoped3A : memref<!tpu.dma_semaphore, #tpu.memory_space<semaphore_mem>>) src(%arg17 : memref<48x128xf32, #tpu.memory_space<vmem>>) dst(%dma_wait3A_154 : memref<48x128xf32, #tpu.memory_space<vmem_shared>>)
      tpu.yield
    }) : () -> ()
    %mul3A_41 = arith.constant 624 : i32
    %mul3A_42 = arith.muli %arg1, %mul3A_41 : i32
    %add3A_43 = arith.constant 384 : i32
    %add3A_44 = arith.addi %mul3A_42, %add3A_43 : i32
    "tpu.region"() ({
      %run_scoped3A = tpu.sem_alloc : memref<!tpu.dma_semaphore, #tpu.memory_space<semaphore_mem>>
      %dma_start3A_147 = arith.constant 0 : i32
      %dma_start3A_148 = tpu.memref_slice %arg6[%add3A_44, %dma_start3A_147] : memref<10016x128xf32, #tpu.memory_space<vmem_shared>> -> memref<48x128xf32, #tpu.memory_space<vmem_shared>>
      %dma_start3A_149 = arith.constant 0 : i32
      %dma_start3A_150 = tpu.memref_slice %arg6[%add3A_44, %dma_start3A_149] : memref<10016x128xf32, #tpu.memory_space<vmem_shared>> -> memref<48x128xf32, #tpu.memory_space<vmem_shared>>
      tpu.enqueue_dma source(%arg17 : memref<48x128xf32, #tpu.memory_space<vmem>>) target(%dma_start3A_150 : memref<48x128xf32, #tpu.memory_space<vmem_shared>>) target_semaphore(%run_scoped3A : memref<!tpu.dma_semaphore, #tpu.memory_space<semaphore_mem>>)
      %dma_wait3A_151 = arith.constant 0 : i32
      %dma_wait3A_152 = tpu.memref_slice %arg6[%add3A_44, %dma_wait3A_151] : memref<10016x128xf32, #tpu.memory_space<vmem_shared>> -> memref<48x128xf32, #tpu.memory_space<vmem_shared>>
      %dma_wait3A_153 = arith.constant 0 : i32
      %dma_wait3A_154 = tpu.memref_slice %arg6[%add3A_44, %dma_wait3A_153] : memref<10016x128xf32, #tpu.memory_space<vmem_shared>> -> memref<48x128xf32, #tpu.memory_space<vmem_shared>>
      tpu.wait_dma2 semaphore(%run_scoped3A : memref<!tpu.dma_semaphore, #tpu.memory_space<semaphore_mem>>) src(%arg17 : memref<48x128xf32, #tpu.memory_space<vmem>>) dst(%dma_wait3A_154 : memref<48x128xf32, #tpu.memory_space<vmem_shared>>)
      tpu.yield
    }) : () -> ()
    %mul3A_45 = arith.constant 624 : i32
    %mul3A_46 = arith.muli %arg1, %mul3A_45 : i32
    %add3A_47 = arith.constant 432 : i32
    %add3A_48 = arith.addi %mul3A_46, %add3A_47 : i32
    "tpu.region"() ({
      %run_scoped3A = tpu.sem_alloc : memref<!tpu.dma_semaphore, #tpu.memory_space<semaphore_mem>>
      %dma_start3A_147 = arith.constant 0 : i32
      %dma_start3A_148 = tpu.memref_slice %arg6[%add3A_48, %dma_start3A_147] : memref<10016x128xf32, #tpu.memory_space<vmem_shared>> -> memref<48x128xf32, #tpu.memory_space<vmem_shared>>
      %dma_start3A_149 = arith.constant 0 : i32
      %dma_start3A_150 = tpu.memref_slice %arg6[%add3A_48, %dma_start3A_149] : memref<10016x128xf32, #tpu.memory_space<vmem_shared>> -> memref<48x128xf32, #tpu.memory_space<vmem_shared>>
      tpu.enqueue_dma source(%arg17 : memref<48x128xf32, #tpu.memory_space<vmem>>) target(%dma_start3A_150 : memref<48x128xf32, #tpu.memory_space<vmem_shared>>) target_semaphore(%run_scoped3A : memref<!tpu.dma_semaphore, #tpu.memory_space<semaphore_mem>>)
      %dma_wait3A_151 = arith.constant 0 : i32
      %dma_wait3A_152 = tpu.memref_slice %arg6[%add3A_48, %dma_wait3A_151] : memref<10016x128xf32, #tpu.memory_space<vmem_shared>> -> memref<48x128xf32, #tpu.memory_space<vmem_shared>>
      %dma_wait3A_153 = arith.constant 0 : i32
      %dma_wait3A_154 = tpu.memref_slice %arg6[%add3A_48, %dma_wait3A_153] : memref<10016x128xf32, #tpu.memory_space<vmem_shared>> -> memref<48x128xf32, #tpu.memory_space<vmem_shared>>
      tpu.wait_dma2 semaphore(%run_scoped3A : memref<!tpu.dma_semaphore, #tpu.memory_space<semaphore_mem>>) src(%arg17 : memref<48x128xf32, #tpu.memory_space<vmem>>) dst(%dma_wait3A_154 : memref<48x128xf32, #tpu.memory_space<vmem_shared>>)
      tpu.yield
    }) : () -> ()
    %mul3A_49 = arith.constant 624 : i32
    %mul3A_50 = arith.muli %arg1, %mul3A_49 : i32
    %add3A_51 = arith.constant 480 : i32
    %add3A_52 = arith.addi %mul3A_50, %add3A_51 : i32
    "tpu.region"() ({
      %run_scoped3A = tpu.sem_alloc : memref<!tpu.dma_semaphore, #tpu.memory_space<semaphore_mem>>
      %dma_start3A_147 = arith.constant 0 : i32
      %dma_start3A_148 = tpu.memref_slice %arg6[%add3A_52, %dma_start3A_147] : memref<10016x128xf32, #tpu.memory_space<vmem_shared>> -> memref<48x128xf32, #tpu.memory_space<vmem_shared>>
      %dma_start3A_149 = arith.constant 0 : i32
      %dma_start3A_150 = tpu.memref_slice %arg6[%add3A_52, %dma_start3A_149] : memref<10016x128xf32, #tpu.memory_space<vmem_shared>> -> memref<48x128xf32, #tpu.memory_space<vmem_shared>>
      tpu.enqueue_dma source(%arg17 : memref<48x128xf32, #tpu.memory_space<vmem>>) target(%dma_start3A_150 : memref<48x128xf32, #tpu.memory_space<vmem_shared>>) target_semaphore(%run_scoped3A : memref<!tpu.dma_semaphore, #tpu.memory_space<semaphore_mem>>)
      %dma_wait3A_151 = arith.constant 0 : i32
      %dma_wait3A_152 = tpu.memref_slice %arg6[%add3A_52, %dma_wait3A_151] : memref<10016x128xf32, #tpu.memory_space<vmem_shared>> -> memref<48x128xf32, #tpu.memory_space<vmem_shared>>
      %dma_wait3A_153 = arith.constant 0 : i32
      %dma_wait3A_154 = tpu.memref_slice %arg6[%add3A_52, %dma_wait3A_153] : memref<10016x128xf32, #tpu.memory_space<vmem_shared>> -> memref<48x128xf32, #tpu.memory_space<vmem_shared>>
      tpu.wait_dma2 semaphore(%run_scoped3A : memref<!tpu.dma_semaphore, #tpu.memory_space<semaphore_mem>>) src(%arg17 : memref<48x128xf32, #tpu.memory_space<vmem>>) dst(%dma_wait3A_154 : memref<48x128xf32, #tpu.memory_space<vmem_shared>>)
      tpu.yield
    }) : () -> ()
    %mul3A_53 = arith.constant 624 : i32
    %mul3A_54 = arith.muli %arg1, %mul3A_53 : i32
    %add3A_55 = arith.constant 528 : i32
    %add3A_56 = arith.addi %mul3A_54, %add3A_55 : i32
    "tpu.region"() ({
      %run_scoped3A = tpu.sem_alloc : memref<!tpu.dma_semaphore, #tpu.memory_space<semaphore_mem>>
      %dma_start3A_147 = arith.constant 0 : i32
      %dma_start3A_148 = tpu.memref_slice %arg6[%add3A_56, %dma_start3A_147] : memref<10016x128xf32, #tpu.memory_space<vmem_shared>> -> memref<48x128xf32, #tpu.memory_space<vmem_shared>>
      %dma_start3A_149 = arith.constant 0 : i32
      %dma_start3A_150 = tpu.memref_slice %arg6[%add3A_56, %dma_start3A_149] : memref<10016x128xf32, #tpu.memory_space<vmem_shared>> -> memref<48x128xf32, #tpu.memory_space<vmem_shared>>
      tpu.enqueue_dma source(%arg17 : memref<48x128xf32, #tpu.memory_space<vmem>>) target(%dma_start3A_150 : memref<48x128xf32, #tpu.memory_space<vmem_shared>>) target_semaphore(%run_scoped3A : memref<!tpu.dma_semaphore, #tpu.memory_space<semaphore_mem>>)
      %dma_wait3A_151 = arith.constant 0 : i32
      %dma_wait3A_152 = tpu.memref_slice %arg6[%add3A_56, %dma_wait3A_151] : memref<10016x128xf32, #tpu.memory_space<vmem_shared>> -> memref<48x128xf32, #tpu.memory_space<vmem_shared>>
      %dma_wait3A_153 = arith.constant 0 : i32
      %dma_wait3A_154 = tpu.memref_slice %arg6[%add3A_56, %dma_wait3A_153] : memref<10016x128xf32, #tpu.memory_space<vmem_shared>> -> memref<48x128xf32, #tpu.memory_space<vmem_shared>>
      tpu.wait_dma2 semaphore(%run_scoped3A : memref<!tpu.dma_semaphore, #tpu.memory_space<semaphore_mem>>) src(%arg17 : memref<48x128xf32, #tpu.memory_space<vmem>>) dst(%dma_wait3A_154 : memref<48x128xf32, #tpu.memory_space<vmem_shared>>)
      tpu.yield
    }) : () -> ()
    %mul3A_57 = arith.constant 624 : i32
    %mul3A_58 = arith.muli %arg1, %mul3A_57 : i32
    %add3A_59 = arith.constant 576 : i32
    %add3A_60 = arith.addi %mul3A_58, %add3A_59 : i32
    "tpu.region"() ({
      %run_scoped3A = tpu.sem_alloc : memref<!tpu.dma_semaphore, #tpu.memory_space<semaphore_mem>>
      %dma_start3A_147 = arith.constant 0 : i32
      %dma_start3A_148 = tpu.memref_slice %arg6[%add3A_60, %dma_start3A_147] : memref<10016x128xf32, #tpu.memory_space<vmem_shared>> -> memref<48x128xf32, #tpu.memory_space<vmem_shared>>
      %dma_start3A_149 = arith.constant 0 : i32
      %dma_start3A_150 = tpu.memref_slice %arg6[%add3A_60, %dma_start3A_149] : memref<10016x128xf32, #tpu.memory_space<vmem_shared>> -> memref<48x128xf32, #tpu.memory_space<vmem_shared>>
      tpu.enqueue_dma source(%arg17 : memref<48x128xf32, #tpu.memory_space<vmem>>) target(%dma_start3A_150 : memref<48x128xf32, #tpu.memory_space<vmem_shared>>) target_semaphore(%run_scoped3A : memref<!tpu.dma_semaphore, #tpu.memory_space<semaphore_mem>>)
      %dma_wait3A_151 = arith.constant 0 : i32
      %dma_wait3A_152 = tpu.memref_slice %arg6[%add3A_60, %dma_wait3A_151] : memref<10016x128xf32, #tpu.memory_space<vmem_shared>> -> memref<48x128xf32, #tpu.memory_space<vmem_shared>>
      %dma_wait3A_153 = arith.constant 0 : i32
      %dma_wait3A_154 = tpu.memref_slice %arg6[%add3A_60, %dma_wait3A_153] : memref<10016x128xf32, #tpu.memory_space<vmem_shared>> -> memref<48x128xf32, #tpu.memory_space<vmem_shared>>
      tpu.wait_dma2 semaphore(%run_scoped3A : memref<!tpu.dma_semaphore, #tpu.memory_space<semaphore_mem>>) src(%arg17 : memref<48x128xf32, #tpu.memory_space<vmem>>) dst(%dma_wait3A_154 : memref<48x128xf32, #tpu.memory_space<vmem_shared>>)
      tpu.yield
    }) : () -> ()
    %eq3A = arith.constant 15 : i32
    %eq3A_61 = arith.cmpi eq, %arg1, %eq3A : i32
    %convert_element_type3A = arith.extui %eq3A_61 : i1 to i32
    %cond3A = arith.constant 0 : i32
    %cond3A_62 = arith.cmpi ne, %convert_element_type3A, %cond3A : i32
    scf.if %cond3A_62 {
      "tpu.region"() ({
        %run_scoped3A = tpu.sem_alloc : memref<!tpu.dma_semaphore, #tpu.memory_space<semaphore_mem>>
        %dma_start3A_147 = arith.constant 0 : i32
        %dma_start3A_148 = arith.constant 0 : i32
        %dma_start3A_149 = tpu.memref_slice %arg17[%dma_start3A_147, %dma_start3A_148] : memref<48x128xf32, #tpu.memory_space<vmem>> -> memref<32x128xf32, #tpu.memory_space<vmem>>
        %dma_start3A_150 = arith.constant 9984 : i32
        %dma_start3A_151 = arith.constant 0 : i32
        %dma_start3A_152 = tpu.memref_slice %arg6[%dma_start3A_150, %dma_start3A_151] : memref<10016x128xf32, #tpu.memory_space<vmem_shared>> -> memref<32x128xf32, #tpu.memory_space<vmem_shared>>
        %dma_start3A_153 = arith.constant 9984 : i32
        %dma_start3A_154 = arith.constant 0 : i32
        %dma_start3A_155 = tpu.memref_slice %arg6[%dma_start3A_153, %dma_start3A_154] : memref<10016x128xf32, #tpu.memory_space<vmem_shared>> -> memref<32x128xf32, #tpu.memory_space<vmem_shared>>
        %dma_start3A_156 = arith.constant 0 : i32
        %dma_start3A_157 = arith.constant 0 : i32
        %dma_start3A_158 = tpu.memref_slice %arg17[%dma_start3A_156, %dma_start3A_157] : memref<48x128xf32, #tpu.memory_space<vmem>> -> memref<32x128xf32, #tpu.memory_space<vmem>>
        tpu.enqueue_dma source(%dma_start3A_158 : memref<32x128xf32, #tpu.memory_space<vmem>>) target(%dma_start3A_155 : memref<32x128xf32, #tpu.memory_space<vmem_shared>>) target_semaphore(%run_scoped3A : memref<!tpu.dma_semaphore, #tpu.memory_space<semaphore_mem>>)
        %dma_wait3A_159 = arith.constant 0 : i32
        %dma_wait3A_160 = arith.constant 0 : i32
        %dma_wait3A_161 = tpu.memref_slice %arg17[%dma_wait3A_159, %dma_wait3A_160] : memref<48x128xf32, #tpu.memory_space<vmem>> -> memref<32x128xf32, #tpu.memory_space<vmem>>
        %dma_wait3A_162 = arith.constant 9984 : i32
        %dma_wait3A_163 = arith.constant 0 : i32
        %dma_wait3A_164 = tpu.memref_slice %arg6[%dma_wait3A_162, %dma_wait3A_163] : memref<10016x128xf32, #tpu.memory_space<vmem_shared>> -> memref<32x128xf32, #tpu.memory_space<vmem_shared>>
        %dma_wait3A_165 = arith.constant 9984 : i32
        %dma_wait3A_166 = arith.constant 0 : i32
        %dma_wait3A_167 = tpu.memref_slice %arg6[%dma_wait3A_165, %dma_wait3A_166] : memref<10016x128xf32, #tpu.memory_space<vmem_shared>> -> memref<32x128xf32, #tpu.memory_space<vmem_shared>>
        %dma_wait3A_168 = arith.constant 0 : i32
        %dma_wait3A_169 = arith.constant 0 : i32
        %dma_wait3A_170 = tpu.memref_slice %arg17[%dma_wait3A_168, %dma_wait3A_169] : memref<48x128xf32, #tpu.memory_space<vmem>> -> memref<32x128xf32, #tpu.memory_space<vmem>>
        tpu.wait_dma2 semaphore(%run_scoped3A : memref<!tpu.dma_semaphore, #tpu.memory_space<semaphore_mem>>) src(%dma_wait3A_170 : memref<32x128xf32, #tpu.memory_space<vmem>>) dst(%dma_wait3A_167 : memref<32x128xf32, #tpu.memory_space<vmem_shared>>)
        tpu.yield
      }) : () -> ()
    } else {
    }
    %barrier3A = arith.constant 0 : index
    tpu.barrier barrier_id(%barrier3A)
    %add3A_63 = arith.constant 0 : i32
    %add3A_64 = arith.addi %mul3A_2, %add3A_63 : i32
    %dma_start3A = tpu.memref_slice %arg3[%add3A_64] : memref<328000xi32, #tpu.memory_space<hbm>> -> memref<80xi32, #tpu.memory_space<hbm>>
    %dma_start3A_65 = tpu.memref_slice %arg3[%add3A_64] : memref<328000xi32, #tpu.memory_space<hbm>> -> memref<80xi32, #tpu.memory_space<hbm>>
    tpu.enqueue_dma source(%dma_start3A_65 : memref<80xi32, #tpu.memory_space<hbm>>) target(%arg7 : memref<80xi32, #tpu.memory_space<vmem>>) target_semaphore(%arg22 : memref<!tpu.dma_semaphore, #tpu.memory_space<semaphore_mem>>)
    %add3A_66 = arith.constant 80 : i32
    %add3A_67 = arith.addi %mul3A_2, %add3A_66 : i32
    %dma_start3A_68 = tpu.memref_slice %arg3[%add3A_67] : memref<328000xi32, #tpu.memory_space<hbm>> -> memref<80xi32, #tpu.memory_space<hbm>>
    %dma_start3A_69 = tpu.memref_slice %arg3[%add3A_67] : memref<328000xi32, #tpu.memory_space<hbm>> -> memref<80xi32, #tpu.memory_space<hbm>>
    tpu.enqueue_dma source(%dma_start3A_69 : memref<80xi32, #tpu.memory_space<hbm>>) target(%arg8 : memref<80xi32, #tpu.memory_space<vmem>>) target_semaphore(%arg23 : memref<!tpu.dma_semaphore, #tpu.memory_space<semaphore_mem>>)
    %add3A_70 = arith.constant 160 : i32
    %add3A_71 = arith.addi %mul3A_2, %add3A_70 : i32
    %dma_start3A_72 = tpu.memref_slice %arg3[%add3A_71] : memref<328000xi32, #tpu.memory_space<hbm>> -> memref<80xi32, #tpu.memory_space<hbm>>
    %dma_start3A_73 = tpu.memref_slice %arg3[%add3A_71] : memref<328000xi32, #tpu.memory_space<hbm>> -> memref<80xi32, #tpu.memory_space<hbm>>
    tpu.enqueue_dma source(%dma_start3A_73 : memref<80xi32, #tpu.memory_space<hbm>>) target(%arg9 : memref<80xi32, #tpu.memory_space<vmem>>) target_semaphore(%arg24 : memref<!tpu.dma_semaphore, #tpu.memory_space<semaphore_mem>>)
    %add3A_74 = arith.constant 240 : i32
    %add3A_75 = arith.addi %mul3A_2, %add3A_74 : i32
    %dma_start3A_76 = tpu.memref_slice %arg3[%add3A_75] : memref<328000xi32, #tpu.memory_space<hbm>> -> memref<80xi32, #tpu.memory_space<hbm>>
    %dma_start3A_77 = tpu.memref_slice %arg3[%add3A_75] : memref<328000xi32, #tpu.memory_space<hbm>> -> memref<80xi32, #tpu.memory_space<hbm>>
    tpu.enqueue_dma source(%dma_start3A_77 : memref<80xi32, #tpu.memory_space<hbm>>) target(%arg10 : memref<80xi32, #tpu.memory_space<vmem>>) target_semaphore(%arg25 : memref<!tpu.dma_semaphore, #tpu.memory_space<semaphore_mem>>)
    %add3A_78 = arith.constant 0 : i32
    %add3A_79 = arith.addi %mul3A_2, %add3A_78 : i32
    %dma_start3A_80 = tpu.memref_slice %arg4[%add3A_79] : memref<328000xi32, #tpu.memory_space<hbm>> -> memref<80xi32, #tpu.memory_space<hbm>>
    %dma_start3A_81 = tpu.memref_slice %arg4[%add3A_79] : memref<328000xi32, #tpu.memory_space<hbm>> -> memref<80xi32, #tpu.memory_space<hbm>>
    tpu.enqueue_dma source(%dma_start3A_81 : memref<80xi32, #tpu.memory_space<hbm>>) target(%arg11 : memref<80xi32, #tpu.memory_space<vmem>>) target_semaphore(%arg26 : memref<!tpu.dma_semaphore, #tpu.memory_space<semaphore_mem>>)
    %add3A_82 = arith.constant 80 : i32
    %add3A_83 = arith.addi %mul3A_2, %add3A_82 : i32
    %dma_start3A_84 = tpu.memref_slice %arg4[%add3A_83] : memref<328000xi32, #tpu.memory_space<hbm>> -> memref<80xi32, #tpu.memory_space<hbm>>
    %dma_start3A_85 = tpu.memref_slice %arg4[%add3A_83] : memref<328000xi32, #tpu.memory_space<hbm>> -> memref<80xi32, #tpu.memory_space<hbm>>
    tpu.enqueue_dma source(%dma_start3A_85 : memref<80xi32, #tpu.memory_space<hbm>>) target(%arg12 : memref<80xi32, #tpu.memory_space<vmem>>) target_semaphore(%arg27 : memref<!tpu.dma_semaphore, #tpu.memory_space<semaphore_mem>>)
    %add3A_86 = arith.constant 0 : i32
    %add3A_87 = arith.addi %mul3A_2, %add3A_86 : i32
    %dma_wait3A = tpu.memref_slice %arg3[%add3A_87] : memref<328000xi32, #tpu.memory_space<hbm>> -> memref<80xi32, #tpu.memory_space<hbm>>
    %dma_wait3A_88 = tpu.memref_slice %arg3[%add3A_87] : memref<328000xi32, #tpu.memory_space<hbm>> -> memref<80xi32, #tpu.memory_space<hbm>>
    tpu.wait_dma2 semaphore(%arg22 : memref<!tpu.dma_semaphore, #tpu.memory_space<semaphore_mem>>) src(%dma_wait3A_88 : memref<80xi32, #tpu.memory_space<hbm>>) dst(%arg7 : memref<80xi32, #tpu.memory_space<vmem>>)
    %dma_start3A_89 = arith.constant 0 : i32
    %dma_start3A_90 = arith.constant 0 : i32
    %dma_start3A_91 = tpu.memref_slice %arg2[%dma_start3A_89, %dma_start3A_90] : memref<10000x128xf32, #tpu.memory_space<hbm>> -> memref<10000x128xf32, #tpu.memory_space<hbm>>
    tpu.enqueue_indirect_dma source(%dma_start3A_91 : memref<10000x128xf32, #tpu.memory_space<hbm>>) target(%arg13 : memref<80x128xf32, #tpu.memory_space<vmem>>) offsets(%arg7 : memref<80xi32, #tpu.memory_space<vmem>>) semaphore(%arg18 : memref<!tpu.dma_semaphore, #tpu.memory_space<semaphore_mem>>)
    %add3A_92 = arith.constant 80 : i32
    %add3A_93 = arith.addi %mul3A_2, %add3A_92 : i32
    %dma_wait3A_94 = tpu.memref_slice %arg3[%add3A_93] : memref<328000xi32, #tpu.memory_space<hbm>> -> memref<80xi32, #tpu.memory_space<hbm>>
    %dma_wait3A_95 = tpu.memref_slice %arg3[%add3A_93] : memref<328000xi32, #tpu.memory_space<hbm>> -> memref<80xi32, #tpu.memory_space<hbm>>
    tpu.wait_dma2 semaphore(%arg23 : memref<!tpu.dma_semaphore, #tpu.memory_space<semaphore_mem>>) src(%dma_wait3A_95 : memref<80xi32, #tpu.memory_space<hbm>>) dst(%arg8 : memref<80xi32, #tpu.memory_space<vmem>>)
    %dma_start3A_96 = arith.constant 0 : i32
    %dma_start3A_97 = arith.constant 0 : i32
    %dma_start3A_98 = tpu.memref_slice %arg2[%dma_start3A_96, %dma_start3A_97] : memref<10000x128xf32, #tpu.memory_space<hbm>> -> memref<10000x128xf32, #tpu.memory_space<hbm>>
    tpu.enqueue_indirect_dma source(%dma_start3A_98 : memref<10000x128xf32, #tpu.memory_space<hbm>>) target(%arg14 : memref<80x128xf32, #tpu.memory_space<vmem>>) offsets(%arg8 : memref<80xi32, #tpu.memory_space<vmem>>) semaphore(%arg19 : memref<!tpu.dma_semaphore, #tpu.memory_space<semaphore_mem>>)
    %add3A_99 = arith.constant 160 : i32
    %add3A_100 = arith.addi %mul3A_2, %add3A_99 : i32
    %dma_wait3A_101 = tpu.memref_slice %arg3[%add3A_100] : memref<328000xi32, #tpu.memory_space<hbm>> -> memref<80xi32, #tpu.memory_space<hbm>>
    %dma_wait3A_102 = tpu.memref_slice %arg3[%add3A_100] : memref<328000xi32, #tpu.memory_space<hbm>> -> memref<80xi32, #tpu.memory_space<hbm>>
    tpu.wait_dma2 semaphore(%arg24 : memref<!tpu.dma_semaphore, #tpu.memory_space<semaphore_mem>>) src(%dma_wait3A_102 : memref<80xi32, #tpu.memory_space<hbm>>) dst(%arg9 : memref<80xi32, #tpu.memory_space<vmem>>)
    %dma_start3A_103 = arith.constant 0 : i32
    %dma_start3A_104 = arith.constant 0 : i32
    %dma_start3A_105 = tpu.memref_slice %arg2[%dma_start3A_103, %dma_start3A_104] : memref<10000x128xf32, #tpu.memory_space<hbm>> -> memref<10000x128xf32, #tpu.memory_space<hbm>>
    tpu.enqueue_indirect_dma source(%dma_start3A_105 : memref<10000x128xf32, #tpu.memory_space<hbm>>) target(%arg15 : memref<80x128xf32, #tpu.memory_space<vmem>>) offsets(%arg9 : memref<80xi32, #tpu.memory_space<vmem>>) semaphore(%arg20 : memref<!tpu.dma_semaphore, #tpu.memory_space<semaphore_mem>>)
    %scan3A_106 = arith.constant 0 : i32
    %scan3A_107 = arith.constant 0 : i32
    %scan3A_108 = arith.constant 32 : i32
    %scan3A_109 = arith.addi %scan3A_107, %scan3A_108 : i32
    %scan3A_110 = arith.constant 1 : i32
    %scan3A_111 = scf.for %scan3A_147 = %scan3A_107 to %scan3A_109 step %scan3A_110 iter_args(%scan3A_148 = %scan3A_106) -> (i32)  : i32 {
      %mul3A_149 = arith.constant 4 : i32
      %mul3A_150 = arith.muli %scan3A_147, %mul3A_149 : i32
      %add3A_151 = arith.constant 0 : i32
      %add3A_152 = arith.addi %mul3A_150, %add3A_151 : i32
      %dma_wait3A_153 = arith.constant 0 : i32
      %dma_wait3A_154 = arith.constant 0 : i32
      %dma_wait3A_155 = tpu.memref_slice %arg2[%dma_wait3A_153, %dma_wait3A_154] : memref<10000x128xf32, #tpu.memory_space<hbm>> -> memref<10000x128xf32, #tpu.memory_space<hbm>>
      tpu.wait_indirect_dma semaphore(%arg18 : memref<!tpu.dma_semaphore, #tpu.memory_space<semaphore_mem>>) src(%dma_wait3A_155 : memref<10000x128xf32, #tpu.memory_space<hbm>>) dst(%arg13 : memref<80x128xf32, #tpu.memory_space<vmem>>)
      %mul3A_156 = arith.constant 80 : i32
      %mul3A_157 = arith.muli %add3A_152, %mul3A_156 : i32
      %add3A_158 = arith.addi %mul3A_2, %mul3A_157 : i32
      %dma_wait3A_159 = tpu.memref_slice %arg4[%add3A_158] : memref<328000xi32, #tpu.memory_space<hbm>> -> memref<80xi32, #tpu.memory_space<hbm>>
      %dma_wait3A_160 = tpu.memref_slice %arg4[%add3A_158] : memref<328000xi32, #tpu.memory_space<hbm>> -> memref<80xi32, #tpu.memory_space<hbm>>
      tpu.wait_dma2 semaphore(%arg26 : memref<!tpu.dma_semaphore, #tpu.memory_space<semaphore_mem>>) src(%dma_wait3A_160 : memref<80xi32, #tpu.memory_space<hbm>>) dst(%arg11 : memref<80xi32, #tpu.memory_space<vmem>>)
      "tpu.region"() ({
        %run_scoped3A = tpu.sem_alloc : memref<!tpu.dma_semaphore, #tpu.memory_space<semaphore_mem>>
        %dma_start3A_294 = arith.constant 0 : i32
        %dma_start3A_295 = arith.constant 0 : i32
        %dma_start3A_296 = tpu.memref_slice %arg6[%dma_start3A_294, %dma_start3A_295] : memref<10016x128xf32, #tpu.memory_space<vmem_shared>> -> memref<10016x128xf32, #tpu.memory_space<vmem_shared>>
        tpu.enqueue_indirect_dma source(%arg13 : memref<80x128xf32, #tpu.memory_space<vmem>>) target(%dma_start3A_296 : memref<10016x128xf32, #tpu.memory_space<vmem_shared>>) offsets(%arg11 : memref<80xi32, #tpu.memory_space<vmem>>) semaphore(%run_scoped3A : memref<!tpu.dma_semaphore, #tpu.memory_space<semaphore_mem>>) {add = true}
        %dma_wait3A_297 = arith.constant 0 : i32
        %dma_wait3A_298 = arith.constant 0 : i32
        %dma_wait3A_299 = tpu.memref_slice %arg6[%dma_wait3A_297, %dma_wait3A_298] : memref<10016x128xf32, #tpu.memory_space<vmem_shared>> -> memref<10016x128xf32, #tpu.memory_space<vmem_shared>>
        tpu.wait_indirect_dma semaphore(%run_scoped3A : memref<!tpu.dma_semaphore, #tpu.memory_space<semaphore_mem>>) src(%arg13 : memref<80x128xf32, #tpu.memory_space<vmem>>) dst(%dma_wait3A_299 : memref<10016x128xf32, #tpu.memory_space<vmem_shared>>)
        tpu.yield
      }) : () -> ()
      %add3A_161 = arith.constant 3 : i32
      %add3A_162 = arith.addi %add3A_152, %add3A_161 : i32
      %mul3A_163 = arith.constant 80 : i32
      %mul3A_164 = arith.muli %add3A_162, %mul3A_163 : i32
      %add3A_165 = arith.addi %mul3A_2, %mul3A_164 : i32
      %dma_wait3A_166 = tpu.memref_slice %arg3[%add3A_165] : memref<328000xi32, #tpu.memory_space<hbm>> -> memref<80xi32, #tpu.memory_space<hbm>>
      %dma_wait3A_167 = tpu.memref_slice %arg3[%add3A_165] : memref<328000xi32, #tpu.memory_space<hbm>> -> memref<80xi32, #tpu.memory_space<hbm>>
      tpu.wait_dma2 semaphore(%arg25 : memref<!tpu.dma_semaphore, #tpu.memory_space<semaphore_mem>>) src(%dma_wait3A_167 : memref<80xi32, #tpu.memory_space<hbm>>) dst(%arg10 : memref<80xi32, #tpu.memory_space<vmem>>)
      %dma_start3A_168 = arith.constant 0 : i32
      %dma_start3A_169 = arith.constant 0 : i32
      %dma_start3A_170 = tpu.memref_slice %arg2[%dma_start3A_168, %dma_start3A_169] : memref<10000x128xf32, #tpu.memory_space<hbm>> -> memref<10000x128xf32, #tpu.memory_space<hbm>>
      tpu.enqueue_indirect_dma source(%dma_start3A_170 : memref<10000x128xf32, #tpu.memory_space<hbm>>) target(%arg16 : memref<80x128xf32, #tpu.memory_space<vmem>>) offsets(%arg10 : memref<80xi32, #tpu.memory_space<vmem>>) semaphore(%arg21 : memref<!tpu.dma_semaphore, #tpu.memory_space<semaphore_mem>>)
      %add3A_171 = arith.constant 4 : i32
      %add3A_172 = arith.addi %add3A_152, %add3A_171 : i32
      %mul3A_173 = arith.constant 80 : i32
      %mul3A_174 = arith.muli %add3A_172, %mul3A_173 : i32
      %add3A_175 = arith.addi %mul3A_2, %mul3A_174 : i32
      %dma_start3A_176 = tpu.memref_slice %arg3[%add3A_175] : memref<328000xi32, #tpu.memory_space<hbm>> -> memref<80xi32, #tpu.memory_space<hbm>>
      %dma_start3A_177 = tpu.memref_slice %arg3[%add3A_175] : memref<328000xi32, #tpu.memory_space<hbm>> -> memref<80xi32, #tpu.memory_space<hbm>>
      tpu.enqueue_dma source(%dma_start3A_177 : memref<80xi32, #tpu.memory_space<hbm>>) target(%arg7 : memref<80xi32, #tpu.memory_space<vmem>>) target_semaphore(%arg22 : memref<!tpu.dma_semaphore, #tpu.memory_space<semaphore_mem>>)
      %add3A_178 = arith.constant 2 : i32
      %add3A_179 = arith.addi %add3A_152, %add3A_178 : i32
      %mul3A_180 = arith.constant 80 : i32
      %mul3A_181 = arith.muli %add3A_179, %mul3A_180 : i32
      %add3A_182 = arith.addi %mul3A_2, %mul3A_181 : i32
      %dma_start3A_183 = tpu.memref_slice %arg4[%add3A_182] : memref<328000xi32, #tpu.memory_space<hbm>> -> memref<80xi32, #tpu.memory_space<hbm>>
      %dma_start3A_184 = tpu.memref_slice %arg4[%add3A_182] : memref<328000xi32, #tpu.memory_space<hbm>> -> memref<80xi32, #tpu.memory_space<hbm>>
      tpu.enqueue_dma source(%dma_start3A_184 : memref<80xi32, #tpu.memory_space<hbm>>) target(%arg11 : memref<80xi32, #tpu.memory_space<vmem>>) target_semaphore(%arg26 : memref<!tpu.dma_semaphore, #tpu.memory_space<semaphore_mem>>)
      %mul3A_185 = arith.constant 4 : i32
      %mul3A_186 = arith.muli %scan3A_147, %mul3A_185 : i32
      %add3A_187 = arith.constant 1 : i32
      %add3A_188 = arith.addi %mul3A_186, %add3A_187 : i32
      %dma_wait3A_189 = arith.constant 0 : i32
      %dma_wait3A_190 = arith.constant 0 : i32
      %dma_wait3A_191 = tpu.memref_slice %arg2[%dma_wait3A_189, %dma_wait3A_190] : memref<10000x128xf32, #tpu.memory_space<hbm>> -> memref<10000x128xf32, #tpu.memory_space<hbm>>
      tpu.wait_indirect_dma semaphore(%arg19 : memref<!tpu.dma_semaphore, #tpu.memory_space<semaphore_mem>>) src(%dma_wait3A_191 : memref<10000x128xf32, #tpu.memory_space<hbm>>) dst(%arg14 : memref<80x128xf32, #tpu.memory_space<vmem>>)
      %mul3A_192 = arith.constant 80 : i32
      %mul3A_193 = arith.muli %add3A_188, %mul3A_192 : i32
      %add3A_194 = arith.addi %mul3A_2, %mul3A_193 : i32
      %dma_wait3A_195 = tpu.memref_slice %arg4[%add3A_194] : memref<328000xi32, #tpu.memory_space<hbm>> -> memref<80xi32, #tpu.memory_space<hbm>>
      %dma_wait3A_196 = tpu.memref_slice %arg4[%add3A_194] : memref<328000xi32, #tpu.memory_space<hbm>> -> memref<80xi32, #tpu.memory_space<hbm>>
      tpu.wait_dma2 semaphore(%arg27 : memref<!tpu.dma_semaphore, #tpu.memory_space<semaphore_mem>>) src(%dma_wait3A_196 : memref<80xi32, #tpu.memory_space<hbm>>) dst(%arg12 : memref<80xi32, #tpu.memory_space<vmem>>)
      "tpu.region"() ({
        %run_scoped3A = tpu.sem_alloc : memref<!tpu.dma_semaphore, #tpu.memory_space<semaphore_mem>>
        %dma_start3A_294 = arith.constant 0 : i32
        %dma_start3A_295 = arith.constant 0 : i32
        %dma_start3A_296 = tpu.memref_slice %arg6[%dma_start3A_294, %dma_start3A_295] : memref<10016x128xf32, #tpu.memory_space<vmem_shared>> -> memref<10016x128xf32, #tpu.memory_space<vmem_shared>>
        tpu.enqueue_indirect_dma source(%arg14 : memref<80x128xf32, #tpu.memory_space<vmem>>) target(%dma_start3A_296 : memref<10016x128xf32, #tpu.memory_space<vmem_shared>>) offsets(%arg12 : memref<80xi32, #tpu.memory_space<vmem>>) semaphore(%run_scoped3A : memref<!tpu.dma_semaphore, #tpu.memory_space<semaphore_mem>>) {add = true}
        %dma_wait3A_297 = arith.constant 0 : i32
        %dma_wait3A_298 = arith.constant 0 : i32
        %dma_wait3A_299 = tpu.memref_slice %arg6[%dma_wait3A_297, %dma_wait3A_298] : memref<10016x128xf32, #tpu.memory_space<vmem_shared>> -> memref<10016x128xf32, #tpu.memory_space<vmem_shared>>
        tpu.wait_indirect_dma semaphore(%run_scoped3A : memref<!tpu.dma_semaphore, #tpu.memory_space<semaphore_mem>>) src(%arg14 : memref<80x128xf32, #tpu.memory_space<vmem>>) dst(%dma_wait3A_299 : memref<10016x128xf32, #tpu.memory_space<vmem_shared>>)
        tpu.yield
      }) : () -> ()
      %add3A_197 = arith.constant 3 : i32
      %add3A_198 = arith.addi %add3A_188, %add3A_197 : i32
      %mul3A_199 = arith.constant 80 : i32
      %mul3A_200 = arith.muli %add3A_198, %mul3A_199 : i32
      %add3A_201 = arith.addi %mul3A_2, %mul3A_200 : i32
      %dma_wait3A_202 = tpu.memref_slice %arg3[%add3A_201] : memref<328000xi32, #tpu.memory_space<hbm>> -> memref<80xi32, #tpu.memory_space<hbm>>
      %dma_wait3A_203 = tpu.memref_slice %arg3[%add3A_201] : memref<328000xi32, #tpu.memory_space<hbm>> -> memref<80xi32, #tpu.memory_space<hbm>>
      tpu.wait_dma2 semaphore(%arg22 : memref<!tpu.dma_semaphore, #tpu.memory_space<semaphore_mem>>) src(%dma_wait3A_203 : memref<80xi32, #tpu.memory_space<hbm>>) dst(%arg7 : memref<80xi32, #tpu.memory_space<vmem>>)
      %dma_start3A_204 = arith.constant 0 : i32
      %dma_start3A_205 = arith.constant 0 : i32
      %dma_start3A_206 = tpu.memref_slice %arg2[%dma_start3A_204, %dma_start3A_205] : memref<10000x128xf32, #tpu.memory_space<hbm>> -> memref<10000x128xf32, #tpu.memory_space<hbm>>
      tpu.enqueue_indirect_dma source(%dma_start3A_206 : memref<10000x128xf32, #tpu.memory_space<hbm>>) target(%arg13 : memref<80x128xf32, #tpu.memory_space<vmem>>) offsets(%arg7 : memref<80xi32, #tpu.memory_space<vmem>>) semaphore(%arg18 : memref<!tpu.dma_semaphore, #tpu.memory_space<semaphore_mem>>)
      %add3A_207 = arith.constant 4 : i32
      %add3A_208 = arith.addi %add3A_188, %add3A_207 : i32
      %mul3A_209 = arith.constant 80 : i32
      %mul3A_210 = arith.muli %add3A_208, %mul3A_209 : i32
      %add3A_211 = arith.addi %mul3A_2, %mul3A_210 : i32
      %dma_start3A_212 = tpu.memref_slice %arg3[%add3A_211] : memref<328000xi32, #tpu.memory_space<hbm>> -> memref<80xi32, #tpu.memory_space<hbm>>
      %dma_start3A_213 = tpu.memref_slice %arg3[%add3A_211] : memref<328000xi32, #tpu.memory_space<hbm>> -> memref<80xi32, #tpu.memory_space<hbm>>
      tpu.enqueue_dma source(%dma_start3A_213 : memref<80xi32, #tpu.memory_space<hbm>>) target(%arg8 : memref<80xi32, #tpu.memory_space<vmem>>) target_semaphore(%arg23 : memref<!tpu.dma_semaphore, #tpu.memory_space<semaphore_mem>>)
      %add3A_214 = arith.constant 2 : i32
      %add3A_215 = arith.addi %add3A_188, %add3A_214 : i32
      %mul3A_216 = arith.constant 80 : i32
      %mul3A_217 = arith.muli %add3A_215, %mul3A_216 : i32
      %add3A_218 = arith.addi %mul3A_2, %mul3A_217 : i32
      %dma_start3A_219 = tpu.memref_slice %arg4[%add3A_218] : memref<328000xi32, #tpu.memory_space<hbm>> -> memref<80xi32, #tpu.memory_space<hbm>>
      %dma_start3A_220 = tpu.memref_slice %arg4[%add3A_218] : memref<328000xi32, #tpu.memory_space<hbm>> -> memref<80xi32, #tpu.memory_space<hbm>>
      tpu.enqueue_dma source(%dma_start3A_220 : memref<80xi32, #tpu.memory_space<hbm>>) target(%arg12 : memref<80xi32, #tpu.memory_space<vmem>>) target_semaphore(%arg27 : memref<!tpu.dma_semaphore, #tpu.memory_space<semaphore_mem>>)
      %mul3A_221 = arith.constant 4 : i32
      %mul3A_222 = arith.muli %scan3A_147, %mul3A_221 : i32
      %add3A_223 = arith.constant 2 : i32
      %add3A_224 = arith.addi %mul3A_222, %add3A_223 : i32
      %dma_wait3A_225 = arith.constant 0 : i32
      %dma_wait3A_226 = arith.constant 0 : i32
      %dma_wait3A_227 = tpu.memref_slice %arg2[%dma_wait3A_225, %dma_wait3A_226] : memref<10000x128xf32, #tpu.memory_space<hbm>> -> memref<10000x128xf32, #tpu.memory_space<hbm>>
      tpu.wait_indirect_dma semaphore(%arg20 : memref<!tpu.dma_semaphore, #tpu.memory_space<semaphore_mem>>) src(%dma_wait3A_227 : memref<10000x128xf32, #tpu.memory_space<hbm>>) dst(%arg15 : memref<80x128xf32, #tpu.memory_space<vmem>>)
      %mul3A_228 = arith.constant 80 : i32
      %mul3A_229 = arith.muli %add3A_224, %mul3A_228 : i32
      %add3A_230 = arith.addi %mul3A_2, %mul3A_229 : i32
      %dma_wait3A_231 = tpu.memref_slice %arg4[%add3A_230] : memref<328000xi32, #tpu.memory_space<hbm>> -> memref<80xi32, #tpu.memory_space<hbm>>
      %dma_wait3A_232 = tpu.memref_slice %arg4[%add3A_230] : memref<328000xi32, #tpu.memory_space<hbm>> -> memref<80xi32, #tpu.memory_space<hbm>>
      tpu.wait_dma2 semaphore(%arg26 : memref<!tpu.dma_semaphore, #tpu.memory_space<semaphore_mem>>) src(%dma_wait3A_232 : memref<80xi32, #tpu.memory_space<hbm>>) dst(%arg11 : memref<80xi32, #tpu.memory_space<vmem>>)
      "tpu.region"() ({
        %run_scoped3A = tpu.sem_alloc : memref<!tpu.dma_semaphore, #tpu.memory_space<semaphore_mem>>
        %dma_start3A_294 = arith.constant 0 : i32
        %dma_start3A_295 = arith.constant 0 : i32
        %dma_start3A_296 = tpu.memref_slice %arg6[%dma_start3A_294, %dma_start3A_295] : memref<10016x128xf32, #tpu.memory_space<vmem_shared>> -> memref<10016x128xf32, #tpu.memory_space<vmem_shared>>
        tpu.enqueue_indirect_dma source(%arg15 : memref<80x128xf32, #tpu.memory_space<vmem>>) target(%dma_start3A_296 : memref<10016x128xf32, #tpu.memory_space<vmem_shared>>) offsets(%arg11 : memref<80xi32, #tpu.memory_space<vmem>>) semaphore(%run_scoped3A : memref<!tpu.dma_semaphore, #tpu.memory_space<semaphore_mem>>) {add = true}
        %dma_wait3A_297 = arith.constant 0 : i32
        %dma_wait3A_298 = arith.constant 0 : i32
        %dma_wait3A_299 = tpu.memref_slice %arg6[%dma_wait3A_297, %dma_wait3A_298] : memref<10016x128xf32, #tpu.memory_space<vmem_shared>> -> memref<10016x128xf32, #tpu.memory_space<vmem_shared>>
        tpu.wait_indirect_dma semaphore(%run_scoped3A : memref<!tpu.dma_semaphore, #tpu.memory_space<semaphore_mem>>) src(%arg15 : memref<80x128xf32, #tpu.memory_space<vmem>>) dst(%dma_wait3A_299 : memref<10016x128xf32, #tpu.memory_space<vmem_shared>>)
        tpu.yield
      }) : () -> ()
      %add3A_233 = arith.constant 3 : i32
      %add3A_234 = arith.addi %add3A_224, %add3A_233 : i32
      %mul3A_235 = arith.constant 80 : i32
      %mul3A_236 = arith.muli %add3A_234, %mul3A_235 : i32
      %add3A_237 = arith.addi %mul3A_2, %mul3A_236 : i32
      %dma_wait3A_238 = tpu.memref_slice %arg3[%add3A_237] : memref<328000xi32, #tpu.memory_space<hbm>> -> memref<80xi32, #tpu.memory_space<hbm>>
      %dma_wait3A_239 = tpu.memref_slice %arg3[%add3A_237] : memref<328000xi32, #tpu.memory_space<hbm>> -> memref<80xi32, #tpu.memory_space<hbm>>
      tpu.wait_dma2 semaphore(%arg23 : memref<!tpu.dma_semaphore, #tpu.memory_space<semaphore_mem>>) src(%dma_wait3A_239 : memref<80xi32, #tpu.memory_space<hbm>>) dst(%arg8 : memref<80xi32, #tpu.memory_space<vmem>>)
      %dma_start3A_240 = arith.constant 0 : i32
      %dma_start3A_241 = arith.constant 0 : i32
      %dma_start3A_242 = tpu.memref_slice %arg2[%dma_start3A_240, %dma_start3A_241] : memref<10000x128xf32, #tpu.memory_space<hbm>> -> memref<10000x128xf32, #tpu.memory_space<hbm>>
      tpu.enqueue_indirect_dma source(%dma_start3A_242 : memref<10000x128xf32, #tpu.memory_space<hbm>>) target(%arg14 : memref<80x128xf32, #tpu.memory_space<vmem>>) offsets(%arg8 : memref<80xi32, #tpu.memory_space<vmem>>) semaphore(%arg19 : memref<!tpu.dma_semaphore, #tpu.memory_space<semaphore_mem>>)
      %add3A_243 = arith.constant 4 : i32
      %add3A_244 = arith.addi %add3A_224, %add3A_243 : i32
      %mul3A_245 = arith.constant 80 : i32
      %mul3A_246 = arith.muli %add3A_244, %mul3A_245 : i32
      %add3A_247 = arith.addi %mul3A_2, %mul3A_246 : i32
      %dma_start3A_248 = tpu.memref_slice %arg3[%add3A_247] : memref<328000xi32, #tpu.memory_space<hbm>> -> memref<80xi32, #tpu.memory_space<hbm>>
      %dma_start3A_249 = tpu.memref_slice %arg3[%add3A_247] : memref<328000xi32, #tpu.memory_space<hbm>> -> memref<80xi32, #tpu.memory_space<hbm>>
      tpu.enqueue_dma source(%dma_start3A_249 : memref<80xi32, #tpu.memory_space<hbm>>) target(%arg9 : memref<80xi32, #tpu.memory_space<vmem>>) target_semaphore(%arg24 : memref<!tpu.dma_semaphore, #tpu.memory_space<semaphore_mem>>)
      %add3A_250 = arith.constant 2 : i32
      %add3A_251 = arith.addi %add3A_224, %add3A_250 : i32
      %mul3A_252 = arith.constant 80 : i32
      %mul3A_253 = arith.muli %add3A_251, %mul3A_252 : i32
      %add3A_254 = arith.addi %mul3A_2, %mul3A_253 : i32
      %dma_start3A_255 = tpu.memref_slice %arg4[%add3A_254] : memref<328000xi32, #tpu.memory_space<hbm>> -> memref<80xi32, #tpu.memory_space<hbm>>
      %dma_start3A_256 = tpu.memref_slice %arg4[%add3A_254] : memref<328000xi32, #tpu.memory_space<hbm>> -> memref<80xi32, #tpu.memory_space<hbm>>
      tpu.enqueue_dma source(%dma_start3A_256 : memref<80xi32, #tpu.memory_space<hbm>>) target(%arg11 : memref<80xi32, #tpu.memory_space<vmem>>) target_semaphore(%arg26 : memref<!tpu.dma_semaphore, #tpu.memory_space<semaphore_mem>>)
      %mul3A_257 = arith.constant 4 : i32
      %mul3A_258 = arith.muli %scan3A_147, %mul3A_257 : i32
      %add3A_259 = arith.constant 3 : i32
      %add3A_260 = arith.addi %mul3A_258, %add3A_259 : i32
      %dma_wait3A_261 = arith.constant 0 : i32
      %dma_wait3A_262 = arith.constant 0 : i32
      %dma_wait3A_263 = tpu.memref_slice %arg2[%dma_wait3A_261, %dma_wait3A_262] : memref<10000x128xf32, #tpu.memory_space<hbm>> -> memref<10000x128xf32, #tpu.memory_space<hbm>>
      tpu.wait_indirect_dma semaphore(%arg21 : memref<!tpu.dma_semaphore, #tpu.memory_space<semaphore_mem>>) src(%dma_wait3A_263 : memref<10000x128xf32, #tpu.memory_space<hbm>>) dst(%arg16 : memref<80x128xf32, #tpu.memory_space<vmem>>)
      %mul3A_264 = arith.constant 80 : i32
      %mul3A_265 = arith.muli %add3A_260, %mul3A_264 : i32
      %add3A_266 = arith.addi %mul3A_2, %mul3A_265 : i32
      %dma_wait3A_267 = tpu.memref_slice %arg4[%add3A_266] : memref<328000xi32, #tpu.memory_space<hbm>> -> memref<80xi32, #tpu.memory_space<hbm>>
      %dma_wait3A_268 = tpu.memref_slice %arg4[%add3A_266] : memref<328000xi32, #tpu.memory_space<hbm>> -> memref<80xi32, #tpu.memory_space<hbm>>
      tpu.wait_dma2 semaphore(%arg27 : memref<!tpu.dma_semaphore, #tpu.memory_space<semaphore_mem>>) src(%dma_wait3A_268 : memref<80xi32, #tpu.memory_space<hbm>>) dst(%arg12 : memref<80xi32, #tpu.memory_space<vmem>>)
      "tpu.region"() ({
        %run_scoped3A = tpu.sem_alloc : memref<!tpu.dma_semaphore, #tpu.memory_space<semaphore_mem>>
        %dma_start3A_294 = arith.constant 0 : i32
        %dma_start3A_295 = arith.constant 0 : i32
        %dma_start3A_296 = tpu.memref_slice %arg6[%dma_start3A_294, %dma_start3A_295] : memref<10016x128xf32, #tpu.memory_space<vmem_shared>> -> memref<10016x128xf32, #tpu.memory_space<vmem_shared>>
        tpu.enqueue_indirect_dma source(%arg16 : memref<80x128xf32, #tpu.memory_space<vmem>>) target(%dma_start3A_296 : memref<10016x128xf32, #tpu.memory_space<vmem_shared>>) offsets(%arg12 : memref<80xi32, #tpu.memory_space<vmem>>) semaphore(%run_scoped3A : memref<!tpu.dma_semaphore, #tpu.memory_space<semaphore_mem>>) {add = true}
        %dma_wait3A_297 = arith.constant 0 : i32
        %dma_wait3A_298 = arith.constant 0 : i32
        %dma_wait3A_299 = tpu.memref_slice %arg6[%dma_wait3A_297, %dma_wait3A_298] : memref<10016x128xf32, #tpu.memory_space<vmem_shared>> -> memref<10016x128xf32, #tpu.memory_space<vmem_shared>>
        tpu.wait_indirect_dma semaphore(%run_scoped3A : memref<!tpu.dma_semaphore, #tpu.memory_space<semaphore_mem>>) src(%arg16 : memref<80x128xf32, #tpu.memory_space<vmem>>) dst(%dma_wait3A_299 : memref<10016x128xf32, #tpu.memory_space<vmem_shared>>)
        tpu.yield
      }) : () -> ()
      %add3A_269 = arith.constant 3 : i32
      %add3A_270 = arith.addi %add3A_260, %add3A_269 : i32
      %mul3A_271 = arith.constant 80 : i32
      %mul3A_272 = arith.muli %add3A_270, %mul3A_271 : i32
      %add3A_273 = arith.addi %mul3A_2, %mul3A_272 : i32
      %dma_wait3A_274 = tpu.memref_slice %arg3[%add3A_273] : memref<328000xi32, #tpu.memory_space<hbm>> -> memref<80xi32, #tpu.memory_space<hbm>>
      %dma_wait3A_275 = tpu.memref_slice %arg3[%add3A_273] : memref<328000xi32, #tpu.memory_space<hbm>> -> memref<80xi32, #tpu.memory_space<hbm>>
      tpu.wait_dma2 semaphore(%arg24 : memref<!tpu.dma_semaphore, #tpu.memory_space<semaphore_mem>>) src(%dma_wait3A_275 : memref<80xi32, #tpu.memory_space<hbm>>) dst(%arg9 : memref<80xi32, #tpu.memory_space<vmem>>)
      %dma_start3A_276 = arith.constant 0 : i32
      %dma_start3A_277 = arith.constant 0 : i32
      %dma_start3A_278 = tpu.memref_slice %arg2[%dma_start3A_276, %dma_start3A_277] : memref<10000x128xf32, #tpu.memory_space<hbm>> -> memref<10000x128xf32, #tpu.memory_space<hbm>>
      tpu.enqueue_indirect_dma source(%dma_start3A_278 : memref<10000x128xf32, #tpu.memory_space<hbm>>) target(%arg15 : memref<80x128xf32, #tpu.memory_space<vmem>>) offsets(%arg9 : memref<80xi32, #tpu.memory_space<vmem>>) semaphore(%arg20 : memref<!tpu.dma_semaphore, #tpu.memory_space<semaphore_mem>>)
      %add3A_279 = arith.constant 4 : i32
      %add3A_280 = arith.addi %add3A_260, %add3A_279 : i32
      %mul3A_281 = arith.constant 80 : i32
      %mul3A_282 = arith.muli %add3A_280, %mul3A_281 : i32
      %add3A_283 = arith.addi %mul3A_2, %mul3A_282 : i32
      %dma_start3A_284 = tpu.memref_slice %arg3[%add3A_283] : memref<328000xi32, #tpu.memory_space<hbm>> -> memref<80xi32, #tpu.memory_space<hbm>>
      %dma_start3A_285 = tpu.memref_slice %arg3[%add3A_283] : memref<328000xi32, #tpu.memory_space<hbm>> -> memref<80xi32, #tpu.memory_space<hbm>>
      tpu.enqueue_dma source(%dma_start3A_285 : memref<80xi32, #tpu.memory_space<hbm>>) target(%arg10 : memref<80xi32, #tpu.memory_space<vmem>>) target_semaphore(%arg25 : memref<!tpu.dma_semaphore, #tpu.memory_space<semaphore_mem>>)
      %add3A_286 = arith.constant 2 : i32
      %add3A_287 = arith.addi %add3A_260, %add3A_286 : i32
      %mul3A_288 = arith.constant 80 : i32
      %mul3A_289 = arith.muli %add3A_287, %mul3A_288 : i32
      %add3A_290 = arith.addi %mul3A_2, %mul3A_289 : i32
      %dma_start3A_291 = tpu.memref_slice %arg4[%add3A_290] : memref<328000xi32, #tpu.memory_space<hbm>> -> memref<80xi32, #tpu.memory_space<hbm>>
      %dma_start3A_292 = tpu.memref_slice %arg4[%add3A_290] : memref<328000xi32, #tpu.memory_space<hbm>> -> memref<80xi32, #tpu.memory_space<hbm>>
      tpu.enqueue_dma source(%dma_start3A_292 : memref<80xi32, #tpu.memory_space<hbm>>) target(%arg12 : memref<80xi32, #tpu.memory_space<vmem>>) target_semaphore(%arg27 : memref<!tpu.dma_semaphore, #tpu.memory_space<semaphore_mem>>)
      %scan3A_293 = arith.constant 0 : i32
      scf.yield %scan3A_293 : i32
    }
    %scan3A_112 = arith.constant 32 : i32
    %dma_wait3A_113 = arith.constant 0 : i32
    %dma_wait3A_114 = arith.constant 0 : i32
    %dma_wait3A_115 = tpu.memref_slice %arg2[%dma_wait3A_113, %dma_wait3A_114] : memref<10000x128xf32, #tpu.memory_space<hbm>> -> memref<10000x128xf32, #tpu.memory_space<hbm>>
    tpu.wait_indirect_dma semaphore(%arg18 : memref<!tpu.dma_semaphore, #tpu.memory_space<semaphore_mem>>) src(%dma_wait3A_115 : memref<10000x128xf32, #tpu.memory_space<hbm>>) dst(%arg13 : memref<80x128xf32, #tpu.memory_space<vmem>>)
    %dma_wait3A_116 = arith.constant 0 : i32
    %dma_wait3A_117 = arith.constant 0 : i32
    %dma_wait3A_118 = tpu.memref_slice %arg2[%dma_wait3A_116, %dma_wait3A_117] : memref<10000x128xf32, #tpu.memory_space<hbm>> -> memref<10000x128xf32, #tpu.memory_space<hbm>>
    tpu.wait_indirect_dma semaphore(%arg19 : memref<!tpu.dma_semaphore, #tpu.memory_space<semaphore_mem>>) src(%dma_wait3A_118 : memref<10000x128xf32, #tpu.memory_space<hbm>>) dst(%arg14 : memref<80x128xf32, #tpu.memory_space<vmem>>)
    %dma_wait3A_119 = arith.constant 0 : i32
    %dma_wait3A_120 = arith.constant 0 : i32
    %dma_wait3A_121 = tpu.memref_slice %arg2[%dma_wait3A_119, %dma_wait3A_120] : memref<10000x128xf32, #tpu.memory_space<hbm>> -> memref<10000x128xf32, #tpu.memory_space<hbm>>
    tpu.wait_indirect_dma semaphore(%arg20 : memref<!tpu.dma_semaphore, #tpu.memory_space<semaphore_mem>>) src(%dma_wait3A_121 : memref<10000x128xf32, #tpu.memory_space<hbm>>) dst(%arg15 : memref<80x128xf32, #tpu.memory_space<vmem>>)
    %add3A_122 = arith.constant 10480 : i32
    %add3A_123 = arith.addi %mul3A_2, %add3A_122 : i32
    %dma_wait3A_124 = tpu.memref_slice %arg3[%add3A_123] : memref<328000xi32, #tpu.memory_space<hbm>> -> memref<80xi32, #tpu.memory_space<hbm>>
    %dma_wait3A_125 = tpu.memref_slice %arg3[%add3A_123] : memref<328000xi32, #tpu.memory_space<hbm>> -> memref<80xi32, #tpu.memory_space<hbm>>
    tpu.wait_dma2 semaphore(%arg25 : memref<!tpu.dma_semaphore, #tpu.memory_space<semaphore_mem>>) src(%dma_wait3A_125 : memref<80xi32, #tpu.memory_space<hbm>>) dst(%arg10 : memref<80xi32, #tpu.memory_space<vmem>>)
    %add3A_126 = arith.constant 10240 : i32
    %add3A_127 = arith.addi %mul3A_2, %add3A_126 : i32
    %dma_wait3A_128 = tpu.memref_slice %arg4[%add3A_127] : memref<328000xi32, #tpu.memory_space<hbm>> -> memref<80xi32, #tpu.memory_space<hbm>>
    %dma_wait3A_129 = tpu.memref_slice %arg4[%add3A_127] : memref<328000xi32, #tpu.memory_space<hbm>> -> memref<80xi32, #tpu.memory_space<hbm>>
    tpu.wait_dma2 semaphore(%arg26 : memref<!tpu.dma_semaphore, #tpu.memory_space<semaphore_mem>>) src(%dma_wait3A_129 : memref<80xi32, #tpu.memory_space<hbm>>) dst(%arg11 : memref<80xi32, #tpu.memory_space<vmem>>)
    %add3A_130 = arith.constant 10320 : i32
    %add3A_131 = arith.addi %mul3A_2, %add3A_130 : i32
    %dma_wait3A_132 = tpu.memref_slice %arg4[%add3A_131] : memref<328000xi32, #tpu.memory_space<hbm>> -> memref<80xi32, #tpu.memory_space<hbm>>
    %dma_wait3A_133 = tpu.memref_slice %arg4[%add3A_131] : memref<328000xi32, #tpu.memory_space<hbm>> -> memref<80xi32, #tpu.memory_space<hbm>>
    tpu.wait_dma2 semaphore(%arg27 : memref<!tpu.dma_semaphore, #tpu.memory_space<semaphore_mem>>) src(%dma_wait3A_133 : memref<80xi32, #tpu.memory_space<hbm>>) dst(%arg12 : memref<80xi32, #tpu.memory_space<vmem>>)
    %barrier3A_134 = arith.constant 0 : index
    tpu.barrier barrier_id(%barrier3A_134)
    %mul3A_135 = arith.constant 624 : i32
    %mul3A_136 = arith.muli %arg1, %mul3A_135 : i32
    %mul3A_137 = arith.constant 10000 : i32
    %mul3A_138 = arith.muli %arg0, %mul3A_137 : i32
    %mul3A_139 = arith.constant 624 : i32
    %mul3A_140 = arith.muli %arg1, %mul3A_139 : i32
    %add3A_141 = arith.addi %mul3A_138, %mul3A_140 : i32
    "tpu.region"() ({
      %run_scoped3A = tpu.sem_alloc : memref<!tpu.dma_semaphore, #tpu.memory_space<semaphore_mem>>
      %dma_start3A_147 = arith.constant 0 : i32
      %dma_start3A_148 = tpu.memref_slice %arg5[%add3A_141, %dma_start3A_147] : memref<20000x128xf32, #tpu.memory_space<hbm>> -> memref<624x128xf32, #tpu.memory_space<hbm>>
      %dma_start3A_149 = arith.constant 0 : i32
      %dma_start3A_150 = tpu.memref_slice %arg6[%mul3A_136, %dma_start3A_149] : memref<10016x128xf32, #tpu.memory_space<vmem_shared>> -> memref<624x128xf32, #tpu.memory_space<vmem_shared>>
      tpu.enqueue_dma source(%dma_start3A_150 : memref<624x128xf32, #tpu.memory_space<vmem_shared>>) target(%dma_start3A_148 : memref<624x128xf32, #tpu.memory_space<hbm>>) target_semaphore(%run_scoped3A : memref<!tpu.dma_semaphore, #tpu.memory_space<semaphore_mem>>)
      %dma_wait3A_151 = arith.constant 0 : i32
      %dma_wait3A_152 = tpu.memref_slice %arg5[%add3A_141, %dma_wait3A_151] : memref<20000x128xf32, #tpu.memory_space<hbm>> -> memref<624x128xf32, #tpu.memory_space<hbm>>
      %dma_wait3A_153 = arith.constant 0 : i32
      %dma_wait3A_154 = tpu.memref_slice %arg6[%mul3A_136, %dma_wait3A_153] : memref<10016x128xf32, #tpu.memory_space<vmem_shared>> -> memref<624x128xf32, #tpu.memory_space<vmem_shared>>
      tpu.wait_dma2 semaphore(%run_scoped3A : memref<!tpu.dma_semaphore, #tpu.memory_space<semaphore_mem>>) src(%dma_wait3A_154 : memref<624x128xf32, #tpu.memory_space<vmem_shared>>) dst(%dma_wait3A_152 : memref<624x128xf32, #tpu.memory_space<hbm>>)
      tpu.yield
    }) : () -> ()
    %eq3A_142 = arith.constant 15 : i32
    %eq3A_143 = arith.cmpi eq, %arg1, %eq3A_142 : i32
    %convert_element_type3A_144 = arith.extui %eq3A_143 : i1 to i32
    %cond3A_145 = arith.constant 0 : i32
    %cond3A_146 = arith.cmpi ne, %convert_element_type3A_144, %cond3A_145 : i32
    scf.if %cond3A_146 {
      %mul3A_147 = arith.constant 10000 : i32
      %mul3A_148 = arith.muli %arg0, %mul3A_147 : i32
      %add3A_149 = arith.constant 9984 : i32
      %add3A_150 = arith.addi %mul3A_148, %add3A_149 : i32
      "tpu.region"() ({
        %run_scoped3A = tpu.sem_alloc : memref<!tpu.dma_semaphore, #tpu.memory_space<semaphore_mem>>
        %dma_start3A_151 = arith.constant 0 : i32
        %dma_start3A_152 = tpu.memref_slice %arg5[%add3A_150, %dma_start3A_151] : memref<20000x128xf32, #tpu.memory_space<hbm>> -> memref<16x128xf32, #tpu.memory_space<hbm>>
        %dma_start3A_153 = arith.constant 9984 : i32
        %dma_start3A_154 = arith.constant 0 : i32
        %dma_start3A_155 = tpu.memref_slice %arg6[%dma_start3A_153, %dma_start3A_154] : memref<10016x128xf32, #tpu.memory_space<vmem_shared>> -> memref<16x128xf32, #tpu.memory_space<vmem_shared>>
        tpu.enqueue_dma source(%dma_start3A_155 : memref<16x128xf32, #tpu.memory_space<vmem_shared>>) target(%dma_start3A_152 : memref<16x128xf32, #tpu.memory_space<hbm>>) target_semaphore(%run_scoped3A : memref<!tpu.dma_semaphore, #tpu.memory_space<semaphore_mem>>)
        %dma_wait3A_156 = arith.constant 0 : i32
        %dma_wait3A_157 = tpu.memref_slice %arg5[%add3A_150, %dma_wait3A_156] : memref<20000x128xf32, #tpu.memory_space<hbm>> -> memref<16x128xf32, #tpu.memory_space<hbm>>
        %dma_wait3A_158 = arith.constant 9984 : i32
        %dma_wait3A_159 = arith.constant 0 : i32
        %dma_wait3A_160 = tpu.memref_slice %arg6[%dma_wait3A_158, %dma_wait3A_159] : memref<10016x128xf32, #tpu.memory_space<vmem_shared>> -> memref<16x128xf32, #tpu.memory_space<vmem_shared>>
        tpu.wait_dma2 semaphore(%run_scoped3A : memref<!tpu.dma_semaphore, #tpu.memory_space<semaphore_mem>>) src(%dma_wait3A_160 : memref<16x128xf32, #tpu.memory_space<vmem_shared>>) dst(%dma_wait3A_157 : memref<16x128xf32, #tpu.memory_space<hbm>>)
        tpu.yield
      }) : () -> ()
    } else {
    }
    return
  }
}

#map = affine_map<(d0, d1) -> (0, 0)>
#map1 = affine_map<(d0, d1) -> (0)>
module attributes {stable_mosaic.version = 14 : i64} {
  func.func @_scatter_kernel(%arg0: i32, %arg1: i32, %arg2: memref<10000x128xf32, #tpu.memory_space<hbm>>, %arg3: memref<328000xi32, #tpu.memory_space<hbm>>, %arg4: memref<328000xi32, #tpu.memory_space<hbm>>, %arg5: memref<20000x128xf32, #tpu.memory_space<hbm>>, %arg6: memref<10016x128xf32, #tpu.memory_space<vmem_shared>>, %arg7: memref<80xi32, #tpu.memory_space<vmem>>, %arg8: memref<80xi32, #tpu.memory_space<vmem>>, %arg9: memref<80xi32, #tpu.memory_space<vmem>>, %arg10: memref<80xi32, #tpu.memory_space<vmem>>, %arg11: memref<80xi32, #tpu.memory_space<vmem>>, %arg12: memref<80xi32, #tpu.memory_space<vmem>>, %arg13: memref<80x128xf32, #tpu.memory_space<vmem>>, %arg14: memref<80x128xf32, #tpu.memory_space<vmem>>, %arg15: memref<80x128xf32, #tpu.memory_space<vmem>>, %arg16: memref<80x128xf32, #tpu.memory_space<vmem>>, %arg17: memref<48x128xf32, #tpu.memory_space<vmem>>, %arg18: memref<!tpu.dma_semaphore, #tpu.memory_space<semaphore_mem>>, %arg19: memref<!tpu.dma_semaphore, #tpu.memory_space<semaphore_mem>>, %arg20: memref<!tpu.dma_semaphore, #tpu.memory_space<semaphore_mem>>, %arg21: memref<!tpu.dma_semaphore, #tpu.memory_space<semaphore_mem>>, %arg22: memref<!tpu.dma_semaphore, #tpu.memory_space<semaphore_mem>>, %arg23: memref<!tpu.dma_semaphore, #tpu.memory_space<semaphore_mem>>, %arg24: memref<!tpu.dma_semaphore, #tpu.memory_space<semaphore_mem>>, %arg25: memref<!tpu.dma_semaphore, #tpu.memory_space<semaphore_mem>>, %arg26: memref<!tpu.dma_semaphore, #tpu.memory_space<semaphore_mem>>, %arg27: memref<!tpu.dma_semaphore, #tpu.memory_space<semaphore_mem>>) attributes {dimension_semantics = [#tpu.dimension_semantics<core_parallel>, #tpu.dimension_semantics<subcore_parallel>], iteration_bounds = array<i64: 2, 16>, scalar_prefetch = 0 : i64, scratch_operands = 22 : i64, tpu.core_type = #tpu.core_type<sc_vector_subcore>, window_params = [{transform_indices = #map}, {transform_indices = #map1}, {transform_indices = #map1}, {transform_indices = #map}]} {
    %mul3A = arith.constant 16 : i32
    %mul3A_0 = arith.muli %arg0, %mul3A : i32
    %add3A = arith.addi %mul3A_0, %arg1 : i32
    %mul3A_1 = arith.constant 10240 : i32
    %mul3A_2 = arith.muli %add3A, %mul3A_1 : i32
    %scan3A = arith.constant 0 : i32
    %scan3A_3 = arith.constant 0 : i32
    %scan3A_4 = arith.constant 48 : i32
    %scan3A_5 = arith.addi %scan3A_3, %scan3A_4 : i32
    %scan3A_6 = arith.constant 1 : i32
    %scan3A_7 = scf.for %scan3A_147 = %scan3A_3 to %scan3A_5 step %scan3A_6 iter_args(%scan3A_148 = %scan3A) -> (i32)  : i32 {
      %broadcast_in_dim3A = arith.constant 0.000000e+00 : f32
      %broadcast_in_dim3A_149 = vector.broadcast %broadcast_in_dim3A : f32 to vector<16xf32>
      %swap3A = arith.index_cast %scan3A_147 : i32 to index
      %swap3A_150 = arith.constant 0 : index
      %swap3A_151 = tpu.vector_load %arg17[%swap3A, %swap3A_150] {strides = array<i32>} : memref<48x128xf32, #tpu.memory_space<vmem>>, vector<1x16xf32>,
      %swap3A_152 = vector.shape_cast %swap3A_151 : vector<1x16xf32> to vector<16xf32>
      %swap3A_153 = vector.shape_cast %broadcast_in_dim3A_149 : vector<16xf32> to vector<1x16xf32>
      tpu.vector_store %arg17[%swap3A, %swap3A_150], %swap3A_153 {strides = array<i32>} : memref<48x128xf32, #tpu.memory_space<vmem>>, vector<1x16xf32>,
      %broadcast_in_dim3A_154 = arith.constant 0.000000e+00 : f32
      %broadcast_in_dim3A_155 = vector.broadcast %broadcast_in_dim3A_154 : f32 to vector<16xf32>
      %swap3A_156 = arith.index_cast %scan3A_147 : i32 to index
      %swap3A_157 = arith.constant 16 : index
      %swap3A_158 = tpu.vector_load %arg17[%swap3A_156, %swap3A_157] {strides = array<i32>} : memref<48x128xf32, #tpu.memory_space<vmem>>, vector<1x16xf32>,
      %swap3A_159 = vector.shape_cast %swap3A_158 : vector<1x16xf32> to vector<16xf32>
      %swap3A_160 = vector.shape_cast %broadcast_in_dim3A_155 : vector<16xf32> to vector<1x16xf32>
      tpu.vector_store %arg17[%swap3A_156, %swap3A_157], %swap3A_160 {strides = array<i32>} : memref<48x128xf32, #tpu.memory_space<vmem>>, vector<1x16xf32>,
      %broadcast_in_dim3A_161 = arith.constant 0.000000e+00 : f32
      %broadcast_in_dim3A_162 = vector.broadcast %broadcast_in_dim3A_161 : f32 to vector<16xf32>
      %swap3A_163 = arith.index_cast %scan3A_147 : i32 to index
      %swap3A_164 = arith.constant 32 : index
      %swap3A_165 = tpu.vector_load %arg17[%swap3A_163, %swap3A_164] {strides = array<i32>} : memref<48x128xf32, #tpu.memory_space<vmem>>, vector<1x16xf32>,
      %swap3A_166 = vector.shape_cast %swap3A_165 : vector<1x16xf32> to vector<16xf32>
      %swap3A_167 = vector.shape_cast %broadcast_in_dim3A_162 : vector<16xf32> to vector<1x16xf32>
      tpu.vector_store %arg17[%swap3A_163, %swap3A_164], %swap3A_167 {strides = array<i32>} : memref<48x128xf32, #tpu.memory_space<vmem>>, vector<1x16xf32>,
      %broadcast_in_dim3A_168 = arith.constant 0.000000e+00 : f32
      %broadcast_in_dim3A_169 = vector.broadcast %broadcast_in_dim3A_168 : f32 to vector<16xf32>
      %swap3A_170 = arith.index_cast %scan3A_147 : i32 to index
      %swap3A_171 = arith.constant 48 : index
      %swap3A_172 = tpu.vector_load %arg17[%swap3A_170, %swap3A_171] {strides = array<i32>} : memref<48x128xf32, #tpu.memory_space<vmem>>, vector<1x16xf32>,
      %swap3A_173 = vector.shape_cast %swap3A_172 : vector<1x16xf32> to vector<16xf32>
      %swap3A_174 = vector.shape_cast %broadcast_in_dim3A_169 : vector<16xf32> to vector<1x16xf32>
      tpu.vector_store %arg17[%swap3A_170, %swap3A_171], %swap3A_174 {strides = array<i32>} : memref<48x128xf32, #tpu.memory_space<vmem>>, vector<1x16xf32>,
      %broadcast_in_dim3A_175 = arith.constant 0.000000e+00 : f32
      %broadcast_in_dim3A_176 = vector.broadcast %broadcast_in_dim3A_175 : f32 to vector<16xf32>
      %swap3A_177 = arith.index_cast %scan3A_147 : i32 to index
      %swap3A_178 = arith.constant 64 : index
      %swap3A_179 = tpu.vector_load %arg17[%swap3A_177, %swap3A_178] {strides = array<i32>} : memref<48x128xf32, #tpu.memory_space<vmem>>, vector<1x16xf32>,
      %swap3A_180 = vector.shape_cast %swap3A_179 : vector<1x16xf32> to vector<16xf32>
      %swap3A_181 = vector.shape_cast %broadcast_in_dim3A_176 : vector<16xf32> to vector<1x16xf32>
      tpu.vector_store %arg17[%swap3A_177, %swap3A_178], %swap3A_181 {strides = array<i32>} : memref<48x128xf32, #tpu.memory_space<vmem>>, vector<1x16xf32>,
      %broadcast_in_dim3A_182 = arith.constant 0.000000e+00 : f32
      %broadcast_in_dim3A_183 = vector.broadcast %broadcast_in_dim3A_182 : f32 to vector<16xf32>
      %swap3A_184 = arith.index_cast %scan3A_147 : i32 to index
      %swap3A_185 = arith.constant 80 : index
      %swap3A_186 = tpu.vector_load %arg17[%swap3A_184, %swap3A_185] {strides = array<i32>} : memref<48x128xf32, #tpu.memory_space<vmem>>, vector<1x16xf32>,
      %swap3A_187 = vector.shape_cast %swap3A_186 : vector<1x16xf32> to vector<16xf32>
      %swap3A_188 = vector.shape_cast %broadcast_in_dim3A_183 : vector<16xf32> to vector<1x16xf32>
      tpu.vector_store %arg17[%swap3A_184, %swap3A_185], %swap3A_188 {strides = array<i32>} : memref<48x128xf32, #tpu.memory_space<vmem>>, vector<1x16xf32>,
      %broadcast_in_dim3A_189 = arith.constant 0.000000e+00 : f32
      %broadcast_in_dim3A_190 = vector.broadcast %broadcast_in_dim3A_189 : f32 to vector<16xf32>
      %swap3A_191 = arith.index_cast %scan3A_147 : i32 to index
      %swap3A_192 = arith.constant 96 : index
      %swap3A_193 = tpu.vector_load %arg17[%swap3A_191, %swap3A_192] {strides = array<i32>} : memref<48x128xf32, #tpu.memory_space<vmem>>, vector<1x16xf32>,
      %swap3A_194 = vector.shape_cast %swap3A_193 : vector<1x16xf32> to vector<16xf32>
      %swap3A_195 = vector.shape_cast %broadcast_in_dim3A_190 : vector<16xf32> to vector<1x16xf32>
      tpu.vector_store %arg17[%swap3A_191, %swap3A_192], %swap3A_195 {strides = array<i32>} : memref<48x128xf32, #tpu.memory_space<vmem>>, vector<1x16xf32>,
      %broadcast_in_dim3A_196 = arith.constant 0.000000e+00 : f32
      %broadcast_in_dim3A_197 = vector.broadcast %broadcast_in_dim3A_196 : f32 to vector<16xf32>
      %swap3A_198 = arith.index_cast %scan3A_147 : i32 to index
      %swap3A_199 = arith.constant 112 : index
      %swap3A_200 = tpu.vector_load %arg17[%swap3A_198, %swap3A_199] {strides = array<i32>} : memref<48x128xf32, #tpu.memory_space<vmem>>, vector<1x16xf32>,
      %swap3A_201 = vector.shape_cast %swap3A_200 : vector<1x16xf32> to vector<16xf32>
      %swap3A_202 = vector.shape_cast %broadcast_in_dim3A_197 : vector<16xf32> to vector<1x16xf32>
      tpu.vector_store %arg17[%swap3A_198, %swap3A_199], %swap3A_202 {strides = array<i32>} : memref<48x128xf32, #tpu.memory_space<vmem>>, vector<1x16xf32>,
      %scan3A_203 = arith.constant 0 : i32
      scf.yield %scan3A_203 : i32
    }
    %scan3A_8 = arith.constant 48 : i32
    %mul3A_9 = arith.constant 624 : i32
    %mul3A_10 = arith.muli %arg1, %mul3A_9 : i32
    %add3A_11 = arith.constant 0 : i32
    %add3A_12 = arith.addi %mul3A_10, %add3A_11 : i32
    "tpu.region"() ({
      %run_scoped3A = tpu.sem_alloc : memref<!tpu.dma_semaphore, #tpu.memory_space<semaphore_mem>>
      %dma_start3A_147 = arith.constant 0 : i32
      %dma_start3A_148 = tpu.memref_slice %arg6[%add3A_12, %dma_start3A_147] : memref<10016x128xf32, #tpu.memory_space<vmem_shared>> -> memref<48x128xf32, #tpu.memory_space<vmem_shared>>
      %dma_start3A_149 = arith.constant 0 : i32
      %dma_start3A_150 = tpu.memref_slice %arg6[%add3A_12, %dma_start3A_149] : memref<10016x128xf32, #tpu.memory_space<vmem_shared>> -> memref<48x128xf32, #tpu.memory_space<vmem_shared>>
      tpu.enqueue_dma source(%arg17 : memref<48x128xf32, #tpu.memory_space<vmem>>) target(%dma_start3A_150 : memref<48x128xf32, #tpu.memory_space<vmem_shared>>) target_semaphore(%run_scoped3A : memref<!tpu.dma_semaphore, #tpu.memory_space<semaphore_mem>>)
      %dma_wait3A_151 = arith.constant 0 : i32
      %dma_wait3A_152 = tpu.memref_slice %arg6[%add3A_12, %dma_wait3A_151] : memref<10016x128xf32, #tpu.memory_space<vmem_shared>> -> memref<48x128xf32, #tpu.memory_space<vmem_shared>>
      %dma_wait3A_153 = arith.constant 0 : i32
      %dma_wait3A_154 = tpu.memref_slice %arg6[%add3A_12, %dma_wait3A_153] : memref<10016x128xf32, #tpu.memory_space<vmem_shared>> -> memref<48x128xf32, #tpu.memory_space<vmem_shared>>
      tpu.wait_dma2 semaphore(%run_scoped3A : memref<!tpu.dma_semaphore, #tpu.memory_space<semaphore_mem>>) src(%arg17 : memref<48x128xf32, #tpu.memory_space<vmem>>) dst(%dma_wait3A_154 : memref<48x128xf32, #tpu.memory_space<vmem_shared>>)
      tpu.yield
    }) : () -> ()
    %mul3A_13 = arith.constant 624 : i32
    %mul3A_14 = arith.muli %arg1, %mul3A_13 : i32
    %add3A_15 = arith.constant 48 : i32
    %add3A_16 = arith.addi %mul3A_14, %add3A_15 : i32
    "tpu.region"() ({
      %run_scoped3A = tpu.sem_alloc : memref<!tpu.dma_semaphore, #tpu.memory_space<semaphore_mem>>
      %dma_start3A_147 = arith.constant 0 : i32
      %dma_start3A_148 = tpu.memref_slice %arg6[%add3A_16, %dma_start3A_147] : memref<10016x128xf32, #tpu.memory_space<vmem_shared>> -> memref<48x128xf32, #tpu.memory_space<vmem_shared>>
      %dma_start3A_149 = arith.constant 0 : i32
      %dma_start3A_150 = tpu.memref_slice %arg6[%add3A_16, %dma_start3A_149] : memref<10016x128xf32, #tpu.memory_space<vmem_shared>> -> memref<48x128xf32, #tpu.memory_space<vmem_shared>>
      tpu.enqueue_dma source(%arg17 : memref<48x128xf32, #tpu.memory_space<vmem>>) target(%dma_start3A_150 : memref<48x128xf32, #tpu.memory_space<vmem_shared>>) target_semaphore(%run_scoped3A : memref<!tpu.dma_semaphore, #tpu.memory_space<semaphore_mem>>)
      %dma_wait3A_151 = arith.constant 0 : i32
      %dma_wait3A_152 = tpu.memref_slice %arg6[%add3A_16, %dma_wait3A_151] : memref<10016x128xf32, #tpu.memory_space<vmem_shared>> -> memref<48x128xf32, #tpu.memory_space<vmem_shared>>
      %dma_wait3A_153 = arith.constant 0 : i32
      %dma_wait3A_154 = tpu.memref_slice %arg6[%add3A_16, %dma_wait3A_153] : memref<10016x128xf32, #tpu.memory_space<vmem_shared>> -> memref<48x128xf32, #tpu.memory_space<vmem_shared>>
      tpu.wait_dma2 semaphore(%run_scoped3A : memref<!tpu.dma_semaphore, #tpu.memory_space<semaphore_mem>>) src(%arg17 : memref<48x128xf32, #tpu.memory_space<vmem>>) dst(%dma_wait3A_154 : memref<48x128xf32, #tpu.memory_space<vmem_shared>>)
      tpu.yield
    }) : () -> ()
    %mul3A_17 = arith.constant 624 : i32
    %mul3A_18 = arith.muli %arg1, %mul3A_17 : i32
    %add3A_19 = arith.constant 96 : i32
    %add3A_20 = arith.addi %mul3A_18, %add3A_19 : i32
    "tpu.region"() ({
      %run_scoped3A = tpu.sem_alloc : memref<!tpu.dma_semaphore, #tpu.memory_space<semaphore_mem>>
      %dma_start3A_147 = arith.constant 0 : i32
      %dma_start3A_148 = tpu.memref_slice %arg6[%add3A_20, %dma_start3A_147] : memref<10016x128xf32, #tpu.memory_space<vmem_shared>> -> memref<48x128xf32, #tpu.memory_space<vmem_shared>>
      %dma_start3A_149 = arith.constant 0 : i32
      %dma_start3A_150 = tpu.memref_slice %arg6[%add3A_20, %dma_start3A_149] : memref<10016x128xf32, #tpu.memory_space<vmem_shared>> -> memref<48x128xf32, #tpu.memory_space<vmem_shared>>
      tpu.enqueue_dma source(%arg17 : memref<48x128xf32, #tpu.memory_space<vmem>>) target(%dma_start3A_150 : memref<48x128xf32, #tpu.memory_space<vmem_shared>>) target_semaphore(%run_scoped3A : memref<!tpu.dma_semaphore, #tpu.memory_space<semaphore_mem>>)
      %dma_wait3A_151 = arith.constant 0 : i32
      %dma_wait3A_152 = tpu.memref_slice %arg6[%add3A_20, %dma_wait3A_151] : memref<10016x128xf32, #tpu.memory_space<vmem_shared>> -> memref<48x128xf32, #tpu.memory_space<vmem_shared>>
      %dma_wait3A_153 = arith.constant 0 : i32
      %dma_wait3A_154 = tpu.memref_slice %arg6[%add3A_20, %dma_wait3A_153] : memref<10016x128xf32, #tpu.memory_space<vmem_shared>> -> memref<48x128xf32, #tpu.memory_space<vmem_shared>>
      tpu.wait_dma2 semaphore(%run_scoped3A : memref<!tpu.dma_semaphore, #tpu.memory_space<semaphore_mem>>) src(%arg17 : memref<48x128xf32, #tpu.memory_space<vmem>>) dst(%dma_wait3A_154 : memref<48x128xf32, #tpu.memory_space<vmem_shared>>)
      tpu.yield
    }) : () -> ()
    %mul3A_21 = arith.constant 624 : i32
    %mul3A_22 = arith.muli %arg1, %mul3A_21 : i32
    %add3A_23 = arith.constant 144 : i32
    %add3A_24 = arith.addi %mul3A_22, %add3A_23 : i32
    "tpu.region"() ({
      %run_scoped3A = tpu.sem_alloc : memref<!tpu.dma_semaphore, #tpu.memory_space<semaphore_mem>>
      %dma_start3A_147 = arith.constant 0 : i32
      %dma_start3A_148 = tpu.memref_slice %arg6[%add3A_24, %dma_start3A_147] : memref<10016x128xf32, #tpu.memory_space<vmem_shared>> -> memref<48x128xf32, #tpu.memory_space<vmem_shared>>
      %dma_start3A_149 = arith.constant 0 : i32
      %dma_start3A_150 = tpu.memref_slice %arg6[%add3A_24, %dma_start3A_149] : memref<10016x128xf32, #tpu.memory_space<vmem_shared>> -> memref<48x128xf32, #tpu.memory_space<vmem_shared>>
      tpu.enqueue_dma source(%arg17 : memref<48x128xf32, #tpu.memory_space<vmem>>) target(%dma_start3A_150 : memref<48x128xf32, #tpu.memory_space<vmem_shared>>) target_semaphore(%run_scoped3A : memref<!tpu.dma_semaphore, #tpu.memory_space<semaphore_mem>>)
      %dma_wait3A_151 = arith.constant 0 : i32
      %dma_wait3A_152 = tpu.memref_slice %arg6[%add3A_24, %dma_wait3A_151] : memref<10016x128xf32, #tpu.memory_space<vmem_shared>> -> memref<48x128xf32, #tpu.memory_space<vmem_shared>>
      %dma_wait3A_153 = arith.constant 0 : i32
      %dma_wait3A_154 = tpu.memref_slice %arg6[%add3A_24, %dma_wait3A_153] : memref<10016x128xf32, #tpu.memory_space<vmem_shared>> -> memref<48x128xf32, #tpu.memory_space<vmem_shared>>
      tpu.wait_dma2 semaphore(%run_scoped3A : memref<!tpu.dma_semaphore, #tpu.memory_space<semaphore_mem>>) src(%arg17 : memref<48x128xf32, #tpu.memory_space<vmem>>) dst(%dma_wait3A_154 : memref<48x128xf32, #tpu.memory_space<vmem_shared>>)
      tpu.yield
    }) : () -> ()
    %mul3A_25 = arith.constant 624 : i32
    %mul3A_26 = arith.muli %arg1, %mul3A_25 : i32
    %add3A_27 = arith.constant 192 : i32
    %add3A_28 = arith.addi %mul3A_26, %add3A_27 : i32
    "tpu.region"() ({
      %run_scoped3A = tpu.sem_alloc : memref<!tpu.dma_semaphore, #tpu.memory_space<semaphore_mem>>
      %dma_start3A_147 = arith.constant 0 : i32
      %dma_start3A_148 = tpu.memref_slice %arg6[%add3A_28, %dma_start3A_147] : memref<10016x128xf32, #tpu.memory_space<vmem_shared>> -> memref<48x128xf32, #tpu.memory_space<vmem_shared>>
      %dma_start3A_149 = arith.constant 0 : i32
      %dma_start3A_150 = tpu.memref_slice %arg6[%add3A_28, %dma_start3A_149] : memref<10016x128xf32, #tpu.memory_space<vmem_shared>> -> memref<48x128xf32, #tpu.memory_space<vmem_shared>>
      tpu.enqueue_dma source(%arg17 : memref<48x128xf32, #tpu.memory_space<vmem>>) target(%dma_start3A_150 : memref<48x128xf32, #tpu.memory_space<vmem_shared>>) target_semaphore(%run_scoped3A : memref<!tpu.dma_semaphore, #tpu.memory_space<semaphore_mem>>)
      %dma_wait3A_151 = arith.constant 0 : i32
      %dma_wait3A_152 = tpu.memref_slice %arg6[%add3A_28, %dma_wait3A_151] : memref<10016x128xf32, #tpu.memory_space<vmem_shared>> -> memref<48x128xf32, #tpu.memory_space<vmem_shared>>
      %dma_wait3A_153 = arith.constant 0 : i32
      %dma_wait3A_154 = tpu.memref_slice %arg6[%add3A_28, %dma_wait3A_153] : memref<10016x128xf32, #tpu.memory_space<vmem_shared>> -> memref<48x128xf32, #tpu.memory_space<vmem_shared>>
      tpu.wait_dma2 semaphore(%run_scoped3A : memref<!tpu.dma_semaphore, #tpu.memory_space<semaphore_mem>>) src(%arg17 : memref<48x128xf32, #tpu.memory_space<vmem>>) dst(%dma_wait3A_154 : memref<48x128xf32, #tpu.memory_space<vmem_shared>>)
      tpu.yield
    }) : () -> ()
    %mul3A_29 = arith.constant 624 : i32
    %mul3A_30 = arith.muli %arg1, %mul3A_29 : i32
    %add3A_31 = arith.constant 240 : i32
    %add3A_32 = arith.addi %mul3A_30, %add3A_31 : i32
    "tpu.region"() ({
      %run_scoped3A = tpu.sem_alloc : memref<!tpu.dma_semaphore, #tpu.memory_space<semaphore_mem>>
      %dma_start3A_147 = arith.constant 0 : i32
      %dma_start3A_148 = tpu.memref_slice %arg6[%add3A_32, %dma_start3A_147] : memref<10016x128xf32, #tpu.memory_space<vmem_shared>> -> memref<48x128xf32, #tpu.memory_space<vmem_shared>>
      %dma_start3A_149 = arith.constant 0 : i32
      %dma_start3A_150 = tpu.memref_slice %arg6[%add3A_32, %dma_start3A_149] : memref<10016x128xf32, #tpu.memory_space<vmem_shared>> -> memref<48x128xf32, #tpu.memory_space<vmem_shared>>
      tpu.enqueue_dma source(%arg17 : memref<48x128xf32, #tpu.memory_space<vmem>>) target(%dma_start3A_150 : memref<48x128xf32, #tpu.memory_space<vmem_shared>>) target_semaphore(%run_scoped3A : memref<!tpu.dma_semaphore, #tpu.memory_space<semaphore_mem>>)
      %dma_wait3A_151 = arith.constant 0 : i32
      %dma_wait3A_152 = tpu.memref_slice %arg6[%add3A_32, %dma_wait3A_151] : memref<10016x128xf32, #tpu.memory_space<vmem_shared>> -> memref<48x128xf32, #tpu.memory_space<vmem_shared>>
      %dma_wait3A_153 = arith.constant 0 : i32
      %dma_wait3A_154 = tpu.memref_slice %arg6[%add3A_32, %dma_wait3A_153] : memref<10016x128xf32, #tpu.memory_space<vmem_shared>> -> memref<48x128xf32, #tpu.memory_space<vmem_shared>>
      tpu.wait_dma2 semaphore(%run_scoped3A : memref<!tpu.dma_semaphore, #tpu.memory_space<semaphore_mem>>) src(%arg17 : memref<48x128xf32, #tpu.memory_space<vmem>>) dst(%dma_wait3A_154 : memref<48x128xf32, #tpu.memory_space<vmem_shared>>)
      tpu.yield
    }) : () -> ()
    %mul3A_33 = arith.constant 624 : i32
    %mul3A_34 = arith.muli %arg1, %mul3A_33 : i32
    %add3A_35 = arith.constant 288 : i32
    %add3A_36 = arith.addi %mul3A_34, %add3A_35 : i32
    "tpu.region"() ({
      %run_scoped3A = tpu.sem_alloc : memref<!tpu.dma_semaphore, #tpu.memory_space<semaphore_mem>>
      %dma_start3A_147 = arith.constant 0 : i32
      %dma_start3A_148 = tpu.memref_slice %arg6[%add3A_36, %dma_start3A_147] : memref<10016x128xf32, #tpu.memory_space<vmem_shared>> -> memref<48x128xf32, #tpu.memory_space<vmem_shared>>
      %dma_start3A_149 = arith.constant 0 : i32
      %dma_start3A_150 = tpu.memref_slice %arg6[%add3A_36, %dma_start3A_149] : memref<10016x128xf32, #tpu.memory_space<vmem_shared>> -> memref<48x128xf32, #tpu.memory_space<vmem_shared>>
      tpu.enqueue_dma source(%arg17 : memref<48x128xf32, #tpu.memory_space<vmem>>) target(%dma_start3A_150 : memref<48x128xf32, #tpu.memory_space<vmem_shared>>) target_semaphore(%run_scoped3A : memref<!tpu.dma_semaphore, #tpu.memory_space<semaphore_mem>>)
      %dma_wait3A_151 = arith.constant 0 : i32
      %dma_wait3A_152 = tpu.memref_slice %arg6[%add3A_36, %dma_wait3A_151] : memref<10016x128xf32, #tpu.memory_space<vmem_shared>> -> memref<48x128xf32, #tpu.memory_space<vmem_shared>>
      %dma_wait3A_153 = arith.constant 0 : i32
      %dma_wait3A_154 = tpu.memref_slice %arg6[%add3A_36, %dma_wait3A_153] : memref<10016x128xf32, #tpu.memory_space<vmem_shared>> -> memref<48x128xf32, #tpu.memory_space<vmem_shared>>
      tpu.wait_dma2 semaphore(%run_scoped3A : memref<!tpu.dma_semaphore, #tpu.memory_space<semaphore_mem>>) src(%arg17 : memref<48x128xf32, #tpu.memory_space<vmem>>) dst(%dma_wait3A_154 : memref<48x128xf32, #tpu.memory_space<vmem_shared>>)
      tpu.yield
    }) : () -> ()
    %mul3A_37 = arith.constant 624 : i32
    %mul3A_38 = arith.muli %arg1, %mul3A_37 : i32
    %add3A_39 = arith.constant 336 : i32
    %add3A_40 = arith.addi %mul3A_38, %add3A_39 : i32
    "tpu.region"() ({
      %run_scoped3A = tpu.sem_alloc : memref<!tpu.dma_semaphore, #tpu.memory_space<semaphore_mem>>
      %dma_start3A_147 = arith.constant 0 : i32
      %dma_start3A_148 = tpu.memref_slice %arg6[%add3A_40, %dma_start3A_147] : memref<10016x128xf32, #tpu.memory_space<vmem_shared>> -> memref<48x128xf32, #tpu.memory_space<vmem_shared>>
      %dma_start3A_149 = arith.constant 0 : i32
      %dma_start3A_150 = tpu.memref_slice %arg6[%add3A_40, %dma_start3A_149] : memref<10016x128xf32, #tpu.memory_space<vmem_shared>> -> memref<48x128xf32, #tpu.memory_space<vmem_shared>>
      tpu.enqueue_dma source(%arg17 : memref<48x128xf32, #tpu.memory_space<vmem>>) target(%dma_start3A_150 : memref<48x128xf32, #tpu.memory_space<vmem_shared>>) target_semaphore(%run_scoped3A : memref<!tpu.dma_semaphore, #tpu.memory_space<semaphore_mem>>)
      %dma_wait3A_151 = arith.constant 0 : i32
      %dma_wait3A_152 = tpu.memref_slice %arg6[%add3A_40, %dma_wait3A_151] : memref<10016x128xf32, #tpu.memory_space<vmem_shared>> -> memref<48x128xf32, #tpu.memory_space<vmem_shared>>
      %dma_wait3A_153 = arith.constant 0 : i32
      %dma_wait3A_154 = tpu.memref_slice %arg6[%add3A_40, %dma_wait3A_153] : memref<10016x128xf32, #tpu.memory_space<vmem_shared>> -> memref<48x128xf32, #tpu.memory_space<vmem_shared>>
      tpu.wait_dma2 semaphore(%run_scoped3A : memref<!tpu.dma_semaphore, #tpu.memory_space<semaphore_mem>>) src(%arg17 : memref<48x128xf32, #tpu.memory_space<vmem>>) dst(%dma_wait3A_154 : memref<48x128xf32, #tpu.memory_space<vmem_shared>>)
      tpu.yield
    }) : () -> ()
    %mul3A_41 = arith.constant 624 : i32
    %mul3A_42 = arith.muli %arg1, %mul3A_41 : i32
    %add3A_43 = arith.constant 384 : i32
    %add3A_44 = arith.addi %mul3A_42, %add3A_43 : i32
    "tpu.region"() ({
      %run_scoped3A = tpu.sem_alloc : memref<!tpu.dma_semaphore, #tpu.memory_space<semaphore_mem>>
      %dma_start3A_147 = arith.constant 0 : i32
      %dma_start3A_148 = tpu.memref_slice %arg6[%add3A_44, %dma_start3A_147] : memref<10016x128xf32, #tpu.memory_space<vmem_shared>> -> memref<48x128xf32, #tpu.memory_space<vmem_shared>>
      %dma_start3A_149 = arith.constant 0 : i32
      %dma_start3A_150 = tpu.memref_slice %arg6[%add3A_44, %dma_start3A_149] : memref<10016x128xf32, #tpu.memory_space<vmem_shared>> -> memref<48x128xf32, #tpu.memory_space<vmem_shared>>
      tpu.enqueue_dma source(%arg17 : memref<48x128xf32, #tpu.memory_space<vmem>>) target(%dma_start3A_150 : memref<48x128xf32, #tpu.memory_space<vmem_shared>>) target_semaphore(%run_scoped3A : memref<!tpu.dma_semaphore, #tpu.memory_space<semaphore_mem>>)
      %dma_wait3A_151 = arith.constant 0 : i32
      %dma_wait3A_152 = tpu.memref_slice %arg6[%add3A_44, %dma_wait3A_151] : memref<10016x128xf32, #tpu.memory_space<vmem_shared>> -> memref<48x128xf32, #tpu.memory_space<vmem_shared>>
      %dma_wait3A_153 = arith.constant 0 : i32
      %dma_wait3A_154 = tpu.memref_slice %arg6[%add3A_44, %dma_wait3A_153] : memref<10016x128xf32, #tpu.memory_space<vmem_shared>> -> memref<48x128xf32, #tpu.memory_space<vmem_shared>>
      tpu.wait_dma2 semaphore(%run_scoped3A : memref<!tpu.dma_semaphore, #tpu.memory_space<semaphore_mem>>) src(%arg17 : memref<48x128xf32, #tpu.memory_space<vmem>>) dst(%dma_wait3A_154 : memref<48x128xf32, #tpu.memory_space<vmem_shared>>)
      tpu.yield
    }) : () -> ()
    %mul3A_45 = arith.constant 624 : i32
    %mul3A_46 = arith.muli %arg1, %mul3A_45 : i32
    %add3A_47 = arith.constant 432 : i32
    %add3A_48 = arith.addi %mul3A_46, %add3A_47 : i32
    "tpu.region"() ({
      %run_scoped3A = tpu.sem_alloc : memref<!tpu.dma_semaphore, #tpu.memory_space<semaphore_mem>>
      %dma_start3A_147 = arith.constant 0 : i32
      %dma_start3A_148 = tpu.memref_slice %arg6[%add3A_48, %dma_start3A_147] : memref<10016x128xf32, #tpu.memory_space<vmem_shared>> -> memref<48x128xf32, #tpu.memory_space<vmem_shared>>
      %dma_start3A_149 = arith.constant 0 : i32
      %dma_start3A_150 = tpu.memref_slice %arg6[%add3A_48, %dma_start3A_149] : memref<10016x128xf32, #tpu.memory_space<vmem_shared>> -> memref<48x128xf32, #tpu.memory_space<vmem_shared>>
      tpu.enqueue_dma source(%arg17 : memref<48x128xf32, #tpu.memory_space<vmem>>) target(%dma_start3A_150 : memref<48x128xf32, #tpu.memory_space<vmem_shared>>) target_semaphore(%run_scoped3A : memref<!tpu.dma_semaphore, #tpu.memory_space<semaphore_mem>>)
      %dma_wait3A_151 = arith.constant 0 : i32
      %dma_wait3A_152 = tpu.memref_slice %arg6[%add3A_48, %dma_wait3A_151] : memref<10016x128xf32, #tpu.memory_space<vmem_shared>> -> memref<48x128xf32, #tpu.memory_space<vmem_shared>>
      %dma_wait3A_153 = arith.constant 0 : i32
      %dma_wait3A_154 = tpu.memref_slice %arg6[%add3A_48, %dma_wait3A_153] : memref<10016x128xf32, #tpu.memory_space<vmem_shared>> -> memref<48x128xf32, #tpu.memory_space<vmem_shared>>
      tpu.wait_dma2 semaphore(%run_scoped3A : memref<!tpu.dma_semaphore, #tpu.memory_space<semaphore_mem>>) src(%arg17 : memref<48x128xf32, #tpu.memory_space<vmem>>) dst(%dma_wait3A_154 : memref<48x128xf32, #tpu.memory_space<vmem_shared>>)
      tpu.yield
    }) : () -> ()
    %mul3A_49 = arith.constant 624 : i32
    %mul3A_50 = arith.muli %arg1, %mul3A_49 : i32
    %add3A_51 = arith.constant 480 : i32
    %add3A_52 = arith.addi %mul3A_50, %add3A_51 : i32
    "tpu.region"() ({
      %run_scoped3A = tpu.sem_alloc : memref<!tpu.dma_semaphore, #tpu.memory_space<semaphore_mem>>
      %dma_start3A_147 = arith.constant 0 : i32
      %dma_start3A_148 = tpu.memref_slice %arg6[%add3A_52, %dma_start3A_147] : memref<10016x128xf32, #tpu.memory_space<vmem_shared>> -> memref<48x128xf32, #tpu.memory_space<vmem_shared>>
      %dma_start3A_149 = arith.constant 0 : i32
      %dma_start3A_150 = tpu.memref_slice %arg6[%add3A_52, %dma_start3A_149] : memref<10016x128xf32, #tpu.memory_space<vmem_shared>> -> memref<48x128xf32, #tpu.memory_space<vmem_shared>>
      tpu.enqueue_dma source(%arg17 : memref<48x128xf32, #tpu.memory_space<vmem>>) target(%dma_start3A_150 : memref<48x128xf32, #tpu.memory_space<vmem_shared>>) target_semaphore(%run_scoped3A : memref<!tpu.dma_semaphore, #tpu.memory_space<semaphore_mem>>)
      %dma_wait3A_151 = arith.constant 0 : i32
      %dma_wait3A_152 = tpu.memref_slice %arg6[%add3A_52, %dma_wait3A_151] : memref<10016x128xf32, #tpu.memory_space<vmem_shared>> -> memref<48x128xf32, #tpu.memory_space<vmem_shared>>
      %dma_wait3A_153 = arith.constant 0 : i32
      %dma_wait3A_154 = tpu.memref_slice %arg6[%add3A_52, %dma_wait3A_153] : memref<10016x128xf32, #tpu.memory_space<vmem_shared>> -> memref<48x128xf32, #tpu.memory_space<vmem_shared>>
      tpu.wait_dma2 semaphore(%run_scoped3A : memref<!tpu.dma_semaphore, #tpu.memory_space<semaphore_mem>>) src(%arg17 : memref<48x128xf32, #tpu.memory_space<vmem>>) dst(%dma_wait3A_154 : memref<48x128xf32, #tpu.memory_space<vmem_shared>>)
      tpu.yield
    }) : () -> ()
    %mul3A_53 = arith.constant 624 : i32
    %mul3A_54 = arith.muli %arg1, %mul3A_53 : i32
    %add3A_55 = arith.constant 528 : i32
    %add3A_56 = arith.addi %mul3A_54, %add3A_55 : i32
    "tpu.region"() ({
      %run_scoped3A = tpu.sem_alloc : memref<!tpu.dma_semaphore, #tpu.memory_space<semaphore_mem>>
      %dma_start3A_147 = arith.constant 0 : i32
      %dma_start3A_148 = tpu.memref_slice %arg6[%add3A_56, %dma_start3A_147] : memref<10016x128xf32, #tpu.memory_space<vmem_shared>> -> memref<48x128xf32, #tpu.memory_space<vmem_shared>>
      %dma_start3A_149 = arith.constant 0 : i32
      %dma_start3A_150 = tpu.memref_slice %arg6[%add3A_56, %dma_start3A_149] : memref<10016x128xf32, #tpu.memory_space<vmem_shared>> -> memref<48x128xf32, #tpu.memory_space<vmem_shared>>
      tpu.enqueue_dma source(%arg17 : memref<48x128xf32, #tpu.memory_space<vmem>>) target(%dma_start3A_150 : memref<48x128xf32, #tpu.memory_space<vmem_shared>>) target_semaphore(%run_scoped3A : memref<!tpu.dma_semaphore, #tpu.memory_space<semaphore_mem>>)
      %dma_wait3A_151 = arith.constant 0 : i32
      %dma_wait3A_152 = tpu.memref_slice %arg6[%add3A_56, %dma_wait3A_151] : memref<10016x128xf32, #tpu.memory_space<vmem_shared>> -> memref<48x128xf32, #tpu.memory_space<vmem_shared>>
      %dma_wait3A_153 = arith.constant 0 : i32
      %dma_wait3A_154 = tpu.memref_slice %arg6[%add3A_56, %dma_wait3A_153] : memref<10016x128xf32, #tpu.memory_space<vmem_shared>> -> memref<48x128xf32, #tpu.memory_space<vmem_shared>>
      tpu.wait_dma2 semaphore(%run_scoped3A : memref<!tpu.dma_semaphore, #tpu.memory_space<semaphore_mem>>) src(%arg17 : memref<48x128xf32, #tpu.memory_space<vmem>>) dst(%dma_wait3A_154 : memref<48x128xf32, #tpu.memory_space<vmem_shared>>)
      tpu.yield
    }) : () -> ()
    %mul3A_57 = arith.constant 624 : i32
    %mul3A_58 = arith.muli %arg1, %mul3A_57 : i32
    %add3A_59 = arith.constant 576 : i32
    %add3A_60 = arith.addi %mul3A_58, %add3A_59 : i32
    "tpu.region"() ({
      %run_scoped3A = tpu.sem_alloc : memref<!tpu.dma_semaphore, #tpu.memory_space<semaphore_mem>>
      %dma_start3A_147 = arith.constant 0 : i32
      %dma_start3A_148 = tpu.memref_slice %arg6[%add3A_60, %dma_start3A_147] : memref<10016x128xf32, #tpu.memory_space<vmem_shared>> -> memref<48x128xf32, #tpu.memory_space<vmem_shared>>
      %dma_start3A_149 = arith.constant 0 : i32
      %dma_start3A_150 = tpu.memref_slice %arg6[%add3A_60, %dma_start3A_149] : memref<10016x128xf32, #tpu.memory_space<vmem_shared>> -> memref<48x128xf32, #tpu.memory_space<vmem_shared>>
      tpu.enqueue_dma source(%arg17 : memref<48x128xf32, #tpu.memory_space<vmem>>) target(%dma_start3A_150 : memref<48x128xf32, #tpu.memory_space<vmem_shared>>) target_semaphore(%run_scoped3A : memref<!tpu.dma_semaphore, #tpu.memory_space<semaphore_mem>>)
      %dma_wait3A_151 = arith.constant 0 : i32
      %dma_wait3A_152 = tpu.memref_slice %arg6[%add3A_60, %dma_wait3A_151] : memref<10016x128xf32, #tpu.memory_space<vmem_shared>> -> memref<48x128xf32, #tpu.memory_space<vmem_shared>>
      %dma_wait3A_153 = arith.constant 0 : i32
      %dma_wait3A_154 = tpu.memref_slice %arg6[%add3A_60, %dma_wait3A_153] : memref<10016x128xf32, #tpu.memory_space<vmem_shared>> -> memref<48x128xf32, #tpu.memory_space<vmem_shared>>
      tpu.wait_dma2 semaphore(%run_scoped3A : memref<!tpu.dma_semaphore, #tpu.memory_space<semaphore_mem>>) src(%arg17 : memref<48x128xf32, #tpu.memory_space<vmem>>) dst(%dma_wait3A_154 : memref<48x128xf32, #tpu.memory_space<vmem_shared>>)
      tpu.yield
    }) : () -> ()
    %eq3A = arith.constant 15 : i32
    %eq3A_61 = arith.cmpi eq, %arg1, %eq3A : i32
    %convert_element_type3A = arith.extui %eq3A_61 : i1 to i32
    %cond3A = arith.constant 0 : i32
    %cond3A_62 = arith.cmpi ne, %convert_element_type3A, %cond3A : i32
    scf.if %cond3A_62 {
      "tpu.region"() ({
        %run_scoped3A = tpu.sem_alloc : memref<!tpu.dma_semaphore, #tpu.memory_space<semaphore_mem>>
        %dma_start3A_147 = arith.constant 0 : i32
        %dma_start3A_148 = arith.constant 0 : i32
        %dma_start3A_149 = tpu.memref_slice %arg17[%dma_start3A_147, %dma_start3A_148] : memref<48x128xf32, #tpu.memory_space<vmem>> -> memref<32x128xf32, #tpu.memory_space<vmem>>
        %dma_start3A_150 = arith.constant 9984 : i32
        %dma_start3A_151 = arith.constant 0 : i32
        %dma_start3A_152 = tpu.memref_slice %arg6[%dma_start3A_150, %dma_start3A_151] : memref<10016x128xf32, #tpu.memory_space<vmem_shared>> -> memref<32x128xf32, #tpu.memory_space<vmem_shared>>
        %dma_start3A_153 = arith.constant 9984 : i32
        %dma_start3A_154 = arith.constant 0 : i32
        %dma_start3A_155 = tpu.memref_slice %arg6[%dma_start3A_153, %dma_start3A_154] : memref<10016x128xf32, #tpu.memory_space<vmem_shared>> -> memref<32x128xf32, #tpu.memory_space<vmem_shared>>
        %dma_start3A_156 = arith.constant 0 : i32
        %dma_start3A_157 = arith.constant 0 : i32
        %dma_start3A_158 = tpu.memref_slice %arg17[%dma_start3A_156, %dma_start3A_157] : memref<48x128xf32, #tpu.memory_space<vmem>> -> memref<32x128xf32, #tpu.memory_space<vmem>>
        tpu.enqueue_dma source(%dma_start3A_158 : memref<32x128xf32, #tpu.memory_space<vmem>>) target(%dma_start3A_155 : memref<32x128xf32, #tpu.memory_space<vmem_shared>>) target_semaphore(%run_scoped3A : memref<!tpu.dma_semaphore, #tpu.memory_space<semaphore_mem>>)
        %dma_wait3A_159 = arith.constant 0 : i32
        %dma_wait3A_160 = arith.constant 0 : i32
        %dma_wait3A_161 = tpu.memref_slice %arg17[%dma_wait3A_159, %dma_wait3A_160] : memref<48x128xf32, #tpu.memory_space<vmem>> -> memref<32x128xf32, #tpu.memory_space<vmem>>
        %dma_wait3A_162 = arith.constant 9984 : i32
        %dma_wait3A_163 = arith.constant 0 : i32
        %dma_wait3A_164 = tpu.memref_slice %arg6[%dma_wait3A_162, %dma_wait3A_163] : memref<10016x128xf32, #tpu.memory_space<vmem_shared>> -> memref<32x128xf32, #tpu.memory_space<vmem_shared>>
        %dma_wait3A_165 = arith.constant 9984 : i32
        %dma_wait3A_166 = arith.constant 0 : i32
        %dma_wait3A_167 = tpu.memref_slice %arg6[%dma_wait3A_165, %dma_wait3A_166] : memref<10016x128xf32, #tpu.memory_space<vmem_shared>> -> memref<32x128xf32, #tpu.memory_space<vmem_shared>>
        %dma_wait3A_168 = arith.constant 0 : i32
        %dma_wait3A_169 = arith.constant 0 : i32
        %dma_wait3A_170 = tpu.memref_slice %arg17[%dma_wait3A_168, %dma_wait3A_169] : memref<48x128xf32, #tpu.memory_space<vmem>> -> memref<32x128xf32, #tpu.memory_space<vmem>>
        tpu.wait_dma2 semaphore(%run_scoped3A : memref<!tpu.dma_semaphore, #tpu.memory_space<semaphore_mem>>) src(%dma_wait3A_170 : memref<32x128xf32, #tpu.memory_space<vmem>>) dst(%dma_wait3A_167 : memref<32x128xf32, #tpu.memory_space<vmem_shared>>)
        tpu.yield
      }) : () -> ()
    } else {
    }
    %barrier3A = arith.constant 0 : index
    tpu.barrier barrier_id(%barrier3A)
    %add3A_63 = arith.constant 0 : i32
    %add3A_64 = arith.addi %mul3A_2, %add3A_63 : i32
    %dma_start3A = tpu.memref_slice %arg3[%add3A_64] : memref<328000xi32, #tpu.memory_space<hbm>> -> memref<80xi32, #tpu.memory_space<hbm>>
    %dma_start3A_65 = tpu.memref_slice %arg3[%add3A_64] : memref<328000xi32, #tpu.memory_space<hbm>> -> memref<80xi32, #tpu.memory_space<hbm>>
    tpu.enqueue_dma source(%dma_start3A_65 : memref<80xi32, #tpu.memory_space<hbm>>) target(%arg7 : memref<80xi32, #tpu.memory_space<vmem>>) target_semaphore(%arg22 : memref<!tpu.dma_semaphore, #tpu.memory_space<semaphore_mem>>)
    %add3A_66 = arith.constant 80 : i32
    %add3A_67 = arith.addi %mul3A_2, %add3A_66 : i32
    %dma_start3A_68 = tpu.memref_slice %arg3[%add3A_67] : memref<328000xi32, #tpu.memory_space<hbm>> -> memref<80xi32, #tpu.memory_space<hbm>>
    %dma_start3A_69 = tpu.memref_slice %arg3[%add3A_67] : memref<328000xi32, #tpu.memory_space<hbm>> -> memref<80xi32, #tpu.memory_space<hbm>>
    tpu.enqueue_dma source(%dma_start3A_69 : memref<80xi32, #tpu.memory_space<hbm>>) target(%arg8 : memref<80xi32, #tpu.memory_space<vmem>>) target_semaphore(%arg23 : memref<!tpu.dma_semaphore, #tpu.memory_space<semaphore_mem>>)
    %add3A_70 = arith.constant 160 : i32
    %add3A_71 = arith.addi %mul3A_2, %add3A_70 : i32
    %dma_start3A_72 = tpu.memref_slice %arg3[%add3A_71] : memref<328000xi32, #tpu.memory_space<hbm>> -> memref<80xi32, #tpu.memory_space<hbm>>
    %dma_start3A_73 = tpu.memref_slice %arg3[%add3A_71] : memref<328000xi32, #tpu.memory_space<hbm>> -> memref<80xi32, #tpu.memory_space<hbm>>
    tpu.enqueue_dma source(%dma_start3A_73 : memref<80xi32, #tpu.memory_space<hbm>>) target(%arg9 : memref<80xi32, #tpu.memory_space<vmem>>) target_semaphore(%arg24 : memref<!tpu.dma_semaphore, #tpu.memory_space<semaphore_mem>>)
    %add3A_74 = arith.constant 240 : i32
    %add3A_75 = arith.addi %mul3A_2, %add3A_74 : i32
    %dma_start3A_76 = tpu.memref_slice %arg3[%add3A_75] : memref<328000xi32, #tpu.memory_space<hbm>> -> memref<80xi32, #tpu.memory_space<hbm>>
    %dma_start3A_77 = tpu.memref_slice %arg3[%add3A_75] : memref<328000xi32, #tpu.memory_space<hbm>> -> memref<80xi32, #tpu.memory_space<hbm>>
    tpu.enqueue_dma source(%dma_start3A_77 : memref<80xi32, #tpu.memory_space<hbm>>) target(%arg10 : memref<80xi32, #tpu.memory_space<vmem>>) target_semaphore(%arg25 : memref<!tpu.dma_semaphore, #tpu.memory_space<semaphore_mem>>)
    %add3A_78 = arith.constant 0 : i32
    %add3A_79 = arith.addi %mul3A_2, %add3A_78 : i32
    %dma_start3A_80 = tpu.memref_slice %arg4[%add3A_79] : memref<328000xi32, #tpu.memory_space<hbm>> -> memref<80xi32, #tpu.memory_space<hbm>>
    %dma_start3A_81 = tpu.memref_slice %arg4[%add3A_79] : memref<328000xi32, #tpu.memory_space<hbm>> -> memref<80xi32, #tpu.memory_space<hbm>>
    tpu.enqueue_dma source(%dma_start3A_81 : memref<80xi32, #tpu.memory_space<hbm>>) target(%arg11 : memref<80xi32, #tpu.memory_space<vmem>>) target_semaphore(%arg26 : memref<!tpu.dma_semaphore, #tpu.memory_space<semaphore_mem>>)
    %add3A_82 = arith.constant 80 : i32
    %add3A_83 = arith.addi %mul3A_2, %add3A_82 : i32
    %dma_start3A_84 = tpu.memref_slice %arg4[%add3A_83] : memref<328000xi32, #tpu.memory_space<hbm>> -> memref<80xi32, #tpu.memory_space<hbm>>
    %dma_start3A_85 = tpu.memref_slice %arg4[%add3A_83] : memref<328000xi32, #tpu.memory_space<hbm>> -> memref<80xi32, #tpu.memory_space<hbm>>
    tpu.enqueue_dma source(%dma_start3A_85 : memref<80xi32, #tpu.memory_space<hbm>>) target(%arg12 : memref<80xi32, #tpu.memory_space<vmem>>) target_semaphore(%arg27 : memref<!tpu.dma_semaphore, #tpu.memory_space<semaphore_mem>>)
    %add3A_86 = arith.constant 0 : i32
    %add3A_87 = arith.addi %mul3A_2, %add3A_86 : i32
    %dma_wait3A = tpu.memref_slice %arg3[%add3A_87] : memref<328000xi32, #tpu.memory_space<hbm>> -> memref<80xi32, #tpu.memory_space<hbm>>
    %dma_wait3A_88 = tpu.memref_slice %arg3[%add3A_87] : memref<328000xi32, #tpu.memory_space<hbm>> -> memref<80xi32, #tpu.memory_space<hbm>>
    tpu.wait_dma2 semaphore(%arg22 : memref<!tpu.dma_semaphore, #tpu.memory_space<semaphore_mem>>) src(%dma_wait3A_88 : memref<80xi32, #tpu.memory_space<hbm>>) dst(%arg7 : memref<80xi32, #tpu.memory_space<vmem>>)
    %dma_start3A_89 = arith.constant 0 : i32
    %dma_start3A_90 = arith.constant 0 : i32
    %dma_start3A_91 = tpu.memref_slice %arg2[%dma_start3A_89, %dma_start3A_90] : memref<10000x128xf32, #tpu.memory_space<hbm>> -> memref<10000x128xf32, #tpu.memory_space<hbm>>
    tpu.enqueue_indirect_dma source(%dma_start3A_91 : memref<10000x128xf32, #tpu.memory_space<hbm>>) target(%arg13 : memref<80x128xf32, #tpu.memory_space<vmem>>) offsets(%arg7 : memref<80xi32, #tpu.memory_space<vmem>>) semaphore(%arg18 : memref<!tpu.dma_semaphore, #tpu.memory_space<semaphore_mem>>)
    %add3A_92 = arith.constant 80 : i32
    %add3A_93 = arith.addi %mul3A_2, %add3A_92 : i32
    %dma_wait3A_94 = tpu.memref_slice %arg3[%add3A_93] : memref<328000xi32, #tpu.memory_space<hbm>> -> memref<80xi32, #tpu.memory_space<hbm>>
    %dma_wait3A_95 = tpu.memref_slice %arg3[%add3A_93] : memref<328000xi32, #tpu.memory_space<hbm>> -> memref<80xi32, #tpu.memory_space<hbm>>
    tpu.wait_dma2 semaphore(%arg23 : memref<!tpu.dma_semaphore, #tpu.memory_space<semaphore_mem>>) src(%dma_wait3A_95 : memref<80xi32, #tpu.memory_space<hbm>>) dst(%arg8 : memref<80xi32, #tpu.memory_space<vmem>>)
    %dma_start3A_96 = arith.constant 0 : i32
    %dma_start3A_97 = arith.constant 0 : i32
    %dma_start3A_98 = tpu.memref_slice %arg2[%dma_start3A_96, %dma_start3A_97] : memref<10000x128xf32, #tpu.memory_space<hbm>> -> memref<10000x128xf32, #tpu.memory_space<hbm>>
    tpu.enqueue_indirect_dma source(%dma_start3A_98 : memref<10000x128xf32, #tpu.memory_space<hbm>>) target(%arg14 : memref<80x128xf32, #tpu.memory_space<vmem>>) offsets(%arg8 : memref<80xi32, #tpu.memory_space<vmem>>) semaphore(%arg19 : memref<!tpu.dma_semaphore, #tpu.memory_space<semaphore_mem>>)
    %add3A_99 = arith.constant 160 : i32
    %add3A_100 = arith.addi %mul3A_2, %add3A_99 : i32
    %dma_wait3A_101 = tpu.memref_slice %arg3[%add3A_100] : memref<328000xi32, #tpu.memory_space<hbm>> -> memref<80xi32, #tpu.memory_space<hbm>>
    %dma_wait3A_102 = tpu.memref_slice %arg3[%add3A_100] : memref<328000xi32, #tpu.memory_space<hbm>> -> memref<80xi32, #tpu.memory_space<hbm>>
    tpu.wait_dma2 semaphore(%arg24 : memref<!tpu.dma_semaphore, #tpu.memory_space<semaphore_mem>>) src(%dma_wait3A_102 : memref<80xi32, #tpu.memory_space<hbm>>) dst(%arg9 : memref<80xi32, #tpu.memory_space<vmem>>)
    %dma_start3A_103 = arith.constant 0 : i32
    %dma_start3A_104 = arith.constant 0 : i32
    %dma_start3A_105 = tpu.memref_slice %arg2[%dma_start3A_103, %dma_start3A_104] : memref<10000x128xf32, #tpu.memory_space<hbm>> -> memref<10000x128xf32, #tpu.memory_space<hbm>>
    tpu.enqueue_indirect_dma source(%dma_start3A_105 : memref<10000x128xf32, #tpu.memory_space<hbm>>) target(%arg15 : memref<80x128xf32, #tpu.memory_space<vmem>>) offsets(%arg9 : memref<80xi32, #tpu.memory_space<vmem>>) semaphore(%arg20 : memref<!tpu.dma_semaphore, #tpu.memory_space<semaphore_mem>>)
    %scan3A_106 = arith.constant 0 : i32
    %scan3A_107 = arith.constant 0 : i32
    %scan3A_108 = arith.constant 32 : i32
    %scan3A_109 = arith.addi %scan3A_107, %scan3A_108 : i32
    %scan3A_110 = arith.constant 1 : i32
    %scan3A_111 = scf.for %scan3A_147 = %scan3A_107 to %scan3A_109 step %scan3A_110 iter_args(%scan3A_148 = %scan3A_106) -> (i32)  : i32 {
      %mul3A_149 = arith.constant 4 : i32
      %mul3A_150 = arith.muli %scan3A_147, %mul3A_149 : i32
      %add3A_151 = arith.constant 0 : i32
      %add3A_152 = arith.addi %mul3A_150, %add3A_151 : i32
      %dma_wait3A_153 = arith.constant 0 : i32
      %dma_wait3A_154 = arith.constant 0 : i32
      %dma_wait3A_155 = tpu.memref_slice %arg2[%dma_wait3A_153, %dma_wait3A_154] : memref<10000x128xf32, #tpu.memory_space<hbm>> -> memref<10000x128xf32, #tpu.memory_space<hbm>>
      tpu.wait_indirect_dma semaphore(%arg18 : memref<!tpu.dma_semaphore, #tpu.memory_space<semaphore_mem>>) src(%dma_wait3A_155 : memref<10000x128xf32, #tpu.memory_space<hbm>>) dst(%arg13 : memref<80x128xf32, #tpu.memory_space<vmem>>)
      %mul3A_156 = arith.constant 80 : i32
      %mul3A_157 = arith.muli %add3A_152, %mul3A_156 : i32
      %add3A_158 = arith.addi %mul3A_2, %mul3A_157 : i32
      %dma_wait3A_159 = tpu.memref_slice %arg4[%add3A_158] : memref<328000xi32, #tpu.memory_space<hbm>> -> memref<80xi32, #tpu.memory_space<hbm>>
      %dma_wait3A_160 = tpu.memref_slice %arg4[%add3A_158] : memref<328000xi32, #tpu.memory_space<hbm>> -> memref<80xi32, #tpu.memory_space<hbm>>
      tpu.wait_dma2 semaphore(%arg26 : memref<!tpu.dma_semaphore, #tpu.memory_space<semaphore_mem>>) src(%dma_wait3A_160 : memref<80xi32, #tpu.memory_space<hbm>>) dst(%arg11 : memref<80xi32, #tpu.memory_space<vmem>>)
      "tpu.region"() ({
        %run_scoped3A = tpu.sem_alloc : memref<!tpu.dma_semaphore, #tpu.memory_space<semaphore_mem>>
        %dma_start3A_294 = arith.constant 0 : i32
        %dma_start3A_295 = arith.constant 0 : i32
        %dma_start3A_296 = tpu.memref_slice %arg6[%dma_start3A_294, %dma_start3A_295] : memref<10016x128xf32, #tpu.memory_space<vmem_shared>> -> memref<10016x128xf32, #tpu.memory_space<vmem_shared>>
        tpu.enqueue_indirect_dma source(%arg13 : memref<80x128xf32, #tpu.memory_space<vmem>>) target(%dma_start3A_296 : memref<10016x128xf32, #tpu.memory_space<vmem_shared>>) offsets(%arg11 : memref<80xi32, #tpu.memory_space<vmem>>) semaphore(%run_scoped3A : memref<!tpu.dma_semaphore, #tpu.memory_space<semaphore_mem>>) {add = true}
        %dma_wait3A_297 = arith.constant 0 : i32
        %dma_wait3A_298 = arith.constant 0 : i32
        %dma_wait3A_299 = tpu.memref_slice %arg6[%dma_wait3A_297, %dma_wait3A_298] : memref<10016x128xf32, #tpu.memory_space<vmem_shared>> -> memref<10016x128xf32, #tpu.memory_space<vmem_shared>>
        tpu.wait_indirect_dma semaphore(%run_scoped3A : memref<!tpu.dma_semaphore, #tpu.memory_space<semaphore_mem>>) src(%arg13 : memref<80x128xf32, #tpu.memory_space<vmem>>) dst(%dma_wait3A_299 : memref<10016x128xf32, #tpu.memory_space<vmem_shared>>)
        tpu.yield
      }) : () -> ()
      %add3A_161 = arith.constant 3 : i32
      %add3A_162 = arith.addi %add3A_152, %add3A_161 : i32
      %mul3A_163 = arith.constant 80 : i32
      %mul3A_164 = arith.muli %add3A_162, %mul3A_163 : i32
      %add3A_165 = arith.addi %mul3A_2, %mul3A_164 : i32
      %dma_wait3A_166 = tpu.memref_slice %arg3[%add3A_165] : memref<328000xi32, #tpu.memory_space<hbm>> -> memref<80xi32, #tpu.memory_space<hbm>>
      %dma_wait3A_167 = tpu.memref_slice %arg3[%add3A_165] : memref<328000xi32, #tpu.memory_space<hbm>> -> memref<80xi32, #tpu.memory_space<hbm>>
      tpu.wait_dma2 semaphore(%arg25 : memref<!tpu.dma_semaphore, #tpu.memory_space<semaphore_mem>>) src(%dma_wait3A_167 : memref<80xi32, #tpu.memory_space<hbm>>) dst(%arg10 : memref<80xi32, #tpu.memory_space<vmem>>)
      %dma_start3A_168 = arith.constant 0 : i32
      %dma_start3A_169 = arith.constant 0 : i32
      %dma_start3A_170 = tpu.memref_slice %arg2[%dma_start3A_168, %dma_start3A_169] : memref<10000x128xf32, #tpu.memory_space<hbm>> -> memref<10000x128xf32, #tpu.memory_space<hbm>>
      tpu.enqueue_indirect_dma source(%dma_start3A_170 : memref<10000x128xf32, #tpu.memory_space<hbm>>) target(%arg16 : memref<80x128xf32, #tpu.memory_space<vmem>>) offsets(%arg10 : memref<80xi32, #tpu.memory_space<vmem>>) semaphore(%arg21 : memref<!tpu.dma_semaphore, #tpu.memory_space<semaphore_mem>>)
      %add3A_171 = arith.constant 4 : i32
      %add3A_172 = arith.addi %add3A_152, %add3A_171 : i32
      %mul3A_173 = arith.constant 80 : i32
      %mul3A_174 = arith.muli %add3A_172, %mul3A_173 : i32
      %add3A_175 = arith.addi %mul3A_2, %mul3A_174 : i32
      %dma_start3A_176 = tpu.memref_slice %arg3[%add3A_175] : memref<328000xi32, #tpu.memory_space<hbm>> -> memref<80xi32, #tpu.memory_space<hbm>>
      %dma_start3A_177 = tpu.memref_slice %arg3[%add3A_175] : memref<328000xi32, #tpu.memory_space<hbm>> -> memref<80xi32, #tpu.memory_space<hbm>>
      tpu.enqueue_dma source(%dma_start3A_177 : memref<80xi32, #tpu.memory_space<hbm>>) target(%arg7 : memref<80xi32, #tpu.memory_space<vmem>>) target_semaphore(%arg22 : memref<!tpu.dma_semaphore, #tpu.memory_space<semaphore_mem>>)
      %add3A_178 = arith.constant 2 : i32
      %add3A_179 = arith.addi %add3A_152, %add3A_178 : i32
      %mul3A_180 = arith.constant 80 : i32
      %mul3A_181 = arith.muli %add3A_179, %mul3A_180 : i32
      %add3A_182 = arith.addi %mul3A_2, %mul3A_181 : i32
      %dma_start3A_183 = tpu.memref_slice %arg4[%add3A_182] : memref<328000xi32, #tpu.memory_space<hbm>> -> memref<80xi32, #tpu.memory_space<hbm>>
      %dma_start3A_184 = tpu.memref_slice %arg4[%add3A_182] : memref<328000xi32, #tpu.memory_space<hbm>> -> memref<80xi32, #tpu.memory_space<hbm>>
      tpu.enqueue_dma source(%dma_start3A_184 : memref<80xi32, #tpu.memory_space<hbm>>) target(%arg11 : memref<80xi32, #tpu.memory_space<vmem>>) target_semaphore(%arg26 : memref<!tpu.dma_semaphore, #tpu.memory_space<semaphore_mem>>)
      %mul3A_185 = arith.constant 4 : i32
      %mul3A_186 = arith.muli %scan3A_147, %mul3A_185 : i32
      %add3A_187 = arith.constant 1 : i32
      %add3A_188 = arith.addi %mul3A_186, %add3A_187 : i32
      %dma_wait3A_189 = arith.constant 0 : i32
      %dma_wait3A_190 = arith.constant 0 : i32
      %dma_wait3A_191 = tpu.memref_slice %arg2[%dma_wait3A_189, %dma_wait3A_190] : memref<10000x128xf32, #tpu.memory_space<hbm>> -> memref<10000x128xf32, #tpu.memory_space<hbm>>
      tpu.wait_indirect_dma semaphore(%arg19 : memref<!tpu.dma_semaphore, #tpu.memory_space<semaphore_mem>>) src(%dma_wait3A_191 : memref<10000x128xf32, #tpu.memory_space<hbm>>) dst(%arg14 : memref<80x128xf32, #tpu.memory_space<vmem>>)
      %mul3A_192 = arith.constant 80 : i32
      %mul3A_193 = arith.muli %add3A_188, %mul3A_192 : i32
      %add3A_194 = arith.addi %mul3A_2, %mul3A_193 : i32
      %dma_wait3A_195 = tpu.memref_slice %arg4[%add3A_194] : memref<328000xi32, #tpu.memory_space<hbm>> -> memref<80xi32, #tpu.memory_space<hbm>>
      %dma_wait3A_196 = tpu.memref_slice %arg4[%add3A_194] : memref<328000xi32, #tpu.memory_space<hbm>> -> memref<80xi32, #tpu.memory_space<hbm>>
      tpu.wait_dma2 semaphore(%arg27 : memref<!tpu.dma_semaphore, #tpu.memory_space<semaphore_mem>>) src(%dma_wait3A_196 : memref<80xi32, #tpu.memory_space<hbm>>) dst(%arg12 : memref<80xi32, #tpu.memory_space<vmem>>)
      "tpu.region"() ({
        %run_scoped3A = tpu.sem_alloc : memref<!tpu.dma_semaphore, #tpu.memory_space<semaphore_mem>>
        %dma_start3A_294 = arith.constant 0 : i32
        %dma_start3A_295 = arith.constant 0 : i32
        %dma_start3A_296 = tpu.memref_slice %arg6[%dma_start3A_294, %dma_start3A_295] : memref<10016x128xf32, #tpu.memory_space<vmem_shared>> -> memref<10016x128xf32, #tpu.memory_space<vmem_shared>>
        tpu.enqueue_indirect_dma source(%arg14 : memref<80x128xf32, #tpu.memory_space<vmem>>) target(%dma_start3A_296 : memref<10016x128xf32, #tpu.memory_space<vmem_shared>>) offsets(%arg12 : memref<80xi32, #tpu.memory_space<vmem>>) semaphore(%run_scoped3A : memref<!tpu.dma_semaphore, #tpu.memory_space<semaphore_mem>>) {add = true}
        %dma_wait3A_297 = arith.constant 0 : i32
        %dma_wait3A_298 = arith.constant 0 : i32
        %dma_wait3A_299 = tpu.memref_slice %arg6[%dma_wait3A_297, %dma_wait3A_298] : memref<10016x128xf32, #tpu.memory_space<vmem_shared>> -> memref<10016x128xf32, #tpu.memory_space<vmem_shared>>
        tpu.wait_indirect_dma semaphore(%run_scoped3A : memref<!tpu.dma_semaphore, #tpu.memory_space<semaphore_mem>>) src(%arg14 : memref<80x128xf32, #tpu.memory_space<vmem>>) dst(%dma_wait3A_299 : memref<10016x128xf32, #tpu.memory_space<vmem_shared>>)
        tpu.yield
      }) : () -> ()
      %add3A_197 = arith.constant 3 : i32
      %add3A_198 = arith.addi %add3A_188, %add3A_197 : i32
      %mul3A_199 = arith.constant 80 : i32
      %mul3A_200 = arith.muli %add3A_198, %mul3A_199 : i32
      %add3A_201 = arith.addi %mul3A_2, %mul3A_200 : i32
      %dma_wait3A_202 = tpu.memref_slice %arg3[%add3A_201] : memref<328000xi32, #tpu.memory_space<hbm>> -> memref<80xi32, #tpu.memory_space<hbm>>
      %dma_wait3A_203 = tpu.memref_slice %arg3[%add3A_201] : memref<328000xi32, #tpu.memory_space<hbm>> -> memref<80xi32, #tpu.memory_space<hbm>>
      tpu.wait_dma2 semaphore(%arg22 : memref<!tpu.dma_semaphore, #tpu.memory_space<semaphore_mem>>) src(%dma_wait3A_203 : memref<80xi32, #tpu.memory_space<hbm>>) dst(%arg7 : memref<80xi32, #tpu.memory_space<vmem>>)
      %dma_start3A_204 = arith.constant 0 : i32
      %dma_start3A_205 = arith.constant 0 : i32
      %dma_start3A_206 = tpu.memref_slice %arg2[%dma_start3A_204, %dma_start3A_205] : memref<10000x128xf32, #tpu.memory_space<hbm>> -> memref<10000x128xf32, #tpu.memory_space<hbm>>
      tpu.enqueue_indirect_dma source(%dma_start3A_206 : memref<10000x128xf32, #tpu.memory_space<hbm>>) target(%arg13 : memref<80x128xf32, #tpu.memory_space<vmem>>) offsets(%arg7 : memref<80xi32, #tpu.memory_space<vmem>>) semaphore(%arg18 : memref<!tpu.dma_semaphore, #tpu.memory_space<semaphore_mem>>)
      %add3A_207 = arith.constant 4 : i32
      %add3A_208 = arith.addi %add3A_188, %add3A_207 : i32
      %mul3A_209 = arith.constant 80 : i32
      %mul3A_210 = arith.muli %add3A_208, %mul3A_209 : i32
      %add3A_211 = arith.addi %mul3A_2, %mul3A_210 : i32
      %dma_start3A_212 = tpu.memref_slice %arg3[%add3A_211] : memref<328000xi32, #tpu.memory_space<hbm>> -> memref<80xi32, #tpu.memory_space<hbm>>
      %dma_start3A_213 = tpu.memref_slice %arg3[%add3A_211] : memref<328000xi32, #tpu.memory_space<hbm>> -> memref<80xi32, #tpu.memory_space<hbm>>
      tpu.enqueue_dma source(%dma_start3A_213 : memref<80xi32, #tpu.memory_space<hbm>>) target(%arg8 : memref<80xi32, #tpu.memory_space<vmem>>) target_semaphore(%arg23 : memref<!tpu.dma_semaphore, #tpu.memory_space<semaphore_mem>>)
      %add3A_214 = arith.constant 2 : i32
      %add3A_215 = arith.addi %add3A_188, %add3A_214 : i32
      %mul3A_216 = arith.constant 80 : i32
      %mul3A_217 = arith.muli %add3A_215, %mul3A_216 : i32
      %add3A_218 = arith.addi %mul3A_2, %mul3A_217 : i32
      %dma_start3A_219 = tpu.memref_slice %arg4[%add3A_218] : memref<328000xi32, #tpu.memory_space<hbm>> -> memref<80xi32, #tpu.memory_space<hbm>>
      %dma_start3A_220 = tpu.memref_slice %arg4[%add3A_218] : memref<328000xi32, #tpu.memory_space<hbm>> -> memref<80xi32, #tpu.memory_space<hbm>>
      tpu.enqueue_dma source(%dma_start3A_220 : memref<80xi32, #tpu.memory_space<hbm>>) target(%arg12 : memref<80xi32, #tpu.memory_space<vmem>>) target_semaphore(%arg27 : memref<!tpu.dma_semaphore, #tpu.memory_space<semaphore_mem>>)
      %mul3A_221 = arith.constant 4 : i32
      %mul3A_222 = arith.muli %scan3A_147, %mul3A_221 : i32
      %add3A_223 = arith.constant 2 : i32
      %add3A_224 = arith.addi %mul3A_222, %add3A_223 : i32
      %dma_wait3A_225 = arith.constant 0 : i32
      %dma_wait3A_226 = arith.constant 0 : i32
      %dma_wait3A_227 = tpu.memref_slice %arg2[%dma_wait3A_225, %dma_wait3A_226] : memref<10000x128xf32, #tpu.memory_space<hbm>> -> memref<10000x128xf32, #tpu.memory_space<hbm>>
      tpu.wait_indirect_dma semaphore(%arg20 : memref<!tpu.dma_semaphore, #tpu.memory_space<semaphore_mem>>) src(%dma_wait3A_227 : memref<10000x128xf32, #tpu.memory_space<hbm>>) dst(%arg15 : memref<80x128xf32, #tpu.memory_space<vmem>>)
      %mul3A_228 = arith.constant 80 : i32
      %mul3A_229 = arith.muli %add3A_224, %mul3A_228 : i32
      %add3A_230 = arith.addi %mul3A_2, %mul3A_229 : i32
      %dma_wait3A_231 = tpu.memref_slice %arg4[%add3A_230] : memref<328000xi32, #tpu.memory_space<hbm>> -> memref<80xi32, #tpu.memory_space<hbm>>
      %dma_wait3A_232 = tpu.memref_slice %arg4[%add3A_230] : memref<328000xi32, #tpu.memory_space<hbm>> -> memref<80xi32, #tpu.memory_space<hbm>>
      tpu.wait_dma2 semaphore(%arg26 : memref<!tpu.dma_semaphore, #tpu.memory_space<semaphore_mem>>) src(%dma_wait3A_232 : memref<80xi32, #tpu.memory_space<hbm>>) dst(%arg11 : memref<80xi32, #tpu.memory_space<vmem>>)
      "tpu.region"() ({
        %run_scoped3A = tpu.sem_alloc : memref<!tpu.dma_semaphore, #tpu.memory_space<semaphore_mem>>
        %dma_start3A_294 = arith.constant 0 : i32
        %dma_start3A_295 = arith.constant 0 : i32
        %dma_start3A_296 = tpu.memref_slice %arg6[%dma_start3A_294, %dma_start3A_295] : memref<10016x128xf32, #tpu.memory_space<vmem_shared>> -> memref<10016x128xf32, #tpu.memory_space<vmem_shared>>
        tpu.enqueue_indirect_dma source(%arg15 : memref<80x128xf32, #tpu.memory_space<vmem>>) target(%dma_start3A_296 : memref<10016x128xf32, #tpu.memory_space<vmem_shared>>) offsets(%arg11 : memref<80xi32, #tpu.memory_space<vmem>>) semaphore(%run_scoped3A : memref<!tpu.dma_semaphore, #tpu.memory_space<semaphore_mem>>) {add = true}
        %dma_wait3A_297 = arith.constant 0 : i32
        %dma_wait3A_298 = arith.constant 0 : i32
        %dma_wait3A_299 = tpu.memref_slice %arg6[%dma_wait3A_297, %dma_wait3A_298] : memref<10016x128xf32, #tpu.memory_space<vmem_shared>> -> memref<10016x128xf32, #tpu.memory_space<vmem_shared>>
        tpu.wait_indirect_dma semaphore(%run_scoped3A : memref<!tpu.dma_semaphore, #tpu.memory_space<semaphore_mem>>) src(%arg15 : memref<80x128xf32, #tpu.memory_space<vmem>>) dst(%dma_wait3A_299 : memref<10016x128xf32, #tpu.memory_space<vmem_shared>>)
        tpu.yield
      }) : () -> ()
      %add3A_233 = arith.constant 3 : i32
      %add3A_234 = arith.addi %add3A_224, %add3A_233 : i32
      %mul3A_235 = arith.constant 80 : i32
      %mul3A_236 = arith.muli %add3A_234, %mul3A_235 : i32
      %add3A_237 = arith.addi %mul3A_2, %mul3A_236 : i32
      %dma_wait3A_238 = tpu.memref_slice %arg3[%add3A_237] : memref<328000xi32, #tpu.memory_space<hbm>> -> memref<80xi32, #tpu.memory_space<hbm>>
      %dma_wait3A_239 = tpu.memref_slice %arg3[%add3A_237] : memref<328000xi32, #tpu.memory_space<hbm>> -> memref<80xi32, #tpu.memory_space<hbm>>
      tpu.wait_dma2 semaphore(%arg23 : memref<!tpu.dma_semaphore, #tpu.memory_space<semaphore_mem>>) src(%dma_wait3A_239 : memref<80xi32, #tpu.memory_space<hbm>>) dst(%arg8 : memref<80xi32, #tpu.memory_space<vmem>>)
      %dma_start3A_240 = arith.constant 0 : i32
      %dma_start3A_241 = arith.constant 0 : i32
      %dma_start3A_242 = tpu.memref_slice %arg2[%dma_start3A_240, %dma_start3A_241] : memref<10000x128xf32, #tpu.memory_space<hbm>> -> memref<10000x128xf32, #tpu.memory_space<hbm>>
      tpu.enqueue_indirect_dma source(%dma_start3A_242 : memref<10000x128xf32, #tpu.memory_space<hbm>>) target(%arg14 : memref<80x128xf32, #tpu.memory_space<vmem>>) offsets(%arg8 : memref<80xi32, #tpu.memory_space<vmem>>) semaphore(%arg19 : memref<!tpu.dma_semaphore, #tpu.memory_space<semaphore_mem>>)
      %add3A_243 = arith.constant 4 : i32
      %add3A_244 = arith.addi %add3A_224, %add3A_243 : i32
      %mul3A_245 = arith.constant 80 : i32
      %mul3A_246 = arith.muli %add3A_244, %mul3A_245 : i32
      %add3A_247 = arith.addi %mul3A_2, %mul3A_246 : i32
      %dma_start3A_248 = tpu.memref_slice %arg3[%add3A_247] : memref<328000xi32, #tpu.memory_space<hbm>> -> memref<80xi32, #tpu.memory_space<hbm>>
      %dma_start3A_249 = tpu.memref_slice %arg3[%add3A_247] : memref<328000xi32, #tpu.memory_space<hbm>> -> memref<80xi32, #tpu.memory_space<hbm>>
      tpu.enqueue_dma source(%dma_start3A_249 : memref<80xi32, #tpu.memory_space<hbm>>) target(%arg9 : memref<80xi32, #tpu.memory_space<vmem>>) target_semaphore(%arg24 : memref<!tpu.dma_semaphore, #tpu.memory_space<semaphore_mem>>)
      %add3A_250 = arith.constant 2 : i32
      %add3A_251 = arith.addi %add3A_224, %add3A_250 : i32
      %mul3A_252 = arith.constant 80 : i32
      %mul3A_253 = arith.muli %add3A_251, %mul3A_252 : i32
      %add3A_254 = arith.addi %mul3A_2, %mul3A_253 : i32
      %dma_start3A_255 = tpu.memref_slice %arg4[%add3A_254] : memref<328000xi32, #tpu.memory_space<hbm>> -> memref<80xi32, #tpu.memory_space<hbm>>
      %dma_start3A_256 = tpu.memref_slice %arg4[%add3A_254] : memref<328000xi32, #tpu.memory_space<hbm>> -> memref<80xi32, #tpu.memory_space<hbm>>
      tpu.enqueue_dma source(%dma_start3A_256 : memref<80xi32, #tpu.memory_space<hbm>>) target(%arg11 : memref<80xi32, #tpu.memory_space<vmem>>) target_semaphore(%arg26 : memref<!tpu.dma_semaphore, #tpu.memory_space<semaphore_mem>>)
      %mul3A_257 = arith.constant 4 : i32
      %mul3A_258 = arith.muli %scan3A_147, %mul3A_257 : i32
      %add3A_259 = arith.constant 3 : i32
      %add3A_260 = arith.addi %mul3A_258, %add3A_259 : i32
      %dma_wait3A_261 = arith.constant 0 : i32
      %dma_wait3A_262 = arith.constant 0 : i32
      %dma_wait3A_263 = tpu.memref_slice %arg2[%dma_wait3A_261, %dma_wait3A_262] : memref<10000x128xf32, #tpu.memory_space<hbm>> -> memref<10000x128xf32, #tpu.memory_space<hbm>>
      tpu.wait_indirect_dma semaphore(%arg21 : memref<!tpu.dma_semaphore, #tpu.memory_space<semaphore_mem>>) src(%dma_wait3A_263 : memref<10000x128xf32, #tpu.memory_space<hbm>>) dst(%arg16 : memref<80x128xf32, #tpu.memory_space<vmem>>)
      %mul3A_264 = arith.constant 80 : i32
      %mul3A_265 = arith.muli %add3A_260, %mul3A_264 : i32
      %add3A_266 = arith.addi %mul3A_2, %mul3A_265 : i32
      %dma_wait3A_267 = tpu.memref_slice %arg4[%add3A_266] : memref<328000xi32, #tpu.memory_space<hbm>> -> memref<80xi32, #tpu.memory_space<hbm>>
      %dma_wait3A_268 = tpu.memref_slice %arg4[%add3A_266] : memref<328000xi32, #tpu.memory_space<hbm>> -> memref<80xi32, #tpu.memory_space<hbm>>
      tpu.wait_dma2 semaphore(%arg27 : memref<!tpu.dma_semaphore, #tpu.memory_space<semaphore_mem>>) src(%dma_wait3A_268 : memref<80xi32, #tpu.memory_space<hbm>>) dst(%arg12 : memref<80xi32, #tpu.memory_space<vmem>>)
      "tpu.region"() ({
        %run_scoped3A = tpu.sem_alloc : memref<!tpu.dma_semaphore, #tpu.memory_space<semaphore_mem>>
        %dma_start3A_294 = arith.constant 0 : i32
        %dma_start3A_295 = arith.constant 0 : i32
        %dma_start3A_296 = tpu.memref_slice %arg6[%dma_start3A_294, %dma_start3A_295] : memref<10016x128xf32, #tpu.memory_space<vmem_shared>> -> memref<10016x128xf32, #tpu.memory_space<vmem_shared>>
        tpu.enqueue_indirect_dma source(%arg16 : memref<80x128xf32, #tpu.memory_space<vmem>>) target(%dma_start3A_296 : memref<10016x128xf32, #tpu.memory_space<vmem_shared>>) offsets(%arg12 : memref<80xi32, #tpu.memory_space<vmem>>) semaphore(%run_scoped3A : memref<!tpu.dma_semaphore, #tpu.memory_space<semaphore_mem>>) {add = true}
        %dma_wait3A_297 = arith.constant 0 : i32
        %dma_wait3A_298 = arith.constant 0 : i32
        %dma_wait3A_299 = tpu.memref_slice %arg6[%dma_wait3A_297, %dma_wait3A_298] : memref<10016x128xf32, #tpu.memory_space<vmem_shared>> -> memref<10016x128xf32, #tpu.memory_space<vmem_shared>>
        tpu.wait_indirect_dma semaphore(%run_scoped3A : memref<!tpu.dma_semaphore, #tpu.memory_space<semaphore_mem>>) src(%arg16 : memref<80x128xf32, #tpu.memory_space<vmem>>) dst(%dma_wait3A_299 : memref<10016x128xf32, #tpu.memory_space<vmem_shared>>)
        tpu.yield
      }) : () -> ()
      %add3A_269 = arith.constant 3 : i32
      %add3A_270 = arith.addi %add3A_260, %add3A_269 : i32
      %mul3A_271 = arith.constant 80 : i32
      %mul3A_272 = arith.muli %add3A_270, %mul3A_271 : i32
      %add3A_273 = arith.addi %mul3A_2, %mul3A_272 : i32
      %dma_wait3A_274 = tpu.memref_slice %arg3[%add3A_273] : memref<328000xi32, #tpu.memory_space<hbm>> -> memref<80xi32, #tpu.memory_space<hbm>>
      %dma_wait3A_275 = tpu.memref_slice %arg3[%add3A_273] : memref<328000xi32, #tpu.memory_space<hbm>> -> memref<80xi32, #tpu.memory_space<hbm>>
      tpu.wait_dma2 semaphore(%arg24 : memref<!tpu.dma_semaphore, #tpu.memory_space<semaphore_mem>>) src(%dma_wait3A_275 : memref<80xi32, #tpu.memory_space<hbm>>) dst(%arg9 : memref<80xi32, #tpu.memory_space<vmem>>)
      %dma_start3A_276 = arith.constant 0 : i32
      %dma_start3A_277 = arith.constant 0 : i32
      %dma_start3A_278 = tpu.memref_slice %arg2[%dma_start3A_276, %dma_start3A_277] : memref<10000x128xf32, #tpu.memory_space<hbm>> -> memref<10000x128xf32, #tpu.memory_space<hbm>>
      tpu.enqueue_indirect_dma source(%dma_start3A_278 : memref<10000x128xf32, #tpu.memory_space<hbm>>) target(%arg15 : memref<80x128xf32, #tpu.memory_space<vmem>>) offsets(%arg9 : memref<80xi32, #tpu.memory_space<vmem>>) semaphore(%arg20 : memref<!tpu.dma_semaphore, #tpu.memory_space<semaphore_mem>>)
      %add3A_279 = arith.constant 4 : i32
      %add3A_280 = arith.addi %add3A_260, %add3A_279 : i32
      %mul3A_281 = arith.constant 80 : i32
      %mul3A_282 = arith.muli %add3A_280, %mul3A_281 : i32
      %add3A_283 = arith.addi %mul3A_2, %mul3A_282 : i32
      %dma_start3A_284 = tpu.memref_slice %arg3[%add3A_283] : memref<328000xi32, #tpu.memory_space<hbm>> -> memref<80xi32, #tpu.memory_space<hbm>>
      %dma_start3A_285 = tpu.memref_slice %arg3[%add3A_283] : memref<328000xi32, #tpu.memory_space<hbm>> -> memref<80xi32, #tpu.memory_space<hbm>>
      tpu.enqueue_dma source(%dma_start3A_285 : memref<80xi32, #tpu.memory_space<hbm>>) target(%arg10 : memref<80xi32, #tpu.memory_space<vmem>>) target_semaphore(%arg25 : memref<!tpu.dma_semaphore, #tpu.memory_space<semaphore_mem>>)
      %add3A_286 = arith.constant 2 : i32
      %add3A_287 = arith.addi %add3A_260, %add3A_286 : i32
      %mul3A_288 = arith.constant 80 : i32
      %mul3A_289 = arith.muli %add3A_287, %mul3A_288 : i32
      %add3A_290 = arith.addi %mul3A_2, %mul3A_289 : i32
      %dma_start3A_291 = tpu.memref_slice %arg4[%add3A_290] : memref<328000xi32, #tpu.memory_space<hbm>> -> memref<80xi32, #tpu.memory_space<hbm>>
      %dma_start3A_292 = tpu.memref_slice %arg4[%add3A_290] : memref<328000xi32, #tpu.memory_space<hbm>> -> memref<80xi32, #tpu.memory_space<hbm>>
      tpu.enqueue_dma source(%dma_start3A_292 : memref<80xi32, #tpu.memory_space<hbm>>) target(%arg12 : memref<80xi32, #tpu.memory_space<vmem>>) target_semaphore(%arg27 : memref<!tpu.dma_semaphore, #tpu.memory_space<semaphore_mem>>)
      %scan3A_293 = arith.constant 0 : i32
      scf.yield %scan3A_293 : i32
    }
    %scan3A_112 = arith.constant 32 : i32
    %dma_wait3A_113 = arith.constant 0 : i32
    %dma_wait3A_114 = arith.constant 0 : i32
    %dma_wait3A_115 = tpu.memref_slice %arg2[%dma_wait3A_113, %dma_wait3A_114] : memref<10000x128xf32, #tpu.memory_space<hbm>> -> memref<10000x128xf32, #tpu.memory_space<hbm>>
    tpu.wait_indirect_dma semaphore(%arg18 : memref<!tpu.dma_semaphore, #tpu.memory_space<semaphore_mem>>) src(%dma_wait3A_115 : memref<10000x128xf32, #tpu.memory_space<hbm>>) dst(%arg13 : memref<80x128xf32, #tpu.memory_space<vmem>>)
    %dma_wait3A_116 = arith.constant 0 : i32
    %dma_wait3A_117 = arith.constant 0 : i32
    %dma_wait3A_118 = tpu.memref_slice %arg2[%dma_wait3A_116, %dma_wait3A_117] : memref<10000x128xf32, #tpu.memory_space<hbm>> -> memref<10000x128xf32, #tpu.memory_space<hbm>>
    tpu.wait_indirect_dma semaphore(%arg19 : memref<!tpu.dma_semaphore, #tpu.memory_space<semaphore_mem>>) src(%dma_wait3A_118 : memref<10000x128xf32, #tpu.memory_space<hbm>>) dst(%arg14 : memref<80x128xf32, #tpu.memory_space<vmem>>)
    %dma_wait3A_119 = arith.constant 0 : i32
    %dma_wait3A_120 = arith.constant 0 : i32
    %dma_wait3A_121 = tpu.memref_slice %arg2[%dma_wait3A_119, %dma_wait3A_120] : memref<10000x128xf32, #tpu.memory_space<hbm>> -> memref<10000x128xf32, #tpu.memory_space<hbm>>
    tpu.wait_indirect_dma semaphore(%arg20 : memref<!tpu.dma_semaphore, #tpu.memory_space<semaphore_mem>>) src(%dma_wait3A_121 : memref<10000x128xf32, #tpu.memory_space<hbm>>) dst(%arg15 : memref<80x128xf32, #tpu.memory_space<vmem>>)
    %add3A_122 = arith.constant 10480 : i32
    %add3A_123 = arith.addi %mul3A_2, %add3A_122 : i32
    %dma_wait3A_124 = tpu.memref_slice %arg3[%add3A_123] : memref<328000xi32, #tpu.memory_space<hbm>> -> memref<80xi32, #tpu.memory_space<hbm>>
    %dma_wait3A_125 = tpu.memref_slice %arg3[%add3A_123] : memref<328000xi32, #tpu.memory_space<hbm>> -> memref<80xi32, #tpu.memory_space<hbm>>
    tpu.wait_dma2 semaphore(%arg25 : memref<!tpu.dma_semaphore, #tpu.memory_space<semaphore_mem>>) src(%dma_wait3A_125 : memref<80xi32, #tpu.memory_space<hbm>>) dst(%arg10 : memref<80xi32, #tpu.memory_space<vmem>>)
    %add3A_126 = arith.constant 10240 : i32
    %add3A_127 = arith.addi %mul3A_2, %add3A_126 : i32
    %dma_wait3A_128 = tpu.memref_slice %arg4[%add3A_127] : memref<328000xi32, #tpu.memory_space<hbm>> -> memref<80xi32, #tpu.memory_space<hbm>>
    %dma_wait3A_129 = tpu.memref_slice %arg4[%add3A_127] : memref<328000xi32, #tpu.memory_space<hbm>> -> memref<80xi32, #tpu.memory_space<hbm>>
    tpu.wait_dma2 semaphore(%arg26 : memref<!tpu.dma_semaphore, #tpu.memory_space<semaphore_mem>>) src(%dma_wait3A_129 : memref<80xi32, #tpu.memory_space<hbm>>) dst(%arg11 : memref<80xi32, #tpu.memory_space<vmem>>)
    %add3A_130 = arith.constant 10320 : i32
    %add3A_131 = arith.addi %mul3A_2, %add3A_130 : i32
    %dma_wait3A_132 = tpu.memref_slice %arg4[%add3A_131] : memref<328000xi32, #tpu.memory_space<hbm>> -> memref<80xi32, #tpu.memory_space<hbm>>
    %dma_wait3A_133 = tpu.memref_slice %arg4[%add3A_131] : memref<328000xi32, #tpu.memory_space<hbm>> -> memref<80xi32, #tpu.memory_space<hbm>>
    tpu.wait_dma2 semaphore(%arg27 : memref<!tpu.dma_semaphore, #tpu.memory_space<semaphore_mem>>) src(%dma_wait3A_133 : memref<80xi32, #tpu.memory_space<hbm>>) dst(%arg12 : memref<80xi32, #tpu.memory_space<vmem>>)
    %barrier3A_134 = arith.constant 0 : index
    tpu.barrier barrier_id(%barrier3A_134)
    %mul3A_135 = arith.constant 624 : i32
    %mul3A_136 = arith.muli %arg1, %mul3A_135 : i32
    %mul3A_137 = arith.constant 10000 : i32
    %mul3A_138 = arith.muli %arg0, %mul3A_137 : i32
    %mul3A_139 = arith.constant 624 : i32
    %mul3A_140 = arith.muli %arg1, %mul3A_139 : i32
    %add3A_141 = arith.addi %mul3A_138, %mul3A_140 : i32
    "tpu.region"() ({
      %run_scoped3A = tpu.sem_alloc : memref<!tpu.dma_semaphore, #tpu.memory_space<semaphore_mem>>
      %dma_start3A_147 = arith.constant 0 : i32
      %dma_start3A_148 = tpu.memref_slice %arg5[%add3A_141, %dma_start3A_147] : memref<20000x128xf32, #tpu.memory_space<hbm>> -> memref<624x128xf32, #tpu.memory_space<hbm>>
      %dma_start3A_149 = arith.constant 0 : i32
      %dma_start3A_150 = tpu.memref_slice %arg6[%mul3A_136, %dma_start3A_149] : memref<10016x128xf32, #tpu.memory_space<vmem_shared>> -> memref<624x128xf32, #tpu.memory_space<vmem_shared>>
      tpu.enqueue_dma source(%dma_start3A_150 : memref<624x128xf32, #tpu.memory_space<vmem_shared>>) target(%dma_start3A_148 : memref<624x128xf32, #tpu.memory_space<hbm>>) target_semaphore(%run_scoped3A : memref<!tpu.dma_semaphore, #tpu.memory_space<semaphore_mem>>)
      %dma_wait3A_151 = arith.constant 0 : i32
      %dma_wait3A_152 = tpu.memref_slice %arg5[%add3A_141, %dma_wait3A_151] : memref<20000x128xf32, #tpu.memory_space<hbm>> -> memref<624x128xf32, #tpu.memory_space<hbm>>
      %dma_wait3A_153 = arith.constant 0 : i32
      %dma_wait3A_154 = tpu.memref_slice %arg6[%mul3A_136, %dma_wait3A_153] : memref<10016x128xf32, #tpu.memory_space<vmem_shared>> -> memref<624x128xf32, #tpu.memory_space<vmem_shared>>
      tpu.wait_dma2 semaphore(%run_scoped3A : memref<!tpu.dma_semaphore, #tpu.memory_space<semaphore_mem>>) src(%dma_wait3A_154 : memref<624x128xf32, #tpu.memory_space<vmem_shared>>) dst(%dma_wait3A_152 : memref<624x128xf32, #tpu.memory_space<hbm>>)
      tpu.yield
    }) : () -> ()
    %eq3A_142 = arith.constant 15 : i32
    %eq3A_143 = arith.cmpi eq, %arg1, %eq3A_142 : i32
    %convert_element_type3A_144 = arith.extui %eq3A_143 : i1 to i32
    %cond3A_145 = arith.constant 0 : i32
    %cond3A_146 = arith.cmpi ne, %convert_element_type3A_144, %cond3A_145 : i32
    scf.if %cond3A_146 {
      %mul3A_147 = arith.constant 10000 : i32
      %mul3A_148 = arith.muli %arg0, %mul3A_147 : i32
      %add3A_149 = arith.constant 9984 : i32
      %add3A_150 = arith.addi %mul3A_148, %add3A_149 : i32
      "tpu.region"() ({
        %run_scoped3A = tpu.sem_alloc : memref<!tpu.dma_semaphore, #tpu.memory_space<semaphore_mem>>
        %dma_start3A_151 = arith.constant 0 : i32
        %dma_start3A_152 = tpu.memref_slice %arg5[%add3A_150, %dma_start3A_151] : memref<20000x128xf32, #tpu.memory_space<hbm>> -> memref<16x128xf32, #tpu.memory_space<hbm>>
        %dma_start3A_153 = arith.constant 9984 : i32
        %dma_start3A_154 = arith.constant 0 : i32
        %dma_start3A_155 = tpu.memref_slice %arg6[%dma_start3A_153, %dma_start3A_154] : memref<10016x128xf32, #tpu.memory_space<vmem_shared>> -> memref<16x128xf32, #tpu.memory_space<vmem_shared>>
        tpu.enqueue_dma source(%dma_start3A_155 : memref<16x128xf32, #tpu.memory_space<vmem_shared>>) target(%dma_start3A_152 : memref<16x128xf32, #tpu.memory_space<hbm>>) target_semaphore(%run_scoped3A : memref<!tpu.dma_semaphore, #tpu.memory_space<semaphore_mem>>)
        %dma_wait3A_156 = arith.constant 0 : i32
        %dma_wait3A_157 = tpu.memref_slice %arg5[%add3A_150, %dma_wait3A_156] : memref<20000x128xf32, #tpu.memory_space<hbm>> -> memref<16x128xf32, #tpu.memory_space<hbm>>
        %dma_wait3A_158 = arith.constant 9984 : i32
        %dma_wait3A_159 = arith.constant 0 : i32
        %dma_wait3A_160 = tpu.memref_slice %arg6[%dma_wait3A_158, %dma_wait3A_159] : memref<10016x128xf32, #tpu.memory_space<vmem_shared>> -> memref<16x128xf32, #tpu.memory_space<vmem_shared>>
        tpu.wait_dma2 semaphore(%run_scoped3A : memref<!tpu.dma_semaphore, #tpu.memory_space<semaphore_mem>>) src(%dma_wait3A_160 : memref<16x128xf32, #tpu.memory_space<vmem_shared>>) dst(%dma_wait3A_157 : memref<16x128xf32, #tpu.memory_space<hbm>>)
        tpu.yield
      }) : () -> ()
    } else {
    }
    return
  }
}

module attributes {stable_mosaic.version = 14 : i64} {
  func.func @_tc1_body(%arg0: memref<10000x128xf32, #tpu.memory_space<vmem>>, %arg1: memref<128x128xf32, #tpu.memory_space<vmem>>, %arg2: memref<20000x128xf32, #tpu.memory_space<vmem>>, %arg3: memref<10000x128xf32, #tpu.memory_space<vmem>>, %arg4: memref<10000x128xf32, #tpu.memory_space<vmem>>) attributes {dimension_semantics = [], scalar_prefetch = 0 : i64, scratch_operands = 0 : i64, tpu.core_type = #tpu.core_type<tc>} {
    %get3A = arith.constant 0 : index
    %get3A_0 = arith.constant 0 : index
    %get3A_1 = vector.load %arg2[%get3A, %get3A_0] : memref<20000x128xf32, #tpu.memory_space<vmem>>, vector<10000x1xf32>
    %get3A_2 = arith.constant 10000 : index
    %get3A_3 = arith.constant 0 : index
    %get3A_4 = vector.load %arg2[%get3A_2, %get3A_3] : memref<20000x128xf32, #tpu.memory_space<vmem>>, vector<10000x1xf32>
    %add3A = arith.addf %get3A_1, %get3A_4 : vector<10000x1xf32>
    %add3A_5 = arith.constant 1.000000e+00 : f32
    %add3A_6 = vector.broadcast %add3A_5 : f32 to vector<10000x1xf32>
    %add3A_7 = arith.addf %add3A, %add3A_6 : vector<10000x1xf32>
    %rsqrt3A = math.rsqrt %add3A_7 : vector<10000x1xf32>
    %get3A_8 = arith.constant 0 : index
    %get3A_9 = arith.constant 0 : index
    %get3A_10 = vector.load %arg0[%get3A_8, %get3A_9] : memref<10000x128xf32, #tpu.memory_space<vmem>>, vector<10000x128xf32>
    %get3A_11 = arith.constant 0 : index
    %get3A_12 = arith.constant 0 : index
    %get3A_13 = vector.load %arg1[%get3A_11, %get3A_12] : memref<128x128xf32, #tpu.memory_space<vmem>>, vector<128x128xf32>
    %dot_general3A = arith.constant dense<0.000000e+00> : vector<10000x128xf32>
    %dot_general3A_14 = tpu.matmul %get3A_10, %get3A_13, %dot_general3A {dimension_numbers = #tpu.dot_dimension_numbers<[1], [0], [0], [1], [0, 0, 1, 1], [], []>, precision = #tpu.contract_precision<fp32>, transpose_lhs_hint = false} : vector<10000x128xf32>, vector<128x128xf32>, vector<10000x128xf32> -> vector<10000x128xf32>
    %mul3A = vector.broadcast %rsqrt3A : vector<10000x1xf32> to vector<10000x128xf32>
    %mul3A_15 = arith.mulf %dot_general3A_14, %mul3A : vector<10000x128xf32>
    %swap3A = arith.constant 0 : index
    %swap3A_16 = arith.constant 0 : index
    %swap3A_17 = vector.load %arg3[%swap3A, %swap3A_16] : memref<10000x128xf32, #tpu.memory_space<vmem>>, vector<10000x128xf32>
    tpu.vector_store %arg3[%swap3A, %swap3A_16], %mul3A_15 {strides = array<i32>} : memref<10000x128xf32, #tpu.memory_space<vmem>>, vector<10000x128xf32>,
    %broadcast_in_dim3A = vector.shape_cast %rsqrt3A : vector<10000x1xf32> to vector<10000x1xf32>
    %broadcast_in_dim3A_18 = vector.broadcast %broadcast_in_dim3A : vector<10000x1xf32> to vector<10000x128xf32>
    %swap3A_19 = arith.constant 0 : index
    %swap3A_20 = arith.constant 0 : index
    %swap3A_21 = vector.load %arg4[%swap3A_19, %swap3A_20] : memref<10000x128xf32, #tpu.memory_space<vmem>>, vector<10000x128xf32>
    tpu.vector_store %arg4[%swap3A_19, %swap3A_20], %broadcast_in_dim3A_18 {strides = array<i32>} : memref<10000x128xf32, #tpu.memory_space<vmem>>, vector<10000x128xf32>,
    return
  }
}

module attributes {stable_mosaic.version = 14 : i64} {
  func.func @_tc2_body(%arg0: memref<20000x128xf32, #tpu.memory_space<vmem>>, %arg1: memref<10000x128xf32, #tpu.memory_space<vmem>>, %arg2: memref<10000x128xf32, #tpu.memory_space<vmem>>, %arg3: memref<128x128xf32, #tpu.memory_space<vmem>>, %arg4: memref<1x128xf32, #tpu.memory_space<vmem>>, %arg5: memref<10000x128xf32, #tpu.memory_space<vmem>>) attributes {dimension_semantics = [], scalar_prefetch = 0 : i64, scratch_operands = 0 : i64, tpu.core_type = #tpu.core_type<tc>} {
    %get3A = arith.constant 0 : index
    %get3A_0 = arith.constant 0 : index
    %get3A_1 = vector.load %arg0[%get3A, %get3A_0] : memref<20000x128xf32, #tpu.memory_space<vmem>>, vector<10000x128xf32>
    %get3A_2 = arith.constant 10000 : index
    %get3A_3 = arith.constant 0 : index
    %get3A_4 = vector.load %arg0[%get3A_2, %get3A_3] : memref<20000x128xf32, #tpu.memory_space<vmem>>, vector<10000x128xf32>
    %add3A = arith.addf %get3A_1, %get3A_4 : vector<10000x128xf32>
    %get3A_5 = arith.constant 0 : index
    %get3A_6 = arith.constant 0 : index
    %get3A_7 = vector.load %arg1[%get3A_5, %get3A_6] : memref<10000x128xf32, #tpu.memory_space<vmem>>, vector<10000x128xf32>
    %add3A_8 = arith.addf %add3A, %get3A_7 : vector<10000x128xf32>
    %get3A_9 = arith.constant 0 : index
    %get3A_10 = arith.constant 0 : index
    %get3A_11 = vector.load %arg2[%get3A_9, %get3A_10] : memref<10000x128xf32, #tpu.memory_space<vmem>>, vector<10000x128xf32>
    %mul3A = arith.mulf %get3A_11, %add3A_8 : vector<10000x128xf32>
    %get3A_12 = arith.constant 0 : index
    %get3A_13 = arith.constant 0 : index
    %get3A_14 = vector.load %arg4[%get3A_12, %get3A_13] : memref<1x128xf32, #tpu.memory_space<vmem>>, vector<1x128xf32>
    %add3A_15 = vector.broadcast %get3A_14 : vector<1x128xf32> to vector<10000x128xf32>
    %add3A_16 = arith.addf %mul3A, %add3A_15 : vector<10000x128xf32>
    %max3A = arith.constant 0.000000e+00 : f32
    %max3A_17 = vector.broadcast %max3A : f32 to vector<10000x128xf32>
    %max3A_18 = arith.maximumf %add3A_16, %max3A_17 : vector<10000x128xf32>
    %get3A_19 = arith.constant 0 : index
    %get3A_20 = arith.constant 0 : index
    %get3A_21 = vector.load %arg3[%get3A_19, %get3A_20] : memref<128x128xf32, #tpu.memory_space<vmem>>, vector<128x128xf32>
    %dot_general3A = arith.constant dense<0.000000e+00> : vector<10000x128xf32>
    %dot_general3A_22 = tpu.matmul %max3A_18, %get3A_21, %dot_general3A {dimension_numbers = #tpu.dot_dimension_numbers<[1], [0], [0], [1], [0, 0, 1, 1], [], []>, precision = #tpu.contract_precision<fp32>, transpose_lhs_hint = false} : vector<10000x128xf32>, vector<128x128xf32>, vector<10000x128xf32> -> vector<10000x128xf32>
    %get3A_23 = arith.constant 0 : index
    %get3A_24 = arith.constant 0 : index
    %get3A_25 = vector.load %arg2[%get3A_23, %get3A_24] : memref<10000x128xf32, #tpu.memory_space<vmem>>, vector<10000x128xf32>
    %mul3A_26 = arith.mulf %get3A_25, %dot_general3A_22 : vector<10000x128xf32>
    %swap3A = arith.constant 0 : index
    %swap3A_27 = arith.constant 0 : index
    %swap3A_28 = vector.load %arg5[%swap3A, %swap3A_27] : memref<10000x128xf32, #tpu.memory_space<vmem>>, vector<10000x128xf32>
    tpu.vector_store %arg5[%swap3A, %swap3A_27], %mul3A_26 {strides = array<i32>} : memref<10000x128xf32, #tpu.memory_space<vmem>>, vector<10000x128xf32>,
    return
  }
}

module attributes {stable_mosaic.version = 14 : i64} {
  func.func @_tc3_body(%arg0: memref<20000x128xf32, #tpu.memory_space<vmem>>, %arg1: memref<10000x128xf32, #tpu.memory_space<vmem>>, %arg2: memref<10000x128xf32, #tpu.memory_space<vmem>>, %arg3: memref<1x128xf32, #tpu.memory_space<vmem>>, %arg4: memref<10000x128xf32, #tpu.memory_space<vmem>>) attributes {dimension_semantics = [], scalar_prefetch = 0 : i64, scratch_operands = 0 : i64, tpu.core_type = #tpu.core_type<tc>} {
    %get3A = arith.constant 0 : index
    %get3A_0 = arith.constant 0 : index
    %get3A_1 = vector.load %arg0[%get3A, %get3A_0] : memref<20000x128xf32, #tpu.memory_space<vmem>>, vector<10000x128xf32>
    %get3A_2 = arith.constant 10000 : index
    %get3A_3 = arith.constant 0 : index
    %get3A_4 = vector.load %arg0[%get3A_2, %get3A_3] : memref<20000x128xf32, #tpu.memory_space<vmem>>, vector<10000x128xf32>
    %add3A = arith.addf %get3A_1, %get3A_4 : vector<10000x128xf32>
    %get3A_5 = arith.constant 0 : index
    %get3A_6 = arith.constant 0 : index
    %get3A_7 = vector.load %arg1[%get3A_5, %get3A_6] : memref<10000x128xf32, #tpu.memory_space<vmem>>, vector<10000x128xf32>
    %add3A_8 = arith.addf %add3A, %get3A_7 : vector<10000x128xf32>
    %get3A_9 = arith.constant 0 : index
    %get3A_10 = arith.constant 0 : index
    %get3A_11 = vector.load %arg2[%get3A_9, %get3A_10] : memref<10000x128xf32, #tpu.memory_space<vmem>>, vector<10000x128xf32>
    %mul3A = arith.mulf %get3A_11, %add3A_8 : vector<10000x128xf32>
    %get3A_12 = arith.constant 0 : index
    %get3A_13 = arith.constant 0 : index
    %get3A_14 = vector.load %arg3[%get3A_12, %get3A_13] : memref<1x128xf32, #tpu.memory_space<vmem>>, vector<1x128xf32>
    %add3A_15 = vector.broadcast %get3A_14 : vector<1x128xf32> to vector<10000x128xf32>
    %add3A_16 = arith.addf %mul3A, %add3A_15 : vector<10000x128xf32>
    %swap3A = arith.constant 0 : index
    %swap3A_17 = arith.constant 0 : index
    %swap3A_18 = vector.load %arg4[%swap3A, %swap3A_17] : memref<10000x128xf32, #tpu.memory_space<vmem>>, vector<10000x128xf32>
    tpu.vector_store %arg4[%swap3A, %swap3A_17], %add3A_16 {strides = array<i32>} : memref<10000x128xf32, #tpu.memory_space<vmem>>, vector<10000x128xf32>,
    return
  }
}

</mosaic_0001>

<sc_bundles>
// kernel: kernel.11.cloned.1.call-start
scs
__scs_entry_jumppad:
0x0: {  	(pc) =	sbr.rel $0x88, $3  }
0x1: {  	(tag) =	ssettag $0x0;
	lr =	simm.s32 $0x1  }
0x2: {  	[smem:$0x3F9B] =	sst lr;
	_ =	strace $0xD0000000  }
0x3: {  	_ = 	snop  }
0x4: {  	_ = 	snop  }
0x5: {  	_ = 	snop  }
0x6: {  	_ = 	snop  }
0x7: {  	_ = 	snop  }
__scs_overlays_trampoline_lowered:
0x8: {  	[smem:$0x3FAA] =	sst s0  }
0x9: {  	[smem:$0x3FAB] =	sst s1  }
0xa: {  	[smem:$0x3FAC] =	sst s2  }
0xb: {  	[smem:$0x3FAD] =	sst s3  }
0xc: {  	[smem:$0x3FAE] =	sst s4  }
0xd: {  	[smem:$0x3FAF] =	sst s5  }
0xe: {  	[smem:$0x3FB0] =	sst s6  }
0xf: {  	[smem:$0x3FB1] =	sst s7  }
0x10: {  	[smem:$0x3FB2] =	sst s8  }
0x11: {  	[smem:$0x3FB3] =	sst s9;
	s0 =	simm.s32 @!p0 $0x0  }
0x12: {  	s1 =	sld [smem:$0x3F99];
	s0 =	simm.s32 @p0 $0x1  }
0x13: {  	[smem:$0x3FB4] =	sst s0;
	s0 =	simm.s32 @!p1 $0x0  }
0x14: {  	s2 =	sld [smem:$0x3F98];
	s0 =	simm.s32 @p1 $0x1  }
0x15: {  	[smem:$0x3FB5] =	sst s0;
	s0 =	simm.s32 @!p2 $0x0  }
0x16: {  	s3 =	sld [smem:$0x3FDB];
	s0 =	simm.s32 @p2 $0x1  }
0x17: {  	s4 =	simm.s32 $0x1BF5;
	[smem:$0x3FB7] =	sst s0  }
0x18: {  	s0 =	sld [smem:$0x3F9A];
	_ =	swait.ge [sflag:s4], $0x0  }
0x19: {  	s7 =	sld [smem:$0x3F9B]  }
0x1a: {  	s8 =	sadd.s32 $0xFFFFE003, lr  }
0x1b: {  	s9 =	sadd.s32 $0xFFFFFEF7, lr;
	s5 =	simm.s32 $0xFFFFFFFF;
	p2 =	slt.u32 s8, $0xFFFFF086  }
0x1c: {  	p1 =	slt.u32 s9, $0xF7A;
	s5 =	simm.s32 @!p2 $0x0  }
0x1d: {  	s5 =	simm.s32 @p1 $0x1;
	p0 =	seq.s32 s7, s2  }
0x1e: {  	s7 =	smul.u32 @!p0 $0xF7A, s2;
	p2 =	seq.s32 @!p0 s5, $0x0  }
0x1f: {  	s9 =	smul.u32 $0xF7A, s1;
	s8 =	simm.s32 @!p0 $0x1BF5;
	p2 =	por !p2, p0  }
0x20: {  	[sflag:s8] =	ssyncset.s32 @!p0 $0xFFFFF086;
	s6 =	sadd.s32 @!p0 s3, s7;
	s7 =	simm.s32 @!p0 $0x108  }
0x21: {  	s3 =	sadd.s32 s3, s9;
	s6 =	sadd.s32 @!p0 $0x88, s6;
	s7 =	simm.s32 @p2 $0x1082  }
0x22: {  	[simem:s7], [sflag:s8] =	dma.local @!p0 [hbm:s6], $0xF7A  }
0x23: {  	s9 =	sor.u32 $0xD0000000, s2;
	s6 =	simm.s32 $0x108;
	_ =	swait.ge @!p0 [sflag:s8], $0x0  }
0x24: {  	s3 =	sadd.s32 $0x88, s3;
	s6 =	simm.s32 @!p1 $0x1082;
	[sflag:s4] =	ssyncset.s32 $0xFFFFF086  }
0x25: {  	[simem:s6], [sflag:s4] =	dma.local [hbm:s3], $0xF7A  }
0x26: {  	[smem:$0x3F9B] =	sst s1;
	(tag) =	ssettag s2;
	_ =	strace s9  }
0x27: {  	s1 =	sld [smem:$0x3FAB]  }
0x28: {  	s2 =	sld [smem:$0x3FAC]  }
0x29: {  	s4 =	sld [smem:$0x3FAE]  }
0x2a: {  	p0 =	seq.s32 s5, $0x0;
	s5 =	sld [smem:$0x3FAF]  }
0x2b: {  	s6 =	sld [smem:$0x3FB0]  }
0x2c: {  	s7 =	sld [smem:$0x3FB1]  }
0x2d: {  	s3 =	simm.s32 $0x108;
	s8 =	sld [smem:$0x3FB2]  }
0x2e: {  	s3 =	simm.s32 @!p0 $0x1082;
	s9 =	sld [smem:$0x3FB3]  }
0x2f: {  	lr =	sadd.s32 s0, s3;
	s0 =	sld [smem:$0x3FAA]  }
0x30: {  	s3 =	sld [smem:$0x3FAD]  }
0x31: {  	[smem:$0x3FB6] =	sst s10  }
0x32: {  	s10 =	sld [smem:$0x3FB4];
	_ =	sdelay $0x3  }
0x33: {  	p0 =	seq.s32 s10, $0x1;
	s10 =	sld [smem:$0x3FB6];
	_ =	sdelay $0x3  }
0x34: {  	[smem:$0x3FB6] =	sst s10  }
0x35: {  	s10 =	sld [smem:$0x3FB5];
	_ =	sdelay $0x3  }
0x36: {  	p1 =	seq.s32 s10, $0x1;
	s10 =	sld [smem:$0x3FB6];
	_ =	sdelay $0x3  }
0x37: {  	[smem:$0x3FB6] =	sst s10  }
0x38: {  	s10 =	sld [smem:$0x3FB7]  }
0x39: {  	_ = 	snop;
	(pc) =	sbr.ind lr, $3  }
0x3a: {  	_ = 	snop  }
0x3b: {  	_ = 	snop  }
0x3c: {  	p2 =	seq.s32 s10, $0x1;
	s10 =	sld [smem:$0x3FB6]  }
0x3d: {  	_ =	shalt  }
0x3e: {  	_ =	shalt  }
0x3f: {  	_ =	shalt  }
0x40: {  	_ =	shalt  }
0x41: {  	_ =	shalt  }
0x42: {  	_ =	shalt  }
0x43: {  	_ =	shalt  }
0x44: {  	_ =	shalt  }
0x45: {  	_ =	shalt  }
0x46: {  	_ =	shalt  }
0x47: {  	_ =	shalt  }
0x48: {  	_ =	shalt  }
0x49: {  	_ =	shalt  }
0x4a: {  	_ =	shalt  }
0x4b: {  	_ =	shalt  }
0x4c: {  	_ =	shalt  }
0x4d: {  	_ =	shalt  }
0x4e: {  	_ =	shalt  }
0x4f: {  	_ =	shalt  }
0x50: {  	_ =	shalt  }
0x51: {  	_ =	shalt  }
0x52: {  	_ =	shalt  }
0x53: {  	_ =	shalt  }
0x54: {  	_ =	shalt  }
0x55: {  	_ =	shalt  }
0x56: {  	_ =	shalt  }
0x57: {  	_ =	shalt  }
0x58: {  	_ =	shalt  }
0x59: {  	_ =	shalt  }
0x5a: {  	_ =	shalt  }
0x5b: {  	_ =	shalt  }
0x5c: {  	_ =	shalt  }
0x5d: {  	_ =	shalt  }
0x5e: {  	_ =	shalt  }
0x5f: {  	_ =	shalt  }
0x60: {  	_ =	shalt  }
0x61: {  	_ =	shalt  }
0x62: {  	_ =	shalt  }
0x63: {  	_ =	shalt  }
0x64: {  	_ =	shalt  }
0x65: {  	_ =	shalt  }
0x66: {  	_ =	shalt  }
0x67: {  	_ =	shalt  }
0x68: {  	_ =	shalt  }
0x69: {  	_ =	shalt  }
0x6a: {  	_ =	shalt  }
0x6b: {  	_ =	shalt  }
0x6c: {  	_ =	shalt  }
0x6d: {  	_ =	shalt  }
0x6e: {  	_ =	shalt  }
0x6f: {  	_ =	shalt  }
0x70: {  	_ =	shalt  }
0x71: {  	_ =	shalt  }
0x72: {  	_ =	shalt  }
0x73: {  	_ =	shalt  }
0x74: {  	_ =	shalt  }
0x75: {  	_ =	shalt  }
0x76: {  	_ =	shalt  }
0x77: {  	_ =	shalt  }
0x78: {  	_ =	shalt  }
0x79: {  	_ =	shalt  }
0x7a: {  	_ =	shalt  }
0x7b: {  	_ =	shalt  }
0x7c: {  	_ =	shalt  }
0x7d: {  	_ =	shalt  }
0x7e: {  	_ =	shalt  }
0x7f: {  	_ =	shalt  }
0x80: {  	_ =	shalt  }
0x81: {  	_ =	shalt  }
0x82: {  	_ =	shalt  }
0x83: {  	_ =	shalt  }
0x84: {  	_ =	shalt  }
0x85: {  	_ =	shalt  }
0x86: {  	_ =	shalt  }
0x87: {  	_ =	shalt  }
.Lfunc_end0:
.L_simem_size_0:
called_computation.1_lowered:
.L_overlay_start_0:
0x88: {  	s2 =	sld [smem:$0x3FD9]  }
0x89: {  	s3 =	sld [smem:$0x3FFE];
	_ =	sdelay $0x1  }
0x8a: {  	s1 =	srdreg.scid  }
0x8b: {  	s0 =	sand.u32 $0x1, s1  }
0x8c: {  	s17 =	sshll.u32 s0, $0xA;
	s2 =	sadd.s32 s3, s2  }
0x8d: {  	s2 =	sadd.s32 s2, s17  }
0x8e: {  	[smem:$0x3FC2] =	sst s2  }
0x8f: {  	_ = 	snop  }
0x90: {  	s2 =	sld [smem:$0x3FD0];
	(tm) =	ssettm $0x1  }
0x91: {  	s18 =	sld [smem:$0x3FFB];
	_ =	sdelay $0x3  }
0x92: {  	_ =	strace s18  }
0x93: {  	s3 =	sld [smem:$0x3FFC];
	_ =	sdelay $0x3  }
0x94: {  	_ =	strace s3  }
0x95: {  	s3 =	sld [smem:$0x3FFD];
	_ =	sdelay $0x3  }
0x96: {  	_ =	strace s3  }
0x97: {  	_ =	strace $0x8FFFFFFF  }
0x98: {  	s19 =	sld [smem:$0x3FDB];
	_ =	sdelay $0x1  }
0x99: {  	s4 =	simm.s32 $_scs_section_size  }
0x9a: {  	s5 =	simm.s32 $_size__tile_overlayer_lowered;
	s6 =	simm.s32 $_tile_overlayer_lowered  }
0x9b: {  	s22 =	simm.s32 $0x1BFF;
	s21 =	sshll.u32 s6, $0x1;
	s3 =	sadd.s32 s4, s19  }
0x9c: {  	s7 =	simm.s32 $0x0;
	s20 =	sshll.u32 s5, $0x1;
	s5 =	sadd.s32 s21, s3  }
0x9d: {  	[timem:s7], [sflag:s22] =	dma.local [hbm:s5], s20  }
0x9e: {  	_ =	swait.ge [sflag:s22], s20  }
0x9f: {  	s4 =	ssub.s32 $0x0, s20;
	[sflag:s22] =	ssyncset.done $0x0  }
0xa0: {  	[sflag:s22] =	ssyncadd.s32 s4;
	_ =	sdelay $0x1  }
0xa1: {  	s23 =	simm.s32 $0x1B8B  }
0xa2: {  	_ =	swait.ge [sflag:s23], $0x1  }
0xa3: {  	[sflag:s23] =	ssyncset.done $0x0  }
0xa4: {  	s25 =	simm.s32 $0x1B8E;
	s24 =	sld [smem:$0x3FFE];
	[sflag:s23] =	ssyncadd.s32 $0xFFFFFFFF  }
0xa5: {  	s26 =	simm.s32 $execute0_lowered;
	[smem:$0x3FD2] =	sst s25  }
0xa6: {  	s5 =	sshll.u32 s26, $0x1;
	_ =	strace $0x80000049;
	[dreg:$0x1] =	wrdreg $0xFFFFFFFF  }
0xa7: {  	s28 =	simm.s32 $_size_execute0_lowered;
	s3 =	sadd.s32 s3, s5;
	[dreg:$0x0] =	wrdreg $0x0  }
0xa8: {  	s5 =	sshll.u32 s28, $0x1;
	[dreg:$0x2] =	wrdreg s3  }
0xa9: {  	[dreg:$0x3] =	wrdreg s5  }
0xaa: {  	[dreg:$0x4] =	wrdreg $0xC0  }
0xab: {  	_ =	task [dreg:s7], $0x5FFFF  }
0xac: {  	[dreg:$0x1] =	wrdreg $0xFFFFFFFF  }
0xad: {  	[dreg:$0x0] =	wrdreg $0x60  }
0xae: {  	[dreg:$0x2] =	wrdreg s2  }
0xaf: {  	[dreg:$0x3] =	wrdreg s24  }
0xb0: {  	[dreg:$0x4] =	wrdreg $0x0  }
0xb1: {  	[dreg:$0x5] =	wrdreg $0x9  }
0xb2: {  	_ =	task.clear_ibuf [dreg:s7], $0x6FFFF;
	_ =	strace $0x90000049  }
0xb3: {  	s29 =	simm.s32 $0x9;
	_ =	strace $0x8000004B  }
0xb4: {  	_ =	swait.ge [sflag:s29], $0x1  }
0xb5: {  	[sflag:s29] =	ssyncadd.s32 $0xFFFFFFFF  }
0xb6: {  	_ =	strace $0x9000004B  }
0xb7: {  	_ =	sfence  }
0xb8: {  	s30 =	sld [smem:$0x0];
	_ =	sdelay $0x2  }
0xb9: {  	s31 =	sshll.u32 s1, $0xD;
	s1 =	sshrl.u32 s1, $0x2  }
0xba: {  	s3 =	sand.u32 $0x4000, s31;
	s1 =	sadd.s32 s1, s30  }
0xbb: {  	s0 =	sor.u32 s3, s0;
	s1 =	sshll.u32 s1, $0x11  }
0xbc: {  	s0 =	sor.u32 s1, s0  }
0xbd: {  	s0 =	sadd.s32 $0x8F2B, s0  }
0xbe: {  	[sflag:s0] =	ssyncadd.remote.s32 $0x1  }
0xbf: {  	_ =	sfence.sel $0xFFFF  }
0xc0: {  	[dreg:$0x0] =	wrdreg $0xFFFFFFFF;
	(pc) =	sbr.abs _section_cstart, $3  }
0xc1: {  	[dreg:$0x1] =	wrdreg $0xFFFFFFFF  }
0xc2: {  	_ =	task.clear_ibuf [dreg:s7], $0x2FFFF;
	_ =	strace $0x9FFFFFFF  }
0xc3: {  	(tm) =	ssettm $0x7FFFFFFF  }
tec
execute0_lowered:
.L_overlay_start_1:
0x0: {  	(tag) =	ssettag $0x1  }
0x1: {  	s1 =	rddreg [dreg:$0x0]  }
0x2: {  	s0 =	rddreg [dreg:$0x1]  }
0x3: {  	s2 =	rddreg [dreg:$0x2];
	s3 =	simm.s32 $0x0  }
0x4: {  	s4 =	srdreg.scid;
	s15 =	stileid.u32;
	s29 =	simm.s32 $0x1DC00  }
0x5: {  	s30 =	simm.s32 $0xB;
	s31 =	simm.s32 $0x13900;
	[smem:$0x7FF] =	sst s3  }
0x6: {  	s4 =	sand.u32 $0x1, s4;
	s6 =	sadd.s32 $0x5AA00, s0;
	s8 =	smul.u32 $0x4E000, s15  }
0x7: {  	s7 =	sadd.s32 $0x2600, s0;
	s0 =	sadd.s32 $0xC800, s0;
	s21 =	smul.u32 $0x2800, s15  }
0x8: {  	s12 =	smul.u32 $0x2700, s15;
	p0 =	sne.s32 s15, $0xF;
	_ =	strace $0x8000004A  }
0x9: {  	s5 =	sshll.u32 s4, $0x4;
	s9 =	ssub.s32 $0x2, s4;
	s8 =	sshrl.u32 s8, $0x2  }
0xa: {  	s11 =	smul.u32 $0x28000, s4;
	s5 =	sor.u32 s15, s5;
	s23 =	sadd.s32 s8, s2  }
0xb: {  	s20 =	sshrl.u32 s9, $0x1;
	s22 =	sadd.s32 $0x1800, s23;
	[dreg:$0xc] =	wrdreg s23  }
0xc: {  	s15 =	simm.s32 $0x18C00;
	s24 =	sadd.s32 $0x3000, s23;
	[dreg:$0xd] =	wrdreg s22  }
0xd: {  	s10 =	smul.u32 $0x2800, s5;
	s25 =	sadd.s32 $0x4800, s23;
	[dreg:$0xe] =	wrdreg s24  }
0xe: {  	s9 =	ssub.s32 s9, s20;
	s26 =	sadd.s32 $0x6000, s23;
	[dreg:$0xf] =	wrdreg s25  }
0xf: {  	s8 =	sadd.s32 s21, s11;
	s28 =	sadd.s32 $0x7800, s23;
	[dreg:$0x10] =	wrdreg s26  }
0x10: {  	s11 =	sadd.s32 $0x9000, s23;
	s13 =	sadd.s32 $0xA800, s23;
	[dreg:$0x11] =	wrdreg s28  }
0x11: {  	s14 =	sadd.s32 $0xC000, s23;
	s17 =	sor.u32 $0x190, s8;
	[dreg:$0x12] =	wrdreg s11  }
0x12: {  	s18 =	sadd.s32 $0xD800, s23;
	s21 =	sor.u32 $0xA0, s8;
	[dreg:$0x13] =	wrdreg s13  }
0x13: {  	s11 =	sor.u32 $0x230, s8;
	[dreg:$0x14] =	wrdreg s14;
	s13 =	smul.u32 $0x27100, s4  }
0x14: {  	s14 =	sor.u32 $0x1E0, s8;
	[dreg:$0x15] =	wrdreg s18;
	s22 =	sshrl.u32 s21, $0x3  }
0x15: {  	s24 =	sor.u32 $0x140, s8;
	s25 =	sadd.s32 $0xF000, s23;
	s10 =	sshrl.u32 s10, $0x3  }
0x16: {  	s8 =	sor.u32 $0xF0, s8;
	s4 =	smul.u32 $0x138800, s4;
	s11 =	sshrl.u32 s11, $0x3  }
0x17: {  	s16 =	sshrl.u32 s14, $0x3;
	[dreg:$0x16] =	wrdreg s25;
	s18 =	sadd.s32 s7, s10  }
0x18: {  	s14 =	sshrl.u32 s17, $0x3;
	s25 =	smax.u32 s9, $0x1;
	[dreg:$0x19] =	wrdreg s18  }
0x19: {  	s28 =	sadd.s32 s6, s10;
	s17 =	sshrl.u32 s8, $0x3;
	[smem:$0x7FB] =	sst s25  }
0x1a: {  	s8 =	simm.s32 $0x13B80;
	s11 =	sadd.s32 s11, s6;
	[dreg:$0x17] =	wrdreg s28  }
0x1b: {  	s9 =	simm.s32 $0x5;
	s19 =	sadd.s32 s14, s7;
	[dreg:$0x4] =	wrdreg s11  }
0x1c: {  	s12 =	sadd.s32 s12, s13;
	s20 =	sadd.s32 s14, s6;
	[dreg:$0x6] =	wrdreg s19  }
0x1d: {  	s13 =	sshrl.u32 s24, $0x3;
	s24 =	sadd.s32 $0x138000, s2;
	[dreg:$0x7] =	wrdreg s20  }
0x1e: {  	s4 =	sshrl.u32 s4, $0x3;
	s11 =	sadd.s32 s16, s6;
	[dreg:$0x1e] =	wrdreg s24  }
0x1f: {  	s18 =	simm.s32 $0x9;
	s26 =	sadd.s32 s13, s7;
	[dreg:$0x5] =	wrdreg s11  }
0x20: {  	s25 =	simm.s32 $0x4;
	s14 =	sadd.s32 s13, s6;
	[dreg:$0x9] =	wrdreg s26  }
0x21: {  	s16 =	sor.u32 $0xA, s10;
	s20 =	sadd.s32 $0x10800, s23;
	[dreg:$0xa] =	wrdreg s14  }
0x22: {  	s21 =	sadd.s32 s0, s12;
	s0 =	sadd.s32 s0, s4;
	[dreg:$0x1b] =	wrdreg s20  }
0x23: {  	s4 =	simm.s32 $0x13A00;
	s11 =	sadd.s32 s22, s7;
	[dreg:$0x1c] =	wrdreg s21  }
0x24: {  	s10 =	simm.s32 $0x50;
	s6 =	sadd.s32 s6, s16;
	[dreg:$0x8] =	wrdreg s11  }
0x25: {  	s12 =	simm.s32 $0x6;
	s19 =	sadd.s32 s7, s16;
	[dreg:$0x18] =	wrdreg s6  }
0x26: {  	s13 =	simm.s32 $0x16400;
	s22 =	sadd.s32 $0x12000, s23;
	[dreg:$0x1a] =	wrdreg s19  }
0x27: {  	s24 =	simm.s32 $0x3;
	s0 =	sadd.s32 $0x27000, s0;
	[dreg:$0x1d] =	wrdreg s22  }
0x28: {  	s26 =	sadd.s32 $0x14, s28;
	s28 =	sadd.s32 $0x1E, s28;
	[dreg:$0x1f] =	wrdreg s0  }
0x29: {  	s14 =	simm.s32 $0x7;
	s20 =	simm.s32 $0x1B400;
	[smem:$0x7FC] =	sst s26  }
0x2a: {  	s21 =	simm.s32 $0x2;
	s6 =	sadd.s32 s17, s7;
	[smem:$0x7FD] =	sst s28  }
0x2b: {  	s0 =	simm.s32 $0x13980;
	s7 =	simm.s32 $0x13B00;
	s11 =	simm.s32 $0x13C00  }
0x2c: {  	s17 =	simm.s32 $0x1;
	s19 =	simm.s32 $0x8;
	s22 =	simm.s32 $0xA  }
0x2d: {  	v0 =	vimm.f32 $0.0e+00;
	s26 =	simm.s32 $0x0;
	[dreg:$0xb] =	wrdreg s6;
	s6 =	simm.s32 $0x13A80  }
.LBB2_1:
0x2e: {  	s16 =	simm.s32 $0x0;
	s28 =	simm.s32 $0x200  }
.LBB2_2:
0x2f: {  	p1 =	sne.s32 s28, $0x5E00;
	[tilespmem:s16+$0x1DC70] =	vst v0  }
0x30: {  	[tilespmem:s16+$0x1DC00] =	vst v0  }
0x31: {  	[tilespmem:s16+$0x1DC10] =	vst v0  }
.Ltmp0:
0x32: {  	[tilespmem:s16+$0x1DC20] =	vst v0;
	(pc) =	sbr.rel @p1 .LBB2_2-.Ltmp0, $4  }
0x33: {  	[tilespmem:s16+$0x1DC30] =	vst v0  }
0x34: {  	[tilespmem:s16+$0x1DC40] =	vst v0  }
0x35: {  	[tilespmem:s16+$0x1DC50] =	vst v0  }
0x36: {  	[tilespmem:s16+$0x1DC60] =	vst v0;
	s16 =	sshra.s32 s28, $0x2;
	s28 =	sadd.s32 $0x200, s28  }
0x37: {  	[tilespmem:s16+$0x1DC70] =	vst v0  }
0x38: {  	[tilespmem:s16+$0x1DC00] =	vst v0  }
0x39: {  	[tilespmem:s16+$0x1DC10] =	vst v0  }
0x3a: {  	[tilespmem:s16+$0x1DC20] =	vst v0  }
0x3b: {  	[tilespmem:s16+$0x1DC30] =	vst v0  }
0x3c: {  	[tilespmem:s16+$0x1DC40] =	vst v0  }
0x3d: {  	[tilespmem:s16+$0x1DC50] =	vst v0  }
0x3e: {  	[tilespmem:s16+$0x1DC60] =	vst v0  }
0x3f: {  	[spmem:s23] =	stream.linear.scatter [tilespmem:s29], [sflag:$0xB], $0x1800, $0x38;
	[tilespmem:$0x1F400] =	vst v63  }
0x40: {  	_ =	swait.ge [sflag:s30], $0x1800  }
0x41: {  	[sflag:s30] =	ssyncset.done $0x0  }
0x42: {  	s5 =	rddreg [dreg:$0xd];
	[sflag:s30] =	ssyncadd.s32 $0xFFFFE800  }
0x43: {  	[spmem:s5] =	stream.linear.scatter [tilespmem:s29], [sflag:$0xB], $0x1800, $0x38;
	[tilespmem:$0x1F400] =	vst v63  }
0x44: {  	_ =	swait.ge [sflag:s30], $0x1800  }
0x45: {  	[sflag:s30] =	ssyncset.done $0x0  }
0x46: {  	s16 =	rddreg [dreg:$0xe];
	[sflag:s30] =	ssyncadd.s32 $0xFFFFE800  }
0x47: {  	[spmem:s16] =	stream.linear.scatter [tilespmem:s29], [sflag:$0xB], $0x1800, $0x38;
	[tilespmem:$0x1F400] =	vst v63  }
0x48: {  	_ =	swait.ge [sflag:s30], $0x1800  }
0x49: {  	[sflag:s30] =	ssyncset.done $0x0  }
0x4a: {  	s23 =	rddreg [dreg:$0xf];
	[sflag:s30] =	ssyncadd.s32 $0xFFFFE800  }
0x4b: {  	[spmem:s23] =	stream.linear.scatter [tilespmem:s29], [sflag:$0xB], $0x1800, $0x38;
	[tilespmem:$0x1F400] =	vst v63  }
0x4c: {  	_ =	swait.ge [sflag:s30], $0x1800  }
0x4d: {  	[sflag:s30] =	ssyncset.done $0x0  }
0x4e: {  	s16 =	rddreg [dreg:$0x10];
	[sflag:s30] =	ssyncadd.s32 $0xFFFFE800  }
0x4f: {  	[spmem:s16] =	stream.linear.scatter [tilespmem:s29], [sflag:$0xB], $0x1800, $0x38;
	[tilespmem:$0x1F400] =	vst v63  }
0x50: {  	_ =	swait.ge [sflag:s30], $0x1800  }
0x51: {  	[sflag:s30] =	ssyncset.done $0x0  }
0x52: {  	s23 =	rddreg [dreg:$0x11];
	[sflag:s30] =	ssyncadd.s32 $0xFFFFE800  }
0x53: {  	[spmem:s23] =	stream.linear.scatter [tilespmem:s29], [sflag:$0xB], $0x1800, $0x38;
	[tilespmem:$0x1F400] =	vst v63  }
0x54: {  	_ =	swait.ge [sflag:s30], $0x1800  }
0x55: {  	[sflag:s30] =	ssyncset.done $0x0  }
0x56: {  	s16 =	rddreg [dreg:$0x12];
	[sflag:s30] =	ssyncadd.s32 $0xFFFFE800  }
0x57: {  	[spmem:s16] =	stream.linear.scatter [tilespmem:s29], [sflag:$0xB], $0x1800, $0x38;
	[tilespmem:$0x1F400] =	vst v63  }
0x58: {  	_ =	swait.ge [sflag:s30], $0x1800  }
0x59: {  	[sflag:s30] =	ssyncset.done $0x0  }
0x5a: {  	s23 =	rddreg [dreg:$0x13];
	[sflag:s30] =	ssyncadd.s32 $0xFFFFE800  }
0x5b: {  	[spmem:s23] =	stream.linear.scatter [tilespmem:s29], [sflag:$0xB], $0x1800, $0x38;
	[tilespmem:$0x1F400] =	vst v63  }
0x5c: {  	_ =	swait.ge [sflag:s30], $0x1800  }
0x5d: {  	[sflag:s30] =	ssyncset.done $0x0  }
0x5e: {  	s16 =	rddreg [dreg:$0x14];
	[sflag:s30] =	ssyncadd.s32 $0xFFFFE800  }
0x5f: {  	[spmem:s16] =	stream.linear.scatter [tilespmem:s29], [sflag:$0xB], $0x1800, $0x38;
	[tilespmem:$0x1F400] =	vst v63  }
0x60: {  	_ =	swait.ge [sflag:s30], $0x1800  }
0x61: {  	[sflag:s30] =	ssyncset.done $0x0  }
0x62: {  	s23 =	rddreg [dreg:$0x15];
	[sflag:s30] =	ssyncadd.s32 $0xFFFFE800  }
0x63: {  	[spmem:s23] =	stream.linear.scatter [tilespmem:s29], [sflag:$0xB], $0x1800, $0x38;
	[tilespmem:$0x1F400] =	vst v63  }
0x64: {  	_ =	swait.ge [sflag:s30], $0x1800  }
0x65: {  	[sflag:s30] =	ssyncset.done $0x0  }
0x66: {  	s16 =	rddreg [dreg:$0x16];
	[sflag:s30] =	ssyncadd.s32 $0xFFFFE800  }
0x67: {  	[spmem:s16] =	stream.linear.scatter [tilespmem:s29], [sflag:$0xB], $0x1800, $0x38;
	[tilespmem:$0x1F400] =	vst v63  }
0x68: {  	_ =	swait.ge [sflag:s30], $0x1800  }
0x69: {  	[sflag:s30] =	ssyncset.done $0x0  }
0x6a: {  	s23 =	rddreg [dreg:$0x1b];
	[sflag:s30] =	ssyncadd.s32 $0xFFFFE800  }
0x6b: {  	[spmem:s23] =	stream.linear.scatter [tilespmem:s29], [sflag:$0xB], $0x1800, $0x38;
	[tilespmem:$0x1F400] =	vst v63  }
0x6c: {  	_ =	swait.ge [sflag:s30], $0x1800  }
0x6d: {  	[sflag:s30] =	ssyncset.done $0x0  }
0x6e: {  	s16 =	rddreg [dreg:$0x1d];
	[sflag:s30] =	ssyncadd.s32 $0xFFFFE800  }
0x6f: {  	[spmem:s16] =	stream.linear.scatter [tilespmem:s29], [sflag:$0xB], $0x1800, $0x38;
	[tilespmem:$0x1F400] =	vst v63  }
0x70: {  	_ =	swait.ge [sflag:s30], $0x1800  }
0x71: {  	[sflag:s30] =	ssyncset.done $0x0  }
0x72: {  	s16 =	simm.s32 @!p0 $0x1DC00;
	s5 =	rddreg [dreg:$0x1e];
	[sflag:s30] =	ssyncadd.s32 $0xFFFFE800  }
0x73: {  	[spmem:s5] =	stream.linear.scatter @!p0 [tilespmem:s16], [sflag:$0xB], $0x1000, $0x38;
	[tilespmem:$0x1F400] =	vst v63  }
0x74: {  	s16 =	simm.s32 @!p0 $0xB  }
0x75: {  	_ =	swait.ge @!p0 [sflag:s16], $0x1000  }
0x76: {  	[sflag:s16] =	ssyncset.done @!p0 $0x0  }
0x77: {  	[sflag:s16] =	ssyncadd.s32 @!p0 $0xFFFFF000  }
0x78: {  	[bflag:$0x0] =	sbarrier.arrive $0xFFFF  }
0x79: {  	s16 =	simm.s32 $0x0;
	s23 =	rddreg [dreg:$0x17]  }
0x7a: {  	[tilespmem:s31], [sflag:$0x5] =	stream.linear.gather [hbm4b:s23+s16], $0x50, $0x38;
	[tilespmem:$0x1F400] =	vst v63  }
0x7b: {  	s23 =	rddreg [dreg:$0x18]  }
0x7c: {  	[tilespmem:s0], [sflag:$0x6] =	stream.linear.gather [hbm4b:s23+s16], $0x50, $0x38;
	[tilespmem:$0x1F400] =	vst v63  }
0x7d: {  	s23 =	sld [smem:$0x7FC];
	_ =	sdelay $0x2  }
0x7e: {  	[tilespmem:s4], [sflag:$0x7] =	stream.linear.gather [hbm4b:s23+s16], $0x50, $0x38;
	[tilespmem:$0x1F400] =	vst v63  }
0x7f: {  	s23 =	sld [smem:$0x7FD];
	_ =	sdelay $0x2  }
0x80: {  	[tilespmem:s6], [sflag:$0x8] =	stream.linear.gather [hbm4b:s23+s16], $0x50, $0x38;
	[tilespmem:$0x1F400] =	vst v63  }
0x81: {  	s23 =	rddreg [dreg:$0x19]  }
0x82: {  	[tilespmem:s7], [sflag:$0x9] =	stream.linear.gather [hbm4b:s23+s16], $0x50, $0x38;
	[tilespmem:$0x1F400] =	vst v63  }
0x83: {  	s23 =	rddreg [dreg:$0x1a]  }
0x84: {  	[tilespmem:s8], [sflag:$0xA] =	stream.linear.gather [hbm4b:s23+s16], $0x50, $0x38;
	[tilespmem:$0x1F400] =	vst v63  }
0x85: {  	_ =	swait.ge [sflag:s9], $0x50  }
0x86: {  	[sflag:s9] =	ssyncset.done $0x0  }
0x87: {  	[sflag:s9] =	ssyncadd.s32 $0xFFFFFFB0  }
0x88: {  	[tilespmem:s11], [sflag:$0x1] =	stream.indirect.gather [hbm4b:s1+s10], $0x80, s31, s10, $0xb8;
	[tilespmem:$0x1F400] =	vst v63  }
0x89: {  	_ =	swait.ge [sflag:s12], $0x50  }
0x8a: {  	[sflag:s12] =	ssyncset.done $0x0  }
0x8b: {  	[sflag:s12] =	ssyncadd.s32 $0xFFFFFFB0  }
0x8c: {  	[tilespmem:s13], [sflag:$0x2] =	stream.indirect.gather [hbm4b:s1+s10], $0x80, s0, s10, $0xb8;
	[tilespmem:$0x1F400] =	vst v63  }
0x8d: {  	_ =	swait.ge [sflag:s14], $0x50  }
0x8e: {  	[sflag:s14] =	ssyncset.done $0x0  }
0x8f: {  	[sflag:s14] =	ssyncadd.s32 $0xFFFFFFB0  }
0x90: {  	[tilespmem:s15], [sflag:$0x3] =	stream.indirect.gather [hbm4b:s1+s10], $0x80, s4, s10, $0xb8;
	[tilespmem:$0x1F400] =	vst v63  }
0x91: {  	_ =	swait.ge [sflag:s17], $0x2800  }
0x92: {  	[sflag:s17] =	ssyncset.done $0x0  }
0x93: {  	[sflag:s17] =	ssyncadd.s32 $0xFFFFD800  }
0x94: {  	_ =	swait.ge [sflag:s18], $0x50  }
0x95: {  	[sflag:s18] =	ssyncset.done $0x0  }
0x96: {  	[sflag:s18] =	ssyncadd.s32 $0xFFFFFFB0  }
0x97: {  	[spmem:s2] =	stream.indirect.scatter.add.f32 [tilespmem:s11], [sflag:$0xB], $0x80, s7, s10, $0xb8;
	[tilespmem:$0x1F400] =	vst v63  }
0x98: {  	_ =	swait.ge [sflag:s30], $0x2800  }
0x99: {  	[sflag:s30] =	ssyncset.done $0x0  }
0x9a: {  	[sflag:s30] =	ssyncadd.s32 $0xFFFFD800  }
0x9b: {  	_ =	swait.ge [sflag:s19], $0x50  }
0x9c: {  	[sflag:s19] =	ssyncset.done $0x0  }
0x9d: {  	s23 =	rddreg [dreg:$0xa];
	[sflag:s19] =	ssyncadd.s32 $0xFFFFFFB0  }
0x9e: {  	[tilespmem:s20], [sflag:$0x4] =	stream.indirect.gather [hbm4b:s1+s10], $0x80, s6, s10, $0xb8;
	[tilespmem:$0x1F400] =	vst v63  }
0x9f: {  	s28 =	rddreg [dreg:$0x8];
	s16 =	sadd.s32 $0x0, s23  }
0xa0: {  	[tilespmem:s31], [sflag:$0x5] =	stream.linear.gather [hbm4b:s16+s3], $0x50, $0x38;
	[tilespmem:$0x1F400] =	vst v63  }
0xa1: {  	s5 =	sadd.s32 $0x0, s28  }
0xa2: {  	[tilespmem:s7], [sflag:$0x9] =	stream.linear.gather [hbm4b:s5+s3], $0x50, $0x38;
	[tilespmem:$0x1F400] =	vst v63  }
0xa3: {  	_ =	swait.ge [sflag:s21], $0x2800  }
0xa4: {  	[sflag:s21] =	ssyncset.done $0x0  }
0xa5: {  	[sflag:s21] =	ssyncadd.s32 $0xFFFFD800  }
0xa6: {  	_ =	swait.ge [sflag:s22], $0x50  }
0xa7: {  	[sflag:s22] =	ssyncset.done $0x0  }
0xa8: {  	[sflag:s22] =	ssyncadd.s32 $0xFFFFFFB0  }
0xa9: {  	[spmem:s2] =	stream.indirect.scatter.add.f32 [tilespmem:s13], [sflag:$0xB], $0x80, s8, s10, $0xb8;
	[tilespmem:$0x1F400] =	vst v63  }
0xaa: {  	_ =	swait.ge [sflag:s30], $0x2800  }
0xab: {  	[sflag:s30] =	ssyncset.done $0x0  }
0xac: {  	[sflag:s30] =	ssyncadd.s32 $0xFFFFD800  }
0xad: {  	_ =	swait.ge [sflag:s9], $0x50  }
0xae: {  	[sflag:s9] =	ssyncset.done $0x0  }
0xaf: {  	s23 =	rddreg [dreg:$0x7];
	[sflag:s9] =	ssyncadd.s32 $0xFFFFFFB0  }
0xb0: {  	[tilespmem:s11], [sflag:$0x1] =	stream.indirect.gather [hbm4b:s1+s10], $0x80, s31, s10, $0xb8;
	[tilespmem:$0x1F400] =	vst v63  }
0xb1: {  	s28 =	rddreg [dreg:$0xb];
	s16 =	sadd.s32 $0x0, s23  }
0xb2: {  	[tilespmem:s0], [sflag:$0x6] =	stream.linear.gather [hbm4b:s16+s3], $0x50, $0x38;
	[tilespmem:$0x1F400] =	vst v63  }
0xb3: {  	s5 =	sadd.s32 $0x0, s28  }
0xb4: {  	[tilespmem:s8], [sflag:$0xA] =	stream.linear.gather [hbm4b:s5+s3], $0x50, $0x38;
	[tilespmem:$0x1F400] =	vst v63  }
0xb5: {  	_ =	swait.ge [sflag:s24], $0x2800  }
0xb6: {  	[sflag:s24] =	ssyncset.done $0x0  }
0xb7: {  	[sflag:s24] =	ssyncadd.s32 $0xFFFFD800  }
0xb8: {  	_ =	swait.ge [sflag:s18], $0x50  }
0xb9: {  	[sflag:s18] =	ssyncset.done $0x0  }
0xba: {  	[sflag:s18] =	ssyncadd.s32 $0xFFFFFFB0  }
0xbb: {  	[spmem:s2] =	stream.indirect.scatter.add.f32 [tilespmem:s15], [sflag:$0xB], $0x80, s7, s10, $0xb8;
	[tilespmem:$0x1F400] =	vst v63  }
0xbc: {  	_ =	swait.ge [sflag:s30], $0x2800  }
0xbd: {  	[sflag:s30] =	ssyncset.done $0x0  }
0xbe: {  	[sflag:s30] =	ssyncadd.s32 $0xFFFFD800  }
0xbf: {  	_ =	swait.ge [sflag:s12], $0x50  }
0xc0: {  	[sflag:s12] =	ssyncset.done $0x0  }
0xc1: {  	s23 =	rddreg [dreg:$0x5];
	[sflag:s12] =	ssyncadd.s32 $0xFFFFFFB0  }
0xc2: {  	[tilespmem:s13], [sflag:$0x2] =	stream.indirect.gather [hbm4b:s1+s10], $0x80, s0, s10, $0xb8;
	[tilespmem:$0x1F400] =	vst v63  }
0xc3: {  	s28 =	rddreg [dreg:$0x9];
	s16 =	sadd.s32 $0x0, s23  }
0xc4: {  	[tilespmem:s4], [sflag:$0x7] =	stream.linear.gather [hbm4b:s16+s3], $0x50, $0x38;
	[tilespmem:$0x1F400] =	vst v63  }
0xc5: {  	s5 =	sadd.s32 $0x0, s28  }
0xc6: {  	[tilespmem:s7], [sflag:$0x9] =	stream.linear.gather [hbm4b:s5+s3], $0x50, $0x38;
	[tilespmem:$0x1F400] =	vst v63  }
0xc7: {  	_ =	swait.ge [sflag:s25], $0x2800  }
0xc8: {  	[sflag:s25] =	ssyncset.done $0x0  }
0xc9: {  	[sflag:s25] =	ssyncadd.s32 $0xFFFFD800  }
0xca: {  	_ =	swait.ge [sflag:s22], $0x50  }
0xcb: {  	[sflag:s22] =	ssyncset.done $0x0  }
0xcc: {  	[sflag:s22] =	ssyncadd.s32 $0xFFFFFFB0  }
0xcd: {  	[spmem:s2] =	stream.indirect.scatter.add.f32 [tilespmem:s20], [sflag:$0xB], $0x80, s8, s10, $0xb8;
	[tilespmem:$0x1F400] =	vst v63  }
0xce: {  	_ =	swait.ge [sflag:s30], $0x2800  }
0xcf: {  	[sflag:s30] =	ssyncset.done $0x0  }
0xd0: {  	[sflag:s30] =	ssyncadd.s32 $0xFFFFD800  }
0xd1: {  	_ =	swait.ge [sflag:s14], $0x50  }
0xd2: {  	[sflag:s14] =	ssyncset.done $0x0  }
0xd3: {  	s23 =	rddreg [dreg:$0x4];
	[sflag:s14] =	ssyncadd.s32 $0xFFFFFFB0  }
0xd4: {  	[tilespmem:s15], [sflag:$0x3] =	stream.indirect.gather [hbm4b:s1+s10], $0x80, s4, s10, $0xb8;
	[tilespmem:$0x1F400] =	vst v63  }
0xd5: {  	s5 =	rddreg [dreg:$0x6];
	s16 =	sadd.s32 $0x0, s23  }
0xd6: {  	[tilespmem:s6], [sflag:$0x8] =	stream.linear.gather [hbm4b:s16+s3], $0x50, $0x38;
	[tilespmem:$0x1F400] =	vst v63  }
0xd7: {  	s28 =	simm.s32 $0x28;
	s16 =	sadd.s32 $0x0, s5  }
.LBB2_4:
0xd8: {  	[tilespmem:s8], [sflag:$0xA] =	stream.linear.gather [hbm4b:s16+s3], $0x50, $0x38;
	[tilespmem:$0x1F400] =	vst v63  }
0xd9: {  	_ =	swait.ge [sflag:s17], $0x2800  }
0xda: {  	[sflag:s17] =	ssyncset.done $0x0  }
0xdb: {  	[sflag:s17] =	ssyncadd.s32 $0xFFFFD800  }
0xdc: {  	_ =	swait.ge [sflag:s18], $0x50  }
0xdd: {  	[sflag:s18] =	ssyncset.done $0x0  }
0xde: {  	[sflag:s18] =	ssyncadd.s32 $0xFFFFFFB0  }
0xdf: {  	[spmem:s2] =	stream.indirect.scatter.add.f32 [tilespmem:s11], [sflag:$0xB], $0x80, s7, s10, $0xb8;
	[tilespmem:$0x1F400] =	vst v63  }
0xe0: {  	_ =	swait.ge [sflag:s30], $0x2800  }
0xe1: {  	[sflag:s30] =	ssyncset.done $0x0  }
0xe2: {  	[sflag:s30] =	ssyncadd.s32 $0xFFFFD800  }
0xe3: {  	_ =	swait.ge [sflag:s19], $0x50  }
0xe4: {  	[sflag:s19] =	ssyncset.done $0x0  }
0xe5: {  	s16 =	smov.u32 s28;
	s23 =	rddreg [dreg:$0xa];
	[sflag:s19] =	ssyncadd.s32 $0xFFFFFFB0  }
0xe6: {  	[tilespmem:s20], [sflag:$0x4] =	stream.indirect.gather [hbm4b:s1+s10], $0x80, s6, s10, $0xb8;
	[tilespmem:$0x1F400] =	vst v63  }
0xe7: {  	s5 =	rddreg [dreg:$0x8];
	s23 =	sadd.s32 s16, s23  }
0xe8: {  	[tilespmem:s31], [sflag:$0x5] =	stream.linear.gather [hbm4b:s23+s3], $0x50, $0x38;
	[tilespmem:$0x1F400] =	vst v63  }
0xe9: {  	s5 =	sadd.s32 s16, s5  }
0xea: {  	[tilespmem:s7], [sflag:$0x9] =	stream.linear.gather [hbm4b:s5+s3], $0x50, $0x38;
	[tilespmem:$0x1F400] =	vst v63  }
0xeb: {  	_ =	swait.ge [sflag:s21], $0x2800  }
0xec: {  	[sflag:s21] =	ssyncset.done $0x0  }
0xed: {  	[sflag:s21] =	ssyncadd.s32 $0xFFFFD800  }
0xee: {  	_ =	swait.ge [sflag:s22], $0x50  }
0xef: {  	[sflag:s22] =	ssyncset.done $0x0  }
0xf0: {  	[sflag:s22] =	ssyncadd.s32 $0xFFFFFFB0  }
0xf1: {  	[spmem:s2] =	stream.indirect.scatter.add.f32 [tilespmem:s13], [sflag:$0xB], $0x80, s8, s10, $0xb8;
	[tilespmem:$0x1F400] =	vst v63  }
0xf2: {  	_ =	swait.ge [sflag:s30], $0x2800  }
0xf3: {  	[sflag:s30] =	ssyncset.done $0x0  }
0xf4: {  	[sflag:s30] =	ssyncadd.s32 $0xFFFFD800  }
0xf5: {  	_ =	swait.ge [sflag:s9], $0x50  }
0xf6: {  	[sflag:s9] =	ssyncset.done $0x0  }
0xf7: {  	s5 =	rddreg [dreg:$0x7];
	[sflag:s9] =	ssyncadd.s32 $0xFFFFFFB0  }
0xf8: {  	[tilespmem:s11], [sflag:$0x1] =	stream.indirect.gather [hbm4b:s1+s10], $0x80, s31, s10, $0xb8;
	[tilespmem:$0x1F400] =	vst v63  }
0xf9: {  	s23 =	rddreg [dreg:$0xb];
	s5 =	sadd.s32 s16, s5  }
0xfa: {  	[tilespmem:s0], [sflag:$0x6] =	stream.linear.gather [hbm4b:s5+s3], $0x50, $0x38;
	[tilespmem:$0x1F400] =	vst v63  }
0xfb: {  	s23 =	sadd.s32 s16, s23  }
0xfc: {  	[tilespmem:s8], [sflag:$0xA] =	stream.linear.gather [hbm4b:s23+s3], $0x50, $0x38;
	[tilespmem:$0x1F400] =	vst v63  }
0xfd: {  	_ =	swait.ge [sflag:s24], $0x2800  }
0xfe: {  	[sflag:s24] =	ssyncset.done $0x0  }
0xff: {  	[sflag:s24] =	ssyncadd.s32 $0xFFFFD800  }
0x100: {  	_ =	swait.ge [sflag:s18], $0x50  }
0x101: {  	[sflag:s18] =	ssyncset.done $0x0  }
0x102: {  	[sflag:s18] =	ssyncadd.s32 $0xFFFFFFB0  }
0x103: {  	[spmem:s2] =	stream.indirect.scatter.add.f32 [tilespmem:s15], [sflag:$0xB], $0x80, s7, s10, $0xb8;
	[tilespmem:$0x1F400] =	vst v63  }
0x104: {  	_ =	swait.ge [sflag:s30], $0x2800  }
0x105: {  	[sflag:s30] =	ssyncset.done $0x0  }
0x106: {  	[sflag:s30] =	ssyncadd.s32 $0xFFFFD800  }
0x107: {  	_ =	swait.ge [sflag:s12], $0x50  }
0x108: {  	[sflag:s12] =	ssyncset.done $0x0  }
0x109: {  	s5 =	rddreg [dreg:$0x5];
	[sflag:s12] =	ssyncadd.s32 $0xFFFFFFB0  }
0x10a: {  	[tilespmem:s13], [sflag:$0x2] =	stream.indirect.gather [hbm4b:s1+s10], $0x80, s0, s10, $0xb8;
	[tilespmem:$0x1F400] =	vst v63  }
0x10b: {  	s23 =	rddreg [dreg:$0x9];
	s5 =	sadd.s32 s16, s5  }
0x10c: {  	[tilespmem:s4], [sflag:$0x7] =	stream.linear.gather [hbm4b:s5+s3], $0x50, $0x38;
	[tilespmem:$0x1F400] =	vst v63  }
0x10d: {  	s23 =	sadd.s32 s16, s23  }
0x10e: {  	[tilespmem:s7], [sflag:$0x9] =	stream.linear.gather [hbm4b:s23+s3], $0x50, $0x38;
	[tilespmem:$0x1F400] =	vst v63  }
0x10f: {  	_ =	swait.ge [sflag:s25], $0x2800  }
0x110: {  	[sflag:s25] =	ssyncset.done $0x0  }
0x111: {  	[sflag:s25] =	ssyncadd.s32 $0xFFFFD800  }
0x112: {  	_ =	swait.ge [sflag:s22], $0x50  }
0x113: {  	[sflag:s22] =	ssyncset.done $0x0  }
0x114: {  	[sflag:s22] =	ssyncadd.s32 $0xFFFFFFB0  }
0x115: {  	[spmem:s2] =	stream.indirect.scatter.add.f32 [tilespmem:s20], [sflag:$0xB], $0x80, s8, s10, $0xb8;
	[tilespmem:$0x1F400] =	vst v63  }
0x116: {  	_ =	swait.ge [sflag:s30], $0x2800  }
0x117: {  	[sflag:s30] =	ssyncset.done $0x0  }
0x118: {  	[sflag:s30] =	ssyncadd.s32 $0xFFFFD800  }
0x119: {  	p1 =	sne.s32 s28, $0x4D8;
	_ =	swait.ge [sflag:s14], $0x50  }
.Ltmp1:
0x11a: {  	[sflag:s14] =	ssyncset.done $0x0;
	s5 =	rddreg [dreg:$0x4];
	(pc) =	sbr.rel @p1 .LBB2_4-.Ltmp1, $4  }
0x11b: {  	s23 =	rddreg [dreg:$0x6];
	[sflag:s14] =	ssyncadd.s32 $0xFFFFFFB0  }
0x11c: {  	[tilespmem:s15], [sflag:$0x3] =	stream.indirect.gather [hbm4b:s1+s10], $0x80, s4, s10, $0xb8;
	[tilespmem:$0x1F400] =	vst v63  }
0x11d: {  	s28 =	sadd.s32 $0x28, s28;
	s5 =	sadd.s32 s16, s5;
	s16 =	sadd.s32 s16, s23  }
0x11e: {  	[tilespmem:s6], [sflag:$0x8] =	stream.linear.gather [hbm4b:s5+s3], $0x50, $0x38;
	[tilespmem:$0x1F400] =	vst v63  }
0x11f: {  	[tilespmem:s8], [sflag:$0xA] =	stream.linear.gather [hbm4b:s16+s3], $0x50, $0x38;
	[tilespmem:$0x1F400] =	vst v63  }
0x120: {  	_ =	swait.ge [sflag:s17], $0x2800  }
0x121: {  	[sflag:s17] =	ssyncset.done $0x0  }
0x122: {  	[sflag:s17] =	ssyncadd.s32 $0xFFFFD800  }
0x123: {  	_ =	swait.ge [sflag:s21], $0x2800  }
0x124: {  	[sflag:s21] =	ssyncset.done $0x0  }
0x125: {  	[sflag:s21] =	ssyncadd.s32 $0xFFFFD800  }
0x126: {  	_ =	swait.ge [sflag:s24], $0x2800  }
0x127: {  	[sflag:s24] =	ssyncset.done $0x0  }
0x128: {  	[sflag:s24] =	ssyncadd.s32 $0xFFFFD800  }
0x129: {  	_ =	swait.ge [sflag:s19], $0x50  }
0x12a: {  	[sflag:s19] =	ssyncset.done $0x0  }
0x12b: {  	[sflag:s19] =	ssyncadd.s32 $0xFFFFFFB0  }
0x12c: {  	_ =	swait.ge [sflag:s18], $0x50  }
0x12d: {  	[sflag:s18] =	ssyncset.done $0x0  }
0x12e: {  	[sflag:s18] =	ssyncadd.s32 $0xFFFFFFB0  }
0x12f: {  	_ =	swait.ge [sflag:s22], $0x50  }
0x130: {  	[sflag:s22] =	ssyncset.done $0x0  }
0x131: {  	[sflag:s22] =	ssyncadd.s32 $0xFFFFFFB0  }
0x132: {  	s5 =	stileid.u32;
	[bflag:$0x0] =	sbarrier.arrive $0xFFFF  }
0x133: {  	s5 =	sshll.u32 s5, $0x6;
	s23 =	rddreg [dreg:$0xc]  }
0x134: {  	s5 =	sor.u32 $0x1C0B, s5;
	s28 =	rddreg [dreg:$0x1c];
	s16 =	sshrl.u32 s23, $0x3  }
0x135: {  	[hbm:s28], [sflag:s5] =	dma.local [spmem:s16], $0x2700  }
0x136: {  	_ =	swait.ge [sflag:s30], $0x2700  }
0x137: {  	[sflag:s30] =	ssyncset.done $0x0;
	s16 =	rddreg [dreg:$0x1e]  }
0x138: {  	s28 =	rddreg [dreg:$0x1f];
	[sflag:s30] =	ssyncadd.s32 $0xFFFFD900;
	s16 =	sshrl.u32 @!p0 s16, $0x3  }
0x139: {  	[hbm:s28], [sflag:s5] =	dma.local @!p0 [spmem:s16], $0x100  }
0x13a: {  	s5 =	simm.s32 @!p0 $0xB  }
0x13b: {  	_ =	swait.ge @!p0 [sflag:s5], $0x100  }
0x13c: {  	s28 =	sld [smem:$0x7FB];
	_ =	sdelay $0x1  }
0x13d: {  	s26 =	sadd.s32 $0x1, s26  }
0x13e: {  	p1 =	sne.s32 s26, s28  }
.Ltmp2:
0x13f: {  	_ = 	snop;
	(pc) =	sbr.rel @p1 .LBB2_1-.Ltmp2, $3  }
0x140: {  	_ =	sdelay $0x1  }
0x141: {  	[sflag:s5] =	ssyncset.done @!p0 $0x0  }
0x142: {  	[sflag:s5] =	ssyncadd.s32 @!p0 $0xFFFFFF00  }
0x143: {  	_ =	sfence.sel $0x180000  }
0x144: {  	[bflag:$0x0] =	sbarrier.arrive $0xFFFF  }
0x145: {  	_ =	strace $0x9000004A  }
0x146: {  	s0 =	stileid.u32;
	[bflag:$0x2] =	sbarrier.arrive $0xFFFF  }
0x147: {  	p0 =	sne.s32 s0, $0x0;
	s0 =	rddreg [dreg:$0x3]  }
0x148: {  	s0 =	sadd.s32 @!p0 $0x100000, s0  }
0x149: {  	[sflag:s0] =	ssyncadd.tile.s32 @!p0 $0x1;
	_ =	shalt  }
.Lfunc_end2:
_tile_overlayer_lowered:
.L_overlay_start_2:
0x14a: {  	(tag) =	ssettag $0x2  }
0x14b: {  	s0 =	rddreg [dreg:$0x0];
	s2 =	stileid.u32  }
0x14c: {  	s1 =	rddreg [dreg:$0x1];
	p0 =	sne.s32 s2, $0x0  }
0x14d: {  	s3 =	rddreg [dreg:$0x2];
	[bflag:$0x3] =	sbarrier.arrive $0xFFFF;
	s2 =	simm.s32 @!p0 $0x1C0B  }
0x14e: {  	[timem:s3], [sflag:s2] =	dma.local @!p0 [hbm:s0], s1  }
0x14f: {  	s0 =	simm.s32 @!p0 $0xB  }
0x150: {  	_ =	swait.ge @!p0 [sflag:s0], s1  }
0x151: {  	s1 =	ssub.s32 @!p0 $0x0, s1;
	[sflag:s0] =	ssyncset.done @!p0 $0x0  }
0x152: {  	[sflag:s0] =	ssyncadd.s32 @!p0 s1  }
0x153: {  	[bflag:$0x3] =	sbarrier.arrive $0xFFFF  }
0x154: {  	_ =	shalt  }

// kernel: kernel.14.cloned.1.call-start
scs
__scs_entry_jumppad:
0x0: {  	(pc) =	sbr.rel $0x88, $3  }
0x1: {  	(tag) =	ssettag $0x0;
	lr =	simm.s32 $0x1  }
0x2: {  	[smem:$0x3F9B] =	sst lr;
	_ =	strace $0xD0000000  }
0x3: {  	_ = 	snop  }
0x4: {  	_ = 	snop  }
0x5: {  	_ = 	snop  }
0x6: {  	_ = 	snop  }
0x7: {  	_ = 	snop  }
__scs_overlays_trampoline_lowered:
0x8: {  	[smem:$0x3FAA] =	sst s0  }
0x9: {  	[smem:$0x3FAB] =	sst s1  }
0xa: {  	[smem:$0x3FAC] =	sst s2  }
0xb: {  	[smem:$0x3FAD] =	sst s3  }
0xc: {  	[smem:$0x3FAE] =	sst s4  }
0xd: {  	[smem:$0x3FAF] =	sst s5  }
0xe: {  	[smem:$0x3FB0] =	sst s6  }
0xf: {  	[smem:$0x3FB1] =	sst s7  }
0x10: {  	[smem:$0x3FB2] =	sst s8  }
0x11: {  	[smem:$0x3FB3] =	sst s9;
	s0 =	simm.s32 @!p0 $0x0  }
0x12: {  	s1 =	sld [smem:$0x3F99];
	s0 =	simm.s32 @p0 $0x1  }
0x13: {  	[smem:$0x3FB4] =	sst s0;
	s0 =	simm.s32 @!p1 $0x0  }
0x14: {  	s2 =	sld [smem:$0x3F98];
	s0 =	simm.s32 @p1 $0x1  }
0x15: {  	[smem:$0x3FB5] =	sst s0;
	s0 =	simm.s32 @!p2 $0x0  }
0x16: {  	s3 =	sld [smem:$0x3FDB];
	s0 =	simm.s32 @p2 $0x1  }
0x17: {  	s4 =	simm.s32 $0x1BF5;
	[smem:$0x3FB7] =	sst s0  }
0x18: {  	s0 =	sld [smem:$0x3F9A];
	_ =	swait.ge [sflag:s4], $0x0  }
0x19: {  	s7 =	sld [smem:$0x3F9B]  }
0x1a: {  	s8 =	sadd.s32 $0xFFFFE003, lr  }
0x1b: {  	s9 =	sadd.s32 $0xFFFFFEF7, lr;
	s5 =	simm.s32 $0xFFFFFFFF;
	p2 =	slt.u32 s8, $0xFFFFF086  }
0x1c: {  	p1 =	slt.u32 s9, $0xF7A;
	s5 =	simm.s32 @!p2 $0x0  }
0x1d: {  	s5 =	simm.s32 @p1 $0x1;
	p0 =	seq.s32 s7, s2  }
0x1e: {  	s7 =	smul.u32 @!p0 $0xF7A, s2;
	p2 =	seq.s32 @!p0 s5, $0x0  }
0x1f: {  	s9 =	smul.u32 $0xF7A, s1;
	s8 =	simm.s32 @!p0 $0x1BF5;
	p2 =	por !p2, p0  }
0x20: {  	[sflag:s8] =	ssyncset.s32 @!p0 $0xFFFFF086;
	s6 =	sadd.s32 @!p0 s3, s7;
	s7 =	simm.s32 @!p0 $0x108  }
0x21: {  	s3 =	sadd.s32 s3, s9;
	s6 =	sadd.s32 @!p0 $0x88, s6;
	s7 =	simm.s32 @p2 $0x1082  }
0x22: {  	[simem:s7], [sflag:s8] =	dma.local @!p0 [hbm:s6], $0xF7A  }
0x23: {  	s9 =	sor.u32 $0xD0000000, s2;
	s6 =	simm.s32 $0x108;
	_ =	swait.ge @!p0 [sflag:s8], $0x0  }
0x24: {  	s3 =	sadd.s32 $0x88, s3;
	s6 =	simm.s32 @!p1 $0x1082;
	[sflag:s4] =	ssyncset.s32 $0xFFFFF086  }
0x25: {  	[simem:s6], [sflag:s4] =	dma.local [hbm:s3], $0xF7A  }
0x26: {  	[smem:$0x3F9B] =	sst s1;
	(tag) =	ssettag s2;
	_ =	strace s9  }
0x27: {  	s1 =	sld [smem:$0x3FAB]  }
0x28: {  	s2 =	sld [smem:$0x3FAC]  }
0x29: {  	s4 =	sld [smem:$0x3FAE]  }
0x2a: {  	p0 =	seq.s32 s5, $0x0;
	s5 =	sld [smem:$0x3FAF]  }
0x2b: {  	s6 =	sld [smem:$0x3FB0]  }
0x2c: {  	s7 =	sld [smem:$0x3FB1]  }
0x2d: {  	s3 =	simm.s32 $0x108;
	s8 =	sld [smem:$0x3FB2]  }
0x2e: {  	s3 =	simm.s32 @!p0 $0x1082;
	s9 =	sld [smem:$0x3FB3]  }
0x2f: {  	lr =	sadd.s32 s0, s3;
	s0 =	sld [smem:$0x3FAA]  }
0x30: {  	s3 =	sld [smem:$0x3FAD]  }
0x31: {  	[smem:$0x3FB6] =	sst s10  }
0x32: {  	s10 =	sld [smem:$0x3FB4];
	_ =	sdelay $0x3  }
0x33: {  	p0 =	seq.s32 s10, $0x1;
	s10 =	sld [smem:$0x3FB6];
	_ =	sdelay $0x3  }
0x34: {  	[smem:$0x3FB6] =	sst s10  }
0x35: {  	s10 =	sld [smem:$0x3FB5];
	_ =	sdelay $0x3  }
0x36: {  	p1 =	seq.s32 s10, $0x1;
	s10 =	sld [smem:$0x3FB6];
	_ =	sdelay $0x3  }
0x37: {  	[smem:$0x3FB6] =	sst s10  }
0x38: {  	s10 =	sld [smem:$0x3FB7]  }
0x39: {  	_ = 	snop;
	(pc) =	sbr.ind lr, $3  }
0x3a: {  	_ = 	snop  }
0x3b: {  	_ = 	snop  }
0x3c: {  	p2 =	seq.s32 s10, $0x1;
	s10 =	sld [smem:$0x3FB6]  }
0x3d: {  	_ =	shalt  }
0x3e: {  	_ =	shalt  }
0x3f: {  	_ =	shalt  }
0x40: {  	_ =	shalt  }
0x41: {  	_ =	shalt  }
0x42: {  	_ =	shalt  }
0x43: {  	_ =	shalt  }
0x44: {  	_ =	shalt  }
0x45: {  	_ =	shalt  }
0x46: {  	_ =	shalt  }
0x47: {  	_ =	shalt  }
0x48: {  	_ =	shalt  }
0x49: {  	_ =	shalt  }
0x4a: {  	_ =	shalt  }
0x4b: {  	_ =	shalt  }
0x4c: {  	_ =	shalt  }
0x4d: {  	_ =	shalt  }
0x4e: {  	_ =	shalt  }
0x4f: {  	_ =	shalt  }
0x50: {  	_ =	shalt  }
0x51: {  	_ =	shalt  }
0x52: {  	_ =	shalt  }
0x53: {  	_ =	shalt  }
0x54: {  	_ =	shalt  }
0x55: {  	_ =	shalt  }
0x56: {  	_ =	shalt  }
0x57: {  	_ =	shalt  }
0x58: {  	_ =	shalt  }
0x59: {  	_ =	shalt  }
0x5a: {  	_ =	shalt  }
0x5b: {  	_ =	shalt  }
0x5c: {  	_ =	shalt  }
0x5d: {  	_ =	shalt  }
0x5e: {  	_ =	shalt  }
0x5f: {  	_ =	shalt  }
0x60: {  	_ =	shalt  }
0x61: {  	_ =	shalt  }
0x62: {  	_ =	shalt  }
0x63: {  	_ =	shalt  }
0x64: {  	_ =	shalt  }
0x65: {  	_ =	shalt  }
0x66: {  	_ =	shalt  }
0x67: {  	_ =	shalt  }
0x68: {  	_ =	shalt  }
0x69: {  	_ =	shalt  }
0x6a: {  	_ =	shalt  }
0x6b: {  	_ =	shalt  }
0x6c: {  	_ =	shalt  }
0x6d: {  	_ =	shalt  }
0x6e: {  	_ =	shalt  }
0x6f: {  	_ =	shalt  }
0x70: {  	_ =	shalt  }
0x71: {  	_ =	shalt  }
0x72: {  	_ =	shalt  }
0x73: {  	_ =	shalt  }
0x74: {  	_ =	shalt  }
0x75: {  	_ =	shalt  }
0x76: {  	_ =	shalt  }
0x77: {  	_ =	shalt  }
0x78: {  	_ =	shalt  }
0x79: {  	_ =	shalt  }
0x7a: {  	_ =	shalt  }
0x7b: {  	_ =	shalt  }
0x7c: {  	_ =	shalt  }
0x7d: {  	_ =	shalt  }
0x7e: {  	_ =	shalt  }
0x7f: {  	_ =	shalt  }
0x80: {  	_ =	shalt  }
0x81: {  	_ =	shalt  }
0x82: {  	_ =	shalt  }
0x83: {  	_ =	shalt  }
0x84: {  	_ =	shalt  }
0x85: {  	_ =	shalt  }
0x86: {  	_ =	shalt  }
0x87: {  	_ =	shalt  }
.Lfunc_end0:
.L_simem_size_0:
called_computation.2_lowered:
.L_overlay_start_0:
0x88: {  	s2 =	sld [smem:$0x3FD9]  }
0x89: {  	s3 =	sld [smem:$0x3FFE];
	_ =	sdelay $0x1  }
0x8a: {  	s1 =	srdreg.scid  }
0x8b: {  	s0 =	sand.u32 $0x1, s1  }
0x8c: {  	s17 =	sshll.u32 s0, $0xA;
	s2 =	sadd.s32 s3, s2  }
0x8d: {  	s2 =	sadd.s32 s2, s17  }
0x8e: {  	[smem:$0x3FC2] =	sst s2  }
0x8f: {  	_ = 	snop  }
0x90: {  	s2 =	sld [smem:$0x3FD0];
	(tm) =	ssettm $0x1  }
0x91: {  	s18 =	sld [smem:$0x3FFB];
	_ =	sdelay $0x3  }
0x92: {  	_ =	strace s18  }
0x93: {  	s3 =	sld [smem:$0x3FFC];
	_ =	sdelay $0x3  }
0x94: {  	_ =	strace s3  }
0x95: {  	s3 =	sld [smem:$0x3FFD];
	_ =	sdelay $0x3  }
0x96: {  	_ =	strace s3  }
0x97: {  	_ =	strace $0x8FFFFFFF  }
0x98: {  	s19 =	sld [smem:$0x3FDB];
	_ =	sdelay $0x1  }
0x99: {  	s4 =	simm.s32 $_scs_section_size  }
0x9a: {  	s5 =	simm.s32 $_size__tile_overlayer_lowered;
	s6 =	simm.s32 $_tile_overlayer_lowered  }
0x9b: {  	s22 =	simm.s32 $0x1BFF;
	s21 =	sshll.u32 s6, $0x1;
	s3 =	sadd.s32 s4, s19  }
0x9c: {  	s7 =	simm.s32 $0x0;
	s20 =	sshll.u32 s5, $0x1;
	s5 =	sadd.s32 s21, s3  }
0x9d: {  	[timem:s7], [sflag:s22] =	dma.local [hbm:s5], s20  }
0x9e: {  	_ =	swait.ge [sflag:s22], s20  }
0x9f: {  	s4 =	ssub.s32 $0x0, s20;
	[sflag:s22] =	ssyncset.done $0x0  }
0xa0: {  	[sflag:s22] =	ssyncadd.s32 s4;
	_ =	sdelay $0x1  }
0xa1: {  	s23 =	simm.s32 $0x1B8B  }
0xa2: {  	_ =	swait.ge [sflag:s23], $0x1  }
0xa3: {  	[sflag:s23] =	ssyncset.done $0x0  }
0xa4: {  	s25 =	simm.s32 $0x1B8E;
	s24 =	sld [smem:$0x3FFE];
	[sflag:s23] =	ssyncadd.s32 $0xFFFFFFFF  }
0xa5: {  	s26 =	simm.s32 $execute0_lowered;
	[smem:$0x3FD2] =	sst s25  }
0xa6: {  	s5 =	sshll.u32 s26, $0x1;
	_ =	strace $0x8000004C;
	[dreg:$0x1] =	wrdreg $0xFFFFFFFF  }
0xa7: {  	s28 =	simm.s32 $_size_execute0_lowered;
	s3 =	sadd.s32 s3, s5;
	[dreg:$0x0] =	wrdreg $0x0  }
0xa8: {  	s5 =	sshll.u32 s28, $0x1;
	[dreg:$0x2] =	wrdreg s3  }
0xa9: {  	[dreg:$0x3] =	wrdreg s5  }
0xaa: {  	[dreg:$0x4] =	wrdreg $0xC0  }
0xab: {  	_ =	task [dreg:s7], $0x5FFFF  }
0xac: {  	[dreg:$0x1] =	wrdreg $0xFFFFFFFF  }
0xad: {  	[dreg:$0x0] =	wrdreg $0x60  }
0xae: {  	[dreg:$0x2] =	wrdreg s2  }
0xaf: {  	[dreg:$0x3] =	wrdreg s24  }
0xb0: {  	[dreg:$0x4] =	wrdreg $0x0  }
0xb1: {  	[dreg:$0x5] =	wrdreg $0x9  }
0xb2: {  	_ =	task.clear_ibuf [dreg:s7], $0x6FFFF;
	_ =	strace $0x9000004C  }
0xb3: {  	s29 =	simm.s32 $0x9;
	_ =	strace $0x8000004E  }
0xb4: {  	_ =	swait.ge [sflag:s29], $0x1  }
0xb5: {  	[sflag:s29] =	ssyncadd.s32 $0xFFFFFFFF  }
0xb6: {  	_ =	strace $0x9000004E  }
0xb7: {  	_ =	sfence  }
0xb8: {  	s30 =	sld [smem:$0x0];
	_ =	sdelay $0x2  }
0xb9: {  	s31 =	sshll.u32 s1, $0xD;
	s1 =	sshrl.u32 s1, $0x2  }
0xba: {  	s3 =	sand.u32 $0x4000, s31;
	s1 =	sadd.s32 s1, s30  }
0xbb: {  	s0 =	sor.u32 s3, s0;
	s1 =	sshll.u32 s1, $0x11  }
0xbc: {  	s0 =	sor.u32 s1, s0  }
0xbd: {  	s0 =	sadd.s32 $0x8F2B, s0  }
0xbe: {  	[sflag:s0] =	ssyncadd.remote.s32 $0x1  }
0xbf: {  	_ =	sfence.sel $0xFFFF  }
0xc0: {  	[dreg:$0x0] =	wrdreg $0xFFFFFFFF;
	(pc) =	sbr.abs _section_cstart, $3  }
0xc1: {  	[dreg:$0x1] =	wrdreg $0xFFFFFFFF  }
0xc2: {  	_ =	task.clear_ibuf [dreg:s7], $0x2FFFF;
	_ =	strace $0x9FFFFFFF  }
0xc3: {  	(tm) =	ssettm $0x7FFFFFFF  }
tec
execute0_lowered:
.L_overlay_start_1:
0x0: {  	(tag) =	ssettag $0x1  }
0x1: {  	s1 =	rddreg [dreg:$0x0]  }
0x2: {  	s0 =	rddreg [dreg:$0x1]  }
0x3: {  	s2 =	rddreg [dreg:$0x2];
	s3 =	simm.s32 $0x0  }
0x4: {  	s4 =	srdreg.scid;
	s15 =	stileid.u32;
	s29 =	simm.s32 $0x1DC00  }
0x5: {  	s30 =	simm.s32 $0xB;
	s31 =	simm.s32 $0x13900;
	[smem:$0x7FF] =	sst s3  }
0x6: {  	s4 =	sand.u32 $0x1, s4;
	s6 =	sadd.s32 $0x5AA00, s0;
	s8 =	smul.u32 $0x4E000, s15  }
0x7: {  	s7 =	sadd.s32 $0x2600, s0;
	s0 =	sadd.s32 $0xC800, s0;
	s21 =	smul.u32 $0x2800, s15  }
0x8: {  	s12 =	smul.u32 $0x2700, s15;
	p0 =	sne.s32 s15, $0xF;
	_ =	strace $0x8000004D  }
0x9: {  	s5 =	sshll.u32 s4, $0x4;
	s9 =	ssub.s32 $0x2, s4;
	s8 =	sshrl.u32 s8, $0x2  }
0xa: {  	s11 =	smul.u32 $0x28000, s4;
	s5 =	sor.u32 s15, s5;
	s23 =	sadd.s32 s8, s2  }
0xb: {  	s20 =	sshrl.u32 s9, $0x1;
	s22 =	sadd.s32 $0x1800, s23;
	[dreg:$0xc] =	wrdreg s23  }
0xc: {  	s15 =	simm.s32 $0x18C00;
	s24 =	sadd.s32 $0x3000, s23;
	[dreg:$0xd] =	wrdreg s22  }
0xd: {  	s10 =	smul.u32 $0x2800, s5;
	s25 =	sadd.s32 $0x4800, s23;
	[dreg:$0xe] =	wrdreg s24  }
0xe: {  	s9 =	ssub.s32 s9, s20;
	s26 =	sadd.s32 $0x6000, s23;
	[dreg:$0xf] =	wrdreg s25  }
0xf: {  	s8 =	sadd.s32 s21, s11;
	s28 =	sadd.s32 $0x7800, s23;
	[dreg:$0x10] =	wrdreg s26  }
0x10: {  	s11 =	sadd.s32 $0x9000, s23;
	s13 =	sadd.s32 $0xA800, s23;
	[dreg:$0x11] =	wrdreg s28  }
0x11: {  	s14 =	sadd.s32 $0xC000, s23;
	s17 =	sor.u32 $0x190, s8;
	[dreg:$0x12] =	wrdreg s11  }
0x12: {  	s18 =	sadd.s32 $0xD800, s23;
	s21 =	sor.u32 $0xA0, s8;
	[dreg:$0x13] =	wrdreg s13  }
0x13: {  	s11 =	sor.u32 $0x230, s8;
	[dreg:$0x14] =	wrdreg s14;
	s13 =	smul.u32 $0x27100, s4  }
0x14: {  	s14 =	sor.u32 $0x1E0, s8;
	[dreg:$0x15] =	wrdreg s18;
	s22 =	sshrl.u32 s21, $0x3  }
0x15: {  	s24 =	sor.u32 $0x140, s8;
	s25 =	sadd.s32 $0xF000, s23;
	s10 =	sshrl.u32 s10, $0x3  }
0x16: {  	s8 =	sor.u32 $0xF0, s8;
	s4 =	smul.u32 $0x138800, s4;
	s11 =	sshrl.u32 s11, $0x3  }
0x17: {  	s16 =	sshrl.u32 s14, $0x3;
	[dreg:$0x16] =	wrdreg s25;
	s18 =	sadd.s32 s7, s10  }
0x18: {  	s14 =	sshrl.u32 s17, $0x3;
	s25 =	smax.u32 s9, $0x1;
	[dreg:$0x19] =	wrdreg s18  }
0x19: {  	s28 =	sadd.s32 s6, s10;
	s17 =	sshrl.u32 s8, $0x3;
	[smem:$0x7FB] =	sst s25  }
0x1a: {  	s8 =	simm.s32 $0x13B80;
	s11 =	sadd.s32 s11, s6;
	[dreg:$0x17] =	wrdreg s28  }
0x1b: {  	s9 =	simm.s32 $0x5;
	s19 =	sadd.s32 s14, s7;
	[dreg:$0x4] =	wrdreg s11  }
0x1c: {  	s12 =	sadd.s32 s12, s13;
	s20 =	sadd.s32 s14, s6;
	[dreg:$0x6] =	wrdreg s19  }
0x1d: {  	s13 =	sshrl.u32 s24, $0x3;
	s24 =	sadd.s32 $0x138000, s2;
	[dreg:$0x7] =	wrdreg s20  }
0x1e: {  	s4 =	sshrl.u32 s4, $0x3;
	s11 =	sadd.s32 s16, s6;
	[dreg:$0x1e] =	wrdreg s24  }
0x1f: {  	s18 =	simm.s32 $0x9;
	s26 =	sadd.s32 s13, s7;
	[dreg:$0x5] =	wrdreg s11  }
0x20: {  	s25 =	simm.s32 $0x4;
	s14 =	sadd.s32 s13, s6;
	[dreg:$0x9] =	wrdreg s26  }
0x21: {  	s16 =	sor.u32 $0xA, s10;
	s20 =	sadd.s32 $0x10800, s23;
	[dreg:$0xa] =	wrdreg s14  }
0x22: {  	s21 =	sadd.s32 s0, s12;
	s0 =	sadd.s32 s0, s4;
	[dreg:$0x1b] =	wrdreg s20  }
0x23: {  	s4 =	simm.s32 $0x13A00;
	s11 =	sadd.s32 s22, s7;
	[dreg:$0x1c] =	wrdreg s21  }
0x24: {  	s10 =	simm.s32 $0x50;
	s6 =	sadd.s32 s6, s16;
	[dreg:$0x8] =	wrdreg s11  }
0x25: {  	s12 =	simm.s32 $0x6;
	s19 =	sadd.s32 s7, s16;
	[dreg:$0x18] =	wrdreg s6  }
0x26: {  	s13 =	simm.s32 $0x16400;
	s22 =	sadd.s32 $0x12000, s23;
	[dreg:$0x1a] =	wrdreg s19  }
0x27: {  	s24 =	simm.s32 $0x3;
	s0 =	sadd.s32 $0x27000, s0;
	[dreg:$0x1d] =	wrdreg s22  }
0x28: {  	s26 =	sadd.s32 $0x14, s28;
	s28 =	sadd.s32 $0x1E, s28;
	[dreg:$0x1f] =	wrdreg s0  }
0x29: {  	s14 =	simm.s32 $0x7;
	s20 =	simm.s32 $0x1B400;
	[smem:$0x7FC] =	sst s26  }
0x2a: {  	s21 =	simm.s32 $0x2;
	s6 =	sadd.s32 s17, s7;
	[smem:$0x7FD] =	sst s28  }
0x2b: {  	s0 =	simm.s32 $0x13980;
	s7 =	simm.s32 $0x13B00;
	s11 =	simm.s32 $0x13C00  }
0x2c: {  	s17 =	simm.s32 $0x1;
	s19 =	simm.s32 $0x8;
	s22 =	simm.s32 $0xA  }
0x2d: {  	v0 =	vimm.f32 $0.0e+00;
	s26 =	simm.s32 $0x0;
	[dreg:$0xb] =	wrdreg s6;
	s6 =	simm.s32 $0x13A80  }
.LBB2_1:
0x2e: {  	s16 =	simm.s32 $0x0;
	s28 =	simm.s32 $0x200  }
.LBB2_2:
0x2f: {  	p1 =	sne.s32 s28, $0x5E00;
	[tilespmem:s16+$0x1DC70] =	vst v0  }
0x30: {  	[tilespmem:s16+$0x1DC00] =	vst v0  }
0x31: {  	[tilespmem:s16+$0x1DC10] =	vst v0  }
.Ltmp0:
0x32: {  	[tilespmem:s16+$0x1DC20] =	vst v0;
	(pc) =	sbr.rel @p1 .LBB2_2-.Ltmp0, $4  }
0x33: {  	[tilespmem:s16+$0x1DC30] =	vst v0  }
0x34: {  	[tilespmem:s16+$0x1DC40] =	vst v0  }
0x35: {  	[tilespmem:s16+$0x1DC50] =	vst v0  }
0x36: {  	[tilespmem:s16+$0x1DC60] =	vst v0;
	s16 =	sshra.s32 s28, $0x2;
	s28 =	sadd.s32 $0x200, s28  }
0x37: {  	[tilespmem:s16+$0x1DC70] =	vst v0  }
0x38: {  	[tilespmem:s16+$0x1DC00] =	vst v0  }
0x39: {  	[tilespmem:s16+$0x1DC10] =	vst v0  }
0x3a: {  	[tilespmem:s16+$0x1DC20] =	vst v0  }
0x3b: {  	[tilespmem:s16+$0x1DC30] =	vst v0  }
0x3c: {  	[tilespmem:s16+$0x1DC40] =	vst v0  }
0x3d: {  	[tilespmem:s16+$0x1DC50] =	vst v0  }
0x3e: {  	[tilespmem:s16+$0x1DC60] =	vst v0  }
0x3f: {  	[spmem:s23] =	stream.linear.scatter [tilespmem:s29], [sflag:$0xB], $0x1800, $0x38;
	[tilespmem:$0x1F400] =	vst v63  }
0x40: {  	_ =	swait.ge [sflag:s30], $0x1800  }
0x41: {  	[sflag:s30] =	ssyncset.done $0x0  }
0x42: {  	s5 =	rddreg [dreg:$0xd];
	[sflag:s30] =	ssyncadd.s32 $0xFFFFE800  }
0x43: {  	[spmem:s5] =	stream.linear.scatter [tilespmem:s29], [sflag:$0xB], $0x1800, $0x38;
	[tilespmem:$0x1F400] =	vst v63  }
0x44: {  	_ =	swait.ge [sflag:s30], $0x1800  }
0x45: {  	[sflag:s30] =	ssyncset.done $0x0  }
0x46: {  	s16 =	rddreg [dreg:$0xe];
	[sflag:s30] =	ssyncadd.s32 $0xFFFFE800  }
0x47: {  	[spmem:s16] =	stream.linear.scatter [tilespmem:s29], [sflag:$0xB], $0x1800, $0x38;
	[tilespmem:$0x1F400] =	vst v63  }
0x48: {  	_ =	swait.ge [sflag:s30], $0x1800  }
0x49: {  	[sflag:s30] =	ssyncset.done $0x0  }
0x4a: {  	s23 =	rddreg [dreg:$0xf];
	[sflag:s30] =	ssyncadd.s32 $0xFFFFE800  }
0x4b: {  	[spmem:s23] =	stream.linear.scatter [tilespmem:s29], [sflag:$0xB], $0x1800, $0x38;
	[tilespmem:$0x1F400] =	vst v63  }
0x4c: {  	_ =	swait.ge [sflag:s30], $0x1800  }
0x4d: {  	[sflag:s30] =	ssyncset.done $0x0  }
0x4e: {  	s16 =	rddreg [dreg:$0x10];
	[sflag:s30] =	ssyncadd.s32 $0xFFFFE800  }
0x4f: {  	[spmem:s16] =	stream.linear.scatter [tilespmem:s29], [sflag:$0xB], $0x1800, $0x38;
	[tilespmem:$0x1F400] =	vst v63  }
0x50: {  	_ =	swait.ge [sflag:s30], $0x1800  }
0x51: {  	[sflag:s30] =	ssyncset.done $0x0  }
0x52: {  	s23 =	rddreg [dreg:$0x11];
	[sflag:s30] =	ssyncadd.s32 $0xFFFFE800  }
0x53: {  	[spmem:s23] =	stream.linear.scatter [tilespmem:s29], [sflag:$0xB], $0x1800, $0x38;
	[tilespmem:$0x1F400] =	vst v63  }
0x54: {  	_ =	swait.ge [sflag:s30], $0x1800  }
0x55: {  	[sflag:s30] =	ssyncset.done $0x0  }
0x56: {  	s16 =	rddreg [dreg:$0x12];
	[sflag:s30] =	ssyncadd.s32 $0xFFFFE800  }
0x57: {  	[spmem:s16] =	stream.linear.scatter [tilespmem:s29], [sflag:$0xB], $0x1800, $0x38;
	[tilespmem:$0x1F400] =	vst v63  }
0x58: {  	_ =	swait.ge [sflag:s30], $0x1800  }
0x59: {  	[sflag:s30] =	ssyncset.done $0x0  }
0x5a: {  	s23 =	rddreg [dreg:$0x13];
	[sflag:s30] =	ssyncadd.s32 $0xFFFFE800  }
0x5b: {  	[spmem:s23] =	stream.linear.scatter [tilespmem:s29], [sflag:$0xB], $0x1800, $0x38;
	[tilespmem:$0x1F400] =	vst v63  }
0x5c: {  	_ =	swait.ge [sflag:s30], $0x1800  }
0x5d: {  	[sflag:s30] =	ssyncset.done $0x0  }
0x5e: {  	s16 =	rddreg [dreg:$0x14];
	[sflag:s30] =	ssyncadd.s32 $0xFFFFE800  }
0x5f: {  	[spmem:s16] =	stream.linear.scatter [tilespmem:s29], [sflag:$0xB], $0x1800, $0x38;
	[tilespmem:$0x1F400] =	vst v63  }
0x60: {  	_ =	swait.ge [sflag:s30], $0x1800  }
0x61: {  	[sflag:s30] =	ssyncset.done $0x0  }
0x62: {  	s23 =	rddreg [dreg:$0x15];
	[sflag:s30] =	ssyncadd.s32 $0xFFFFE800  }
0x63: {  	[spmem:s23] =	stream.linear.scatter [tilespmem:s29], [sflag:$0xB], $0x1800, $0x38;
	[tilespmem:$0x1F400] =	vst v63  }
0x64: {  	_ =	swait.ge [sflag:s30], $0x1800  }
0x65: {  	[sflag:s30] =	ssyncset.done $0x0  }
0x66: {  	s16 =	rddreg [dreg:$0x16];
	[sflag:s30] =	ssyncadd.s32 $0xFFFFE800  }
0x67: {  	[spmem:s16] =	stream.linear.scatter [tilespmem:s29], [sflag:$0xB], $0x1800, $0x38;
	[tilespmem:$0x1F400] =	vst v63  }
0x68: {  	_ =	swait.ge [sflag:s30], $0x1800  }
0x69: {  	[sflag:s30] =	ssyncset.done $0x0  }
0x6a: {  	s23 =	rddreg [dreg:$0x1b];
	[sflag:s30] =	ssyncadd.s32 $0xFFFFE800  }
0x6b: {  	[spmem:s23] =	stream.linear.scatter [tilespmem:s29], [sflag:$0xB], $0x1800, $0x38;
	[tilespmem:$0x1F400] =	vst v63  }
0x6c: {  	_ =	swait.ge [sflag:s30], $0x1800  }
0x6d: {  	[sflag:s30] =	ssyncset.done $0x0  }
0x6e: {  	s16 =	rddreg [dreg:$0x1d];
	[sflag:s30] =	ssyncadd.s32 $0xFFFFE800  }
0x6f: {  	[spmem:s16] =	stream.linear.scatter [tilespmem:s29], [sflag:$0xB], $0x1800, $0x38;
	[tilespmem:$0x1F400] =	vst v63  }
0x70: {  	_ =	swait.ge [sflag:s30], $0x1800  }
0x71: {  	[sflag:s30] =	ssyncset.done $0x0  }
0x72: {  	s16 =	simm.s32 @!p0 $0x1DC00;
	s5 =	rddreg [dreg:$0x1e];
	[sflag:s30] =	ssyncadd.s32 $0xFFFFE800  }
0x73: {  	[spmem:s5] =	stream.linear.scatter @!p0 [tilespmem:s16], [sflag:$0xB], $0x1000, $0x38;
	[tilespmem:$0x1F400] =	vst v63  }
0x74: {  	s16 =	simm.s32 @!p0 $0xB  }
0x75: {  	_ =	swait.ge @!p0 [sflag:s16], $0x1000  }
0x76: {  	[sflag:s16] =	ssyncset.done @!p0 $0x0  }
0x77: {  	[sflag:s16] =	ssyncadd.s32 @!p0 $0xFFFFF000  }
0x78: {  	[bflag:$0x0] =	sbarrier.arrive $0xFFFF  }
0x79: {  	s16 =	simm.s32 $0x0;
	s23 =	rddreg [dreg:$0x17]  }
0x7a: {  	[tilespmem:s31], [sflag:$0x5] =	stream.linear.gather [hbm4b:s23+s16], $0x50, $0x38;
	[tilespmem:$0x1F400] =	vst v63  }
0x7b: {  	s23 =	rddreg [dreg:$0x18]  }
0x7c: {  	[tilespmem:s0], [sflag:$0x6] =	stream.linear.gather [hbm4b:s23+s16], $0x50, $0x38;
	[tilespmem:$0x1F400] =	vst v63  }
0x7d: {  	s23 =	sld [smem:$0x7FC];
	_ =	sdelay $0x2  }
0x7e: {  	[tilespmem:s4], [sflag:$0x7] =	stream.linear.gather [hbm4b:s23+s16], $0x50, $0x38;
	[tilespmem:$0x1F400] =	vst v63  }
0x7f: {  	s23 =	sld [smem:$0x7FD];
	_ =	sdelay $0x2  }
0x80: {  	[tilespmem:s6], [sflag:$0x8] =	stream.linear.gather [hbm4b:s23+s16], $0x50, $0x38;
	[tilespmem:$0x1F400] =	vst v63  }
0x81: {  	s23 =	rddreg [dreg:$0x19]  }
0x82: {  	[tilespmem:s7], [sflag:$0x9] =	stream.linear.gather [hbm4b:s23+s16], $0x50, $0x38;
	[tilespmem:$0x1F400] =	vst v63  }
0x83: {  	s23 =	rddreg [dreg:$0x1a]  }
0x84: {  	[tilespmem:s8], [sflag:$0xA] =	stream.linear.gather [hbm4b:s23+s16], $0x50, $0x38;
	[tilespmem:$0x1F400] =	vst v63  }
0x85: {  	_ =	swait.ge [sflag:s9], $0x50  }
0x86: {  	[sflag:s9] =	ssyncset.done $0x0  }
0x87: {  	[sflag:s9] =	ssyncadd.s32 $0xFFFFFFB0  }
0x88: {  	[tilespmem:s11], [sflag:$0x1] =	stream.indirect.gather [hbm4b:s1+s10], $0x80, s31, s10, $0xb8;
	[tilespmem:$0x1F400] =	vst v63  }
0x89: {  	_ =	swait.ge [sflag:s12], $0x50  }
0x8a: {  	[sflag:s12] =	ssyncset.done $0x0  }
0x8b: {  	[sflag:s12] =	ssyncadd.s32 $0xFFFFFFB0  }
0x8c: {  	[tilespmem:s13], [sflag:$0x2] =	stream.indirect.gather [hbm4b:s1+s10], $0x80, s0, s10, $0xb8;
	[tilespmem:$0x1F400] =	vst v63  }
0x8d: {  	_ =	swait.ge [sflag:s14], $0x50  }
0x8e: {  	[sflag:s14] =	ssyncset.done $0x0  }
0x8f: {  	[sflag:s14] =	ssyncadd.s32 $0xFFFFFFB0  }
0x90: {  	[tilespmem:s15], [sflag:$0x3] =	stream.indirect.gather [hbm4b:s1+s10], $0x80, s4, s10, $0xb8;
	[tilespmem:$0x1F400] =	vst v63  }
0x91: {  	_ =	swait.ge [sflag:s17], $0x2800  }
0x92: {  	[sflag:s17] =	ssyncset.done $0x0  }
0x93: {  	[sflag:s17] =	ssyncadd.s32 $0xFFFFD800  }
0x94: {  	_ =	swait.ge [sflag:s18], $0x50  }
0x95: {  	[sflag:s18] =	ssyncset.done $0x0  }
0x96: {  	[sflag:s18] =	ssyncadd.s32 $0xFFFFFFB0  }
0x97: {  	[spmem:s2] =	stream.indirect.scatter.add.f32 [tilespmem:s11], [sflag:$0xB], $0x80, s7, s10, $0xb8;
	[tilespmem:$0x1F400] =	vst v63  }
0x98: {  	_ =	swait.ge [sflag:s30], $0x2800  }
0x99: {  	[sflag:s30] =	ssyncset.done $0x0  }
0x9a: {  	[sflag:s30] =	ssyncadd.s32 $0xFFFFD800  }
0x9b: {  	_ =	swait.ge [sflag:s19], $0x50  }
0x9c: {  	[sflag:s19] =	ssyncset.done $0x0  }
0x9d: {  	s23 =	rddreg [dreg:$0xa];
	[sflag:s19] =	ssyncadd.s32 $0xFFFFFFB0  }
0x9e: {  	[tilespmem:s20], [sflag:$0x4] =	stream.indirect.gather [hbm4b:s1+s10], $0x80, s6, s10, $0xb8;
	[tilespmem:$0x1F400] =	vst v63  }
0x9f: {  	s28 =	rddreg [dreg:$0x8];
	s16 =	sadd.s32 $0x0, s23  }
0xa0: {  	[tilespmem:s31], [sflag:$0x5] =	stream.linear.gather [hbm4b:s16+s3], $0x50, $0x38;
	[tilespmem:$0x1F400] =	vst v63  }
0xa1: {  	s5 =	sadd.s32 $0x0, s28  }
0xa2: {  	[tilespmem:s7], [sflag:$0x9] =	stream.linear.gather [hbm4b:s5+s3], $0x50, $0x38;
	[tilespmem:$0x1F400] =	vst v63  }
0xa3: {  	_ =	swait.ge [sflag:s21], $0x2800  }
0xa4: {  	[sflag:s21] =	ssyncset.done $0x0  }
0xa5: {  	[sflag:s21] =	ssyncadd.s32 $0xFFFFD800  }
0xa6: {  	_ =	swait.ge [sflag:s22], $0x50  }
0xa7: {  	[sflag:s22] =	ssyncset.done $0x0  }
0xa8: {  	[sflag:s22] =	ssyncadd.s32 $0xFFFFFFB0  }
0xa9: {  	[spmem:s2] =	stream.indirect.scatter.add.f32 [tilespmem:s13], [sflag:$0xB], $0x80, s8, s10, $0xb8;
	[tilespmem:$0x1F400] =	vst v63  }
0xaa: {  	_ =	swait.ge [sflag:s30], $0x2800  }
0xab: {  	[sflag:s30] =	ssyncset.done $0x0  }
0xac: {  	[sflag:s30] =	ssyncadd.s32 $0xFFFFD800  }
0xad: {  	_ =	swait.ge [sflag:s9], $0x50  }
0xae: {  	[sflag:s9] =	ssyncset.done $0x0  }
0xaf: {  	s23 =	rddreg [dreg:$0x7];
	[sflag:s9] =	ssyncadd.s32 $0xFFFFFFB0  }
0xb0: {  	[tilespmem:s11], [sflag:$0x1] =	stream.indirect.gather [hbm4b:s1+s10], $0x80, s31, s10, $0xb8;
	[tilespmem:$0x1F400] =	vst v63  }
0xb1: {  	s28 =	rddreg [dreg:$0xb];
	s16 =	sadd.s32 $0x0, s23  }
0xb2: {  	[tilespmem:s0], [sflag:$0x6] =	stream.linear.gather [hbm4b:s16+s3], $0x50, $0x38;
	[tilespmem:$0x1F400] =	vst v63  }
0xb3: {  	s5 =	sadd.s32 $0x0, s28  }
0xb4: {  	[tilespmem:s8], [sflag:$0xA] =	stream.linear.gather [hbm4b:s5+s3], $0x50, $0x38;
	[tilespmem:$0x1F400] =	vst v63  }
0xb5: {  	_ =	swait.ge [sflag:s24], $0x2800  }
0xb6: {  	[sflag:s24] =	ssyncset.done $0x0  }
0xb7: {  	[sflag:s24] =	ssyncadd.s32 $0xFFFFD800  }
0xb8: {  	_ =	swait.ge [sflag:s18], $0x50  }
0xb9: {  	[sflag:s18] =	ssyncset.done $0x0  }
0xba: {  	[sflag:s18] =	ssyncadd.s32 $0xFFFFFFB0  }
0xbb: {  	[spmem:s2] =	stream.indirect.scatter.add.f32 [tilespmem:s15], [sflag:$0xB], $0x80, s7, s10, $0xb8;
	[tilespmem:$0x1F400] =	vst v63  }
0xbc: {  	_ =	swait.ge [sflag:s30], $0x2800  }
0xbd: {  	[sflag:s30] =	ssyncset.done $0x0  }
0xbe: {  	[sflag:s30] =	ssyncadd.s32 $0xFFFFD800  }
0xbf: {  	_ =	swait.ge [sflag:s12], $0x50  }
0xc0: {  	[sflag:s12] =	ssyncset.done $0x0  }
0xc1: {  	s23 =	rddreg [dreg:$0x5];
	[sflag:s12] =	ssyncadd.s32 $0xFFFFFFB0  }
0xc2: {  	[tilespmem:s13], [sflag:$0x2] =	stream.indirect.gather [hbm4b:s1+s10], $0x80, s0, s10, $0xb8;
	[tilespmem:$0x1F400] =	vst v63  }
0xc3: {  	s28 =	rddreg [dreg:$0x9];
	s16 =	sadd.s32 $0x0, s23  }
0xc4: {  	[tilespmem:s4], [sflag:$0x7] =	stream.linear.gather [hbm4b:s16+s3], $0x50, $0x38;
	[tilespmem:$0x1F400] =	vst v63  }
0xc5: {  	s5 =	sadd.s32 $0x0, s28  }
0xc6: {  	[tilespmem:s7], [sflag:$0x9] =	stream.linear.gather [hbm4b:s5+s3], $0x50, $0x38;
	[tilespmem:$0x1F400] =	vst v63  }
0xc7: {  	_ =	swait.ge [sflag:s25], $0x2800  }
0xc8: {  	[sflag:s25] =	ssyncset.done $0x0  }
0xc9: {  	[sflag:s25] =	ssyncadd.s32 $0xFFFFD800  }
0xca: {  	_ =	swait.ge [sflag:s22], $0x50  }
0xcb: {  	[sflag:s22] =	ssyncset.done $0x0  }
0xcc: {  	[sflag:s22] =	ssyncadd.s32 $0xFFFFFFB0  }
0xcd: {  	[spmem:s2] =	stream.indirect.scatter.add.f32 [tilespmem:s20], [sflag:$0xB], $0x80, s8, s10, $0xb8;
	[tilespmem:$0x1F400] =	vst v63  }
0xce: {  	_ =	swait.ge [sflag:s30], $0x2800  }
0xcf: {  	[sflag:s30] =	ssyncset.done $0x0  }
0xd0: {  	[sflag:s30] =	ssyncadd.s32 $0xFFFFD800  }
0xd1: {  	_ =	swait.ge [sflag:s14], $0x50  }
0xd2: {  	[sflag:s14] =	ssyncset.done $0x0  }
0xd3: {  	s23 =	rddreg [dreg:$0x4];
	[sflag:s14] =	ssyncadd.s32 $0xFFFFFFB0  }
0xd4: {  	[tilespmem:s15], [sflag:$0x3] =	stream.indirect.gather [hbm4b:s1+s10], $0x80, s4, s10, $0xb8;
	[tilespmem:$0x1F400] =	vst v63  }
0xd5: {  	s5 =	rddreg [dreg:$0x6];
	s16 =	sadd.s32 $0x0, s23  }
0xd6: {  	[tilespmem:s6], [sflag:$0x8] =	stream.linear.gather [hbm4b:s16+s3], $0x50, $0x38;
	[tilespmem:$0x1F400] =	vst v63  }
0xd7: {  	s28 =	simm.s32 $0x28;
	s16 =	sadd.s32 $0x0, s5  }
.LBB2_4:
0xd8: {  	[tilespmem:s8], [sflag:$0xA] =	stream.linear.gather [hbm4b:s16+s3], $0x50, $0x38;
	[tilespmem:$0x1F400] =	vst v63  }
0xd9: {  	_ =	swait.ge [sflag:s17], $0x2800  }
0xda: {  	[sflag:s17] =	ssyncset.done $0x0  }
0xdb: {  	[sflag:s17] =	ssyncadd.s32 $0xFFFFD800  }
0xdc: {  	_ =	swait.ge [sflag:s18], $0x50  }
0xdd: {  	[sflag:s18] =	ssyncset.done $0x0  }
0xde: {  	[sflag:s18] =	ssyncadd.s32 $0xFFFFFFB0  }
0xdf: {  	[spmem:s2] =	stream.indirect.scatter.add.f32 [tilespmem:s11], [sflag:$0xB], $0x80, s7, s10, $0xb8;
	[tilespmem:$0x1F400] =	vst v63  }
0xe0: {  	_ =	swait.ge [sflag:s30], $0x2800  }
0xe1: {  	[sflag:s30] =	ssyncset.done $0x0  }
0xe2: {  	[sflag:s30] =	ssyncadd.s32 $0xFFFFD800  }
0xe3: {  	_ =	swait.ge [sflag:s19], $0x50  }
0xe4: {  	[sflag:s19] =	ssyncset.done $0x0  }
0xe5: {  	s16 =	smov.u32 s28;
	s23 =	rddreg [dreg:$0xa];
	[sflag:s19] =	ssyncadd.s32 $0xFFFFFFB0  }
0xe6: {  	[tilespmem:s20], [sflag:$0x4] =	stream.indirect.gather [hbm4b:s1+s10], $0x80, s6, s10, $0xb8;
	[tilespmem:$0x1F400] =	vst v63  }
0xe7: {  	s5 =	rddreg [dreg:$0x8];
	s23 =	sadd.s32 s16, s23  }
0xe8: {  	[tilespmem:s31], [sflag:$0x5] =	stream.linear.gather [hbm4b:s23+s3], $0x50, $0x38;
	[tilespmem:$0x1F400] =	vst v63  }
0xe9: {  	s5 =	sadd.s32 s16, s5  }
0xea: {  	[tilespmem:s7], [sflag:$0x9] =	stream.linear.gather [hbm4b:s5+s3], $0x50, $0x38;
	[tilespmem:$0x1F400] =	vst v63  }
0xeb: {  	_ =	swait.ge [sflag:s21], $0x2800  }
0xec: {  	[sflag:s21] =	ssyncset.done $0x0  }
0xed: {  	[sflag:s21] =	ssyncadd.s32 $0xFFFFD800  }
0xee: {  	_ =	swait.ge [sflag:s22], $0x50  }
0xef: {  	[sflag:s22] =	ssyncset.done $0x0  }
0xf0: {  	[sflag:s22] =	ssyncadd.s32 $0xFFFFFFB0  }
0xf1: {  	[spmem:s2] =	stream.indirect.scatter.add.f32 [tilespmem:s13], [sflag:$0xB], $0x80, s8, s10, $0xb8;
	[tilespmem:$0x1F400] =	vst v63  }
0xf2: {  	_ =	swait.ge [sflag:s30], $0x2800  }
0xf3: {  	[sflag:s30] =	ssyncset.done $0x0  }
0xf4: {  	[sflag:s30] =	ssyncadd.s32 $0xFFFFD800  }
0xf5: {  	_ =	swait.ge [sflag:s9], $0x50  }
0xf6: {  	[sflag:s9] =	ssyncset.done $0x0  }
0xf7: {  	s5 =	rddreg [dreg:$0x7];
	[sflag:s9] =	ssyncadd.s32 $0xFFFFFFB0  }
0xf8: {  	[tilespmem:s11], [sflag:$0x1] =	stream.indirect.gather [hbm4b:s1+s10], $0x80, s31, s10, $0xb8;
	[tilespmem:$0x1F400] =	vst v63  }
0xf9: {  	s23 =	rddreg [dreg:$0xb];
	s5 =	sadd.s32 s16, s5  }
0xfa: {  	[tilespmem:s0], [sflag:$0x6] =	stream.linear.gather [hbm4b:s5+s3], $0x50, $0x38;
	[tilespmem:$0x1F400] =	vst v63  }
0xfb: {  	s23 =	sadd.s32 s16, s23  }
0xfc: {  	[tilespmem:s8], [sflag:$0xA] =	stream.linear.gather [hbm4b:s23+s3], $0x50, $0x38;
	[tilespmem:$0x1F400] =	vst v63  }
0xfd: {  	_ =	swait.ge [sflag:s24], $0x2800  }
0xfe: {  	[sflag:s24] =	ssyncset.done $0x0  }
0xff: {  	[sflag:s24] =	ssyncadd.s32 $0xFFFFD800  }
0x100: {  	_ =	swait.ge [sflag:s18], $0x50  }
0x101: {  	[sflag:s18] =	ssyncset.done $0x0  }
0x102: {  	[sflag:s18] =	ssyncadd.s32 $0xFFFFFFB0  }
0x103: {  	[spmem:s2] =	stream.indirect.scatter.add.f32 [tilespmem:s15], [sflag:$0xB], $0x80, s7, s10, $0xb8;
	[tilespmem:$0x1F400] =	vst v63  }
0x104: {  	_ =	swait.ge [sflag:s30], $0x2800  }
0x105: {  	[sflag:s30] =	ssyncset.done $0x0  }
0x106: {  	[sflag:s30] =	ssyncadd.s32 $0xFFFFD800  }
0x107: {  	_ =	swait.ge [sflag:s12], $0x50  }
0x108: {  	[sflag:s12] =	ssyncset.done $0x0  }
0x109: {  	s5 =	rddreg [dreg:$0x5];
	[sflag:s12] =	ssyncadd.s32 $0xFFFFFFB0  }
0x10a: {  	[tilespmem:s13], [sflag:$0x2] =	stream.indirect.gather [hbm4b:s1+s10], $0x80, s0, s10, $0xb8;
	[tilespmem:$0x1F400] =	vst v63  }
0x10b: {  	s23 =	rddreg [dreg:$0x9];
	s5 =	sadd.s32 s16, s5  }
0x10c: {  	[tilespmem:s4], [sflag:$0x7] =	stream.linear.gather [hbm4b:s5+s3], $0x50, $0x38;
	[tilespmem:$0x1F400] =	vst v63  }
0x10d: {  	s23 =	sadd.s32 s16, s23  }
0x10e: {  	[tilespmem:s7], [sflag:$0x9] =	stream.linear.gather [hbm4b:s23+s3], $0x50, $0x38;
	[tilespmem:$0x1F400] =	vst v63  }
0x10f: {  	_ =	swait.ge [sflag:s25], $0x2800  }
0x110: {  	[sflag:s25] =	ssyncset.done $0x0  }
0x111: {  	[sflag:s25] =	ssyncadd.s32 $0xFFFFD800  }
0x112: {  	_ =	swait.ge [sflag:s22], $0x50  }
0x113: {  	[sflag:s22] =	ssyncset.done $0x0  }
0x114: {  	[sflag:s22] =	ssyncadd.s32 $0xFFFFFFB0  }
0x115: {  	[spmem:s2] =	stream.indirect.scatter.add.f32 [tilespmem:s20], [sflag:$0xB], $0x80, s8, s10, $0xb8;
	[tilespmem:$0x1F400] =	vst v63  }
0x116: {  	_ =	swait.ge [sflag:s30], $0x2800  }
0x117: {  	[sflag:s30] =	ssyncset.done $0x0  }
0x118: {  	[sflag:s30] =	ssyncadd.s32 $0xFFFFD800  }
0x119: {  	p1 =	sne.s32 s28, $0x4D8;
	_ =	swait.ge [sflag:s14], $0x50  }
.Ltmp1:
0x11a: {  	[sflag:s14] =	ssyncset.done $0x0;
	s5 =	rddreg [dreg:$0x4];
	(pc) =	sbr.rel @p1 .LBB2_4-.Ltmp1, $4  }
0x11b: {  	s23 =	rddreg [dreg:$0x6];
	[sflag:s14] =	ssyncadd.s32 $0xFFFFFFB0  }
0x11c: {  	[tilespmem:s15], [sflag:$0x3] =	stream.indirect.gather [hbm4b:s1+s10], $0x80, s4, s10, $0xb8;
	[tilespmem:$0x1F400] =	vst v63  }
0x11d: {  	s28 =	sadd.s32 $0x28, s28;
	s5 =	sadd.s32 s16, s5;
	s16 =	sadd.s32 s16, s23  }
0x11e: {  	[tilespmem:s6], [sflag:$0x8] =	stream.linear.gather [hbm4b:s5+s3], $0x50, $0x38;
	[tilespmem:$0x1F400] =	vst v63  }
0x11f: {  	[tilespmem:s8], [sflag:$0xA] =	stream.linear.gather [hbm4b:s16+s3], $0x50, $0x38;
	[tilespmem:$0x1F400] =	vst v63  }
0x120: {  	_ =	swait.ge [sflag:s17], $0x2800  }
0x121: {  	[sflag:s17] =	ssyncset.done $0x0  }
0x122: {  	[sflag:s17] =	ssyncadd.s32 $0xFFFFD800  }
0x123: {  	_ =	swait.ge [sflag:s21], $0x2800  }
0x124: {  	[sflag:s21] =	ssyncset.done $0x0  }
0x125: {  	[sflag:s21] =	ssyncadd.s32 $0xFFFFD800  }
0x126: {  	_ =	swait.ge [sflag:s24], $0x2800  }
0x127: {  	[sflag:s24] =	ssyncset.done $0x0  }
0x128: {  	[sflag:s24] =	ssyncadd.s32 $0xFFFFD800  }
0x129: {  	_ =	swait.ge [sflag:s19], $0x50  }
0x12a: {  	[sflag:s19] =	ssyncset.done $0x0  }
0x12b: {  	[sflag:s19] =	ssyncadd.s32 $0xFFFFFFB0  }
0x12c: {  	_ =	swait.ge [sflag:s18], $0x50  }
0x12d: {  	[sflag:s18] =	ssyncset.done $0x0  }
0x12e: {  	[sflag:s18] =	ssyncadd.s32 $0xFFFFFFB0  }
0x12f: {  	_ =	swait.ge [sflag:s22], $0x50  }
0x130: {  	[sflag:s22] =	ssyncset.done $0x0  }
0x131: {  	[sflag:s22] =	ssyncadd.s32 $0xFFFFFFB0  }
0x132: {  	s5 =	stileid.u32;
	[bflag:$0x0] =	sbarrier.arrive $0xFFFF  }
0x133: {  	s5 =	sshll.u32 s5, $0x6;
	s23 =	rddreg [dreg:$0xc]  }
0x134: {  	s5 =	sor.u32 $0x1C0B, s5;
	s28 =	rddreg [dreg:$0x1c];
	s16 =	sshrl.u32 s23, $0x3  }
0x135: {  	[hbm:s28], [sflag:s5] =	dma.local [spmem:s16], $0x2700  }
0x136: {  	_ =	swait.ge [sflag:s30], $0x2700  }
0x137: {  	[sflag:s30] =	ssyncset.done $0x0;
	s16 =	rddreg [dreg:$0x1e]  }
0x138: {  	s28 =	rddreg [dreg:$0x1f];
	[sflag:s30] =	ssyncadd.s32 $0xFFFFD900;
	s16 =	sshrl.u32 @!p0 s16, $0x3  }
0x139: {  	[hbm:s28], [sflag:s5] =	dma.local @!p0 [spmem:s16], $0x100  }
0x13a: {  	s5 =	simm.s32 @!p0 $0xB  }
0x13b: {  	_ =	swait.ge @!p0 [sflag:s5], $0x100  }
0x13c: {  	s28 =	sld [smem:$0x7FB];
	_ =	sdelay $0x1  }
0x13d: {  	s26 =	sadd.s32 $0x1, s26  }
0x13e: {  	p1 =	sne.s32 s26, s28  }
.Ltmp2:
0x13f: {  	_ = 	snop;
	(pc) =	sbr.rel @p1 .LBB2_1-.Ltmp2, $3  }
0x140: {  	_ =	sdelay $0x1  }
0x141: {  	[sflag:s5] =	ssyncset.done @!p0 $0x0  }
0x142: {  	[sflag:s5] =	ssyncadd.s32 @!p0 $0xFFFFFF00  }
0x143: {  	_ =	sfence.sel $0x180000  }
0x144: {  	[bflag:$0x0] =	sbarrier.arrive $0xFFFF  }
0x145: {  	_ =	strace $0x9000004D  }
0x146: {  	s0 =	stileid.u32;
	[bflag:$0x2] =	sbarrier.arrive $0xFFFF  }
0x147: {  	p0 =	sne.s32 s0, $0x0;
	s0 =	rddreg [dreg:$0x3]  }
0x148: {  	s0 =	sadd.s32 @!p0 $0x100000, s0  }
0x149: {  	[sflag:s0] =	ssyncadd.tile.s32 @!p0 $0x1;
	_ =	shalt  }
.Lfunc_end2:
_tile_overlayer_lowered:
.L_overlay_start_2:
0x14a: {  	(tag) =	ssettag $0x2  }
0x14b: {  	s0 =	rddreg [dreg:$0x0];
	s2 =	stileid.u32  }
0x14c: {  	s1 =	rddreg [dreg:$0x1];
	p0 =	sne.s32 s2, $0x0  }
0x14d: {  	s3 =	rddreg [dreg:$0x2];
	[bflag:$0x3] =	sbarrier.arrive $0xFFFF;
	s2 =	simm.s32 @!p0 $0x1C0B  }
0x14e: {  	[timem:s3], [sflag:s2] =	dma.local @!p0 [hbm:s0], s1  }
0x14f: {  	s0 =	simm.s32 @!p0 $0xB  }
0x150: {  	_ =	swait.ge @!p0 [sflag:s0], s1  }
0x151: {  	s1 =	ssub.s32 @!p0 $0x0, s1;
	[sflag:s0] =	ssyncset.done @!p0 $0x0  }
0x152: {  	[sflag:s0] =	ssyncadd.s32 @!p0 s1  }
0x153: {  	[bflag:$0x3] =	sbarrier.arrive $0xFFFF  }
0x154: {  	_ =	shalt  }

// kernel: kernel.8.cloned.1.call-start
scs
__scs_entry_jumppad:
0x0: {  	(pc) =	sbr.rel $0x88, $3  }
0x1: {  	(tag) =	ssettag $0x0;
	lr =	simm.s32 $0x1  }
0x2: {  	[smem:$0x3F9B] =	sst lr;
	_ =	strace $0xD0000000  }
0x3: {  	_ = 	snop  }
0x4: {  	_ = 	snop  }
0x5: {  	_ = 	snop  }
0x6: {  	_ = 	snop  }
0x7: {  	_ = 	snop  }
__scs_overlays_trampoline_lowered:
0x8: {  	[smem:$0x3FAA] =	sst s0  }
0x9: {  	[smem:$0x3FAB] =	sst s1  }
0xa: {  	[smem:$0x3FAC] =	sst s2  }
0xb: {  	[smem:$0x3FAD] =	sst s3  }
0xc: {  	[smem:$0x3FAE] =	sst s4  }
0xd: {  	[smem:$0x3FAF] =	sst s5  }
0xe: {  	[smem:$0x3FB0] =	sst s6  }
0xf: {  	[smem:$0x3FB1] =	sst s7  }
0x10: {  	[smem:$0x3FB2] =	sst s8  }
0x11: {  	[smem:$0x3FB3] =	sst s9;
	s0 =	simm.s32 @!p0 $0x0  }
0x12: {  	s1 =	sld [smem:$0x3F99];
	s0 =	simm.s32 @p0 $0x1  }
0x13: {  	[smem:$0x3FB4] =	sst s0;
	s0 =	simm.s32 @!p1 $0x0  }
0x14: {  	s2 =	sld [smem:$0x3F98];
	s0 =	simm.s32 @p1 $0x1  }
0x15: {  	[smem:$0x3FB5] =	sst s0;
	s0 =	simm.s32 @!p2 $0x0  }
0x16: {  	s3 =	sld [smem:$0x3FDB];
	s0 =	simm.s32 @p2 $0x1  }
0x17: {  	s4 =	simm.s32 $0x1BF5;
	[smem:$0x3FB7] =	sst s0  }
0x18: {  	s0 =	sld [smem:$0x3F9A];
	_ =	swait.ge [sflag:s4], $0x0  }
0x19: {  	s7 =	sld [smem:$0x3F9B]  }
0x1a: {  	s8 =	sadd.s32 $0xFFFFE003, lr  }
0x1b: {  	s9 =	sadd.s32 $0xFFFFFEF7, lr;
	s5 =	simm.s32 $0xFFFFFFFF;
	p2 =	slt.u32 s8, $0xFFFFF086  }
0x1c: {  	p1 =	slt.u32 s9, $0xF7A;
	s5 =	simm.s32 @!p2 $0x0  }
0x1d: {  	s5 =	simm.s32 @p1 $0x1;
	p0 =	seq.s32 s7, s2  }
0x1e: {  	s7 =	smul.u32 @!p0 $0xF7A, s2;
	p2 =	seq.s32 @!p0 s5, $0x0  }
0x1f: {  	s9 =	smul.u32 $0xF7A, s1;
	s8 =	simm.s32 @!p0 $0x1BF5;
	p2 =	por !p2, p0  }
0x20: {  	[sflag:s8] =	ssyncset.s32 @!p0 $0xFFFFF086;
	s6 =	sadd.s32 @!p0 s3, s7;
	s7 =	simm.s32 @!p0 $0x108  }
0x21: {  	s3 =	sadd.s32 s3, s9;
	s6 =	sadd.s32 @!p0 $0x88, s6;
	s7 =	simm.s32 @p2 $0x1082  }
0x22: {  	[simem:s7], [sflag:s8] =	dma.local @!p0 [hbm:s6], $0xF7A  }
0x23: {  	s9 =	sor.u32 $0xD0000000, s2;
	s6 =	simm.s32 $0x108;
	_ =	swait.ge @!p0 [sflag:s8], $0x0  }
0x24: {  	s3 =	sadd.s32 $0x88, s3;
	s6 =	simm.s32 @!p1 $0x1082;
	[sflag:s4] =	ssyncset.s32 $0xFFFFF086  }
0x25: {  	[simem:s6], [sflag:s4] =	dma.local [hbm:s3], $0xF7A  }
0x26: {  	[smem:$0x3F9B] =	sst s1;
	(tag) =	ssettag s2;
	_ =	strace s9  }
0x27: {  	s1 =	sld [smem:$0x3FAB]  }
0x28: {  	s2 =	sld [smem:$0x3FAC]  }
0x29: {  	s4 =	sld [smem:$0x3FAE]  }
0x2a: {  	p0 =	seq.s32 s5, $0x0;
	s5 =	sld [smem:$0x3FAF]  }
0x2b: {  	s6 =	sld [smem:$0x3FB0]  }
0x2c: {  	s7 =	sld [smem:$0x3FB1]  }
0x2d: {  	s3 =	simm.s32 $0x108;
	s8 =	sld [smem:$0x3FB2]  }
0x2e: {  	s3 =	simm.s32 @!p0 $0x1082;
	s9 =	sld [smem:$0x3FB3]  }
0x2f: {  	lr =	sadd.s32 s0, s3;
	s0 =	sld [smem:$0x3FAA]  }
0x30: {  	s3 =	sld [smem:$0x3FAD]  }
0x31: {  	[smem:$0x3FB6] =	sst s10  }
0x32: {  	s10 =	sld [smem:$0x3FB4];
	_ =	sdelay $0x3  }
0x33: {  	p0 =	seq.s32 s10, $0x1;
	s10 =	sld [smem:$0x3FB6];
	_ =	sdelay $0x3  }
0x34: {  	[smem:$0x3FB6] =	sst s10  }
0x35: {  	s10 =	sld [smem:$0x3FB5];
	_ =	sdelay $0x3  }
0x36: {  	p1 =	seq.s32 s10, $0x1;
	s10 =	sld [smem:$0x3FB6];
	_ =	sdelay $0x3  }
0x37: {  	[smem:$0x3FB6] =	sst s10  }
0x38: {  	s10 =	sld [smem:$0x3FB7]  }
0x39: {  	_ = 	snop;
	(pc) =	sbr.ind lr, $3  }
0x3a: {  	_ = 	snop  }
0x3b: {  	_ = 	snop  }
0x3c: {  	p2 =	seq.s32 s10, $0x1;
	s10 =	sld [smem:$0x3FB6]  }
0x3d: {  	_ =	shalt  }
0x3e: {  	_ =	shalt  }
0x3f: {  	_ =	shalt  }
0x40: {  	_ =	shalt  }
0x41: {  	_ =	shalt  }
0x42: {  	_ =	shalt  }
0x43: {  	_ =	shalt  }
0x44: {  	_ =	shalt  }
0x45: {  	_ =	shalt  }
0x46: {  	_ =	shalt  }
0x47: {  	_ =	shalt  }
0x48: {  	_ =	shalt  }
0x49: {  	_ =	shalt  }
0x4a: {  	_ =	shalt  }
0x4b: {  	_ =	shalt  }
0x4c: {  	_ =	shalt  }
0x4d: {  	_ =	shalt  }
0x4e: {  	_ =	shalt  }
0x4f: {  	_ =	shalt  }
0x50: {  	_ =	shalt  }
0x51: {  	_ =	shalt  }
0x52: {  	_ =	shalt  }
0x53: {  	_ =	shalt  }
0x54: {  	_ =	shalt  }
0x55: {  	_ =	shalt  }
0x56: {  	_ =	shalt  }
0x57: {  	_ =	shalt  }
0x58: {  	_ =	shalt  }
0x59: {  	_ =	shalt  }
0x5a: {  	_ =	shalt  }
0x5b: {  	_ =	shalt  }
0x5c: {  	_ =	shalt  }
0x5d: {  	_ =	shalt  }
0x5e: {  	_ =	shalt  }
0x5f: {  	_ =	shalt  }
0x60: {  	_ =	shalt  }
0x61: {  	_ =	shalt  }
0x62: {  	_ =	shalt  }
0x63: {  	_ =	shalt  }
0x64: {  	_ =	shalt  }
0x65: {  	_ =	shalt  }
0x66: {  	_ =	shalt  }
0x67: {  	_ =	shalt  }
0x68: {  	_ =	shalt  }
0x69: {  	_ =	shalt  }
0x6a: {  	_ =	shalt  }
0x6b: {  	_ =	shalt  }
0x6c: {  	_ =	shalt  }
0x6d: {  	_ =	shalt  }
0x6e: {  	_ =	shalt  }
0x6f: {  	_ =	shalt  }
0x70: {  	_ =	shalt  }
0x71: {  	_ =	shalt  }
0x72: {  	_ =	shalt  }
0x73: {  	_ =	shalt  }
0x74: {  	_ =	shalt  }
0x75: {  	_ =	shalt  }
0x76: {  	_ =	shalt  }
0x77: {  	_ =	shalt  }
0x78: {  	_ =	shalt  }
0x79: {  	_ =	shalt  }
0x7a: {  	_ =	shalt  }
0x7b: {  	_ =	shalt  }
0x7c: {  	_ =	shalt  }
0x7d: {  	_ =	shalt  }
0x7e: {  	_ =	shalt  }
0x7f: {  	_ =	shalt  }
0x80: {  	_ =	shalt  }
0x81: {  	_ =	shalt  }
0x82: {  	_ =	shalt  }
0x83: {  	_ =	shalt  }
0x84: {  	_ =	shalt  }
0x85: {  	_ =	shalt  }
0x86: {  	_ =	shalt  }
0x87: {  	_ =	shalt  }
.Lfunc_end0:
.L_simem_size_0:
called_computation_lowered:
.L_overlay_start_0:
0x88: {  	s2 =	sld [smem:$0x3FD9]  }
0x89: {  	s3 =	sld [smem:$0x3FFE];
	_ =	sdelay $0x1  }
0x8a: {  	s1 =	srdreg.scid  }
0x8b: {  	s0 =	sand.u32 $0x1, s1  }
0x8c: {  	s16 =	sshll.u32 s0, $0xA;
	s2 =	sadd.s32 s3, s2  }
0x8d: {  	s2 =	sadd.s32 s2, s16  }
0x8e: {  	[smem:$0x3FC2] =	sst s2  }
0x8f: {  	_ = 	snop  }
0x90: {  	(tm) =	ssettm $0x1  }
0x91: {  	s17 =	sld [smem:$0x3FFB];
	_ =	sdelay $0x3  }
0x92: {  	_ =	strace s17  }
0x93: {  	s2 =	sld [smem:$0x3FFC];
	_ =	sdelay $0x3  }
0x94: {  	_ =	strace s2  }
0x95: {  	s2 =	sld [smem:$0x3FFD];
	_ =	sdelay $0x3  }
0x96: {  	_ =	strace s2  }
0x97: {  	_ =	strace $0x8FFFFFFF  }
0x98: {  	s18 =	sld [smem:$0x3FDB];
	_ =	sdelay $0x1  }
0x99: {  	s19 =	simm.s32 $_scs_section_size  }
0x9a: {  	s4 =	simm.s32 $_size__tile_overlayer_lowered;
	s5 =	simm.s32 $_tile_overlayer_lowered  }
0x9b: {  	s22 =	simm.s32 $0x1BFF;
	s21 =	sshll.u32 s5, $0x1;
	s2 =	sadd.s32 s19, s18  }
0x9c: {  	s6 =	simm.s32 $0x0;
	s20 =	sshll.u32 s4, $0x1;
	s4 =	sadd.s32 s21, s2  }
0x9d: {  	[timem:s6], [sflag:s22] =	dma.local [hbm:s4], s20  }
0x9e: {  	_ =	swait.ge [sflag:s22], s20  }
0x9f: {  	s3 =	ssub.s32 $0x0, s20;
	[sflag:s22] =	ssyncset.done $0x0  }
0xa0: {  	[sflag:s22] =	ssyncadd.s32 s3;
	_ =	sdelay $0x1  }
0xa1: {  	s23 =	simm.s32 $0x1B8B  }
0xa2: {  	_ =	swait.ge [sflag:s23], $0x1  }
0xa3: {  	[sflag:s23] =	ssyncset.done $0x0  }
0xa4: {  	s25 =	simm.s32 $0x1B8E;
	s24 =	sld [smem:$0x3FFE];
	[sflag:s23] =	ssyncadd.s32 $0xFFFFFFFF  }
0xa5: {  	s26 =	simm.s32 $execute0_lowered;
	[smem:$0x3FD2] =	sst s25  }
0xa6: {  	s4 =	sshll.u32 s26, $0x1;
	_ =	strace $0x80000046;
	[dreg:$0x1] =	wrdreg $0xFFFFFFFF  }
0xa7: {  	s28 =	simm.s32 $_size_execute0_lowered;
	s2 =	sadd.s32 s2, s4;
	[dreg:$0x0] =	wrdreg $0x0  }
0xa8: {  	s4 =	sshll.u32 s28, $0x1;
	[dreg:$0x2] =	wrdreg s2  }
0xa9: {  	[dreg:$0x3] =	wrdreg s4  }
0xaa: {  	[dreg:$0x4] =	wrdreg $0xC0  }
0xab: {  	_ =	task [dreg:s6], $0x5FFFF  }
0xac: {  	[dreg:$0x1] =	wrdreg $0xFFFFFFFF  }
0xad: {  	[dreg:$0x0] =	wrdreg $0x60  }
0xae: {  	[dreg:$0x2] =	wrdreg s24  }
0xaf: {  	[dreg:$0x3] =	wrdreg $0x0  }
0xb0: {  	[dreg:$0x4] =	wrdreg $0x9  }
0xb1: {  	_ =	task.clear_ibuf [dreg:s6], $0x5FFFF;
	_ =	strace $0x90000046  }
0xb2: {  	s29 =	simm.s32 $0x9;
	_ =	strace $0x80000048  }
0xb3: {  	_ =	swait.ge [sflag:s29], $0x1  }
0xb4: {  	[sflag:s29] =	ssyncadd.s32 $0xFFFFFFFF  }
0xb5: {  	_ =	strace $0x90000048  }
0xb6: {  	_ =	sfence  }
0xb7: {  	s30 =	sld [smem:$0x0];
	_ =	sdelay $0x2  }
0xb8: {  	s31 =	sshll.u32 s1, $0xD;
	s1 =	sshrl.u32 s1, $0x2  }
0xb9: {  	s3 =	sand.u32 $0x4000, s31;
	s1 =	sadd.s32 s1, s30  }
0xba: {  	s0 =	sor.u32 s3, s0;
	s1 =	sshll.u32 s1, $0x11  }
0xbb: {  	s0 =	sor.u32 s1, s0  }
0xbc: {  	s0 =	sadd.s32 $0x8F2B, s0  }
0xbd: {  	[sflag:s0] =	ssyncadd.remote.s32 $0x1  }
0xbe: {  	_ =	sfence.sel $0xFFFF  }
0xbf: {  	[dreg:$0x0] =	wrdreg $0xFFFFFFFF;
	(pc) =	sbr.abs _section_cstart, $3  }
0xc0: {  	[dreg:$0x1] =	wrdreg $0xFFFFFFFF  }
0xc1: {  	_ =	task.clear_ibuf [dreg:s6], $0x2FFFF;
	_ =	strace $0x9FFFFFFF  }
0xc2: {  	(tm) =	ssettm $0x7FFFFFFF  }
0xc3: {  	_ =	shalt  }
tec
execute0_lowered:
.L_overlay_start_1:
0x0: {  	(tag) =	ssettag $0x1  }
0x1: {  	s0 =	rddreg [dreg:$0x0]  }
0x2: {  	s1 =	rddreg [dreg:$0x1];
	s3 =	simm.s32 $0x0;
	s2 =	srdreg.scid  }
0x3: {  	s25 =	stileid.u32;
	s28 =	simm.s32 $0x13900;
	s29 =	simm.s32 $0x13980  }
0x4: {  	s30 =	simm.s32 $0x1;
	s31 =	simm.s32 $0x50;
	[smem:$0x7FF] =	sst s3  }
0x5: {  	s2 =	sand.u32 $0x1, s2;
	s4 =	smul.u32 $0x4E000, s25;
	s5 =	sadd.s32 $0x2600, s0  }
0x6: {  	s0 =	sadd.s32 $0xC800, s0;
	s18 =	smul.u32 $0x2700, s25;
	s17 =	sadd.s32 $0x138000, s1  }
0x7: {  	p0 =	sne.s32 s25, $0xF;
	_ =	strace $0x80000047;
	s6 =	sshll.u32 s2, $0x4  }
0x8: {  	s7 =	ssub.s32 $0x2, s2;
	s19 =	smul.u32 $0x27100, s2;
	s6 =	sor.u32 s25, s6  }
0x9: {  	s4 =	sshrl.u32 s4, $0x2;
	s8 =	sshrl.u32 s7, $0x1;
	s6 =	smul.u32 $0x2800, s6  }
0xa: {  	s4 =	sadd.s32 s4, s1;
	s7 =	ssub.s32 s7, s8;
	s19 =	sadd.s32 s18, s19  }
0xb: {  	s20 =	sadd.s32 $0x1800, s4;
	s21 =	sadd.s32 $0x3000, s4;
	s22 =	sadd.s32 $0x4800, s4  }
0xc: {  	s23 =	sadd.s32 $0x6000, s4;
	s9 =	sadd.s32 $0x7800, s4;
	s10 =	sadd.s32 $0x9000, s4  }
0xd: {  	s11 =	sadd.s32 $0xA800, s4;
	s12 =	sadd.s32 $0xC000, s4;
	s13 =	sadd.s32 $0xD800, s4  }
0xe: {  	s14 =	sadd.s32 $0xF000, s4;
	s15 =	sadd.s32 $0x10800, s4;
	[dreg:$0x3] =	wrdreg s20  }
0xf: {  	s16 =	sadd.s32 $0x12000, s4;
	[dreg:$0x4] =	wrdreg s21;
	s20 =	smul.u32 $0x138800, s2  }
0x10: {  	s19 =	sadd.s32 s0, s19;
	[dreg:$0x5] =	wrdreg s22;
	s2 =	smul.u32 $0x28000, s2  }
0x11: {  	[dreg:$0x6] =	wrdreg s23;
	s6 =	sshrl.u32 s6, $0x3;
	s21 =	smul.u32 $0x2800, s25  }
0x12: {  	s22 =	smax.u32 s7, $0x1;
	s25 =	simm.s32 $0x16200;
	s18 =	sadd.s32 s5, s6  }
0x13: {  	s24 =	sshrl.u32 s20, $0x3;
	s20 =	sadd.s32 $0xA, s18;
	s2 =	sadd.s32 s21, s2  }
0x14: {  	s0 =	sadd.s32 s0, s24;
	s26 =	sor.u32 $0xF0, s2;
	s2 =	sor.u32 $0xA0, s2  }
0x15: {  	s21 =	sadd.s32 $0x27000, s0;
	s0 =	sshrl.u32 s26, $0x3;
	s2 =	sshrl.u32 s2, $0x3  }
0x16: {  	s26 =	simm.s32 $0x3;
	s23 =	sadd.s32 s0, s5;
	s24 =	sadd.s32 s2, s5  }
0x17: {  	v0 =	vimm.f32 $1.000000000e+00;
	v1 =	vimm.f32 $0.0e+00;
	s0 =	simm.s32 $0x13A00;
	s2 =	simm.s32 $0x2;
	s5 =	simm.s32 $0x0  }
.LBB2_1:
0x18: {  	s6 =	simm.s32 $0x0;
	s7 =	simm.s32 $0x200  }
.LBB2_2:
0x19: {  	p1 =	sne.s32 s7, $0x9E00;
	[tilespmem:s6+$0x13A70] =	vst v0  }
0x1a: {  	[tilespmem:s6+$0x13A00] =	vst v0  }
0x1b: {  	[tilespmem:s6+$0x13A10] =	vst v0  }
.Ltmp0:
0x1c: {  	[tilespmem:s6+$0x13A20] =	vst v0;
	(pc) =	sbr.rel @p1 .LBB2_2-.Ltmp0, $4  }
0x1d: {  	[tilespmem:s6+$0x13A30] =	vst v0  }
0x1e: {  	[tilespmem:s6+$0x13A40] =	vst v0  }
0x1f: {  	[tilespmem:s6+$0x13A50] =	vst v0  }
0x20: {  	[tilespmem:s6+$0x13A60] =	vst v0;
	s6 =	sshra.s32 s7, $0x2;
	s7 =	sadd.s32 $0x200, s7  }
0x21: {  	[tilespmem:s6+$0x13A70] =	vst v0  }
0x22: {  	[tilespmem:s6+$0x13A00] =	vst v0  }
0x23: {  	[tilespmem:s6+$0x13A10] =	vst v0  }
0x24: {  	[tilespmem:s6+$0x13A20] =	vst v0  }
0x25: {  	[tilespmem:s6+$0x13A30] =	vst v0  }
0x26: {  	[tilespmem:s6+$0x13A40] =	vst v0  }
0x27: {  	[tilespmem:s6+$0x13A50] =	vst v0  }
0x28: {  	[tilespmem:s6+$0x13A60] =	vst v0;
	s6 =	simm.s32 $0x0;
	s7 =	simm.s32 $0x200  }
.LBB2_4:
0x29: {  	p1 =	sne.s32 s7, $0x5E00;
	[tilespmem:s6+$0x16270] =	vst v1  }
0x2a: {  	[tilespmem:s6+$0x16200] =	vst v1  }
0x2b: {  	[tilespmem:s6+$0x16210] =	vst v1  }
.Ltmp1:
0x2c: {  	[tilespmem:s6+$0x16220] =	vst v1;
	(pc) =	sbr.rel @p1 .LBB2_4-.Ltmp1, $4  }
0x2d: {  	[tilespmem:s6+$0x16230] =	vst v1  }
0x2e: {  	[tilespmem:s6+$0x16240] =	vst v1  }
0x2f: {  	[tilespmem:s6+$0x16250] =	vst v1  }
0x30: {  	[tilespmem:s6+$0x16260] =	vst v1;
	s6 =	sshra.s32 s7, $0x2;
	s7 =	sadd.s32 $0x200, s7  }
0x31: {  	[tilespmem:s6+$0x16270] =	vst v1  }
0x32: {  	[tilespmem:s6+$0x16200] =	vst v1  }
0x33: {  	[tilespmem:s6+$0x16210] =	vst v1  }
0x34: {  	[tilespmem:s6+$0x16220] =	vst v1  }
0x35: {  	[tilespmem:s6+$0x16230] =	vst v1  }
0x36: {  	[tilespmem:s6+$0x16240] =	vst v1  }
0x37: {  	[tilespmem:s6+$0x16250] =	vst v1  }
0x38: {  	[tilespmem:s6+$0x16260] =	vst v1  }
0x39: {  	[spmem:s4] =	stream.linear.scatter [tilespmem:s25], [sflag:$0x3], $0x1800, $0x38;
	[tilespmem:$0x17A00] =	vst v63  }
0x3a: {  	_ =	swait.ge [sflag:s26], $0x1800  }
0x3b: {  	[sflag:s26] =	ssyncset.done $0x0  }
0x3c: {  	s7 =	rddreg [dreg:$0x3];
	[sflag:s26] =	ssyncadd.s32 $0xFFFFE800  }
0x3d: {  	[spmem:s7] =	stream.linear.scatter [tilespmem:s25], [sflag:$0x3], $0x1800, $0x38;
	[tilespmem:$0x17A00] =	vst v63  }
0x3e: {  	_ =	swait.ge [sflag:s26], $0x1800  }
0x3f: {  	[sflag:s26] =	ssyncset.done $0x0  }
0x40: {  	s8 =	rddreg [dreg:$0x4];
	[sflag:s26] =	ssyncadd.s32 $0xFFFFE800  }
0x41: {  	[spmem:s8] =	stream.linear.scatter [tilespmem:s25], [sflag:$0x3], $0x1800, $0x38;
	[tilespmem:$0x17A00] =	vst v63  }
0x42: {  	_ =	swait.ge [sflag:s26], $0x1800  }
0x43: {  	[sflag:s26] =	ssyncset.done $0x0  }
0x44: {  	s7 =	rddreg [dreg:$0x5];
	[sflag:s26] =	ssyncadd.s32 $0xFFFFE800  }
0x45: {  	[spmem:s7] =	stream.linear.scatter [tilespmem:s25], [sflag:$0x3], $0x1800, $0x38;
	[tilespmem:$0x17A00] =	vst v63  }
0x46: {  	_ =	swait.ge [sflag:s26], $0x1800  }
0x47: {  	[sflag:s26] =	ssyncset.done $0x0  }
0x48: {  	s8 =	rddreg [dreg:$0x6];
	[sflag:s26] =	ssyncadd.s32 $0xFFFFE800  }
0x49: {  	[spmem:s8] =	stream.linear.scatter [tilespmem:s25], [sflag:$0x3], $0x1800, $0x38;
	[tilespmem:$0x17A00] =	vst v63  }
0x4a: {  	_ =	swait.ge [sflag:s26], $0x1800  }
0x4b: {  	[sflag:s26] =	ssyncset.done $0x0  }
0x4c: {  	[sflag:s26] =	ssyncadd.s32 $0xFFFFE800  }
0x4d: {  	[spmem:s9] =	stream.linear.scatter [tilespmem:s25], [sflag:$0x3], $0x1800, $0x38;
	[tilespmem:$0x17A00] =	vst v63  }
0x4e: {  	_ =	swait.ge [sflag:s26], $0x1800  }
0x4f: {  	[sflag:s26] =	ssyncset.done $0x0  }
0x50: {  	[sflag:s26] =	ssyncadd.s32 $0xFFFFE800  }
0x51: {  	[spmem:s10] =	stream.linear.scatter [tilespmem:s25], [sflag:$0x3], $0x1800, $0x38;
	[tilespmem:$0x17A00] =	vst v63  }
0x52: {  	_ =	swait.ge [sflag:s26], $0x1800  }
0x53: {  	[sflag:s26] =	ssyncset.done $0x0  }
0x54: {  	[sflag:s26] =	ssyncadd.s32 $0xFFFFE800  }
0x55: {  	[spmem:s11] =	stream.linear.scatter [tilespmem:s25], [sflag:$0x3], $0x1800, $0x38;
	[tilespmem:$0x17A00] =	vst v63  }
0x56: {  	_ =	swait.ge [sflag:s26], $0x1800  }
0x57: {  	[sflag:s26] =	ssyncset.done $0x0  }
0x58: {  	[sflag:s26] =	ssyncadd.s32 $0xFFFFE800  }
0x59: {  	[spmem:s12] =	stream.linear.scatter [tilespmem:s25], [sflag:$0x3], $0x1800, $0x38;
	[tilespmem:$0x17A00] =	vst v63  }
0x5a: {  	_ =	swait.ge [sflag:s26], $0x1800  }
0x5b: {  	[sflag:s26] =	ssyncset.done $0x0  }
0x5c: {  	[sflag:s26] =	ssyncadd.s32 $0xFFFFE800  }
0x5d: {  	[spmem:s13] =	stream.linear.scatter [tilespmem:s25], [sflag:$0x3], $0x1800, $0x38;
	[tilespmem:$0x17A00] =	vst v63  }
0x5e: {  	_ =	swait.ge [sflag:s26], $0x1800  }
0x5f: {  	[sflag:s26] =	ssyncset.done $0x0  }
0x60: {  	[sflag:s26] =	ssyncadd.s32 $0xFFFFE800  }
0x61: {  	[spmem:s14] =	stream.linear.scatter [tilespmem:s25], [sflag:$0x3], $0x1800, $0x38;
	[tilespmem:$0x17A00] =	vst v63  }
0x62: {  	_ =	swait.ge [sflag:s26], $0x1800  }
0x63: {  	[sflag:s26] =	ssyncset.done $0x0  }
0x64: {  	[sflag:s26] =	ssyncadd.s32 $0xFFFFE800  }
0x65: {  	[spmem:s15] =	stream.linear.scatter [tilespmem:s25], [sflag:$0x3], $0x1800, $0x38;
	[tilespmem:$0x17A00] =	vst v63  }
0x66: {  	_ =	swait.ge [sflag:s26], $0x1800  }
0x67: {  	[sflag:s26] =	ssyncset.done $0x0  }
0x68: {  	[sflag:s26] =	ssyncadd.s32 $0xFFFFE800  }
0x69: {  	[spmem:s16] =	stream.linear.scatter [tilespmem:s25], [sflag:$0x3], $0x1800, $0x38;
	[tilespmem:$0x17A00] =	vst v63  }
0x6a: {  	_ =	swait.ge [sflag:s26], $0x1800  }
0x6b: {  	[sflag:s26] =	ssyncset.done $0x0  }
0x6c: {  	s6 =	simm.s32 @!p0 $0x16200;
	[sflag:s26] =	ssyncadd.s32 $0xFFFFE800  }
0x6d: {  	[spmem:s17] =	stream.linear.scatter @!p0 [tilespmem:s6], [sflag:$0x3], $0x1000, $0x38;
	[tilespmem:$0x17A00] =	vst v63  }
0x6e: {  	s6 =	simm.s32 @!p0 $0x3  }
0x6f: {  	_ =	swait.ge @!p0 [sflag:s6], $0x1000  }
0x70: {  	[sflag:s6] =	ssyncset.done @!p0 $0x0  }
0x71: {  	[sflag:s6] =	ssyncadd.s32 @!p0 $0xFFFFF000  }
0x72: {  	s7 =	simm.s32 $0x0;
	[bflag:$0x0] =	sbarrier.arrive $0xFFFF  }
0x73: {  	[tilespmem:s28], [sflag:$0x1] =	stream.linear.gather [hbm4b:s18+s7], $0x50, $0x38;
	[tilespmem:$0x17A00] =	vst v63  }
0x74: {  	_ = 	snop  }
0x75: {  	[tilespmem:s29], [sflag:$0x2] =	stream.linear.gather [hbm4b:s20+s7], $0x50, $0x38;
	[tilespmem:$0x17A00] =	vst v63  }
0x76: {  	_ =	swait.ge [sflag:s30], $0x50  }
0x77: {  	[sflag:s30] =	ssyncset.done $0x0  }
0x78: {  	[sflag:s30] =	ssyncadd.s32 $0xFFFFFFB0  }
0x79: {  	[spmem:s1] =	stream.indirect.scatter.add.f32 [tilespmem:s0], [sflag:$0x3], $0x80, s28, s31, $0xb8;
	[tilespmem:$0x17A00] =	vst v63  }
0x7a: {  	_ =	swait.ge [sflag:s26], $0x2800  }
0x7b: {  	[sflag:s26] =	ssyncset.done $0x0  }
0x7c: {  	s8 =	sadd.s32 $0x0, s24;
	[sflag:s26] =	ssyncadd.s32 $0xFFFFD800  }
0x7d: {  	[tilespmem:s28], [sflag:$0x1] =	stream.linear.gather [hbm4b:s8+s3], $0x50, $0x38;
	[tilespmem:$0x17A00] =	vst v63  }
0x7e: {  	_ =	swait.ge [sflag:s2], $0x50  }
0x7f: {  	[sflag:s2] =	ssyncset.done $0x0  }
0x80: {  	[sflag:s2] =	ssyncadd.s32 $0xFFFFFFB0  }
0x81: {  	[spmem:s1] =	stream.indirect.scatter.add.f32 [tilespmem:s0], [sflag:$0x3], $0x80, s29, s31, $0xb8;
	[tilespmem:$0x17A00] =	vst v63  }
0x82: {  	_ =	swait.ge [sflag:s26], $0x2800  }
0x83: {  	[sflag:s26] =	ssyncset.done $0x0  }
0x84: {  	s6 =	simm.s32 $0x14;
	s7 =	sadd.s32 $0x0, s23;
	[sflag:s26] =	ssyncadd.s32 $0xFFFFD800  }
.LBB2_6:
0x85: {  	[tilespmem:s29], [sflag:$0x2] =	stream.linear.gather [hbm4b:s7+s3], $0x50, $0x38;
	[tilespmem:$0x17A00] =	vst v63  }
0x86: {  	s7 =	smov.u32 s6  }
0x87: {  	p1 =	sne.s32 s6, $0x4EC;
	s6 =	sadd.s32 $0x14, s6;
	_ =	swait.ge [sflag:s30], $0x50  }
0x88: {  	[sflag:s30] =	ssyncset.done $0x0  }
0x89: {  	[sflag:s30] =	ssyncadd.s32 $0xFFFFFFB0  }
0x8a: {  	[spmem:s1] =	stream.indirect.scatter.add.f32 [tilespmem:s0], [sflag:$0x3], $0x80, s28, s31, $0xb8;
	[tilespmem:$0x17A00] =	vst v63  }
0x8b: {  	_ =	swait.ge [sflag:s26], $0x2800  }
0x8c: {  	[sflag:s26] =	ssyncset.done $0x0  }
0x8d: {  	s8 =	sadd.s32 s7, s24;
	[sflag:s26] =	ssyncadd.s32 $0xFFFFD800  }
0x8e: {  	[tilespmem:s28], [sflag:$0x1] =	stream.linear.gather [hbm4b:s8+s3], $0x50, $0x38;
	[tilespmem:$0x17A00] =	vst v63  }
0x8f: {  	_ =	swait.ge [sflag:s2], $0x50  }
0x90: {  	[sflag:s2] =	ssyncset.done $0x0  }
.Ltmp2:
0x91: {  	[sflag:s2] =	ssyncadd.s32 $0xFFFFFFB0;
	(pc) =	sbr.rel @p1 .LBB2_6-.Ltmp2, $4  }
0x92: {  	[spmem:s1] =	stream.indirect.scatter.add.f32 [tilespmem:s0], [sflag:$0x3], $0x80, s29, s31, $0xb8;
	[tilespmem:$0x17A00] =	vst v63  }
0x93: {  	_ =	swait.ge [sflag:s26], $0x2800  }
0x94: {  	[sflag:s26] =	ssyncset.done $0x0  }
0x95: {  	s7 =	sadd.s32 s7, s23;
	[sflag:s26] =	ssyncadd.s32 $0xFFFFD800  }
0x96: {  	[tilespmem:s29], [sflag:$0x2] =	stream.linear.gather [hbm4b:s7+s3], $0x50, $0x38;
	[tilespmem:$0x17A00] =	vst v63  }
0x97: {  	_ =	swait.ge [sflag:s30], $0x50  }
0x98: {  	[sflag:s30] =	ssyncset.done $0x0  }
0x99: {  	[sflag:s30] =	ssyncadd.s32 $0xFFFFFFB0  }
0x9a: {  	_ =	swait.ge [sflag:s2], $0x50  }
0x9b: {  	s6 =	stileid.u32;
	[sflag:s2] =	ssyncset.done $0x0  }
0x9c: {  	s6 =	sshll.u32 s6, $0x6;
	[sflag:s2] =	ssyncadd.s32 $0xFFFFFFB0  }
0x9d: {  	s8 =	sshrl.u32 s4, $0x3;
	s6 =	sor.u32 $0x1C03, s6;
	[bflag:$0x0] =	sbarrier.arrive $0xFFFF  }
0x9e: {  	[hbm:s19], [sflag:s6] =	dma.local [spmem:s8], $0x2700  }
0x9f: {  	_ =	swait.ge [sflag:s26], $0x2700  }
0xa0: {  	s5 =	sadd.s32 $0x1, s5;
	[sflag:s26] =	ssyncset.done $0x0  }
0xa1: {  	s7 =	sshrl.u32 @!p0 s17, $0x3;
	p1 =	sne.s32 s5, s22;
	[sflag:s26] =	ssyncadd.s32 $0xFFFFD900  }
0xa2: {  	[hbm:s21], [sflag:s6] =	dma.local @!p0 [spmem:s7], $0x100  }
.Ltmp3:
0xa3: {  	_ = 	snop;
	(pc) =	sbr.rel @p1 .LBB2_1-.Ltmp3, $4  }
0xa4: {  	s6 =	simm.s32 @!p0 $0x3  }
0xa5: {  	_ =	swait.ge @!p0 [sflag:s6], $0x100  }
0xa6: {  	[sflag:s6] =	ssyncset.done @!p0 $0x0  }
0xa7: {  	[sflag:s6] =	ssyncadd.s32 @!p0 $0xFFFFFF00  }
0xa8: {  	_ =	sfence.sel $0x180000  }
0xa9: {  	[bflag:$0x0] =	sbarrier.arrive $0xFFFF  }
0xaa: {  	_ =	strace $0x90000047  }
0xab: {  	s0 =	stileid.u32;
	[bflag:$0x2] =	sbarrier.arrive $0xFFFF  }
0xac: {  	p0 =	sne.s32 s0, $0x0;
	s0 =	rddreg [dreg:$0x2]  }
0xad: {  	s0 =	sadd.s32 @!p0 $0x100000, s0  }
0xae: {  	[sflag:s0] =	ssyncadd.tile.s32 @!p0 $0x1;
	_ =	shalt  }
.Lfunc_end2:
_tile_overlayer_lowered:
.L_overlay_start_2:
0xaf: {  	(tag) =	ssettag $0x2  }
0xb0: {  	s0 =	rddreg [dreg:$0x0];
	s2 =	stileid.u32  }
0xb1: {  	s1 =	rddreg [dreg:$0x1];
	p0 =	sne.s32 s2, $0x0  }
0xb2: {  	s3 =	rddreg [dreg:$0x2];
	[bflag:$0x3] =	sbarrier.arrive $0xFFFF;
	s2 =	simm.s32 @!p0 $0x1C03  }
0xb3: {  	[timem:s3], [sflag:s2] =	dma.local @!p0 [hbm:s0], s1  }
0xb4: {  	s0 =	simm.s32 @!p0 $0x3  }
0xb5: {  	_ =	swait.ge @!p0 [sflag:s0], s1  }
0xb6: {  	s1 =	ssub.s32 @!p0 $0x0, s1;
	[sflag:s0] =	ssyncset.done @!p0 $0x0  }
0xb7: {  	[sflag:s0] =	ssyncadd.s32 @!p0 s1  }
0xb8: {  	[bflag:$0x3] =	sbarrier.arrive $0xFFFF  }
0xb9: {  	_ =	shalt  }

</sc_bundles>
